<compile_context>
chip_gen: v7x
topology: tpu7x:2x2x1
jax: 0.10.2.dev20260603
libtpu: 0.0.44.dev20260713+nightly
codegen_flags: <defaults>
</compile_context>

<pallas_src>
import functools

import jax
import jax.numpy as jnp
from jax import lax
from jax.experimental import pallas as pl
from jax.experimental.pallas import tpu as pltpu
from jax.experimental.pallas import tpu_sc as plsc


def _router_body(x_ref, w1_ref, b1_ref, w3_ref, b3_ref, idx_ref):
    x = x_ref[...]
    h = jnp.maximum(
        jnp.dot(x, w1_ref[...], preferred_element_type=jnp.float32) + b1_ref[...],
        0.0,
    )
    logits = jnp.dot(h, w3_ref[...], preferred_element_type=jnp.float32) + b3_ref[...]
    idx_ref[0, 0, :] = jnp.argmax(logits, axis=-1).astype(jnp.int32)


def _meta_body(idxq_ref, idxd_ref, dest_ref, bexp_ref, *, E, T, NBLK, R, C):
    idx = jnp.concatenate([idxq_ref[...], idxd_ref[...]], axis=0)
    ohs = [idx == e for e in range(E)]
    counts = [jnp.sum(oh.astype(jnp.int32)) for oh in ohs]

    starts = []
    s = jnp.int32(0)
    for e in range(E):
        starts.append(s)
        s = s + ((counts[e] + (T - 1)) // T) * T

    cio = lax.broadcasted_iota(jnp.int32, (C, C), 0)
    cjo = lax.broadcasted_iota(jnp.int32, (C, C), 1)
    su = (cio < cjo).astype(jnp.float32)
    rio = lax.broadcasted_iota(jnp.int32, (R, R), 0)
    rjo = lax.broadcasted_iota(jnp.int32, (R, R), 1)
    sl = (rjo < rio).astype(jnp.float32)

    dest = jnp.zeros((R, C), jnp.int32)
    for e in range(E):
        ohf = ohs[e].astype(jnp.float32)
        within = jnp.dot(ohf, su, preferred_element_type=jnp.float32)
        rowsum = jnp.sum(ohf, axis=1, keepdims=True)
        rexcl = jnp.dot(sl, rowsum, preferred_element_type=jnp.float32)
        pos = (rexcl + within).astype(jnp.int32)
        dest = dest + jnp.where(ohs[e], starts[e] + pos, 0)
    dest_ref[...] = dest

    bio = lax.broadcasted_iota(jnp.int32, (1, NBLK), 1) * T
    be = jnp.zeros((1, NBLK), jnp.int32)
    for e in range(1, E):
        be = be + (bio >= starts[e]).astype(jnp.int32)
    bexp_ref[...] = be


def _expert_body(bexp_ref, x0_ref, x1_ref, x2_ref, x3_ref,
                 w1_ref, b1_ref, w2_ref, b2_ref, o_ref,
                 w1s_ref, w2s_ref, *, DS):
    i = pl.program_id(0)
    prev = bexp_ref[jnp.maximum(i - 1, 0)]

    @pl.when(jnp.logical_or(i == 0, bexp_ref[i] != prev))
    def _():
        w1s_ref[...] = w1_ref[0].astype(jnp.bfloat16)
        w2s_ref[...] = w2_ref[0].astype(jnp.bfloat16)

    xs = [x0_ref[...], x1_ref[...], x2_ref[...], x3_ref[...]]
    h = jnp.dot(xs[0].astype(jnp.bfloat16), w1s_ref[0],
                preferred_element_type=jnp.float32)
    for k in range(1, 4):
        h = h + jnp.dot(xs[k].astype(jnp.bfloat16), w1s_ref[k],
                        preferred_element_type=jnp.float32)
    h = jnp.maximum(h + b1_ref[0], 0.0)
    o = jnp.dot(h.astype(jnp.bfloat16), w2s_ref[...],
                preferred_element_type=jnp.float32) + b2_ref[0]
    inv = 1.0 / jnp.maximum(jnp.sqrt(jnp.sum(o * o, axis=1, keepdims=True)),
                            1e-6)
    y = o * inv
    for k in range(4):
        o_ref[:, k * DS:(k + 1) * DS] = y[:, k * DS:(k + 1) * DS] + xs[k]


def kernel(query_emb, doc_emb, W1, b1, W3, b3, Ws1, bs1, Ws2, bs2):
    B, D = query_emb.shape
    H = W1.shape[1]
    E = W3.shape[1]
    N = 2 * B
    T = 512
    NBLK = N // T + E
    NPAD = NBLK * T
    f32 = jnp.float32

    TB = 512
    nb = B // TB

    def run_router(x):
        return pl.pallas_call(
            _router_body,
            grid=(nb,),
            in_specs=[
                pl.BlockSpec((TB, D), lambda i: (i, 0)),
                pl.BlockSpec((D, H), lambda i: (0, 0)),
                pl.BlockSpec((1, H), lambda i: (0, 0)),
                pl.BlockSpec((H, E), lambda i: (0, 0)),
                pl.BlockSpec((1, E), lambda i: (0, 0)),
            ],
            out_specs=pl.BlockSpec((1, 1, TB), lambda i: (i, 0, 0)),
            out_shape=jax.ShapeDtypeStruct((nb, 1, TB), jnp.int32),
        )(x, W1, b1.reshape(1, H), W3, b3.reshape(1, E))

    idxq = run_router(query_emb)
    idxd = run_router(doc_emb)

    C = 128
    R = N // C
    dest2d, bexp2d = pl.pallas_call(
        functools.partial(_meta_body, E=E, T=T, NBLK=NBLK, R=R, C=C),
        grid=(1,),
        in_specs=[
            pl.BlockSpec((R // 2, C), lambda i: (0, 0)),
            pl.BlockSpec((R // 2, C), lambda i: (0, 0)),
        ],
        out_specs=[
            pl.BlockSpec((R, C), lambda i: (0, 0)),
            pl.BlockSpec((1, NBLK), lambda i: (0, 0)),
        ],
        out_shape=[
            jax.ShapeDtypeStruct((R, C), jnp.int32),
            jax.ShapeDtypeStruct((1, NBLK), jnp.int32),
        ],
    )(idxq.reshape(R // 2, C), idxd.reshape(R // 2, C))
    dest = dest2d.reshape(N)
    bexp = bexp2d.reshape(NBLK)
    destq = dest[:B].reshape(1, B)
    destd = dest[B:].reshape(1, B)

    S = 4
    DS = D // S
    mesh = plsc.VectorSubcoreMesh(core_axis_name="c", subcore_axis_name="s")
    W = 128

    @functools.partial(
        pl.kernel,
        mesh=mesh,
        out_type=[jax.ShapeDtypeStruct((NPAD, DS), f32) for _ in range(S)],
    )
    def sc_scatter(q_hbm, d_hbm, iq_hbm, id_hbm, xo0, xo1, xo2, xo3):
        outs = (xo0, xo1, xo2, xo3)
        for k in range(S):
            for src, idx in ((q_hbm, iq_hbm), (d_hbm, id_hbm)):
                def body(x_vmem, i_vmem, _out=outs[k]):
                    pltpu.sync_copy(x_vmem, _out.at[i_vmem.at[0]])

                pltpu.emit_pipeline(
                    body,
                    grid=(B // W,),
                    in_specs=[
                        pl.BlockSpec((W, DS), lambda i, _k=k: (i, _k)),
                        pl.BlockSpec((1, W), lambda i: (0, i)),
                    ],
                    out_specs=[],
                    core_axis_name=("c", "s"),
                    dimension_semantics=(pltpu.PARALLEL,),
                )(src, idx)

    xs_planes = sc_scatter(query_emb, doc_emb, destq, destd)

    grid_spec = pltpu.PrefetchScalarGridSpec(
        num_scalar_prefetch=1,
        grid=(NBLK,),
        in_specs=[
            pl.BlockSpec((T, DS), lambda i, be: (i, 0)),
            pl.BlockSpec((T, DS), lambda i, be: (i, 0)),
            pl.BlockSpec((T, DS), lambda i, be: (i, 0)),
            pl.BlockSpec((T, DS), lambda i, be: (i, 0)),
            pl.BlockSpec((1, S, DS, H), lambda i, be: (be[i], 0, 0, 0)),
            pl.BlockSpec((1, 1, H), lambda i, be: (be[i], 0, 0)),
            pl.BlockSpec((1, H, D), lambda i, be: (be[i], 0, 0)),
            pl.BlockSpec((1, 1, D), lambda i, be: (be[i], 0, 0)),
        ],
        out_specs=pl.BlockSpec((T, D), lambda i, be: (i, 0)),
        scratch_shapes=[
            pltpu.VMEM((S, DS, H), jnp.bfloat16),
            pltpu.VMEM((H, D), jnp.bfloat16),
        ],
    )
    res = pl.pallas_call(
        functools.partial(_expert_body, DS=DS),
        grid_spec=grid_spec,
        out_shape=jax.ShapeDtypeStruct((NPAD, D), f32),
    )(bexp, *xs_planes, Ws1.reshape(E, S, DS, H), bs1.reshape(E, 1, H),
      Ws2, bs2.reshape(E, 1, D))

    NW = 32
    RPW = N // NW
    CH = 32
    NCH = RPW // CH

    @functools.partial(
        pl.kernel,
        mesh=mesh,
        out_type=[
            jax.ShapeDtypeStruct((B, D), f32),
            jax.ShapeDtypeStruct((B, D), f32),
        ],
        scratch_types=[
            pltpu.VMEM((CH,), jnp.int32),
            pltpu.VMEM((CH,), jnp.int32),
            pltpu.VMEM((CH, D), f32),
            pltpu.VMEM((CH, D), f32),
            pltpu.SemaphoreType.DMA,
            pltpu.SemaphoreType.DMA,
            pltpu.SemaphoreType.DMA,
            pltpu.SemaphoreType.DMA,
        ],
    )
    def sc_gather(res_hbm, i_hbm, q_hbm, d_hbm,
                  idx_v0, idx_v1, rows_v0, rows_v1, sem0, sem1, wsem0, wsem1):
        wid = lax.axis_index("s") * 2 + lax.axis_index("c")
        base = wid * RPW
        idx_v = (idx_v0, idx_v1)
        rows_v = (rows_v0, rows_v1)
        sems = (sem0, sem1)
        wsems = (wsem0, wsem1)

        def out_copy(buf, j):
            row0 = base + j * CH

            @pl.when(wid < NW // 2)
            def _():
                pltpu.make_async_copy(
                    rows_v[buf], q_hbm.at[pl.ds(row0, CH)], wsems[buf]).start()

            @pl.when(wid >= NW // 2)
            def _():
                pltpu.make_async_copy(
                    rows_v[buf], d_hbm.at[pl.ds(row0 - B, CH)],
                    wsems[buf]).start()

        def out_wait(buf, j):
            row0 = base + j * CH

            @pl.when(wid < NW // 2)
            def _():
                pltpu.make_async_copy(
                    rows_v[buf], q_hbm.at[pl.ds(row0, CH)], wsems[buf]).wait()

            @pl.when(wid >= NW // 2)
            def _():
                pltpu.make_async_copy(
                    rows_v[buf], d_hbm.at[pl.ds(row0 - B, CH)],
                    wsems[buf]).wait()

        pltpu.sync_copy(i_hbm.at[pl.ds(base, CH)], idx_v[0])
        pltpu.make_async_copy(res_hbm.at[idx_v[0]], rows_v[0], sems[0]).start()
        for j in range(NCH):
            cur = j % 2
            nxt = 1 - cur
            if j + 1 < NCH:
                pltpu.sync_copy(
                    i_hbm.at[pl.ds(base + (j + 1) * CH, CH)], idx_v[nxt])
                if j - 1 >= 0:
                    out_wait(nxt, j - 1)
                pltpu.make_async_copy(
                    res_hbm.at[idx_v[nxt]], rows_v[nxt], sems[nxt]).start()
            pltpu.make_async_copy(
                res_hbm.at[idx_v[cur]], rows_v[cur], sems[cur]).wait()
            out_copy(cur, j)
        out_wait((NCH - 2) % 2, NCH - 2)
        out_wait((NCH - 1) % 2, NCH - 1)

    q_out, d_out = sc_gather(res, dest)
    return (q_out, d_out)

# --- scband reference (transcript-rebuilt; emitter-appended) ---
"""Pipeline reference for scband-mo-ebi-encoder-69810398429504 (READ-ONLY COPY).

The authoritative reference and input builder live on the scoring server;
editing this copy changes nothing except your own understanding.
"""

import jax, jax.numpy as jnp
import numpy as np


def _normalize(x, eps=1e-6):
    n = jnp.linalg.norm(x, axis=-1, keepdims=True)
    return x / jnp.maximum(n, eps)


def _cls(x, W1, b1, W3, b3):
    # eval-mode sbmoe_top1 router: MLP -> softmax -> top-1 mask -> gated probs
    h = jax.nn.relu(x @ W1 + b1)
    out = h @ W3 + b3
    p = jax.nn.softmax(out, axis=-1)
    idx = jnp.argmax(p, axis=-1)
    mask = jax.nn.one_hot(idx, p.shape[-1], dtype=p.dtype)
    return p * mask


def _embedder(x, gate, Ws1, bs1, Ws2, bs2):
    # all experts computed densely (as in the torch list comprehension), then mixed by gate
    h = jax.nn.relu(jnp.einsum('bd,edh->beh', x, Ws1) + bs1[None, :, :])
    expert_out = jnp.einsum('beh,ehd->bed', h, Ws2) + bs2[None, :, :]
    mix = jnp.einsum('bed,be->bd', expert_out, gate)
    return _normalize(mix, 1e-6) + x


def setup_inputs(seed: int = 0) -> dict:
    key = jax.random.key(seed)
    ks = jax.random.split(key, 8)
    B, D, E = 4096, 1024, 8
    H = D // 2
    return {
        'query_emb': jax.random.normal(ks[0], (B, D), dtype=jnp.float32),
        'doc_emb': jax.random.normal(ks[1], (B, D), dtype=jnp.float32),
        'W1': jax.random.normal(ks[2], (D, H), dtype=jnp.float32) * 0.02,
        'b1': jnp.zeros((H,), dtype=jnp.float32),
        'W3': jax.random.normal(ks[3], (H, E), dtype=jnp.float32) * 0.02,
        'b3': jnp.zeros((E,), dtype=jnp.float32),
        'Ws1': jax.random.normal(ks[4], (E, D, H), dtype=jnp.float32) * 0.02,
        'bs1': jnp.zeros((E, H), dtype=jnp.float32),
        'Ws2': jax.random.normal(ks[5], (E, H, D), dtype=jnp.float32) * 0.02,
        'bs2': jnp.zeros((E, D), dtype=jnp.float32),
    }


def reference(query_emb, doc_emb, W1, b1, W3, b3, Ws1, bs1, Ws2, bs2):
    q_gate = _cls(query_emb, W1, b1, W3, b3)
    q_out = _embedder(query_emb, q_gate, Ws1, bs1, Ws2, bs2)
    d_gate = _cls(doc_emb, W1, b1, W3, b3)
    d_out = _embedder(doc_emb, d_gate, Ws1, bs1, Ws2, bs2)
    return (q_out, d_out)

if __name__ == "__main__":
    import jax
    _d = setup_inputs()
    print(jax.jit(kernel)(*tuple(_d.values())))

</pallas_src>

<mosaic_0001>
#map = affine_map<(d0, d1) -> (0, 0)>
#map1 = affine_map<(d0, d1) -> (0)>
module attributes {stable_mosaic.version = 14 : i64} {
  func.func @sc_gather(%arg0: i32, %arg1: i32, %arg2: memref<12288x1024xf32, #tpu.memory_space<hbm>>, %arg3: memref<8192xi32, #tpu.memory_space<hbm>>, %arg4: memref<4096x1024xf32, #tpu.memory_space<hbm>>, %arg5: memref<4096x1024xf32, #tpu.memory_space<hbm>>, %arg6: memref<32xi32, #tpu.memory_space<vmem>>, %arg7: memref<32xi32, #tpu.memory_space<vmem>>, %arg8: memref<32x1024xf32, #tpu.memory_space<vmem>>, %arg9: memref<32x1024xf32, #tpu.memory_space<vmem>>, %arg10: memref<!tpu.dma_semaphore, #tpu.memory_space<semaphore_mem>>, %arg11: memref<!tpu.dma_semaphore, #tpu.memory_space<semaphore_mem>>, %arg12: memref<!tpu.dma_semaphore, #tpu.memory_space<semaphore_mem>>, %arg13: memref<!tpu.dma_semaphore, #tpu.memory_space<semaphore_mem>>) attributes {dimension_semantics = [#tpu.dimension_semantics<core_parallel>, #tpu.dimension_semantics<subcore_parallel>], iteration_bounds = array<i64: 2, 16>, scalar_prefetch = 0 : i64, scratch_operands = 8 : i64, tpu.core_type = #tpu.core_type<sc_vector_subcore>, window_params = [{transform_indices = #map}, {transform_indices = #map1}, {transform_indices = #map}, {transform_indices = #map}]} {
    %mul3A = arith.constant 2 : i32
    %mul3A_0 = arith.muli %arg1, %mul3A : i32
    %add3A = arith.addi %mul3A_0, %arg0 : i32
    %mul3A_1 = arith.constant 256 : i32
    %mul3A_2 = arith.muli %add3A, %mul3A_1 : i32
    "tpu.region"() ({
      %run_scoped3A = tpu.sem_alloc : memref<!tpu.dma_semaphore, #tpu.memory_space<semaphore_mem>>
      %dma_start3A_251 = tpu.memref_slice %arg3[%mul3A_2] : memref<8192xi32, #tpu.memory_space<hbm>> -> memref<32xi32, #tpu.memory_space<hbm>>
      %dma_start3A_252 = tpu.memref_slice %arg3[%mul3A_2] : memref<8192xi32, #tpu.memory_space<hbm>> -> memref<32xi32, #tpu.memory_space<hbm>>
      tpu.enqueue_dma source(%dma_start3A_252 : memref<32xi32, #tpu.memory_space<hbm>>) target(%arg6 : memref<32xi32, #tpu.memory_space<vmem>>) target_semaphore(%run_scoped3A : memref<!tpu.dma_semaphore, #tpu.memory_space<semaphore_mem>>)
      %dma_wait3A_253 = tpu.memref_slice %arg3[%mul3A_2] : memref<8192xi32, #tpu.memory_space<hbm>> -> memref<32xi32, #tpu.memory_space<hbm>>
      %dma_wait3A_254 = tpu.memref_slice %arg3[%mul3A_2] : memref<8192xi32, #tpu.memory_space<hbm>> -> memref<32xi32, #tpu.memory_space<hbm>>
      tpu.wait_dma2 semaphore(%run_scoped3A : memref<!tpu.dma_semaphore, #tpu.memory_space<semaphore_mem>>) src(%dma_wait3A_254 : memref<32xi32, #tpu.memory_space<hbm>>) dst(%arg6 : memref<32xi32, #tpu.memory_space<vmem>>)
      tpu.yield
    }) : () -> ()
    %dma_start3A = arith.constant 0 : i32
    %dma_start3A_3 = arith.constant 0 : i32
    %dma_start3A_4 = tpu.memref_slice %arg2[%dma_start3A, %dma_start3A_3] : memref<12288x1024xf32, #tpu.memory_space<hbm>> -> memref<12288x1024xf32, #tpu.memory_space<hbm>>
    tpu.enqueue_indirect_dma source(%dma_start3A_4 : memref<12288x1024xf32, #tpu.memory_space<hbm>>) target(%arg8 : memref<32x1024xf32, #tpu.memory_space<vmem>>) offsets(%arg6 : memref<32xi32, #tpu.memory_space<vmem>>) semaphore(%arg10 : memref<!tpu.dma_semaphore, #tpu.memory_space<semaphore_mem>>)
    %add3A_5 = arith.constant 32 : i32
    %add3A_6 = arith.addi %mul3A_2, %add3A_5 : i32
    "tpu.region"() ({
      %run_scoped3A = tpu.sem_alloc : memref<!tpu.dma_semaphore, #tpu.memory_space<semaphore_mem>>
      %dma_start3A_251 = tpu.memref_slice %arg3[%add3A_6] : memref<8192xi32, #tpu.memory_space<hbm>> -> memref<32xi32, #tpu.memory_space<hbm>>
      %dma_start3A_252 = tpu.memref_slice %arg3[%add3A_6] : memref<8192xi32, #tpu.memory_space<hbm>> -> memref<32xi32, #tpu.memory_space<hbm>>
      tpu.enqueue_dma source(%dma_start3A_252 : memref<32xi32, #tpu.memory_space<hbm>>) target(%arg7 : memref<32xi32, #tpu.memory_space<vmem>>) target_semaphore(%run_scoped3A : memref<!tpu.dma_semaphore, #tpu.memory_space<semaphore_mem>>)
      %dma_wait3A_253 = tpu.memref_slice %arg3[%add3A_6] : memref<8192xi32, #tpu.memory_space<hbm>> -> memref<32xi32, #tpu.memory_space<hbm>>
      %dma_wait3A_254 = tpu.memref_slice %arg3[%add3A_6] : memref<8192xi32, #tpu.memory_space<hbm>> -> memref<32xi32, #tpu.memory_space<hbm>>
      tpu.wait_dma2 semaphore(%run_scoped3A : memref<!tpu.dma_semaphore, #tpu.memory_space<semaphore_mem>>) src(%dma_wait3A_254 : memref<32xi32, #tpu.memory_space<hbm>>) dst(%arg7 : memref<32xi32, #tpu.memory_space<vmem>>)
      tpu.yield
    }) : () -> ()
    %dma_start3A_7 = arith.constant 0 : i32
    %dma_start3A_8 = arith.constant 0 : i32
    %dma_start3A_9 = tpu.memref_slice %arg2[%dma_start3A_7, %dma_start3A_8] : memref<12288x1024xf32, #tpu.memory_space<hbm>> -> memref<12288x1024xf32, #tpu.memory_space<hbm>>
    tpu.enqueue_indirect_dma source(%dma_start3A_9 : memref<12288x1024xf32, #tpu.memory_space<hbm>>) target(%arg9 : memref<32x1024xf32, #tpu.memory_space<vmem>>) offsets(%arg7 : memref<32xi32, #tpu.memory_space<vmem>>) semaphore(%arg11 : memref<!tpu.dma_semaphore, #tpu.memory_space<semaphore_mem>>)
    %dma_wait3A = arith.constant 0 : i32
    %dma_wait3A_10 = arith.constant 0 : i32
    %dma_wait3A_11 = tpu.memref_slice %arg2[%dma_wait3A, %dma_wait3A_10] : memref<12288x1024xf32, #tpu.memory_space<hbm>> -> memref<12288x1024xf32, #tpu.memory_space<hbm>>
    tpu.wait_indirect_dma semaphore(%arg10 : memref<!tpu.dma_semaphore, #tpu.memory_space<semaphore_mem>>) src(%dma_wait3A_11 : memref<12288x1024xf32, #tpu.memory_space<hbm>>) dst(%arg8 : memref<32x1024xf32, #tpu.memory_space<vmem>>)
    %add3A_12 = arith.constant 0 : i32
    %add3A_13 = arith.addi %mul3A_2, %add3A_12 : i32
    %lt3A = arith.constant 16 : i32
    %lt3A_14 = arith.cmpi slt, %add3A, %lt3A : i32
    %convert_element_type3A = arith.extui %lt3A_14 : i1 to i32
    %cond3A = arith.constant 0 : i32
    %cond3A_15 = arith.cmpi ne, %convert_element_type3A, %cond3A : i32
    scf.if %cond3A_15 {
      %dma_start3A_251 = arith.constant 0 : i32
      %dma_start3A_252 = tpu.memref_slice %arg4[%add3A_13, %dma_start3A_251] : memref<4096x1024xf32, #tpu.memory_space<hbm>> -> memref<32x1024xf32, #tpu.memory_space<hbm>>
      %dma_start3A_253 = arith.constant 0 : i32
      %dma_start3A_254 = tpu.memref_slice %arg4[%add3A_13, %dma_start3A_253] : memref<4096x1024xf32, #tpu.memory_space<hbm>> -> memref<32x1024xf32, #tpu.memory_space<hbm>>
      tpu.enqueue_dma source(%arg8 : memref<32x1024xf32, #tpu.memory_space<vmem>>) target(%dma_start3A_254 : memref<32x1024xf32, #tpu.memory_space<hbm>>) target_semaphore(%arg12 : memref<!tpu.dma_semaphore, #tpu.memory_space<semaphore_mem>>)
    } else {
    }
    %ge3A = arith.constant 16 : i32
    %ge3A_16 = arith.cmpi sge, %add3A, %ge3A : i32
    %convert_element_type3A_17 = arith.extui %ge3A_16 : i1 to i32
    %cond3A_18 = arith.constant 0 : i32
    %cond3A_19 = arith.cmpi ne, %convert_element_type3A_17, %cond3A_18 : i32
    scf.if %cond3A_19 {
      %sub3A = arith.constant 4096 : i32
      %sub3A_251 = arith.subi %add3A_13, %sub3A : i32
      %dma_start3A_252 = arith.constant 0 : i32
      %dma_start3A_253 = tpu.memref_slice %arg5[%sub3A_251, %dma_start3A_252] : memref<4096x1024xf32, #tpu.memory_space<hbm>> -> memref<32x1024xf32, #tpu.memory_space<hbm>>
      %dma_start3A_254 = arith.constant 0 : i32
      %dma_start3A_255 = tpu.memref_slice %arg5[%sub3A_251, %dma_start3A_254] : memref<4096x1024xf32, #tpu.memory_space<hbm>> -> memref<32x1024xf32, #tpu.memory_space<hbm>>
      tpu.enqueue_dma source(%arg8 : memref<32x1024xf32, #tpu.memory_space<vmem>>) target(%dma_start3A_255 : memref<32x1024xf32, #tpu.memory_space<hbm>>) target_semaphore(%arg12 : memref<!tpu.dma_semaphore, #tpu.memory_space<semaphore_mem>>)
    } else {
    }
    %add3A_20 = arith.constant 64 : i32
    %add3A_21 = arith.addi %mul3A_2, %add3A_20 : i32
    "tpu.region"() ({
      %run_scoped3A = tpu.sem_alloc : memref<!tpu.dma_semaphore, #tpu.memory_space<semaphore_mem>>
      %dma_start3A_251 = tpu.memref_slice %arg3[%add3A_21] : memref<8192xi32, #tpu.memory_space<hbm>> -> memref<32xi32, #tpu.memory_space<hbm>>
      %dma_start3A_252 = tpu.memref_slice %arg3[%add3A_21] : memref<8192xi32, #tpu.memory_space<hbm>> -> memref<32xi32, #tpu.memory_space<hbm>>
      tpu.enqueue_dma source(%dma_start3A_252 : memref<32xi32, #tpu.memory_space<hbm>>) target(%arg6 : memref<32xi32, #tpu.memory_space<vmem>>) target_semaphore(%run_scoped3A : memref<!tpu.dma_semaphore, #tpu.memory_space<semaphore_mem>>)
      %dma_wait3A_253 = tpu.memref_slice %arg3[%add3A_21] : memref<8192xi32, #tpu.memory_space<hbm>> -> memref<32xi32, #tpu.memory_space<hbm>>
      %dma_wait3A_254 = tpu.memref_slice %arg3[%add3A_21] : memref<8192xi32, #tpu.memory_space<hbm>> -> memref<32xi32, #tpu.memory_space<hbm>>
      tpu.wait_dma2 semaphore(%run_scoped3A : memref<!tpu.dma_semaphore, #tpu.memory_space<semaphore_mem>>) src(%dma_wait3A_254 : memref<32xi32, #tpu.memory_space<hbm>>) dst(%arg6 : memref<32xi32, #tpu.memory_space<vmem>>)
      tpu.yield
    }) : () -> ()
    %add3A_22 = arith.constant 0 : i32
    %add3A_23 = arith.addi %mul3A_2, %add3A_22 : i32
    %lt3A_24 = arith.constant 16 : i32
    %lt3A_25 = arith.cmpi slt, %add3A, %lt3A_24 : i32
    %convert_element_type3A_26 = arith.extui %lt3A_25 : i1 to i32
    %cond3A_27 = arith.constant 0 : i32
    %cond3A_28 = arith.cmpi ne, %convert_element_type3A_26, %cond3A_27 : i32
    scf.if %cond3A_28 {
      %dma_wait3A_251 = arith.constant 0 : i32
      %dma_wait3A_252 = tpu.memref_slice %arg4[%add3A_23, %dma_wait3A_251] : memref<4096x1024xf32, #tpu.memory_space<hbm>> -> memref<32x1024xf32, #tpu.memory_space<hbm>>
      %dma_wait3A_253 = arith.constant 0 : i32
      %dma_wait3A_254 = tpu.memref_slice %arg4[%add3A_23, %dma_wait3A_253] : memref<4096x1024xf32, #tpu.memory_space<hbm>> -> memref<32x1024xf32, #tpu.memory_space<hbm>>
      tpu.wait_dma2 semaphore(%arg12 : memref<!tpu.dma_semaphore, #tpu.memory_space<semaphore_mem>>) src(%arg8 : memref<32x1024xf32, #tpu.memory_space<vmem>>) dst(%dma_wait3A_254 : memref<32x1024xf32, #tpu.memory_space<hbm>>)
    } else {
    }
    %ge3A_29 = arith.constant 16 : i32
    %ge3A_30 = arith.cmpi sge, %add3A, %ge3A_29 : i32
    %convert_element_type3A_31 = arith.extui %ge3A_30 : i1 to i32
    %cond3A_32 = arith.constant 0 : i32
    %cond3A_33 = arith.cmpi ne, %convert_element_type3A_31, %cond3A_32 : i32
    scf.if %cond3A_33 {
      %sub3A = arith.constant 4096 : i32
      %sub3A_251 = arith.subi %add3A_23, %sub3A : i32
      %dma_wait3A_252 = arith.constant 0 : i32
      %dma_wait3A_253 = tpu.memref_slice %arg5[%sub3A_251, %dma_wait3A_252] : memref<4096x1024xf32, #tpu.memory_space<hbm>> -> memref<32x1024xf32, #tpu.memory_space<hbm>>
      %dma_wait3A_254 = arith.constant 0 : i32
      %dma_wait3A_255 = tpu.memref_slice %arg5[%sub3A_251, %dma_wait3A_254] : memref<4096x1024xf32, #tpu.memory_space<hbm>> -> memref<32x1024xf32, #tpu.memory_space<hbm>>
      tpu.wait_dma2 semaphore(%arg12 : memref<!tpu.dma_semaphore, #tpu.memory_space<semaphore_mem>>) src(%arg8 : memref<32x1024xf32, #tpu.memory_space<vmem>>) dst(%dma_wait3A_255 : memref<32x1024xf32, #tpu.memory_space<hbm>>)
    } else {
    }
    %dma_start3A_34 = arith.constant 0 : i32
    %dma_start3A_35 = arith.constant 0 : i32
    %dma_start3A_36 = tpu.memref_slice %arg2[%dma_start3A_34, %dma_start3A_35] : memref<12288x1024xf32, #tpu.memory_space<hbm>> -> memref<12288x1024xf32, #tpu.memory_space<hbm>>
    tpu.enqueue_indirect_dma source(%dma_start3A_36 : memref<12288x1024xf32, #tpu.memory_space<hbm>>) target(%arg8 : memref<32x1024xf32, #tpu.memory_space<vmem>>) offsets(%arg6 : memref<32xi32, #tpu.memory_space<vmem>>) semaphore(%arg10 : memref<!tpu.dma_semaphore, #tpu.memory_space<semaphore_mem>>)
    %dma_wait3A_37 = arith.constant 0 : i32
    %dma_wait3A_38 = arith.constant 0 : i32
    %dma_wait3A_39 = tpu.memref_slice %arg2[%dma_wait3A_37, %dma_wait3A_38] : memref<12288x1024xf32, #tpu.memory_space<hbm>> -> memref<12288x1024xf32, #tpu.memory_space<hbm>>
    tpu.wait_indirect_dma semaphore(%arg11 : memref<!tpu.dma_semaphore, #tpu.memory_space<semaphore_mem>>) src(%dma_wait3A_39 : memref<12288x1024xf32, #tpu.memory_space<hbm>>) dst(%arg9 : memref<32x1024xf32, #tpu.memory_space<vmem>>)
    %add3A_40 = arith.constant 32 : i32
    %add3A_41 = arith.addi %mul3A_2, %add3A_40 : i32
    %lt3A_42 = arith.constant 16 : i32
    %lt3A_43 = arith.cmpi slt, %add3A, %lt3A_42 : i32
    %convert_element_type3A_44 = arith.extui %lt3A_43 : i1 to i32
    %cond3A_45 = arith.constant 0 : i32
    %cond3A_46 = arith.cmpi ne, %convert_element_type3A_44, %cond3A_45 : i32
    scf.if %cond3A_46 {
      %dma_start3A_251 = arith.constant 0 : i32
      %dma_start3A_252 = tpu.memref_slice %arg4[%add3A_41, %dma_start3A_251] : memref<4096x1024xf32, #tpu.memory_space<hbm>> -> memref<32x1024xf32, #tpu.memory_space<hbm>>
      %dma_start3A_253 = arith.constant 0 : i32
      %dma_start3A_254 = tpu.memref_slice %arg4[%add3A_41, %dma_start3A_253] : memref<4096x1024xf32, #tpu.memory_space<hbm>> -> memref<32x1024xf32, #tpu.memory_space<hbm>>
      tpu.enqueue_dma source(%arg9 : memref<32x1024xf32, #tpu.memory_space<vmem>>) target(%dma_start3A_254 : memref<32x1024xf32, #tpu.memory_space<hbm>>) target_semaphore(%arg13 : memref<!tpu.dma_semaphore, #tpu.memory_space<semaphore_mem>>)
    } else {
    }
    %ge3A_47 = arith.constant 16 : i32
    %ge3A_48 = arith.cmpi sge, %add3A, %ge3A_47 : i32
    %convert_element_type3A_49 = arith.extui %ge3A_48 : i1 to i32
    %cond3A_50 = arith.constant 0 : i32
    %cond3A_51 = arith.cmpi ne, %convert_element_type3A_49, %cond3A_50 : i32
    scf.if %cond3A_51 {
      %sub3A = arith.constant 4096 : i32
      %sub3A_251 = arith.subi %add3A_41, %sub3A : i32
      %dma_start3A_252 = arith.constant 0 : i32
      %dma_start3A_253 = tpu.memref_slice %arg5[%sub3A_251, %dma_start3A_252] : memref<4096x1024xf32, #tpu.memory_space<hbm>> -> memref<32x1024xf32, #tpu.memory_space<hbm>>
      %dma_start3A_254 = arith.constant 0 : i32
      %dma_start3A_255 = tpu.memref_slice %arg5[%sub3A_251, %dma_start3A_254] : memref<4096x1024xf32, #tpu.memory_space<hbm>> -> memref<32x1024xf32, #tpu.memory_space<hbm>>
      tpu.enqueue_dma source(%arg9 : memref<32x1024xf32, #tpu.memory_space<vmem>>) target(%dma_start3A_255 : memref<32x1024xf32, #tpu.memory_space<hbm>>) target_semaphore(%arg13 : memref<!tpu.dma_semaphore, #tpu.memory_space<semaphore_mem>>)
    } else {
    }
    %add3A_52 = arith.constant 96 : i32
    %add3A_53 = arith.addi %mul3A_2, %add3A_52 : i32
    "tpu.region"() ({
      %run_scoped3A = tpu.sem_alloc : memref<!tpu.dma_semaphore, #tpu.memory_space<semaphore_mem>>
      %dma_start3A_251 = tpu.memref_slice %arg3[%add3A_53] : memref<8192xi32, #tpu.memory_space<hbm>> -> memref<32xi32, #tpu.memory_space<hbm>>
      %dma_start3A_252 = tpu.memref_slice %arg3[%add3A_53] : memref<8192xi32, #tpu.memory_space<hbm>> -> memref<32xi32, #tpu.memory_space<hbm>>
      tpu.enqueue_dma source(%dma_start3A_252 : memref<32xi32, #tpu.memory_space<hbm>>) target(%arg7 : memref<32xi32, #tpu.memory_space<vmem>>) target_semaphore(%run_scoped3A : memref<!tpu.dma_semaphore, #tpu.memory_space<semaphore_mem>>)
      %dma_wait3A_253 = tpu.memref_slice %arg3[%add3A_53] : memref<8192xi32, #tpu.memory_space<hbm>> -> memref<32xi32, #tpu.memory_space<hbm>>
      %dma_wait3A_254 = tpu.memref_slice %arg3[%add3A_53] : memref<8192xi32, #tpu.memory_space<hbm>> -> memref<32xi32, #tpu.memory_space<hbm>>
      tpu.wait_dma2 semaphore(%run_scoped3A : memref<!tpu.dma_semaphore, #tpu.memory_space<semaphore_mem>>) src(%dma_wait3A_254 : memref<32xi32, #tpu.memory_space<hbm>>) dst(%arg7 : memref<32xi32, #tpu.memory_space<vmem>>)
      tpu.yield
    }) : () -> ()
    %add3A_54 = arith.constant 32 : i32
    %add3A_55 = arith.addi %mul3A_2, %add3A_54 : i32
    %lt3A_56 = arith.constant 16 : i32
    %lt3A_57 = arith.cmpi slt, %add3A, %lt3A_56 : i32
    %convert_element_type3A_58 = arith.extui %lt3A_57 : i1 to i32
    %cond3A_59 = arith.constant 0 : i32
    %cond3A_60 = arith.cmpi ne, %convert_element_type3A_58, %cond3A_59 : i32
    scf.if %cond3A_60 {
      %dma_wait3A_251 = arith.constant 0 : i32
      %dma_wait3A_252 = tpu.memref_slice %arg4[%add3A_55, %dma_wait3A_251] : memref<4096x1024xf32, #tpu.memory_space<hbm>> -> memref<32x1024xf32, #tpu.memory_space<hbm>>
      %dma_wait3A_253 = arith.constant 0 : i32
      %dma_wait3A_254 = tpu.memref_slice %arg4[%add3A_55, %dma_wait3A_253] : memref<4096x1024xf32, #tpu.memory_space<hbm>> -> memref<32x1024xf32, #tpu.memory_space<hbm>>
      tpu.wait_dma2 semaphore(%arg13 : memref<!tpu.dma_semaphore, #tpu.memory_space<semaphore_mem>>) src(%arg9 : memref<32x1024xf32, #tpu.memory_space<vmem>>) dst(%dma_wait3A_254 : memref<32x1024xf32, #tpu.memory_space<hbm>>)
    } else {
    }
    %ge3A_61 = arith.constant 16 : i32
    %ge3A_62 = arith.cmpi sge, %add3A, %ge3A_61 : i32
    %convert_element_type3A_63 = arith.extui %ge3A_62 : i1 to i32
    %cond3A_64 = arith.constant 0 : i32
    %cond3A_65 = arith.cmpi ne, %convert_element_type3A_63, %cond3A_64 : i32
    scf.if %cond3A_65 {
      %sub3A = arith.constant 4096 : i32
      %sub3A_251 = arith.subi %add3A_55, %sub3A : i32
      %dma_wait3A_252 = arith.constant 0 : i32
      %dma_wait3A_253 = tpu.memref_slice %arg5[%sub3A_251, %dma_wait3A_252] : memref<4096x1024xf32, #tpu.memory_space<hbm>> -> memref<32x1024xf32, #tpu.memory_space<hbm>>
      %dma_wait3A_254 = arith.constant 0 : i32
      %dma_wait3A_255 = tpu.memref_slice %arg5[%sub3A_251, %dma_wait3A_254] : memref<4096x1024xf32, #tpu.memory_space<hbm>> -> memref<32x1024xf32, #tpu.memory_space<hbm>>
      tpu.wait_dma2 semaphore(%arg13 : memref<!tpu.dma_semaphore, #tpu.memory_space<semaphore_mem>>) src(%arg9 : memref<32x1024xf32, #tpu.memory_space<vmem>>) dst(%dma_wait3A_255 : memref<32x1024xf32, #tpu.memory_space<hbm>>)
    } else {
    }
    %dma_start3A_66 = arith.constant 0 : i32
    %dma_start3A_67 = arith.constant 0 : i32
    %dma_start3A_68 = tpu.memref_slice %arg2[%dma_start3A_66, %dma_start3A_67] : memref<12288x1024xf32, #tpu.memory_space<hbm>> -> memref<12288x1024xf32, #tpu.memory_space<hbm>>
    tpu.enqueue_indirect_dma source(%dma_start3A_68 : memref<12288x1024xf32, #tpu.memory_space<hbm>>) target(%arg9 : memref<32x1024xf32, #tpu.memory_space<vmem>>) offsets(%arg7 : memref<32xi32, #tpu.memory_space<vmem>>) semaphore(%arg11 : memref<!tpu.dma_semaphore, #tpu.memory_space<semaphore_mem>>)
    %dma_wait3A_69 = arith.constant 0 : i32
    %dma_wait3A_70 = arith.constant 0 : i32
    %dma_wait3A_71 = tpu.memref_slice %arg2[%dma_wait3A_69, %dma_wait3A_70] : memref<12288x1024xf32, #tpu.memory_space<hbm>> -> memref<12288x1024xf32, #tpu.memory_space<hbm>>
    tpu.wait_indirect_dma semaphore(%arg10 : memref<!tpu.dma_semaphore, #tpu.memory_space<semaphore_mem>>) src(%dma_wait3A_71 : memref<12288x1024xf32, #tpu.memory_space<hbm>>) dst(%arg8 : memref<32x1024xf32, #tpu.memory_space<vmem>>)
    %add3A_72 = arith.constant 64 : i32
    %add3A_73 = arith.addi %mul3A_2, %add3A_72 : i32
    %lt3A_74 = arith.constant 16 : i32
    %lt3A_75 = arith.cmpi slt, %add3A, %lt3A_74 : i32
    %convert_element_type3A_76 = arith.extui %lt3A_75 : i1 to i32
    %cond3A_77 = arith.constant 0 : i32
    %cond3A_78 = arith.cmpi ne, %convert_element_type3A_76, %cond3A_77 : i32
    scf.if %cond3A_78 {
      %dma_start3A_251 = arith.constant 0 : i32
      %dma_start3A_252 = tpu.memref_slice %arg4[%add3A_73, %dma_start3A_251] : memref<4096x1024xf32, #tpu.memory_space<hbm>> -> memref<32x1024xf32, #tpu.memory_space<hbm>>
      %dma_start3A_253 = arith.constant 0 : i32
      %dma_start3A_254 = tpu.memref_slice %arg4[%add3A_73, %dma_start3A_253] : memref<4096x1024xf32, #tpu.memory_space<hbm>> -> memref<32x1024xf32, #tpu.memory_space<hbm>>
      tpu.enqueue_dma source(%arg8 : memref<32x1024xf32, #tpu.memory_space<vmem>>) target(%dma_start3A_254 : memref<32x1024xf32, #tpu.memory_space<hbm>>) target_semaphore(%arg12 : memref<!tpu.dma_semaphore, #tpu.memory_space<semaphore_mem>>)
    } else {
    }
    %ge3A_79 = arith.constant 16 : i32
    %ge3A_80 = arith.cmpi sge, %add3A, %ge3A_79 : i32
    %convert_element_type3A_81 = arith.extui %ge3A_80 : i1 to i32
    %cond3A_82 = arith.constant 0 : i32
    %cond3A_83 = arith.cmpi ne, %convert_element_type3A_81, %cond3A_82 : i32
    scf.if %cond3A_83 {
      %sub3A = arith.constant 4096 : i32
      %sub3A_251 = arith.subi %add3A_73, %sub3A : i32
      %dma_start3A_252 = arith.constant 0 : i32
      %dma_start3A_253 = tpu.memref_slice %arg5[%sub3A_251, %dma_start3A_252] : memref<4096x1024xf32, #tpu.memory_space<hbm>> -> memref<32x1024xf32, #tpu.memory_space<hbm>>
      %dma_start3A_254 = arith.constant 0 : i32
      %dma_start3A_255 = tpu.memref_slice %arg5[%sub3A_251, %dma_start3A_254] : memref<4096x1024xf32, #tpu.memory_space<hbm>> -> memref<32x1024xf32, #tpu.memory_space<hbm>>
      tpu.enqueue_dma source(%arg8 : memref<32x1024xf32, #tpu.memory_space<vmem>>) target(%dma_start3A_255 : memref<32x1024xf32, #tpu.memory_space<hbm>>) target_semaphore(%arg12 : memref<!tpu.dma_semaphore, #tpu.memory_space<semaphore_mem>>)
    } else {
    }
    %add3A_84 = arith.constant 128 : i32
    %add3A_85 = arith.addi %mul3A_2, %add3A_84 : i32
    "tpu.region"() ({
      %run_scoped3A = tpu.sem_alloc : memref<!tpu.dma_semaphore, #tpu.memory_space<semaphore_mem>>
      %dma_start3A_251 = tpu.memref_slice %arg3[%add3A_85] : memref<8192xi32, #tpu.memory_space<hbm>> -> memref<32xi32, #tpu.memory_space<hbm>>
      %dma_start3A_252 = tpu.memref_slice %arg3[%add3A_85] : memref<8192xi32, #tpu.memory_space<hbm>> -> memref<32xi32, #tpu.memory_space<hbm>>
      tpu.enqueue_dma source(%dma_start3A_252 : memref<32xi32, #tpu.memory_space<hbm>>) target(%arg6 : memref<32xi32, #tpu.memory_space<vmem>>) target_semaphore(%run_scoped3A : memref<!tpu.dma_semaphore, #tpu.memory_space<semaphore_mem>>)
      %dma_wait3A_253 = tpu.memref_slice %arg3[%add3A_85] : memref<8192xi32, #tpu.memory_space<hbm>> -> memref<32xi32, #tpu.memory_space<hbm>>
      %dma_wait3A_254 = tpu.memref_slice %arg3[%add3A_85] : memref<8192xi32, #tpu.memory_space<hbm>> -> memref<32xi32, #tpu.memory_space<hbm>>
      tpu.wait_dma2 semaphore(%run_scoped3A : memref<!tpu.dma_semaphore, #tpu.memory_space<semaphore_mem>>) src(%dma_wait3A_254 : memref<32xi32, #tpu.memory_space<hbm>>) dst(%arg6 : memref<32xi32, #tpu.memory_space<vmem>>)
      tpu.yield
    }) : () -> ()
    %add3A_86 = arith.constant 64 : i32
    %add3A_87 = arith.addi %mul3A_2, %add3A_86 : i32
    %lt3A_88 = arith.constant 16 : i32
    %lt3A_89 = arith.cmpi slt, %add3A, %lt3A_88 : i32
    %convert_element_type3A_90 = arith.extui %lt3A_89 : i1 to i32
    %cond3A_91 = arith.constant 0 : i32
    %cond3A_92 = arith.cmpi ne, %convert_element_type3A_90, %cond3A_91 : i32
    scf.if %cond3A_92 {
      %dma_wait3A_251 = arith.constant 0 : i32
      %dma_wait3A_252 = tpu.memref_slice %arg4[%add3A_87, %dma_wait3A_251] : memref<4096x1024xf32, #tpu.memory_space<hbm>> -> memref<32x1024xf32, #tpu.memory_space<hbm>>
      %dma_wait3A_253 = arith.constant 0 : i32
      %dma_wait3A_254 = tpu.memref_slice %arg4[%add3A_87, %dma_wait3A_253] : memref<4096x1024xf32, #tpu.memory_space<hbm>> -> memref<32x1024xf32, #tpu.memory_space<hbm>>
      tpu.wait_dma2 semaphore(%arg12 : memref<!tpu.dma_semaphore, #tpu.memory_space<semaphore_mem>>) src(%arg8 : memref<32x1024xf32, #tpu.memory_space<vmem>>) dst(%dma_wait3A_254 : memref<32x1024xf32, #tpu.memory_space<hbm>>)
    } else {
    }
    %ge3A_93 = arith.constant 16 : i32
    %ge3A_94 = arith.cmpi sge, %add3A, %ge3A_93 : i32
    %convert_element_type3A_95 = arith.extui %ge3A_94 : i1 to i32
    %cond3A_96 = arith.constant 0 : i32
    %cond3A_97 = arith.cmpi ne, %convert_element_type3A_95, %cond3A_96 : i32
    scf.if %cond3A_97 {
      %sub3A = arith.constant 4096 : i32
      %sub3A_251 = arith.subi %add3A_87, %sub3A : i32
      %dma_wait3A_252 = arith.constant 0 : i32
      %dma_wait3A_253 = tpu.memref_slice %arg5[%sub3A_251, %dma_wait3A_252] : memref<4096x1024xf32, #tpu.memory_space<hbm>> -> memref<32x1024xf32, #tpu.memory_space<hbm>>
      %dma_wait3A_254 = arith.constant 0 : i32
      %dma_wait3A_255 = tpu.memref_slice %arg5[%sub3A_251, %dma_wait3A_254] : memref<4096x1024xf32, #tpu.memory_space<hbm>> -> memref<32x1024xf32, #tpu.memory_space<hbm>>
      tpu.wait_dma2 semaphore(%arg12 : memref<!tpu.dma_semaphore, #tpu.memory_space<semaphore_mem>>) src(%arg8 : memref<32x1024xf32, #tpu.memory_space<vmem>>) dst(%dma_wait3A_255 : memref<32x1024xf32, #tpu.memory_space<hbm>>)
    } else {
    }
    %dma_start3A_98 = arith.constant 0 : i32
    %dma_start3A_99 = arith.constant 0 : i32
    %dma_start3A_100 = tpu.memref_slice %arg2[%dma_start3A_98, %dma_start3A_99] : memref<12288x1024xf32, #tpu.memory_space<hbm>> -> memref<12288x1024xf32, #tpu.memory_space<hbm>>
    tpu.enqueue_indirect_dma source(%dma_start3A_100 : memref<12288x1024xf32, #tpu.memory_space<hbm>>) target(%arg8 : memref<32x1024xf32, #tpu.memory_space<vmem>>) offsets(%arg6 : memref<32xi32, #tpu.memory_space<vmem>>) semaphore(%arg10 : memref<!tpu.dma_semaphore, #tpu.memory_space<semaphore_mem>>)
    %dma_wait3A_101 = arith.constant 0 : i32
    %dma_wait3A_102 = arith.constant 0 : i32
    %dma_wait3A_103 = tpu.memref_slice %arg2[%dma_wait3A_101, %dma_wait3A_102] : memref<12288x1024xf32, #tpu.memory_space<hbm>> -> memref<12288x1024xf32, #tpu.memory_space<hbm>>
    tpu.wait_indirect_dma semaphore(%arg11 : memref<!tpu.dma_semaphore, #tpu.memory_space<semaphore_mem>>) src(%dma_wait3A_103 : memref<12288x1024xf32, #tpu.memory_space<hbm>>) dst(%arg9 : memref<32x1024xf32, #tpu.memory_space<vmem>>)
    %add3A_104 = arith.constant 96 : i32
    %add3A_105 = arith.addi %mul3A_2, %add3A_104 : i32
    %lt3A_106 = arith.constant 16 : i32
    %lt3A_107 = arith.cmpi slt, %add3A, %lt3A_106 : i32
    %convert_element_type3A_108 = arith.extui %lt3A_107 : i1 to i32
    %cond3A_109 = arith.constant 0 : i32
    %cond3A_110 = arith.cmpi ne, %convert_element_type3A_108, %cond3A_109 : i32
    scf.if %cond3A_110 {
      %dma_start3A_251 = arith.constant 0 : i32
      %dma_start3A_252 = tpu.memref_slice %arg4[%add3A_105, %dma_start3A_251] : memref<4096x1024xf32, #tpu.memory_space<hbm>> -> memref<32x1024xf32, #tpu.memory_space<hbm>>
      %dma_start3A_253 = arith.constant 0 : i32
      %dma_start3A_254 = tpu.memref_slice %arg4[%add3A_105, %dma_start3A_253] : memref<4096x1024xf32, #tpu.memory_space<hbm>> -> memref<32x1024xf32, #tpu.memory_space<hbm>>
      tpu.enqueue_dma source(%arg9 : memref<32x1024xf32, #tpu.memory_space<vmem>>) target(%dma_start3A_254 : memref<32x1024xf32, #tpu.memory_space<hbm>>) target_semaphore(%arg13 : memref<!tpu.dma_semaphore, #tpu.memory_space<semaphore_mem>>)
    } else {
    }
    %ge3A_111 = arith.constant 16 : i32
    %ge3A_112 = arith.cmpi sge, %add3A, %ge3A_111 : i32
    %convert_element_type3A_113 = arith.extui %ge3A_112 : i1 to i32
    %cond3A_114 = arith.constant 0 : i32
    %cond3A_115 = arith.cmpi ne, %convert_element_type3A_113, %cond3A_114 : i32
    scf.if %cond3A_115 {
      %sub3A = arith.constant 4096 : i32
      %sub3A_251 = arith.subi %add3A_105, %sub3A : i32
      %dma_start3A_252 = arith.constant 0 : i32
      %dma_start3A_253 = tpu.memref_slice %arg5[%sub3A_251, %dma_start3A_252] : memref<4096x1024xf32, #tpu.memory_space<hbm>> -> memref<32x1024xf32, #tpu.memory_space<hbm>>
      %dma_start3A_254 = arith.constant 0 : i32
      %dma_start3A_255 = tpu.memref_slice %arg5[%sub3A_251, %dma_start3A_254] : memref<4096x1024xf32, #tpu.memory_space<hbm>> -> memref<32x1024xf32, #tpu.memory_space<hbm>>
      tpu.enqueue_dma source(%arg9 : memref<32x1024xf32, #tpu.memory_space<vmem>>) target(%dma_start3A_255 : memref<32x1024xf32, #tpu.memory_space<hbm>>) target_semaphore(%arg13 : memref<!tpu.dma_semaphore, #tpu.memory_space<semaphore_mem>>)
    } else {
    }
    %add3A_116 = arith.constant 160 : i32
    %add3A_117 = arith.addi %mul3A_2, %add3A_116 : i32
    "tpu.region"() ({
      %run_scoped3A = tpu.sem_alloc : memref<!tpu.dma_semaphore, #tpu.memory_space<semaphore_mem>>
      %dma_start3A_251 = tpu.memref_slice %arg3[%add3A_117] : memref<8192xi32, #tpu.memory_space<hbm>> -> memref<32xi32, #tpu.memory_space<hbm>>
      %dma_start3A_252 = tpu.memref_slice %arg3[%add3A_117] : memref<8192xi32, #tpu.memory_space<hbm>> -> memref<32xi32, #tpu.memory_space<hbm>>
      tpu.enqueue_dma source(%dma_start3A_252 : memref<32xi32, #tpu.memory_space<hbm>>) target(%arg7 : memref<32xi32, #tpu.memory_space<vmem>>) target_semaphore(%run_scoped3A : memref<!tpu.dma_semaphore, #tpu.memory_space<semaphore_mem>>)
      %dma_wait3A_253 = tpu.memref_slice %arg3[%add3A_117] : memref<8192xi32, #tpu.memory_space<hbm>> -> memref<32xi32, #tpu.memory_space<hbm>>
      %dma_wait3A_254 = tpu.memref_slice %arg3[%add3A_117] : memref<8192xi32, #tpu.memory_space<hbm>> -> memref<32xi32, #tpu.memory_space<hbm>>
      tpu.wait_dma2 semaphore(%run_scoped3A : memref<!tpu.dma_semaphore, #tpu.memory_space<semaphore_mem>>) src(%dma_wait3A_254 : memref<32xi32, #tpu.memory_space<hbm>>) dst(%arg7 : memref<32xi32, #tpu.memory_space<vmem>>)
      tpu.yield
    }) : () -> ()
    %add3A_118 = arith.constant 96 : i32
    %add3A_119 = arith.addi %mul3A_2, %add3A_118 : i32
    %lt3A_120 = arith.constant 16 : i32
    %lt3A_121 = arith.cmpi slt, %add3A, %lt3A_120 : i32
    %convert_element_type3A_122 = arith.extui %lt3A_121 : i1 to i32
    %cond3A_123 = arith.constant 0 : i32
    %cond3A_124 = arith.cmpi ne, %convert_element_type3A_122, %cond3A_123 : i32
    scf.if %cond3A_124 {
      %dma_wait3A_251 = arith.constant 0 : i32
      %dma_wait3A_252 = tpu.memref_slice %arg4[%add3A_119, %dma_wait3A_251] : memref<4096x1024xf32, #tpu.memory_space<hbm>> -> memref<32x1024xf32, #tpu.memory_space<hbm>>
      %dma_wait3A_253 = arith.constant 0 : i32
      %dma_wait3A_254 = tpu.memref_slice %arg4[%add3A_119, %dma_wait3A_253] : memref<4096x1024xf32, #tpu.memory_space<hbm>> -> memref<32x1024xf32, #tpu.memory_space<hbm>>
      tpu.wait_dma2 semaphore(%arg13 : memref<!tpu.dma_semaphore, #tpu.memory_space<semaphore_mem>>) src(%arg9 : memref<32x1024xf32, #tpu.memory_space<vmem>>) dst(%dma_wait3A_254 : memref<32x1024xf32, #tpu.memory_space<hbm>>)
    } else {
    }
    %ge3A_125 = arith.constant 16 : i32
    %ge3A_126 = arith.cmpi sge, %add3A, %ge3A_125 : i32
    %convert_element_type3A_127 = arith.extui %ge3A_126 : i1 to i32
    %cond3A_128 = arith.constant 0 : i32
    %cond3A_129 = arith.cmpi ne, %convert_element_type3A_127, %cond3A_128 : i32
    scf.if %cond3A_129 {
      %sub3A = arith.constant 4096 : i32
      %sub3A_251 = arith.subi %add3A_119, %sub3A : i32
      %dma_wait3A_252 = arith.constant 0 : i32
      %dma_wait3A_253 = tpu.memref_slice %arg5[%sub3A_251, %dma_wait3A_252] : memref<4096x1024xf32, #tpu.memory_space<hbm>> -> memref<32x1024xf32, #tpu.memory_space<hbm>>
      %dma_wait3A_254 = arith.constant 0 : i32
      %dma_wait3A_255 = tpu.memref_slice %arg5[%sub3A_251, %dma_wait3A_254] : memref<4096x1024xf32, #tpu.memory_space<hbm>> -> memref<32x1024xf32, #tpu.memory_space<hbm>>
      tpu.wait_dma2 semaphore(%arg13 : memref<!tpu.dma_semaphore, #tpu.memory_space<semaphore_mem>>) src(%arg9 : memref<32x1024xf32, #tpu.memory_space<vmem>>) dst(%dma_wait3A_255 : memref<32x1024xf32, #tpu.memory_space<hbm>>)
    } else {
    }
    %dma_start3A_130 = arith.constant 0 : i32
    %dma_start3A_131 = arith.constant 0 : i32
    %dma_start3A_132 = tpu.memref_slice %arg2[%dma_start3A_130, %dma_start3A_131] : memref<12288x1024xf32, #tpu.memory_space<hbm>> -> memref<12288x1024xf32, #tpu.memory_space<hbm>>
    tpu.enqueue_indirect_dma source(%dma_start3A_132 : memref<12288x1024xf32, #tpu.memory_space<hbm>>) target(%arg9 : memref<32x1024xf32, #tpu.memory_space<vmem>>) offsets(%arg7 : memref<32xi32, #tpu.memory_space<vmem>>) semaphore(%arg11 : memref<!tpu.dma_semaphore, #tpu.memory_space<semaphore_mem>>)
    %dma_wait3A_133 = arith.constant 0 : i32
    %dma_wait3A_134 = arith.constant 0 : i32
    %dma_wait3A_135 = tpu.memref_slice %arg2[%dma_wait3A_133, %dma_wait3A_134] : memref<12288x1024xf32, #tpu.memory_space<hbm>> -> memref<12288x1024xf32, #tpu.memory_space<hbm>>
    tpu.wait_indirect_dma semaphore(%arg10 : memref<!tpu.dma_semaphore, #tpu.memory_space<semaphore_mem>>) src(%dma_wait3A_135 : memref<12288x1024xf32, #tpu.memory_space<hbm>>) dst(%arg8 : memref<32x1024xf32, #tpu.memory_space<vmem>>)
    %add3A_136 = arith.constant 128 : i32
    %add3A_137 = arith.addi %mul3A_2, %add3A_136 : i32
    %lt3A_138 = arith.constant 16 : i32
    %lt3A_139 = arith.cmpi slt, %add3A, %lt3A_138 : i32
    %convert_element_type3A_140 = arith.extui %lt3A_139 : i1 to i32
    %cond3A_141 = arith.constant 0 : i32
    %cond3A_142 = arith.cmpi ne, %convert_element_type3A_140, %cond3A_141 : i32
    scf.if %cond3A_142 {
      %dma_start3A_251 = arith.constant 0 : i32
      %dma_start3A_252 = tpu.memref_slice %arg4[%add3A_137, %dma_start3A_251] : memref<4096x1024xf32, #tpu.memory_space<hbm>> -> memref<32x1024xf32, #tpu.memory_space<hbm>>
      %dma_start3A_253 = arith.constant 0 : i32
      %dma_start3A_254 = tpu.memref_slice %arg4[%add3A_137, %dma_start3A_253] : memref<4096x1024xf32, #tpu.memory_space<hbm>> -> memref<32x1024xf32, #tpu.memory_space<hbm>>
      tpu.enqueue_dma source(%arg8 : memref<32x1024xf32, #tpu.memory_space<vmem>>) target(%dma_start3A_254 : memref<32x1024xf32, #tpu.memory_space<hbm>>) target_semaphore(%arg12 : memref<!tpu.dma_semaphore, #tpu.memory_space<semaphore_mem>>)
    } else {
    }
    %ge3A_143 = arith.constant 16 : i32
    %ge3A_144 = arith.cmpi sge, %add3A, %ge3A_143 : i32
    %convert_element_type3A_145 = arith.extui %ge3A_144 : i1 to i32
    %cond3A_146 = arith.constant 0 : i32
    %cond3A_147 = arith.cmpi ne, %convert_element_type3A_145, %cond3A_146 : i32
    scf.if %cond3A_147 {
      %sub3A = arith.constant 4096 : i32
      %sub3A_251 = arith.subi %add3A_137, %sub3A : i32
      %dma_start3A_252 = arith.constant 0 : i32
      %dma_start3A_253 = tpu.memref_slice %arg5[%sub3A_251, %dma_start3A_252] : memref<4096x1024xf32, #tpu.memory_space<hbm>> -> memref<32x1024xf32, #tpu.memory_space<hbm>>
      %dma_start3A_254 = arith.constant 0 : i32
      %dma_start3A_255 = tpu.memref_slice %arg5[%sub3A_251, %dma_start3A_254] : memref<4096x1024xf32, #tpu.memory_space<hbm>> -> memref<32x1024xf32, #tpu.memory_space<hbm>>
      tpu.enqueue_dma source(%arg8 : memref<32x1024xf32, #tpu.memory_space<vmem>>) target(%dma_start3A_255 : memref<32x1024xf32, #tpu.memory_space<hbm>>) target_semaphore(%arg12 : memref<!tpu.dma_semaphore, #tpu.memory_space<semaphore_mem>>)
    } else {
    }
    %add3A_148 = arith.constant 192 : i32
    %add3A_149 = arith.addi %mul3A_2, %add3A_148 : i32
    "tpu.region"() ({
      %run_scoped3A = tpu.sem_alloc : memref<!tpu.dma_semaphore, #tpu.memory_space<semaphore_mem>>
      %dma_start3A_251 = tpu.memref_slice %arg3[%add3A_149] : memref<8192xi32, #tpu.memory_space<hbm>> -> memref<32xi32, #tpu.memory_space<hbm>>
      %dma_start3A_252 = tpu.memref_slice %arg3[%add3A_149] : memref<8192xi32, #tpu.memory_space<hbm>> -> memref<32xi32, #tpu.memory_space<hbm>>
      tpu.enqueue_dma source(%dma_start3A_252 : memref<32xi32, #tpu.memory_space<hbm>>) target(%arg6 : memref<32xi32, #tpu.memory_space<vmem>>) target_semaphore(%run_scoped3A : memref<!tpu.dma_semaphore, #tpu.memory_space<semaphore_mem>>)
      %dma_wait3A_253 = tpu.memref_slice %arg3[%add3A_149] : memref<8192xi32, #tpu.memory_space<hbm>> -> memref<32xi32, #tpu.memory_space<hbm>>
      %dma_wait3A_254 = tpu.memref_slice %arg3[%add3A_149] : memref<8192xi32, #tpu.memory_space<hbm>> -> memref<32xi32, #tpu.memory_space<hbm>>
      tpu.wait_dma2 semaphore(%run_scoped3A : memref<!tpu.dma_semaphore, #tpu.memory_space<semaphore_mem>>) src(%dma_wait3A_254 : memref<32xi32, #tpu.memory_space<hbm>>) dst(%arg6 : memref<32xi32, #tpu.memory_space<vmem>>)
      tpu.yield
    }) : () -> ()
    %add3A_150 = arith.constant 128 : i32
    %add3A_151 = arith.addi %mul3A_2, %add3A_150 : i32
    %lt3A_152 = arith.constant 16 : i32
    %lt3A_153 = arith.cmpi slt, %add3A, %lt3A_152 : i32
    %convert_element_type3A_154 = arith.extui %lt3A_153 : i1 to i32
    %cond3A_155 = arith.constant 0 : i32
    %cond3A_156 = arith.cmpi ne, %convert_element_type3A_154, %cond3A_155 : i32
    scf.if %cond3A_156 {
      %dma_wait3A_251 = arith.constant 0 : i32
      %dma_wait3A_252 = tpu.memref_slice %arg4[%add3A_151, %dma_wait3A_251] : memref<4096x1024xf32, #tpu.memory_space<hbm>> -> memref<32x1024xf32, #tpu.memory_space<hbm>>
      %dma_wait3A_253 = arith.constant 0 : i32
      %dma_wait3A_254 = tpu.memref_slice %arg4[%add3A_151, %dma_wait3A_253] : memref<4096x1024xf32, #tpu.memory_space<hbm>> -> memref<32x1024xf32, #tpu.memory_space<hbm>>
      tpu.wait_dma2 semaphore(%arg12 : memref<!tpu.dma_semaphore, #tpu.memory_space<semaphore_mem>>) src(%arg8 : memref<32x1024xf32, #tpu.memory_space<vmem>>) dst(%dma_wait3A_254 : memref<32x1024xf32, #tpu.memory_space<hbm>>)
    } else {
    }
    %ge3A_157 = arith.constant 16 : i32
    %ge3A_158 = arith.cmpi sge, %add3A, %ge3A_157 : i32
    %convert_element_type3A_159 = arith.extui %ge3A_158 : i1 to i32
    %cond3A_160 = arith.constant 0 : i32
    %cond3A_161 = arith.cmpi ne, %convert_element_type3A_159, %cond3A_160 : i32
    scf.if %cond3A_161 {
      %sub3A = arith.constant 4096 : i32
      %sub3A_251 = arith.subi %add3A_151, %sub3A : i32
      %dma_wait3A_252 = arith.constant 0 : i32
      %dma_wait3A_253 = tpu.memref_slice %arg5[%sub3A_251, %dma_wait3A_252] : memref<4096x1024xf32, #tpu.memory_space<hbm>> -> memref<32x1024xf32, #tpu.memory_space<hbm>>
      %dma_wait3A_254 = arith.constant 0 : i32
      %dma_wait3A_255 = tpu.memref_slice %arg5[%sub3A_251, %dma_wait3A_254] : memref<4096x1024xf32, #tpu.memory_space<hbm>> -> memref<32x1024xf32, #tpu.memory_space<hbm>>
      tpu.wait_dma2 semaphore(%arg12 : memref<!tpu.dma_semaphore, #tpu.memory_space<semaphore_mem>>) src(%arg8 : memref<32x1024xf32, #tpu.memory_space<vmem>>) dst(%dma_wait3A_255 : memref<32x1024xf32, #tpu.memory_space<hbm>>)
    } else {
    }
    %dma_start3A_162 = arith.constant 0 : i32
    %dma_start3A_163 = arith.constant 0 : i32
    %dma_start3A_164 = tpu.memref_slice %arg2[%dma_start3A_162, %dma_start3A_163] : memref<12288x1024xf32, #tpu.memory_space<hbm>> -> memref<12288x1024xf32, #tpu.memory_space<hbm>>
    tpu.enqueue_indirect_dma source(%dma_start3A_164 : memref<12288x1024xf32, #tpu.memory_space<hbm>>) target(%arg8 : memref<32x1024xf32, #tpu.memory_space<vmem>>) offsets(%arg6 : memref<32xi32, #tpu.memory_space<vmem>>) semaphore(%arg10 : memref<!tpu.dma_semaphore, #tpu.memory_space<semaphore_mem>>)
    %dma_wait3A_165 = arith.constant 0 : i32
    %dma_wait3A_166 = arith.constant 0 : i32
    %dma_wait3A_167 = tpu.memref_slice %arg2[%dma_wait3A_165, %dma_wait3A_166] : memref<12288x1024xf32, #tpu.memory_space<hbm>> -> memref<12288x1024xf32, #tpu.memory_space<hbm>>
    tpu.wait_indirect_dma semaphore(%arg11 : memref<!tpu.dma_semaphore, #tpu.memory_space<semaphore_mem>>) src(%dma_wait3A_167 : memref<12288x1024xf32, #tpu.memory_space<hbm>>) dst(%arg9 : memref<32x1024xf32, #tpu.memory_space<vmem>>)
    %add3A_168 = arith.constant 160 : i32
    %add3A_169 = arith.addi %mul3A_2, %add3A_168 : i32
    %lt3A_170 = arith.constant 16 : i32
    %lt3A_171 = arith.cmpi slt, %add3A, %lt3A_170 : i32
    %convert_element_type3A_172 = arith.extui %lt3A_171 : i1 to i32
    %cond3A_173 = arith.constant 0 : i32
    %cond3A_174 = arith.cmpi ne, %convert_element_type3A_172, %cond3A_173 : i32
    scf.if %cond3A_174 {
      %dma_start3A_251 = arith.constant 0 : i32
      %dma_start3A_252 = tpu.memref_slice %arg4[%add3A_169, %dma_start3A_251] : memref<4096x1024xf32, #tpu.memory_space<hbm>> -> memref<32x1024xf32, #tpu.memory_space<hbm>>
      %dma_start3A_253 = arith.constant 0 : i32
      %dma_start3A_254 = tpu.memref_slice %arg4[%add3A_169, %dma_start3A_253] : memref<4096x1024xf32, #tpu.memory_space<hbm>> -> memref<32x1024xf32, #tpu.memory_space<hbm>>
      tpu.enqueue_dma source(%arg9 : memref<32x1024xf32, #tpu.memory_space<vmem>>) target(%dma_start3A_254 : memref<32x1024xf32, #tpu.memory_space<hbm>>) target_semaphore(%arg13 : memref<!tpu.dma_semaphore, #tpu.memory_space<semaphore_mem>>)
    } else {
    }
    %ge3A_175 = arith.constant 16 : i32
    %ge3A_176 = arith.cmpi sge, %add3A, %ge3A_175 : i32
    %convert_element_type3A_177 = arith.extui %ge3A_176 : i1 to i32
    %cond3A_178 = arith.constant 0 : i32
    %cond3A_179 = arith.cmpi ne, %convert_element_type3A_177, %cond3A_178 : i32
    scf.if %cond3A_179 {
      %sub3A = arith.constant 4096 : i32
      %sub3A_251 = arith.subi %add3A_169, %sub3A : i32
      %dma_start3A_252 = arith.constant 0 : i32
      %dma_start3A_253 = tpu.memref_slice %arg5[%sub3A_251, %dma_start3A_252] : memref<4096x1024xf32, #tpu.memory_space<hbm>> -> memref<32x1024xf32, #tpu.memory_space<hbm>>
      %dma_start3A_254 = arith.constant 0 : i32
      %dma_start3A_255 = tpu.memref_slice %arg5[%sub3A_251, %dma_start3A_254] : memref<4096x1024xf32, #tpu.memory_space<hbm>> -> memref<32x1024xf32, #tpu.memory_space<hbm>>
      tpu.enqueue_dma source(%arg9 : memref<32x1024xf32, #tpu.memory_space<vmem>>) target(%dma_start3A_255 : memref<32x1024xf32, #tpu.memory_space<hbm>>) target_semaphore(%arg13 : memref<!tpu.dma_semaphore, #tpu.memory_space<semaphore_mem>>)
    } else {
    }
    %add3A_180 = arith.constant 224 : i32
    %add3A_181 = arith.addi %mul3A_2, %add3A_180 : i32
    "tpu.region"() ({
      %run_scoped3A = tpu.sem_alloc : memref<!tpu.dma_semaphore, #tpu.memory_space<semaphore_mem>>
      %dma_start3A_251 = tpu.memref_slice %arg3[%add3A_181] : memref<8192xi32, #tpu.memory_space<hbm>> -> memref<32xi32, #tpu.memory_space<hbm>>
      %dma_start3A_252 = tpu.memref_slice %arg3[%add3A_181] : memref<8192xi32, #tpu.memory_space<hbm>> -> memref<32xi32, #tpu.memory_space<hbm>>
      tpu.enqueue_dma source(%dma_start3A_252 : memref<32xi32, #tpu.memory_space<hbm>>) target(%arg7 : memref<32xi32, #tpu.memory_space<vmem>>) target_semaphore(%run_scoped3A : memref<!tpu.dma_semaphore, #tpu.memory_space<semaphore_mem>>)
      %dma_wait3A_253 = tpu.memref_slice %arg3[%add3A_181] : memref<8192xi32, #tpu.memory_space<hbm>> -> memref<32xi32, #tpu.memory_space<hbm>>
      %dma_wait3A_254 = tpu.memref_slice %arg3[%add3A_181] : memref<8192xi32, #tpu.memory_space<hbm>> -> memref<32xi32, #tpu.memory_space<hbm>>
      tpu.wait_dma2 semaphore(%run_scoped3A : memref<!tpu.dma_semaphore, #tpu.memory_space<semaphore_mem>>) src(%dma_wait3A_254 : memref<32xi32, #tpu.memory_space<hbm>>) dst(%arg7 : memref<32xi32, #tpu.memory_space<vmem>>)
      tpu.yield
    }) : () -> ()
    %add3A_182 = arith.constant 160 : i32
    %add3A_183 = arith.addi %mul3A_2, %add3A_182 : i32
    %lt3A_184 = arith.constant 16 : i32
    %lt3A_185 = arith.cmpi slt, %add3A, %lt3A_184 : i32
    %convert_element_type3A_186 = arith.extui %lt3A_185 : i1 to i32
    %cond3A_187 = arith.constant 0 : i32
    %cond3A_188 = arith.cmpi ne, %convert_element_type3A_186, %cond3A_187 : i32
    scf.if %cond3A_188 {
      %dma_wait3A_251 = arith.constant 0 : i32
      %dma_wait3A_252 = tpu.memref_slice %arg4[%add3A_183, %dma_wait3A_251] : memref<4096x1024xf32, #tpu.memory_space<hbm>> -> memref<32x1024xf32, #tpu.memory_space<hbm>>
      %dma_wait3A_253 = arith.constant 0 : i32
      %dma_wait3A_254 = tpu.memref_slice %arg4[%add3A_183, %dma_wait3A_253] : memref<4096x1024xf32, #tpu.memory_space<hbm>> -> memref<32x1024xf32, #tpu.memory_space<hbm>>
      tpu.wait_dma2 semaphore(%arg13 : memref<!tpu.dma_semaphore, #tpu.memory_space<semaphore_mem>>) src(%arg9 : memref<32x1024xf32, #tpu.memory_space<vmem>>) dst(%dma_wait3A_254 : memref<32x1024xf32, #tpu.memory_space<hbm>>)
    } else {
    }
    %ge3A_189 = arith.constant 16 : i32
    %ge3A_190 = arith.cmpi sge, %add3A, %ge3A_189 : i32
    %convert_element_type3A_191 = arith.extui %ge3A_190 : i1 to i32
    %cond3A_192 = arith.constant 0 : i32
    %cond3A_193 = arith.cmpi ne, %convert_element_type3A_191, %cond3A_192 : i32
    scf.if %cond3A_193 {
      %sub3A = arith.constant 4096 : i32
      %sub3A_251 = arith.subi %add3A_183, %sub3A : i32
      %dma_wait3A_252 = arith.constant 0 : i32
      %dma_wait3A_253 = tpu.memref_slice %arg5[%sub3A_251, %dma_wait3A_252] : memref<4096x1024xf32, #tpu.memory_space<hbm>> -> memref<32x1024xf32, #tpu.memory_space<hbm>>
      %dma_wait3A_254 = arith.constant 0 : i32
      %dma_wait3A_255 = tpu.memref_slice %arg5[%sub3A_251, %dma_wait3A_254] : memref<4096x1024xf32, #tpu.memory_space<hbm>> -> memref<32x1024xf32, #tpu.memory_space<hbm>>
      tpu.wait_dma2 semaphore(%arg13 : memref<!tpu.dma_semaphore, #tpu.memory_space<semaphore_mem>>) src(%arg9 : memref<32x1024xf32, #tpu.memory_space<vmem>>) dst(%dma_wait3A_255 : memref<32x1024xf32, #tpu.memory_space<hbm>>)
    } else {
    }
    %dma_start3A_194 = arith.constant 0 : i32
    %dma_start3A_195 = arith.constant 0 : i32
    %dma_start3A_196 = tpu.memref_slice %arg2[%dma_start3A_194, %dma_start3A_195] : memref<12288x1024xf32, #tpu.memory_space<hbm>> -> memref<12288x1024xf32, #tpu.memory_space<hbm>>
    tpu.enqueue_indirect_dma source(%dma_start3A_196 : memref<12288x1024xf32, #tpu.memory_space<hbm>>) target(%arg9 : memref<32x1024xf32, #tpu.memory_space<vmem>>) offsets(%arg7 : memref<32xi32, #tpu.memory_space<vmem>>) semaphore(%arg11 : memref<!tpu.dma_semaphore, #tpu.memory_space<semaphore_mem>>)
    %dma_wait3A_197 = arith.constant 0 : i32
    %dma_wait3A_198 = arith.constant 0 : i32
    %dma_wait3A_199 = tpu.memref_slice %arg2[%dma_wait3A_197, %dma_wait3A_198] : memref<12288x1024xf32, #tpu.memory_space<hbm>> -> memref<12288x1024xf32, #tpu.memory_space<hbm>>
    tpu.wait_indirect_dma semaphore(%arg10 : memref<!tpu.dma_semaphore, #tpu.memory_space<semaphore_mem>>) src(%dma_wait3A_199 : memref<12288x1024xf32, #tpu.memory_space<hbm>>) dst(%arg8 : memref<32x1024xf32, #tpu.memory_space<vmem>>)
    %add3A_200 = arith.constant 192 : i32
    %add3A_201 = arith.addi %mul3A_2, %add3A_200 : i32
    %lt3A_202 = arith.constant 16 : i32
    %lt3A_203 = arith.cmpi slt, %add3A, %lt3A_202 : i32
    %convert_element_type3A_204 = arith.extui %lt3A_203 : i1 to i32
    %cond3A_205 = arith.constant 0 : i32
    %cond3A_206 = arith.cmpi ne, %convert_element_type3A_204, %cond3A_205 : i32
    scf.if %cond3A_206 {
      %dma_start3A_251 = arith.constant 0 : i32
      %dma_start3A_252 = tpu.memref_slice %arg4[%add3A_201, %dma_start3A_251] : memref<4096x1024xf32, #tpu.memory_space<hbm>> -> memref<32x1024xf32, #tpu.memory_space<hbm>>
      %dma_start3A_253 = arith.constant 0 : i32
      %dma_start3A_254 = tpu.memref_slice %arg4[%add3A_201, %dma_start3A_253] : memref<4096x1024xf32, #tpu.memory_space<hbm>> -> memref<32x1024xf32, #tpu.memory_space<hbm>>
      tpu.enqueue_dma source(%arg8 : memref<32x1024xf32, #tpu.memory_space<vmem>>) target(%dma_start3A_254 : memref<32x1024xf32, #tpu.memory_space<hbm>>) target_semaphore(%arg12 : memref<!tpu.dma_semaphore, #tpu.memory_space<semaphore_mem>>)
    } else {
    }
    %ge3A_207 = arith.constant 16 : i32
    %ge3A_208 = arith.cmpi sge, %add3A, %ge3A_207 : i32
    %convert_element_type3A_209 = arith.extui %ge3A_208 : i1 to i32
    %cond3A_210 = arith.constant 0 : i32
    %cond3A_211 = arith.cmpi ne, %convert_element_type3A_209, %cond3A_210 : i32
    scf.if %cond3A_211 {
      %sub3A = arith.constant 4096 : i32
      %sub3A_251 = arith.subi %add3A_201, %sub3A : i32
      %dma_start3A_252 = arith.constant 0 : i32
      %dma_start3A_253 = tpu.memref_slice %arg5[%sub3A_251, %dma_start3A_252] : memref<4096x1024xf32, #tpu.memory_space<hbm>> -> memref<32x1024xf32, #tpu.memory_space<hbm>>
      %dma_start3A_254 = arith.constant 0 : i32
      %dma_start3A_255 = tpu.memref_slice %arg5[%sub3A_251, %dma_start3A_254] : memref<4096x1024xf32, #tpu.memory_space<hbm>> -> memref<32x1024xf32, #tpu.memory_space<hbm>>
      tpu.enqueue_dma source(%arg8 : memref<32x1024xf32, #tpu.memory_space<vmem>>) target(%dma_start3A_255 : memref<32x1024xf32, #tpu.memory_space<hbm>>) target_semaphore(%arg12 : memref<!tpu.dma_semaphore, #tpu.memory_space<semaphore_mem>>)
    } else {
    }
    %dma_wait3A_212 = arith.constant 0 : i32
    %dma_wait3A_213 = arith.constant 0 : i32
    %dma_wait3A_214 = tpu.memref_slice %arg2[%dma_wait3A_212, %dma_wait3A_213] : memref<12288x1024xf32, #tpu.memory_space<hbm>> -> memref<12288x1024xf32, #tpu.memory_space<hbm>>
    tpu.wait_indirect_dma semaphore(%arg11 : memref<!tpu.dma_semaphore, #tpu.memory_space<semaphore_mem>>) src(%dma_wait3A_214 : memref<12288x1024xf32, #tpu.memory_space<hbm>>) dst(%arg9 : memref<32x1024xf32, #tpu.memory_space<vmem>>)
    %add3A_215 = arith.constant 224 : i32
    %add3A_216 = arith.addi %mul3A_2, %add3A_215 : i32
    %lt3A_217 = arith.constant 16 : i32
    %lt3A_218 = arith.cmpi slt, %add3A, %lt3A_217 : i32
    %convert_element_type3A_219 = arith.extui %lt3A_218 : i1 to i32
    %cond3A_220 = arith.constant 0 : i32
    %cond3A_221 = arith.cmpi ne, %convert_element_type3A_219, %cond3A_220 : i32
    scf.if %cond3A_221 {
      %dma_start3A_251 = arith.constant 0 : i32
      %dma_start3A_252 = tpu.memref_slice %arg4[%add3A_216, %dma_start3A_251] : memref<4096x1024xf32, #tpu.memory_space<hbm>> -> memref<32x1024xf32, #tpu.memory_space<hbm>>
      %dma_start3A_253 = arith.constant 0 : i32
      %dma_start3A_254 = tpu.memref_slice %arg4[%add3A_216, %dma_start3A_253] : memref<4096x1024xf32, #tpu.memory_space<hbm>> -> memref<32x1024xf32, #tpu.memory_space<hbm>>
      tpu.enqueue_dma source(%arg9 : memref<32x1024xf32, #tpu.memory_space<vmem>>) target(%dma_start3A_254 : memref<32x1024xf32, #tpu.memory_space<hbm>>) target_semaphore(%arg13 : memref<!tpu.dma_semaphore, #tpu.memory_space<semaphore_mem>>)
    } else {
    }
    %ge3A_222 = arith.constant 16 : i32
    %ge3A_223 = arith.cmpi sge, %add3A, %ge3A_222 : i32
    %convert_element_type3A_224 = arith.extui %ge3A_223 : i1 to i32
    %cond3A_225 = arith.constant 0 : i32
    %cond3A_226 = arith.cmpi ne, %convert_element_type3A_224, %cond3A_225 : i32
    scf.if %cond3A_226 {
      %sub3A = arith.constant 4096 : i32
      %sub3A_251 = arith.subi %add3A_216, %sub3A : i32
      %dma_start3A_252 = arith.constant 0 : i32
      %dma_start3A_253 = tpu.memref_slice %arg5[%sub3A_251, %dma_start3A_252] : memref<4096x1024xf32, #tpu.memory_space<hbm>> -> memref<32x1024xf32, #tpu.memory_space<hbm>>
      %dma_start3A_254 = arith.constant 0 : i32
      %dma_start3A_255 = tpu.memref_slice %arg5[%sub3A_251, %dma_start3A_254] : memref<4096x1024xf32, #tpu.memory_space<hbm>> -> memref<32x1024xf32, #tpu.memory_space<hbm>>
      tpu.enqueue_dma source(%arg9 : memref<32x1024xf32, #tpu.memory_space<vmem>>) target(%dma_start3A_255 : memref<32x1024xf32, #tpu.memory_space<hbm>>) target_semaphore(%arg13 : memref<!tpu.dma_semaphore, #tpu.memory_space<semaphore_mem>>)
    } else {
    }
    %add3A_227 = arith.constant 192 : i32
    %add3A_228 = arith.addi %mul3A_2, %add3A_227 : i32
    %lt3A_229 = arith.constant 16 : i32
    %lt3A_230 = arith.cmpi slt, %add3A, %lt3A_229 : i32
    %convert_element_type3A_231 = arith.extui %lt3A_230 : i1 to i32
    %cond3A_232 = arith.constant 0 : i32
    %cond3A_233 = arith.cmpi ne, %convert_element_type3A_231, %cond3A_232 : i32
    scf.if %cond3A_233 {
      %dma_wait3A_251 = arith.constant 0 : i32
      %dma_wait3A_252 = tpu.memref_slice %arg4[%add3A_228, %dma_wait3A_251] : memref<4096x1024xf32, #tpu.memory_space<hbm>> -> memref<32x1024xf32, #tpu.memory_space<hbm>>
      %dma_wait3A_253 = arith.constant 0 : i32
      %dma_wait3A_254 = tpu.memref_slice %arg4[%add3A_228, %dma_wait3A_253] : memref<4096x1024xf32, #tpu.memory_space<hbm>> -> memref<32x1024xf32, #tpu.memory_space<hbm>>
      tpu.wait_dma2 semaphore(%arg12 : memref<!tpu.dma_semaphore, #tpu.memory_space<semaphore_mem>>) src(%arg8 : memref<32x1024xf32, #tpu.memory_space<vmem>>) dst(%dma_wait3A_254 : memref<32x1024xf32, #tpu.memory_space<hbm>>)
    } else {
    }
    %ge3A_234 = arith.constant 16 : i32
    %ge3A_235 = arith.cmpi sge, %add3A, %ge3A_234 : i32
    %convert_element_type3A_236 = arith.extui %ge3A_235 : i1 to i32
    %cond3A_237 = arith.constant 0 : i32
    %cond3A_238 = arith.cmpi ne, %convert_element_type3A_236, %cond3A_237 : i32
    scf.if %cond3A_238 {
      %sub3A = arith.constant 4096 : i32
      %sub3A_251 = arith.subi %add3A_228, %sub3A : i32
      %dma_wait3A_252 = arith.constant 0 : i32
      %dma_wait3A_253 = tpu.memref_slice %arg5[%sub3A_251, %dma_wait3A_252] : memref<4096x1024xf32, #tpu.memory_space<hbm>> -> memref<32x1024xf32, #tpu.memory_space<hbm>>
      %dma_wait3A_254 = arith.constant 0 : i32
      %dma_wait3A_255 = tpu.memref_slice %arg5[%sub3A_251, %dma_wait3A_254] : memref<4096x1024xf32, #tpu.memory_space<hbm>> -> memref<32x1024xf32, #tpu.memory_space<hbm>>
      tpu.wait_dma2 semaphore(%arg12 : memref<!tpu.dma_semaphore, #tpu.memory_space<semaphore_mem>>) src(%arg8 : memref<32x1024xf32, #tpu.memory_space<vmem>>) dst(%dma_wait3A_255 : memref<32x1024xf32, #tpu.memory_space<hbm>>)
    } else {
    }
    %add3A_239 = arith.constant 224 : i32
    %add3A_240 = arith.addi %mul3A_2, %add3A_239 : i32
    %lt3A_241 = arith.constant 16 : i32
    %lt3A_242 = arith.cmpi slt, %add3A, %lt3A_241 : i32
    %convert_element_type3A_243 = arith.extui %lt3A_242 : i1 to i32
    %cond3A_244 = arith.constant 0 : i32
    %cond3A_245 = arith.cmpi ne, %convert_element_type3A_243, %cond3A_244 : i32
    scf.if %cond3A_245 {
      %dma_wait3A_251 = arith.constant 0 : i32
      %dma_wait3A_252 = tpu.memref_slice %arg4[%add3A_240, %dma_wait3A_251] : memref<4096x1024xf32, #tpu.memory_space<hbm>> -> memref<32x1024xf32, #tpu.memory_space<hbm>>
      %dma_wait3A_253 = arith.constant 0 : i32
      %dma_wait3A_254 = tpu.memref_slice %arg4[%add3A_240, %dma_wait3A_253] : memref<4096x1024xf32, #tpu.memory_space<hbm>> -> memref<32x1024xf32, #tpu.memory_space<hbm>>
      tpu.wait_dma2 semaphore(%arg13 : memref<!tpu.dma_semaphore, #tpu.memory_space<semaphore_mem>>) src(%arg9 : memref<32x1024xf32, #tpu.memory_space<vmem>>) dst(%dma_wait3A_254 : memref<32x1024xf32, #tpu.memory_space<hbm>>)
    } else {
    }
    %ge3A_246 = arith.constant 16 : i32
    %ge3A_247 = arith.cmpi sge, %add3A, %ge3A_246 : i32
    %convert_element_type3A_248 = arith.extui %ge3A_247 : i1 to i32
    %cond3A_249 = arith.constant 0 : i32
    %cond3A_250 = arith.cmpi ne, %convert_element_type3A_248, %cond3A_249 : i32
    scf.if %cond3A_250 {
      %sub3A = arith.constant 4096 : i32
      %sub3A_251 = arith.subi %add3A_240, %sub3A : i32
      %dma_wait3A_252 = arith.constant 0 : i32
      %dma_wait3A_253 = tpu.memref_slice %arg5[%sub3A_251, %dma_wait3A_252] : memref<4096x1024xf32, #tpu.memory_space<hbm>> -> memref<32x1024xf32, #tpu.memory_space<hbm>>
      %dma_wait3A_254 = arith.constant 0 : i32
      %dma_wait3A_255 = tpu.memref_slice %arg5[%sub3A_251, %dma_wait3A_254] : memref<4096x1024xf32, #tpu.memory_space<hbm>> -> memref<32x1024xf32, #tpu.memory_space<hbm>>
      tpu.wait_dma2 semaphore(%arg13 : memref<!tpu.dma_semaphore, #tpu.memory_space<semaphore_mem>>) src(%arg9 : memref<32x1024xf32, #tpu.memory_space<vmem>>) dst(%dma_wait3A_255 : memref<32x1024xf32, #tpu.memory_space<hbm>>)
    } else {
    }
    return
  }
}

#map = affine_map<(d0, d1) -> (0, 0)>
module attributes {stable_mosaic.version = 14 : i64} {
  func.func @sc_scatter(%arg0: i32, %arg1: i32, %arg2: memref<4096x1024xf32, #tpu.memory_space<hbm>>, %arg3: memref<4096x1024xf32, #tpu.memory_space<hbm>>, %arg4: memref<1x4096xi32, #tpu.memory_space<hbm>>, %arg5: memref<1x4096xi32, #tpu.memory_space<hbm>>, %arg6: memref<12288x256xf32, #tpu.memory_space<hbm>>, %arg7: memref<12288x256xf32, #tpu.memory_space<hbm>>, %arg8: memref<12288x256xf32, #tpu.memory_space<hbm>>, %arg9: memref<12288x256xf32, #tpu.memory_space<hbm>>) attributes {dimension_semantics = [#tpu.dimension_semantics<core_parallel>, #tpu.dimension_semantics<subcore_parallel>], iteration_bounds = array<i64: 2, 16>, scalar_prefetch = 0 : i64, scratch_operands = 0 : i64, tpu.core_type = #tpu.core_type<sc_vector_subcore>, window_params = [{transform_indices = #map}, {transform_indices = #map}, {transform_indices = #map}, {transform_indices = #map}, {transform_indices = #map}, {transform_indices = #map}, {transform_indices = #map}, {transform_indices = #map}]} {
    %mul3A = arith.constant 1 : i32
    %mul3A_0 = arith.muli %arg1, %mul3A : i32
    %add3A = arith.constant 0 : i32
    %add3A_1 = arith.addi %add3A, %mul3A_0 : i32
    %mul3A_2 = arith.constant 16 : i32
    %mul3A_3 = arith.muli %arg0, %mul3A_2 : i32
    %add3A_4 = arith.addi %add3A_1, %mul3A_3 : i32
    %mul3A_5 = arith.constant 1 : i32
    %mul3A_6 = arith.muli %add3A_4, %mul3A_5 : i32
    "tpu.region"() ({
      %run_scoped3A = memref.alloca() : memref<2x128x256xf32, #tpu.memory_space<vmem>>
      %run_scoped3A_70 = tpu.sem_alloc : memref<2x!tpu.dma_semaphore, #tpu.memory_space<semaphore_mem>>
      %run_scoped3A_71 = memref.alloca() : memref<2x1x128xi32, #tpu.memory_space<vmem>>
      %run_scoped3A_72 = tpu.sem_alloc : memref<2x!tpu.dma_semaphore, #tpu.memory_space<semaphore_mem>>
      %add3A_73 = arith.constant 0 : i32
      %add3A_74 = arith.addi %add3A_73, %mul3A_6 : i32
      %select_n3A = arith.constant true
      %select_n3A_75 = arith.constant 0 : i32
      %select_n3A_76 = arith.constant -1 : i32
      %select_n3A_77 = arith.select %select_n3A, %select_n3A_76, %select_n3A_75 : i32
      %eq3A = arith.constant -1 : i32
      %eq3A_78 = arith.cmpi eq, %select_n3A_77, %eq3A : i32
      %select_n3A_79 = arith.constant 0 : i32
      %select_n3A_80 = arith.select %eq3A_78, %select_n3A_79, %select_n3A_77 : i32
      %add3A_81 = arith.constant 0 : i32
      %add3A_82 = arith.addi %add3A_81, %mul3A_6 : i32
      %select_n3A_83 = arith.constant true
      %select_n3A_84 = arith.constant 0 : i32
      %select_n3A_85 = arith.constant 1 : i32
      %select_n3A_86 = arith.select %select_n3A_83, %select_n3A_85, %select_n3A_84 : i32
      %eq3A_87 = arith.constant 1 : i32
      %eq3A_88 = arith.cmpi eq, %select_n3A_86, %eq3A_87 : i32
      %select_n3A_89 = arith.constant 0 : i32
      %select_n3A_90 = arith.select %eq3A_88, %select_n3A_89, %select_n3A_86 : i32
      %add3A_91 = arith.constant 0 : i32
      %add3A_92 = arith.addi %add3A_91, %mul3A_6 : i32
      %select_n3A_93 = arith.constant true
      %select_n3A_94 = arith.constant 0 : i32
      %select_n3A_95 = arith.constant 1 : i32
      %select_n3A_96 = arith.select %select_n3A_93, %select_n3A_95, %select_n3A_94 : i32
      %eq3A_97 = arith.constant 1 : i32
      %eq3A_98 = arith.cmpi eq, %select_n3A_96, %eq3A_97 : i32
      %select_n3A_99 = arith.constant 0 : i32
      %select_n3A_100 = arith.select %eq3A_98, %select_n3A_99, %select_n3A_96 : i32
      %add3A_101 = arith.constant 0 : i32
      %add3A_102 = arith.addi %add3A_101, %mul3A_6 : i32
      "tpu.trace_start"() <{level = 10 : i32, message = "ep_initialize_0"}> : () -> ()
      %rem3A = arith.constant 0 : i32
      %rem3A_103 = arith.constant 2 : i32
      %rem3A_104 = arith.remui %rem3A, %rem3A_103 : i32
      %mul3A_105 = arith.constant 128 : i32
      %mul3A_106 = arith.muli %mul3A_105, %add3A_74 : i32
      %dma_start3A = arith.constant 0 : i32
      %dma_start3A_107 = arith.constant 0 : i32
      %dma_start3A_108 = tpu.memref_slice %run_scoped3A[%rem3A_104, %dma_start3A, %dma_start3A_107] : memref<2x128x256xf32, #tpu.memory_space<vmem>> -> memref<1x128x256xf32, #tpu.memory_space<vmem>>
      %dma_start3A_109 = tpu.memref_squeeze %dma_start3A_108 : memref<1x128x256xf32, #tpu.memory_space<vmem>> -> memref<128x256xf32, #tpu.memory_space<vmem>>
      %dma_start3A_110 = arith.constant 0 : i32
      %dma_start3A_111 = tpu.memref_slice %arg2[%mul3A_106, %dma_start3A_110] : memref<4096x1024xf32, #tpu.memory_space<hbm>> -> memref<128x256xf32, #tpu.memory_space<hbm>>
      %dma_start3A_112 = tpu.memref_slice %run_scoped3A_70[%rem3A_104] : memref<2x!tpu.dma_semaphore, #tpu.memory_space<semaphore_mem>> -> memref<1x!tpu.dma_semaphore, #tpu.memory_space<semaphore_mem>>
      %dma_start3A_113 = tpu.memref_squeeze %dma_start3A_112 : memref<1x!tpu.dma_semaphore, #tpu.memory_space<semaphore_mem>> -> memref<!tpu.dma_semaphore, #tpu.memory_space<semaphore_mem>>
      %dma_start3A_114 = arith.constant 0 : i32
      %dma_start3A_115 = arith.constant 0 : i32
      %dma_start3A_116 = tpu.memref_slice %run_scoped3A[%rem3A_104, %dma_start3A_114, %dma_start3A_115] : memref<2x128x256xf32, #tpu.memory_space<vmem>> -> memref<1x128x256xf32, #tpu.memory_space<vmem>>
      %dma_start3A_117 = tpu.memref_squeeze %dma_start3A_116 : memref<1x128x256xf32, #tpu.memory_space<vmem>> -> memref<128x256xf32, #tpu.memory_space<vmem>>
      %dma_start3A_118 = arith.constant 0 : i32
      %dma_start3A_119 = tpu.memref_slice %arg2[%mul3A_106, %dma_start3A_118] : memref<4096x1024xf32, #tpu.memory_space<hbm>> -> memref<128x256xf32, #tpu.memory_space<hbm>>
      tpu.enqueue_dma source(%dma_start3A_119 : memref<128x256xf32, #tpu.memory_space<hbm>>) target(%dma_start3A_117 : memref<128x256xf32, #tpu.memory_space<vmem>>) target_semaphore(%dma_start3A_113 : memref<!tpu.dma_semaphore, #tpu.memory_space<semaphore_mem>>)
      %add3A_120 = arith.constant 0 : i32
      %add3A_121 = arith.constant 1 : i32
      %add3A_122 = arith.addi %add3A_120, %add3A_121 : i32
      %select_n3A_123 = arith.constant true
      %select_n3A_124 = arith.constant 0 : i32
      %select_n3A_125 = arith.select %select_n3A_123, %add3A_122, %select_n3A_124 : i32
      %rem3A_126 = arith.constant 0 : i32
      %rem3A_127 = arith.constant 2 : i32
      %rem3A_128 = arith.remui %rem3A_126, %rem3A_127 : i32
      %mul3A_129 = arith.constant 128 : i32
      %mul3A_130 = arith.muli %mul3A_129, %add3A_74 : i32
      %dma_start3A_131 = arith.constant 0 : i32
      %dma_start3A_132 = arith.constant 0 : i32
      %dma_start3A_133 = tpu.memref_slice %run_scoped3A_71[%rem3A_128, %dma_start3A_131, %dma_start3A_132] : memref<2x1x128xi32, #tpu.memory_space<vmem>> -> memref<1x1x128xi32, #tpu.memory_space<vmem>>
      %dma_start3A_134 = tpu.memref_squeeze %dma_start3A_133 : memref<1x1x128xi32, #tpu.memory_space<vmem>> -> memref<1x128xi32, #tpu.memory_space<vmem>>
      %dma_start3A_135 = arith.constant 0 : i32
      %dma_start3A_136 = tpu.memref_slice %arg4[%dma_start3A_135, %mul3A_130] : memref<1x4096xi32, #tpu.memory_space<hbm>> -> memref<1x128xi32, #tpu.memory_space<hbm>>
      %dma_start3A_137 = tpu.memref_slice %run_scoped3A_72[%rem3A_128] : memref<2x!tpu.dma_semaphore, #tpu.memory_space<semaphore_mem>> -> memref<1x!tpu.dma_semaphore, #tpu.memory_space<semaphore_mem>>
      %dma_start3A_138 = tpu.memref_squeeze %dma_start3A_137 : memref<1x!tpu.dma_semaphore, #tpu.memory_space<semaphore_mem>> -> memref<!tpu.dma_semaphore, #tpu.memory_space<semaphore_mem>>
      %dma_start3A_139 = arith.constant 0 : i32
      %dma_start3A_140 = arith.constant 0 : i32
      %dma_start3A_141 = tpu.memref_slice %run_scoped3A_71[%rem3A_128, %dma_start3A_139, %dma_start3A_140] : memref<2x1x128xi32, #tpu.memory_space<vmem>> -> memref<1x1x128xi32, #tpu.memory_space<vmem>>
      %dma_start3A_142 = tpu.memref_squeeze %dma_start3A_141 : memref<1x1x128xi32, #tpu.memory_space<vmem>> -> memref<1x128xi32, #tpu.memory_space<vmem>>
      %dma_start3A_143 = arith.constant 0 : i32
      %dma_start3A_144 = tpu.memref_slice %arg4[%dma_start3A_143, %mul3A_130] : memref<1x4096xi32, #tpu.memory_space<hbm>> -> memref<1x128xi32, #tpu.memory_space<hbm>>
      tpu.enqueue_dma source(%dma_start3A_144 : memref<1x128xi32, #tpu.memory_space<hbm>>) target(%dma_start3A_142 : memref<1x128xi32, #tpu.memory_space<vmem>>) target_semaphore(%dma_start3A_138 : memref<!tpu.dma_semaphore, #tpu.memory_space<semaphore_mem>>)
      %add3A_145 = arith.constant 0 : i32
      %add3A_146 = arith.constant 1 : i32
      %add3A_147 = arith.addi %add3A_145, %add3A_146 : i32
      %select_n3A_148 = arith.constant true
      %select_n3A_149 = arith.constant 0 : i32
      %select_n3A_150 = arith.select %select_n3A_148, %add3A_147, %select_n3A_149 : i32
      "tpu.trace_stop"() : () -> ()
      %scan3A = arith.constant 0 : i32
      %scan3A_151 = arith.constant 0 : i32
      %scan3A_152 = arith.constant 0 : i32
      %scan3A_153 = arith.constant 0 : i32
      %eq3A_154 = arith.constant 0 : i32
      %eq3A_155 = arith.cmpi eq, %scan3A_153, %eq3A_154 : i32
      %eq3A_156 = arith.constant 0 : i32
      %eq3A_157 = arith.cmpi eq, %scan3A_153, %eq3A_156 : i32
      %add3A_158 = arith.constant 0 : i32
      %add3A_159 = arith.addi %add3A_158, %mul3A_6 : i32
      %select_n3A_160 = arith.constant true
      %select_n3A_161 = arith.constant 0 : i32
      %select_n3A_162 = arith.constant -1 : i32
      %select_n3A_163 = arith.select %select_n3A_160, %select_n3A_162, %select_n3A_161 : i32
      %eq3A_164 = arith.constant -1 : i32
      %eq3A_165 = arith.cmpi eq, %select_n3A_163, %eq3A_164 : i32
      %select_n3A_166 = arith.constant 0 : i32
      %select_n3A_167 = arith.select %eq3A_165, %select_n3A_166, %select_n3A_163 : i32
      %add3A_168 = arith.constant 0 : i32
      %add3A_169 = arith.addi %add3A_168, %mul3A_6 : i32
      %select_n3A_170 = arith.constant true
      %select_n3A_171 = arith.constant 0 : i32
      %select_n3A_172 = arith.constant 1 : i32
      %select_n3A_173 = arith.select %select_n3A_170, %select_n3A_172, %select_n3A_171 : i32
      %eq3A_174 = arith.constant 1 : i32
      %eq3A_175 = arith.cmpi eq, %select_n3A_173, %eq3A_174 : i32
      %select_n3A_176 = arith.constant 0 : i32
      %select_n3A_177 = arith.select %eq3A_175, %select_n3A_176, %select_n3A_173 : i32
      %add3A_178 = arith.constant 0 : i32
      %add3A_179 = arith.addi %add3A_178, %mul3A_6 : i32
      %select_n3A_180 = arith.constant true
      %select_n3A_181 = arith.constant 0 : i32
      %select_n3A_182 = arith.constant 1 : i32
      %select_n3A_183 = arith.select %select_n3A_180, %select_n3A_182, %select_n3A_181 : i32
      %eq3A_184 = arith.constant 1 : i32
      %eq3A_185 = arith.cmpi eq, %select_n3A_183, %eq3A_184 : i32
      %select_n3A_186 = arith.constant 0 : i32
      %select_n3A_187 = arith.select %eq3A_185, %select_n3A_186, %select_n3A_183 : i32
      %add3A_188 = arith.constant 0 : i32
      %add3A_189 = arith.addi %add3A_188, %mul3A_6 : i32
      %ne3A = arith.cmpi ne, %add3A_159, %add3A_179 : i32
      %or3A = arith.constant false
      %or3A_190 = arith.ori %or3A, %ne3A : i1
      %or3A_191 = arith.constant false
      %or3A_192 = arith.ori %or3A_190, %or3A_191 : i1
      %ge3A = arith.constant 0 : i32
      %ge3A_193 = arith.cmpi sge, %scan3A_153, %ge3A : i32
      %not3A = arith.constant true
      %not3A_194 = arith.xori %ge3A_193, %not3A : i1
      %and3A = arith.andi %or3A_192, %not3A_194 : i1
      %convert_element_type3A = arith.extui %and3A : i1 to i32
      %cond3A = arith.constant 0 : i32
      %cond3A_195 = arith.cmpi ne, %convert_element_type3A, %cond3A : i32
      scf.if %cond3A_195 {
        "tpu.trace_start"() <{level = 10 : i32, message = "ep_copy_in"}> : () -> ()
        %rem3A_347 = arith.constant 2 : i32
        %rem3A_348 = arith.remui %select_n3A_125, %rem3A_347 : i32
        %mul3A_349 = arith.constant 128 : i32
        %mul3A_350 = arith.muli %mul3A_349, %add3A_179 : i32
        %dma_start3A_351 = arith.constant 0 : i32
        %dma_start3A_352 = arith.constant 0 : i32
        %dma_start3A_353 = tpu.memref_slice %run_scoped3A[%rem3A_348, %dma_start3A_351, %dma_start3A_352] : memref<2x128x256xf32, #tpu.memory_space<vmem>> -> memref<1x128x256xf32, #tpu.memory_space<vmem>>
        %dma_start3A_354 = tpu.memref_squeeze %dma_start3A_353 : memref<1x128x256xf32, #tpu.memory_space<vmem>> -> memref<128x256xf32, #tpu.memory_space<vmem>>
        %dma_start3A_355 = arith.constant 0 : i32
        %dma_start3A_356 = tpu.memref_slice %arg2[%mul3A_350, %dma_start3A_355] : memref<4096x1024xf32, #tpu.memory_space<hbm>> -> memref<128x256xf32, #tpu.memory_space<hbm>>
        %dma_start3A_357 = tpu.memref_slice %run_scoped3A_70[%rem3A_348] : memref<2x!tpu.dma_semaphore, #tpu.memory_space<semaphore_mem>> -> memref<1x!tpu.dma_semaphore, #tpu.memory_space<semaphore_mem>>
        %dma_start3A_358 = tpu.memref_squeeze %dma_start3A_357 : memref<1x!tpu.dma_semaphore, #tpu.memory_space<semaphore_mem>> -> memref<!tpu.dma_semaphore, #tpu.memory_space<semaphore_mem>>
        %dma_start3A_359 = arith.constant 0 : i32
        %dma_start3A_360 = arith.constant 0 : i32
        %dma_start3A_361 = tpu.memref_slice %run_scoped3A[%rem3A_348, %dma_start3A_359, %dma_start3A_360] : memref<2x128x256xf32, #tpu.memory_space<vmem>> -> memref<1x128x256xf32, #tpu.memory_space<vmem>>
        %dma_start3A_362 = tpu.memref_squeeze %dma_start3A_361 : memref<1x128x256xf32, #tpu.memory_space<vmem>> -> memref<128x256xf32, #tpu.memory_space<vmem>>
        %dma_start3A_363 = arith.constant 0 : i32
        %dma_start3A_364 = tpu.memref_slice %arg2[%mul3A_350, %dma_start3A_363] : memref<4096x1024xf32, #tpu.memory_space<hbm>> -> memref<128x256xf32, #tpu.memory_space<hbm>>
        tpu.enqueue_dma source(%dma_start3A_364 : memref<128x256xf32, #tpu.memory_space<hbm>>) target(%dma_start3A_362 : memref<128x256xf32, #tpu.memory_space<vmem>>) target_semaphore(%dma_start3A_358 : memref<!tpu.dma_semaphore, #tpu.memory_space<semaphore_mem>>)
        "tpu.trace_stop"() : () -> ()
      } else {
      }
      %and3A_196 = arith.constant true
      %and3A_197 = arith.andi %and3A, %and3A_196 : i1
      %add3A_198 = arith.constant 1 : i32
      %add3A_199 = arith.addi %select_n3A_125, %add3A_198 : i32
      %select_n3A_200 = arith.select %and3A_197, %add3A_199, %select_n3A_125 : i32
      %ne3A_201 = arith.cmpi ne, %add3A_159, %add3A_179 : i32
      %or3A_202 = arith.constant false
      %or3A_203 = arith.ori %or3A_202, %ne3A_201 : i1
      %ge3A_204 = arith.constant 0 : i32
      %ge3A_205 = arith.cmpi sge, %scan3A_153, %ge3A_204 : i32
      %not3A_206 = arith.constant true
      %not3A_207 = arith.xori %ge3A_205, %not3A_206 : i1
      %and3A_208 = arith.andi %or3A_203, %not3A_207 : i1
      %convert_element_type3A_209 = arith.extui %and3A_208 : i1 to i32
      %cond3A_210 = arith.constant 0 : i32
      %cond3A_211 = arith.cmpi ne, %convert_element_type3A_209, %cond3A_210 : i32
      scf.if %cond3A_211 {
        "tpu.trace_start"() <{level = 10 : i32, message = "ep_copy_in"}> : () -> ()
        %rem3A_347 = arith.constant 2 : i32
        %rem3A_348 = arith.remui %select_n3A_150, %rem3A_347 : i32
        %mul3A_349 = arith.constant 128 : i32
        %mul3A_350 = arith.muli %mul3A_349, %add3A_179 : i32
        %dma_start3A_351 = arith.constant 0 : i32
        %dma_start3A_352 = arith.constant 0 : i32
        %dma_start3A_353 = tpu.memref_slice %run_scoped3A_71[%rem3A_348, %dma_start3A_351, %dma_start3A_352] : memref<2x1x128xi32, #tpu.memory_space<vmem>> -> memref<1x1x128xi32, #tpu.memory_space<vmem>>
        %dma_start3A_354 = tpu.memref_squeeze %dma_start3A_353 : memref<1x1x128xi32, #tpu.memory_space<vmem>> -> memref<1x128xi32, #tpu.memory_space<vmem>>
        %dma_start3A_355 = arith.constant 0 : i32
        %dma_start3A_356 = tpu.memref_slice %arg4[%dma_start3A_355, %mul3A_350] : memref<1x4096xi32, #tpu.memory_space<hbm>> -> memref<1x128xi32, #tpu.memory_space<hbm>>
        %dma_start3A_357 = tpu.memref_slice %run_scoped3A_72[%rem3A_348] : memref<2x!tpu.dma_semaphore, #tpu.memory_space<semaphore_mem>> -> memref<1x!tpu.dma_semaphore, #tpu.memory_space<semaphore_mem>>
        %dma_start3A_358 = tpu.memref_squeeze %dma_start3A_357 : memref<1x!tpu.dma_semaphore, #tpu.memory_space<semaphore_mem>> -> memref<!tpu.dma_semaphore, #tpu.memory_space<semaphore_mem>>
        %dma_start3A_359 = arith.constant 0 : i32
        %dma_start3A_360 = arith.constant 0 : i32
        %dma_start3A_361 = tpu.memref_slice %run_scoped3A_71[%rem3A_348, %dma_start3A_359, %dma_start3A_360] : memref<2x1x128xi32, #tpu.memory_space<vmem>> -> memref<1x1x128xi32, #tpu.memory_space<vmem>>
        %dma_start3A_362 = tpu.memref_squeeze %dma_start3A_361 : memref<1x1x128xi32, #tpu.memory_space<vmem>> -> memref<1x128xi32, #tpu.memory_space<vmem>>
        %dma_start3A_363 = arith.constant 0 : i32
        %dma_start3A_364 = tpu.memref_slice %arg4[%dma_start3A_363, %mul3A_350] : memref<1x4096xi32, #tpu.memory_space<hbm>> -> memref<1x128xi32, #tpu.memory_space<hbm>>
        tpu.enqueue_dma source(%dma_start3A_364 : memref<1x128xi32, #tpu.memory_space<hbm>>) target(%dma_start3A_362 : memref<1x128xi32, #tpu.memory_space<vmem>>) target_semaphore(%dma_start3A_358 : memref<!tpu.dma_semaphore, #tpu.memory_space<semaphore_mem>>)
        "tpu.trace_stop"() : () -> ()
      } else {
      }
      %and3A_212 = arith.constant true
      %and3A_213 = arith.andi %and3A_208, %and3A_212 : i1
      %add3A_214 = arith.constant 1 : i32
      %add3A_215 = arith.addi %select_n3A_150, %add3A_214 : i32
      %select_n3A_216 = arith.select %and3A_213, %add3A_215, %select_n3A_150 : i32
      %ne3A_217 = arith.cmpi ne, %add3A_159, %add3A_169 : i32
      %or3A_218 = arith.constant false
      %or3A_219 = arith.ori %or3A_218, %ne3A_217 : i1
      %or3A_220 = arith.constant false
      %or3A_221 = arith.ori %or3A_219, %or3A_220 : i1
      %or3A_222 = arith.ori %or3A_221, %eq3A_155 : i1
      %convert_element_type3A_223 = arith.extui %or3A_222 : i1 to i32
      %cond3A_224 = arith.constant 0 : i32
      %cond3A_225 = arith.cmpi ne, %convert_element_type3A_223, %cond3A_224 : i32
      scf.if %cond3A_225 {
        "tpu.trace_start"() <{level = 10 : i32, message = "ep_wait_in"}> : () -> ()
        %mul3A_347 = arith.constant 128 : i32
        %mul3A_348 = arith.muli %mul3A_347, %add3A_159 : i32
        %rem3A_349 = arith.constant 2 : i32
        %rem3A_350 = arith.remui %scan3A, %rem3A_349 : i32
        %dma_wait3A = arith.constant 0 : i32
        %dma_wait3A_351 = arith.constant 0 : i32
        %dma_wait3A_352 = tpu.memref_slice %run_scoped3A[%rem3A_350, %dma_wait3A, %dma_wait3A_351] : memref<2x128x256xf32, #tpu.memory_space<vmem>> -> memref<1x128x256xf32, #tpu.memory_space<vmem>>
        %dma_wait3A_353 = tpu.memref_squeeze %dma_wait3A_352 : memref<1x128x256xf32, #tpu.memory_space<vmem>> -> memref<128x256xf32, #tpu.memory_space<vmem>>
        %dma_wait3A_354 = arith.constant 0 : i32
        %dma_wait3A_355 = tpu.memref_slice %arg2[%mul3A_348, %dma_wait3A_354] : memref<4096x1024xf32, #tpu.memory_space<hbm>> -> memref<128x256xf32, #tpu.memory_space<hbm>>
        %dma_wait3A_356 = tpu.memref_slice %run_scoped3A_70[%rem3A_350] : memref<2x!tpu.dma_semaphore, #tpu.memory_space<semaphore_mem>> -> memref<1x!tpu.dma_semaphore, #tpu.memory_space<semaphore_mem>>
        %dma_wait3A_357 = tpu.memref_squeeze %dma_wait3A_356 : memref<1x!tpu.dma_semaphore, #tpu.memory_space<semaphore_mem>> -> memref<!tpu.dma_semaphore, #tpu.memory_space<semaphore_mem>>
        %dma_wait3A_358 = arith.constant 0 : i32
        %dma_wait3A_359 = arith.constant 0 : i32
        %dma_wait3A_360 = tpu.memref_slice %run_scoped3A[%rem3A_350, %dma_wait3A_358, %dma_wait3A_359] : memref<2x128x256xf32, #tpu.memory_space<vmem>> -> memref<1x128x256xf32, #tpu.memory_space<vmem>>
        %dma_wait3A_361 = tpu.memref_squeeze %dma_wait3A_360 : memref<1x128x256xf32, #tpu.memory_space<vmem>> -> memref<128x256xf32, #tpu.memory_space<vmem>>
        %dma_wait3A_362 = arith.constant 0 : i32
        %dma_wait3A_363 = tpu.memref_slice %arg2[%mul3A_348, %dma_wait3A_362] : memref<4096x1024xf32, #tpu.memory_space<hbm>> -> memref<128x256xf32, #tpu.memory_space<hbm>>
        tpu.wait_dma2 semaphore(%dma_wait3A_357 : memref<!tpu.dma_semaphore, #tpu.memory_space<semaphore_mem>>) src(%dma_wait3A_363 : memref<128x256xf32, #tpu.memory_space<hbm>>) dst(%dma_wait3A_361 : memref<128x256xf32, #tpu.memory_space<vmem>>)
        "tpu.trace_stop"() : () -> ()
      } else {
      }
      %ne3A_226 = arith.cmpi ne, %add3A_159, %add3A_169 : i32
      %or3A_227 = arith.constant false
      %or3A_228 = arith.ori %or3A_227, %ne3A_226 : i1
      %or3A_229 = arith.ori %or3A_228, %eq3A_155 : i1
      %convert_element_type3A_230 = arith.extui %or3A_229 : i1 to i32
      %cond3A_231 = arith.constant 0 : i32
      %cond3A_232 = arith.cmpi ne, %convert_element_type3A_230, %cond3A_231 : i32
      scf.if %cond3A_232 {
        "tpu.trace_start"() <{level = 10 : i32, message = "ep_wait_in"}> : () -> ()
        %mul3A_347 = arith.constant 128 : i32
        %mul3A_348 = arith.muli %mul3A_347, %add3A_159 : i32
        %rem3A_349 = arith.constant 2 : i32
        %rem3A_350 = arith.remui %scan3A_151, %rem3A_349 : i32
        %dma_wait3A = arith.constant 0 : i32
        %dma_wait3A_351 = arith.constant 0 : i32
        %dma_wait3A_352 = tpu.memref_slice %run_scoped3A_71[%rem3A_350, %dma_wait3A, %dma_wait3A_351] : memref<2x1x128xi32, #tpu.memory_space<vmem>> -> memref<1x1x128xi32, #tpu.memory_space<vmem>>
        %dma_wait3A_353 = tpu.memref_squeeze %dma_wait3A_352 : memref<1x1x128xi32, #tpu.memory_space<vmem>> -> memref<1x128xi32, #tpu.memory_space<vmem>>
        %dma_wait3A_354 = arith.constant 0 : i32
        %dma_wait3A_355 = tpu.memref_slice %arg4[%dma_wait3A_354, %mul3A_348] : memref<1x4096xi32, #tpu.memory_space<hbm>> -> memref<1x128xi32, #tpu.memory_space<hbm>>
        %dma_wait3A_356 = tpu.memref_slice %run_scoped3A_72[%rem3A_350] : memref<2x!tpu.dma_semaphore, #tpu.memory_space<semaphore_mem>> -> memref<1x!tpu.dma_semaphore, #tpu.memory_space<semaphore_mem>>
        %dma_wait3A_357 = tpu.memref_squeeze %dma_wait3A_356 : memref<1x!tpu.dma_semaphore, #tpu.memory_space<semaphore_mem>> -> memref<!tpu.dma_semaphore, #tpu.memory_space<semaphore_mem>>
        %dma_wait3A_358 = arith.constant 0 : i32
        %dma_wait3A_359 = arith.constant 0 : i32
        %dma_wait3A_360 = tpu.memref_slice %run_scoped3A_71[%rem3A_350, %dma_wait3A_358, %dma_wait3A_359] : memref<2x1x128xi32, #tpu.memory_space<vmem>> -> memref<1x1x128xi32, #tpu.memory_space<vmem>>
        %dma_wait3A_361 = tpu.memref_squeeze %dma_wait3A_360 : memref<1x1x128xi32, #tpu.memory_space<vmem>> -> memref<1x128xi32, #tpu.memory_space<vmem>>
        %dma_wait3A_362 = arith.constant 0 : i32
        %dma_wait3A_363 = tpu.memref_slice %arg4[%dma_wait3A_362, %mul3A_348] : memref<1x4096xi32, #tpu.memory_space<hbm>> -> memref<1x128xi32, #tpu.memory_space<hbm>>
        tpu.wait_dma2 semaphore(%dma_wait3A_357 : memref<!tpu.dma_semaphore, #tpu.memory_space<semaphore_mem>>) src(%dma_wait3A_363 : memref<1x128xi32, #tpu.memory_space<hbm>>) dst(%dma_wait3A_361 : memref<1x128xi32, #tpu.memory_space<vmem>>)
        "tpu.trace_stop"() : () -> ()
      } else {
      }
      %rem3A_233 = arith.constant 2 : i32
      %rem3A_234 = arith.remui %scan3A, %rem3A_233 : i32
      %rem3A_235 = arith.constant 2 : i32
      %rem3A_236 = arith.remui %scan3A_151, %rem3A_235 : i32
      %run_scoped3A_237 = arith.constant 0 : i32
      "tpu.trace_start"() <{level = 10 : i32, message = "ep_run_kernel"}> : () -> ()
      "tpu.region"() ({
        %run_scoped3A_347 = tpu.sem_alloc : memref<!tpu.dma_semaphore, #tpu.memory_space<semaphore_mem>>
        %dma_start3A_348 = arith.constant 0 : i32
        %dma_start3A_349 = arith.constant 0 : i32
        %dma_start3A_350 = tpu.memref_slice %run_scoped3A[%rem3A_234, %dma_start3A_348, %dma_start3A_349] : memref<2x128x256xf32, #tpu.memory_space<vmem>> -> memref<1x128x256xf32, #tpu.memory_space<vmem>>
        %dma_start3A_351 = tpu.memref_squeeze %dma_start3A_350 : memref<1x128x256xf32, #tpu.memory_space<vmem>> -> memref<128x256xf32, #tpu.memory_space<vmem>>
        %dma_start3A_352 = arith.constant 0 : i32
        %dma_start3A_353 = arith.constant 0 : i32
        %dma_start3A_354 = tpu.memref_slice %run_scoped3A_71[%rem3A_236, %dma_start3A_352, %dma_start3A_353] : memref<2x1x128xi32, #tpu.memory_space<vmem>> -> memref<1x1x128xi32, #tpu.memory_space<vmem>>
        %dma_start3A_355 = tpu.memref_squeeze %dma_start3A_354 : memref<1x1x128xi32, #tpu.memory_space<vmem>> -> memref<1x128xi32, #tpu.memory_space<vmem>>
        %dma_start3A_356 = arith.constant 0 : i32
        %dma_start3A_357 = tpu.memref_slice %dma_start3A_355[%run_scoped3A_237, %dma_start3A_356] : memref<1x128xi32, #tpu.memory_space<vmem>> -> memref<1x128xi32, #tpu.memory_space<vmem>>
        %dma_start3A_358 = tpu.memref_squeeze %dma_start3A_357 : memref<1x128xi32, #tpu.memory_space<vmem>> -> memref<128xi32, #tpu.memory_space<vmem>>
        %dma_start3A_359 = arith.constant 0 : i32
        %dma_start3A_360 = arith.constant 0 : i32
        %dma_start3A_361 = tpu.memref_slice %arg6[%dma_start3A_359, %dma_start3A_360] : memref<12288x256xf32, #tpu.memory_space<hbm>> -> memref<12288x256xf32, #tpu.memory_space<hbm>>
        tpu.enqueue_indirect_dma source(%dma_start3A_351 : memref<128x256xf32, #tpu.memory_space<vmem>>) target(%dma_start3A_361 : memref<12288x256xf32, #tpu.memory_space<hbm>>) offsets(%dma_start3A_358 : memref<128xi32, #tpu.memory_space<vmem>>) semaphore(%run_scoped3A_347 : memref<!tpu.dma_semaphore, #tpu.memory_space<semaphore_mem>>)
        %dma_wait3A = arith.constant 0 : i32
        %dma_wait3A_362 = arith.constant 0 : i32
        %dma_wait3A_363 = tpu.memref_slice %run_scoped3A[%rem3A_234, %dma_wait3A, %dma_wait3A_362] : memref<2x128x256xf32, #tpu.memory_space<vmem>> -> memref<1x128x256xf32, #tpu.memory_space<vmem>>
        %dma_wait3A_364 = tpu.memref_squeeze %dma_wait3A_363 : memref<1x128x256xf32, #tpu.memory_space<vmem>> -> memref<128x256xf32, #tpu.memory_space<vmem>>
        %dma_wait3A_365 = arith.constant 0 : i32
        %dma_wait3A_366 = arith.constant 0 : i32
        %dma_wait3A_367 = tpu.memref_slice %run_scoped3A_71[%rem3A_236, %dma_wait3A_365, %dma_wait3A_366] : memref<2x1x128xi32, #tpu.memory_space<vmem>> -> memref<1x1x128xi32, #tpu.memory_space<vmem>>
        %dma_wait3A_368 = tpu.memref_squeeze %dma_wait3A_367 : memref<1x1x128xi32, #tpu.memory_space<vmem>> -> memref<1x128xi32, #tpu.memory_space<vmem>>
        %dma_wait3A_369 = arith.constant 0 : i32
        %dma_wait3A_370 = tpu.memref_slice %dma_wait3A_368[%run_scoped3A_237, %dma_wait3A_369] : memref<1x128xi32, #tpu.memory_space<vmem>> -> memref<1x128xi32, #tpu.memory_space<vmem>>
        %dma_wait3A_371 = tpu.memref_squeeze %dma_wait3A_370 : memref<1x128xi32, #tpu.memory_space<vmem>> -> memref<128xi32, #tpu.memory_space<vmem>>
        %dma_wait3A_372 = arith.constant 0 : i32
        %dma_wait3A_373 = arith.constant 0 : i32
        %dma_wait3A_374 = tpu.memref_slice %arg6[%dma_wait3A_372, %dma_wait3A_373] : memref<12288x256xf32, #tpu.memory_space<hbm>> -> memref<12288x256xf32, #tpu.memory_space<hbm>>
        tpu.wait_indirect_dma semaphore(%run_scoped3A_347 : memref<!tpu.dma_semaphore, #tpu.memory_space<semaphore_mem>>) src(%dma_wait3A_364 : memref<128x256xf32, #tpu.memory_space<vmem>>) dst(%dma_wait3A_374 : memref<12288x256xf32, #tpu.memory_space<hbm>>)
        tpu.yield
      }) : () -> ()
      "tpu.trace_stop"() : () -> ()
      %ne3A_238 = arith.cmpi ne, %add3A_159, %add3A_179 : i32
      %or3A_239 = arith.constant false
      %or3A_240 = arith.ori %or3A_239, %ne3A_238 : i1
      %or3A_241 = arith.constant false
      %or3A_242 = arith.ori %or3A_240, %or3A_241 : i1
      %or3A_243 = arith.ori %or3A_242, %eq3A_157 : i1
      %convert_element_type3A_244 = arith.extui %or3A_243 : i1 to i32
      %cond3A_245 = arith.constant 0 : i32
      %cond3A_246 = arith.cmpi ne, %convert_element_type3A_244, %cond3A_245 : i32
      scf.if %cond3A_246 {
      } else {
      }
      %and3A_247 = arith.constant false
      %and3A_248 = arith.andi %or3A_243, %and3A_247 : i1
      %ne3A_249 = arith.cmpi ne, %add3A_159, %add3A_179 : i32
      %or3A_250 = arith.constant false
      %or3A_251 = arith.ori %or3A_250, %ne3A_249 : i1
      %or3A_252 = arith.ori %or3A_251, %eq3A_157 : i1
      %convert_element_type3A_253 = arith.extui %or3A_252 : i1 to i32
      %cond3A_254 = arith.constant 0 : i32
      %cond3A_255 = arith.cmpi ne, %convert_element_type3A_253, %cond3A_254 : i32
      scf.if %cond3A_255 {
      } else {
      }
      %and3A_256 = arith.constant false
      %and3A_257 = arith.andi %or3A_252, %and3A_256 : i1
      %ne3A_258 = arith.cmpi ne, %add3A_159, %add3A_169 : i32
      %or3A_259 = arith.constant false
      %or3A_260 = arith.ori %or3A_259, %ne3A_258 : i1
      %or3A_261 = arith.constant false
      %or3A_262 = arith.ori %or3A_260, %or3A_261 : i1
      %not3A_263 = arith.constant true
      %not3A_264 = arith.xori %eq3A_155, %not3A_263 : i1
      %and3A_265 = arith.andi %or3A_262, %not3A_264 : i1
      %convert_element_type3A_266 = arith.extui %and3A_265 : i1 to i32
      %cond3A_267 = arith.constant 0 : i32
      %cond3A_268 = arith.cmpi ne, %convert_element_type3A_266, %cond3A_267 : i32
      scf.if %cond3A_268 {
      } else {
      }
      %and3A_269 = arith.constant false
      %and3A_270 = arith.andi %and3A_265, %and3A_269 : i1
      %ne3A_271 = arith.cmpi ne, %add3A_159, %add3A_169 : i32
      %or3A_272 = arith.constant false
      %or3A_273 = arith.ori %or3A_272, %ne3A_271 : i1
      %not3A_274 = arith.constant true
      %not3A_275 = arith.xori %eq3A_155, %not3A_274 : i1
      %and3A_276 = arith.andi %or3A_273, %not3A_275 : i1
      %convert_element_type3A_277 = arith.extui %and3A_276 : i1 to i32
      %cond3A_278 = arith.constant 0 : i32
      %cond3A_279 = arith.cmpi ne, %convert_element_type3A_277, %cond3A_278 : i32
      scf.if %cond3A_279 {
      } else {
      }
      %and3A_280 = arith.constant false
      %and3A_281 = arith.andi %and3A_276, %and3A_280 : i1
      %ne3A_282 = arith.cmpi ne, %add3A_159, %add3A_179 : i32
      %or3A_283 = arith.constant false
      %or3A_284 = arith.ori %or3A_283, %ne3A_282 : i1
      %or3A_285 = arith.constant false
      %or3A_286 = arith.ori %or3A_284, %or3A_285 : i1
      %or3A_287 = arith.ori %or3A_286, %eq3A_157 : i1
      %add3A_288 = arith.constant 1 : i32
      %add3A_289 = arith.addi %scan3A, %add3A_288 : i32
      %select_n3A_290 = arith.select %or3A_287, %add3A_289, %scan3A : i32
      %ne3A_291 = arith.cmpi ne, %add3A_159, %add3A_179 : i32
      %or3A_292 = arith.constant false
      %or3A_293 = arith.ori %or3A_292, %ne3A_291 : i1
      %or3A_294 = arith.ori %or3A_293, %eq3A_157 : i1
      %add3A_295 = arith.constant 1 : i32
      %add3A_296 = arith.addi %scan3A_151, %add3A_295 : i32
      %select_n3A_297 = arith.select %or3A_294, %add3A_296, %scan3A_151 : i32
      %select_n3A_298 = arith.constant true
      %select_n3A_299 = arith.constant 0 : i32
      %select_n3A_300 = arith.constant 1 : i32
      %select_n3A_301 = arith.select %select_n3A_298, %select_n3A_300, %select_n3A_299 : i32
      %eq3A_302 = arith.constant 1 : i32
      %eq3A_303 = arith.cmpi eq, %select_n3A_301, %eq3A_302 : i32
      %select_n3A_304 = arith.constant 0 : i32
      %select_n3A_305 = arith.select %eq3A_303, %select_n3A_304, %select_n3A_301 : i32
      %scan3A_306 = arith.constant 0 : i32
      %scan3A_307 = arith.constant 1 : i32
      %sub3A = arith.constant 1 : i32
      %sub3A_308 = arith.subi %scan3A_306, %sub3A : i32
      %select_n3A_309 = arith.constant true
      %select_n3A_310 = arith.select %select_n3A_309, %sub3A_308, %scan3A_306 : i32
      %eq3A_311 = arith.constant -1 : i32
      %eq3A_312 = arith.cmpi eq, %select_n3A_310, %eq3A_311 : i32
      %select_n3A_313 = arith.constant 0 : i32
      %select_n3A_314 = arith.select %eq3A_312, %select_n3A_313, %select_n3A_310 : i32
      %add3A_315 = arith.constant 0 : i32
      %add3A_316 = arith.addi %add3A_315, %mul3A_6 : i32
      %select_n3A_317 = arith.constant true
      %select_n3A_318 = arith.constant 0 : i32
      %select_n3A_319 = arith.constant -1 : i32
      %select_n3A_320 = arith.select %select_n3A_317, %select_n3A_319, %select_n3A_318 : i32
      %eq3A_321 = arith.constant -1 : i32
      %eq3A_322 = arith.cmpi eq, %select_n3A_320, %eq3A_321 : i32
      %select_n3A_323 = arith.constant 0 : i32
      %select_n3A_324 = arith.select %eq3A_322, %select_n3A_323, %select_n3A_320 : i32
      %add3A_325 = arith.constant 0 : i32
      %add3A_326 = arith.addi %add3A_325, %mul3A_6 : i32
      %select_n3A_327 = arith.constant true
      %select_n3A_328 = arith.constant 0 : i32
      %select_n3A_329 = arith.constant 1 : i32
      %select_n3A_330 = arith.select %select_n3A_327, %select_n3A_329, %select_n3A_328 : i32
      %eq3A_331 = arith.constant 1 : i32
      %eq3A_332 = arith.cmpi eq, %select_n3A_330, %eq3A_331 : i32
      %select_n3A_333 = arith.constant 0 : i32
      %select_n3A_334 = arith.select %eq3A_332, %select_n3A_333, %select_n3A_330 : i32
      %add3A_335 = arith.constant 0 : i32
      %add3A_336 = arith.addi %add3A_335, %mul3A_6 : i32
      %select_n3A_337 = arith.constant true
      %select_n3A_338 = arith.constant 0 : i32
      %select_n3A_339 = arith.constant 1 : i32
      %select_n3A_340 = arith.select %select_n3A_337, %select_n3A_339, %select_n3A_338 : i32
      %eq3A_341 = arith.constant 1 : i32
      %eq3A_342 = arith.cmpi eq, %select_n3A_340, %eq3A_341 : i32
      %select_n3A_343 = arith.constant 0 : i32
      %select_n3A_344 = arith.select %eq3A_342, %select_n3A_343, %select_n3A_340 : i32
      %add3A_345 = arith.constant 0 : i32
      %add3A_346 = arith.addi %add3A_345, %mul3A_6 : i32
      tpu.yield
    }) : () -> ()
    %mul3A_7 = arith.constant 1 : i32
    %mul3A_8 = arith.muli %arg1, %mul3A_7 : i32
    %add3A_9 = arith.constant 0 : i32
    %add3A_10 = arith.addi %add3A_9, %mul3A_8 : i32
    %mul3A_11 = arith.constant 16 : i32
    %mul3A_12 = arith.muli %arg0, %mul3A_11 : i32
    %add3A_13 = arith.addi %add3A_10, %mul3A_12 : i32
    %mul3A_14 = arith.constant 1 : i32
    %mul3A_15 = arith.muli %add3A_13, %mul3A_14 : i32
    "tpu.region"() ({
      %run_scoped3A = memref.alloca() : memref<2x128x256xf32, #tpu.memory_space<vmem>>
      %run_scoped3A_70 = tpu.sem_alloc : memref<2x!tpu.dma_semaphore, #tpu.memory_space<semaphore_mem>>
      %run_scoped3A_71 = memref.alloca() : memref<2x1x128xi32, #tpu.memory_space<vmem>>
      %run_scoped3A_72 = tpu.sem_alloc : memref<2x!tpu.dma_semaphore, #tpu.memory_space<semaphore_mem>>
      %add3A_73 = arith.constant 0 : i32
      %add3A_74 = arith.addi %add3A_73, %mul3A_15 : i32
      %select_n3A = arith.constant true
      %select_n3A_75 = arith.constant 0 : i32
      %select_n3A_76 = arith.constant -1 : i32
      %select_n3A_77 = arith.select %select_n3A, %select_n3A_76, %select_n3A_75 : i32
      %eq3A = arith.constant -1 : i32
      %eq3A_78 = arith.cmpi eq, %select_n3A_77, %eq3A : i32
      %select_n3A_79 = arith.constant 0 : i32
      %select_n3A_80 = arith.select %eq3A_78, %select_n3A_79, %select_n3A_77 : i32
      %add3A_81 = arith.constant 0 : i32
      %add3A_82 = arith.addi %add3A_81, %mul3A_15 : i32
      %select_n3A_83 = arith.constant true
      %select_n3A_84 = arith.constant 0 : i32
      %select_n3A_85 = arith.constant 1 : i32
      %select_n3A_86 = arith.select %select_n3A_83, %select_n3A_85, %select_n3A_84 : i32
      %eq3A_87 = arith.constant 1 : i32
      %eq3A_88 = arith.cmpi eq, %select_n3A_86, %eq3A_87 : i32
      %select_n3A_89 = arith.constant 0 : i32
      %select_n3A_90 = arith.select %eq3A_88, %select_n3A_89, %select_n3A_86 : i32
      %add3A_91 = arith.constant 0 : i32
      %add3A_92 = arith.addi %add3A_91, %mul3A_15 : i32
      %select_n3A_93 = arith.constant true
      %select_n3A_94 = arith.constant 0 : i32
      %select_n3A_95 = arith.constant 1 : i32
      %select_n3A_96 = arith.select %select_n3A_93, %select_n3A_95, %select_n3A_94 : i32
      %eq3A_97 = arith.constant 1 : i32
      %eq3A_98 = arith.cmpi eq, %select_n3A_96, %eq3A_97 : i32
      %select_n3A_99 = arith.constant 0 : i32
      %select_n3A_100 = arith.select %eq3A_98, %select_n3A_99, %select_n3A_96 : i32
      %add3A_101 = arith.constant 0 : i32
      %add3A_102 = arith.addi %add3A_101, %mul3A_15 : i32
      "tpu.trace_start"() <{level = 10 : i32, message = "ep_initialize_0"}> : () -> ()
      %rem3A = arith.constant 0 : i32
      %rem3A_103 = arith.constant 2 : i32
      %rem3A_104 = arith.remui %rem3A, %rem3A_103 : i32
      %mul3A_105 = arith.constant 128 : i32
      %mul3A_106 = arith.muli %mul3A_105, %add3A_74 : i32
      %dma_start3A = arith.constant 0 : i32
      %dma_start3A_107 = arith.constant 0 : i32
      %dma_start3A_108 = tpu.memref_slice %run_scoped3A[%rem3A_104, %dma_start3A, %dma_start3A_107] : memref<2x128x256xf32, #tpu.memory_space<vmem>> -> memref<1x128x256xf32, #tpu.memory_space<vmem>>
      %dma_start3A_109 = tpu.memref_squeeze %dma_start3A_108 : memref<1x128x256xf32, #tpu.memory_space<vmem>> -> memref<128x256xf32, #tpu.memory_space<vmem>>
      %dma_start3A_110 = arith.constant 0 : i32
      %dma_start3A_111 = tpu.memref_slice %arg3[%mul3A_106, %dma_start3A_110] : memref<4096x1024xf32, #tpu.memory_space<hbm>> -> memref<128x256xf32, #tpu.memory_space<hbm>>
      %dma_start3A_112 = tpu.memref_slice %run_scoped3A_70[%rem3A_104] : memref<2x!tpu.dma_semaphore, #tpu.memory_space<semaphore_mem>> -> memref<1x!tpu.dma_semaphore, #tpu.memory_space<semaphore_mem>>
      %dma_start3A_113 = tpu.memref_squeeze %dma_start3A_112 : memref<1x!tpu.dma_semaphore, #tpu.memory_space<semaphore_mem>> -> memref<!tpu.dma_semaphore, #tpu.memory_space<semaphore_mem>>
      %dma_start3A_114 = arith.constant 0 : i32
      %dma_start3A_115 = arith.constant 0 : i32
      %dma_start3A_116 = tpu.memref_slice %run_scoped3A[%rem3A_104, %dma_start3A_114, %dma_start3A_115] : memref<2x128x256xf32, #tpu.memory_space<vmem>> -> memref<1x128x256xf32, #tpu.memory_space<vmem>>
      %dma_start3A_117 = tpu.memref_squeeze %dma_start3A_116 : memref<1x128x256xf32, #tpu.memory_space<vmem>> -> memref<128x256xf32, #tpu.memory_space<vmem>>
      %dma_start3A_118 = arith.constant 0 : i32
      %dma_start3A_119 = tpu.memref_slice %arg3[%mul3A_106, %dma_start3A_118] : memref<4096x1024xf32, #tpu.memory_space<hbm>> -> memref<128x256xf32, #tpu.memory_space<hbm>>
      tpu.enqueue_dma source(%dma_start3A_119 : memref<128x256xf32, #tpu.memory_space<hbm>>) target(%dma_start3A_117 : memref<128x256xf32, #tpu.memory_space<vmem>>) target_semaphore(%dma_start3A_113 : memref<!tpu.dma_semaphore, #tpu.memory_space<semaphore_mem>>)
      %add3A_120 = arith.constant 0 : i32
      %add3A_121 = arith.constant 1 : i32
      %add3A_122 = arith.addi %add3A_120, %add3A_121 : i32
      %select_n3A_123 = arith.constant true
      %select_n3A_124 = arith.constant 0 : i32
      %select_n3A_125 = arith.select %select_n3A_123, %add3A_122, %select_n3A_124 : i32
      %rem3A_126 = arith.constant 0 : i32
      %rem3A_127 = arith.constant 2 : i32
      %rem3A_128 = arith.remui %rem3A_126, %rem3A_127 : i32
      %mul3A_129 = arith.constant 128 : i32
      %mul3A_130 = arith.muli %mul3A_129, %add3A_74 : i32
      %dma_start3A_131 = arith.constant 0 : i32
      %dma_start3A_132 = arith.constant 0 : i32
      %dma_start3A_133 = tpu.memref_slice %run_scoped3A_71[%rem3A_128, %dma_start3A_131, %dma_start3A_132] : memref<2x1x128xi32, #tpu.memory_space<vmem>> -> memref<1x1x128xi32, #tpu.memory_space<vmem>>
      %dma_start3A_134 = tpu.memref_squeeze %dma_start3A_133 : memref<1x1x128xi32, #tpu.memory_space<vmem>> -> memref<1x128xi32, #tpu.memory_space<vmem>>
      %dma_start3A_135 = arith.constant 0 : i32
      %dma_start3A_136 = tpu.memref_slice %arg5[%dma_start3A_135, %mul3A_130] : memref<1x4096xi32, #tpu.memory_space<hbm>> -> memref<1x128xi32, #tpu.memory_space<hbm>>
      %dma_start3A_137 = tpu.memref_slice %run_scoped3A_72[%rem3A_128] : memref<2x!tpu.dma_semaphore, #tpu.memory_space<semaphore_mem>> -> memref<1x!tpu.dma_semaphore, #tpu.memory_space<semaphore_mem>>
      %dma_start3A_138 = tpu.memref_squeeze %dma_start3A_137 : memref<1x!tpu.dma_semaphore, #tpu.memory_space<semaphore_mem>> -> memref<!tpu.dma_semaphore, #tpu.memory_space<semaphore_mem>>
      %dma_start3A_139 = arith.constant 0 : i32
      %dma_start3A_140 = arith.constant 0 : i32
      %dma_start3A_141 = tpu.memref_slice %run_scoped3A_71[%rem3A_128, %dma_start3A_139, %dma_start3A_140] : memref<2x1x128xi32, #tpu.memory_space<vmem>> -> memref<1x1x128xi32, #tpu.memory_space<vmem>>
      %dma_start3A_142 = tpu.memref_squeeze %dma_start3A_141 : memref<1x1x128xi32, #tpu.memory_space<vmem>> -> memref<1x128xi32, #tpu.memory_space<vmem>>
      %dma_start3A_143 = arith.constant 0 : i32
      %dma_start3A_144 = tpu.memref_slice %arg5[%dma_start3A_143, %mul3A_130] : memref<1x4096xi32, #tpu.memory_space<hbm>> -> memref<1x128xi32, #tpu.memory_space<hbm>>
      tpu.enqueue_dma source(%dma_start3A_144 : memref<1x128xi32, #tpu.memory_space<hbm>>) target(%dma_start3A_142 : memref<1x128xi32, #tpu.memory_space<vmem>>) target_semaphore(%dma_start3A_138 : memref<!tpu.dma_semaphore, #tpu.memory_space<semaphore_mem>>)
      %add3A_145 = arith.constant 0 : i32
      %add3A_146 = arith.constant 1 : i32
      %add3A_147 = arith.addi %add3A_145, %add3A_146 : i32
      %select_n3A_148 = arith.constant true
      %select_n3A_149 = arith.constant 0 : i32
      %select_n3A_150 = arith.select %select_n3A_148, %add3A_147, %select_n3A_149 : i32
      "tpu.trace_stop"() : () -> ()
      %scan3A = arith.constant 0 : i32
      %scan3A_151 = arith.constant 0 : i32
      %scan3A_152 = arith.constant 0 : i32
      %scan3A_153 = arith.constant 0 : i32
      %eq3A_154 = arith.constant 0 : i32
      %eq3A_155 = arith.cmpi eq, %scan3A_153, %eq3A_154 : i32
      %eq3A_156 = arith.constant 0 : i32
      %eq3A_157 = arith.cmpi eq, %scan3A_153, %eq3A_156 : i32
      %add3A_158 = arith.constant 0 : i32
      %add3A_159 = arith.addi %add3A_158, %mul3A_15 : i32
      %select_n3A_160 = arith.constant true
      %select_n3A_161 = arith.constant 0 : i32
      %select_n3A_162 = arith.constant -1 : i32
      %select_n3A_163 = arith.select %select_n3A_160, %select_n3A_162, %select_n3A_161 : i32
      %eq3A_164 = arith.constant -1 : i32
      %eq3A_165 = arith.cmpi eq, %select_n3A_163, %eq3A_164 : i32
      %select_n3A_166 = arith.constant 0 : i32
      %select_n3A_167 = arith.select %eq3A_165, %select_n3A_166, %select_n3A_163 : i32
      %add3A_168 = arith.constant 0 : i32
      %add3A_169 = arith.addi %add3A_168, %mul3A_15 : i32
      %select_n3A_170 = arith.constant true
      %select_n3A_171 = arith.constant 0 : i32
      %select_n3A_172 = arith.constant 1 : i32
      %select_n3A_173 = arith.select %select_n3A_170, %select_n3A_172, %select_n3A_171 : i32
      %eq3A_174 = arith.constant 1 : i32
      %eq3A_175 = arith.cmpi eq, %select_n3A_173, %eq3A_174 : i32
      %select_n3A_176 = arith.constant 0 : i32
      %select_n3A_177 = arith.select %eq3A_175, %select_n3A_176, %select_n3A_173 : i32
      %add3A_178 = arith.constant 0 : i32
      %add3A_179 = arith.addi %add3A_178, %mul3A_15 : i32
      %select_n3A_180 = arith.constant true
      %select_n3A_181 = arith.constant 0 : i32
      %select_n3A_182 = arith.constant 1 : i32
      %select_n3A_183 = arith.select %select_n3A_180, %select_n3A_182, %select_n3A_181 : i32
      %eq3A_184 = arith.constant 1 : i32
      %eq3A_185 = arith.cmpi eq, %select_n3A_183, %eq3A_184 : i32
      %select_n3A_186 = arith.constant 0 : i32
      %select_n3A_187 = arith.select %eq3A_185, %select_n3A_186, %select_n3A_183 : i32
      %add3A_188 = arith.constant 0 : i32
      %add3A_189 = arith.addi %add3A_188, %mul3A_15 : i32
      %ne3A = arith.cmpi ne, %add3A_159, %add3A_179 : i32
      %or3A = arith.constant false
      %or3A_190 = arith.ori %or3A, %ne3A : i1
      %or3A_191 = arith.constant false
      %or3A_192 = arith.ori %or3A_190, %or3A_191 : i1
      %ge3A = arith.constant 0 : i32
      %ge3A_193 = arith.cmpi sge, %scan3A_153, %ge3A : i32
      %not3A = arith.constant true
      %not3A_194 = arith.xori %ge3A_193, %not3A : i1
      %and3A = arith.andi %or3A_192, %not3A_194 : i1
      %convert_element_type3A = arith.extui %and3A : i1 to i32
      %cond3A = arith.constant 0 : i32
      %cond3A_195 = arith.cmpi ne, %convert_element_type3A, %cond3A : i32
      scf.if %cond3A_195 {
        "tpu.trace_start"() <{level = 10 : i32, message = "ep_copy_in"}> : () -> ()
        %rem3A_347 = arith.constant 2 : i32
        %rem3A_348 = arith.remui %select_n3A_125, %rem3A_347 : i32
        %mul3A_349 = arith.constant 128 : i32
        %mul3A_350 = arith.muli %mul3A_349, %add3A_179 : i32
        %dma_start3A_351 = arith.constant 0 : i32
        %dma_start3A_352 = arith.constant 0 : i32
        %dma_start3A_353 = tpu.memref_slice %run_scoped3A[%rem3A_348, %dma_start3A_351, %dma_start3A_352] : memref<2x128x256xf32, #tpu.memory_space<vmem>> -> memref<1x128x256xf32, #tpu.memory_space<vmem>>
        %dma_start3A_354 = tpu.memref_squeeze %dma_start3A_353 : memref<1x128x256xf32, #tpu.memory_space<vmem>> -> memref<128x256xf32, #tpu.memory_space<vmem>>
        %dma_start3A_355 = arith.constant 0 : i32
        %dma_start3A_356 = tpu.memref_slice %arg3[%mul3A_350, %dma_start3A_355] : memref<4096x1024xf32, #tpu.memory_space<hbm>> -> memref<128x256xf32, #tpu.memory_space<hbm>>
        %dma_start3A_357 = tpu.memref_slice %run_scoped3A_70[%rem3A_348] : memref<2x!tpu.dma_semaphore, #tpu.memory_space<semaphore_mem>> -> memref<1x!tpu.dma_semaphore, #tpu.memory_space<semaphore_mem>>
        %dma_start3A_358 = tpu.memref_squeeze %dma_start3A_357 : memref<1x!tpu.dma_semaphore, #tpu.memory_space<semaphore_mem>> -> memref<!tpu.dma_semaphore, #tpu.memory_space<semaphore_mem>>
        %dma_start3A_359 = arith.constant 0 : i32
        %dma_start3A_360 = arith.constant 0 : i32
        %dma_start3A_361 = tpu.memref_slice %run_scoped3A[%rem3A_348, %dma_start3A_359, %dma_start3A_360] : memref<2x128x256xf32, #tpu.memory_space<vmem>> -> memref<1x128x256xf32, #tpu.memory_space<vmem>>
        %dma_start3A_362 = tpu.memref_squeeze %dma_start3A_361 : memref<1x128x256xf32, #tpu.memory_space<vmem>> -> memref<128x256xf32, #tpu.memory_space<vmem>>
        %dma_start3A_363 = arith.constant 0 : i32
        %dma_start3A_364 = tpu.memref_slice %arg3[%mul3A_350, %dma_start3A_363] : memref<4096x1024xf32, #tpu.memory_space<hbm>> -> memref<128x256xf32, #tpu.memory_space<hbm>>
        tpu.enqueue_dma source(%dma_start3A_364 : memref<128x256xf32, #tpu.memory_space<hbm>>) target(%dma_start3A_362 : memref<128x256xf32, #tpu.memory_space<vmem>>) target_semaphore(%dma_start3A_358 : memref<!tpu.dma_semaphore, #tpu.memory_space<semaphore_mem>>)
        "tpu.trace_stop"() : () -> ()
      } else {
      }
      %and3A_196 = arith.constant true
      %and3A_197 = arith.andi %and3A, %and3A_196 : i1
      %add3A_198 = arith.constant 1 : i32
      %add3A_199 = arith.addi %select_n3A_125, %add3A_198 : i32
      %select_n3A_200 = arith.select %and3A_197, %add3A_199, %select_n3A_125 : i32
      %ne3A_201 = arith.cmpi ne, %add3A_159, %add3A_179 : i32
      %or3A_202 = arith.constant false
      %or3A_203 = arith.ori %or3A_202, %ne3A_201 : i1
      %ge3A_204 = arith.constant 0 : i32
      %ge3A_205 = arith.cmpi sge, %scan3A_153, %ge3A_204 : i32
      %not3A_206 = arith.constant true
      %not3A_207 = arith.xori %ge3A_205, %not3A_206 : i1
      %and3A_208 = arith.andi %or3A_203, %not3A_207 : i1
      %convert_element_type3A_209 = arith.extui %and3A_208 : i1 to i32
      %cond3A_210 = arith.constant 0 : i32
      %cond3A_211 = arith.cmpi ne, %convert_element_type3A_209, %cond3A_210 : i32
      scf.if %cond3A_211 {
        "tpu.trace_start"() <{level = 10 : i32, message = "ep_copy_in"}> : () -> ()
        %rem3A_347 = arith.constant 2 : i32
        %rem3A_348 = arith.remui %select_n3A_150, %rem3A_347 : i32
        %mul3A_349 = arith.constant 128 : i32
        %mul3A_350 = arith.muli %mul3A_349, %add3A_179 : i32
        %dma_start3A_351 = arith.constant 0 : i32
        %dma_start3A_352 = arith.constant 0 : i32
        %dma_start3A_353 = tpu.memref_slice %run_scoped3A_71[%rem3A_348, %dma_start3A_351, %dma_start3A_352] : memref<2x1x128xi32, #tpu.memory_space<vmem>> -> memref<1x1x128xi32, #tpu.memory_space<vmem>>
        %dma_start3A_354 = tpu.memref_squeeze %dma_start3A_353 : memref<1x1x128xi32, #tpu.memory_space<vmem>> -> memref<1x128xi32, #tpu.memory_space<vmem>>
        %dma_start3A_355 = arith.constant 0 : i32
        %dma_start3A_356 = tpu.memref_slice %arg5[%dma_start3A_355, %mul3A_350] : memref<1x4096xi32, #tpu.memory_space<hbm>> -> memref<1x128xi32, #tpu.memory_space<hbm>>
        %dma_start3A_357 = tpu.memref_slice %run_scoped3A_72[%rem3A_348] : memref<2x!tpu.dma_semaphore, #tpu.memory_space<semaphore_mem>> -> memref<1x!tpu.dma_semaphore, #tpu.memory_space<semaphore_mem>>
        %dma_start3A_358 = tpu.memref_squeeze %dma_start3A_357 : memref<1x!tpu.dma_semaphore, #tpu.memory_space<semaphore_mem>> -> memref<!tpu.dma_semaphore, #tpu.memory_space<semaphore_mem>>
        %dma_start3A_359 = arith.constant 0 : i32
        %dma_start3A_360 = arith.constant 0 : i32
        %dma_start3A_361 = tpu.memref_slice %run_scoped3A_71[%rem3A_348, %dma_start3A_359, %dma_start3A_360] : memref<2x1x128xi32, #tpu.memory_space<vmem>> -> memref<1x1x128xi32, #tpu.memory_space<vmem>>
        %dma_start3A_362 = tpu.memref_squeeze %dma_start3A_361 : memref<1x1x128xi32, #tpu.memory_space<vmem>> -> memref<1x128xi32, #tpu.memory_space<vmem>>
        %dma_start3A_363 = arith.constant 0 : i32
        %dma_start3A_364 = tpu.memref_slice %arg5[%dma_start3A_363, %mul3A_350] : memref<1x4096xi32, #tpu.memory_space<hbm>> -> memref<1x128xi32, #tpu.memory_space<hbm>>
        tpu.enqueue_dma source(%dma_start3A_364 : memref<1x128xi32, #tpu.memory_space<hbm>>) target(%dma_start3A_362 : memref<1x128xi32, #tpu.memory_space<vmem>>) target_semaphore(%dma_start3A_358 : memref<!tpu.dma_semaphore, #tpu.memory_space<semaphore_mem>>)
        "tpu.trace_stop"() : () -> ()
      } else {
      }
      %and3A_212 = arith.constant true
      %and3A_213 = arith.andi %and3A_208, %and3A_212 : i1
      %add3A_214 = arith.constant 1 : i32
      %add3A_215 = arith.addi %select_n3A_150, %add3A_214 : i32
      %select_n3A_216 = arith.select %and3A_213, %add3A_215, %select_n3A_150 : i32
      %ne3A_217 = arith.cmpi ne, %add3A_159, %add3A_169 : i32
      %or3A_218 = arith.constant false
      %or3A_219 = arith.ori %or3A_218, %ne3A_217 : i1
      %or3A_220 = arith.constant false
      %or3A_221 = arith.ori %or3A_219, %or3A_220 : i1
      %or3A_222 = arith.ori %or3A_221, %eq3A_155 : i1
      %convert_element_type3A_223 = arith.extui %or3A_222 : i1 to i32
      %cond3A_224 = arith.constant 0 : i32
      %cond3A_225 = arith.cmpi ne, %convert_element_type3A_223, %cond3A_224 : i32
      scf.if %cond3A_225 {
        "tpu.trace_start"() <{level = 10 : i32, message = "ep_wait_in"}> : () -> ()
        %mul3A_347 = arith.constant 128 : i32
        %mul3A_348 = arith.muli %mul3A_347, %add3A_159 : i32
        %rem3A_349 = arith.constant 2 : i32
        %rem3A_350 = arith.remui %scan3A, %rem3A_349 : i32
        %dma_wait3A = arith.constant 0 : i32
        %dma_wait3A_351 = arith.constant 0 : i32
        %dma_wait3A_352 = tpu.memref_slice %run_scoped3A[%rem3A_350, %dma_wait3A, %dma_wait3A_351] : memref<2x128x256xf32, #tpu.memory_space<vmem>> -> memref<1x128x256xf32, #tpu.memory_space<vmem>>
        %dma_wait3A_353 = tpu.memref_squeeze %dma_wait3A_352 : memref<1x128x256xf32, #tpu.memory_space<vmem>> -> memref<128x256xf32, #tpu.memory_space<vmem>>
        %dma_wait3A_354 = arith.constant 0 : i32
        %dma_wait3A_355 = tpu.memref_slice %arg3[%mul3A_348, %dma_wait3A_354] : memref<4096x1024xf32, #tpu.memory_space<hbm>> -> memref<128x256xf32, #tpu.memory_space<hbm>>
        %dma_wait3A_356 = tpu.memref_slice %run_scoped3A_70[%rem3A_350] : memref<2x!tpu.dma_semaphore, #tpu.memory_space<semaphore_mem>> -> memref<1x!tpu.dma_semaphore, #tpu.memory_space<semaphore_mem>>
        %dma_wait3A_357 = tpu.memref_squeeze %dma_wait3A_356 : memref<1x!tpu.dma_semaphore, #tpu.memory_space<semaphore_mem>> -> memref<!tpu.dma_semaphore, #tpu.memory_space<semaphore_mem>>
        %dma_wait3A_358 = arith.constant 0 : i32
        %dma_wait3A_359 = arith.constant 0 : i32
        %dma_wait3A_360 = tpu.memref_slice %run_scoped3A[%rem3A_350, %dma_wait3A_358, %dma_wait3A_359] : memref<2x128x256xf32, #tpu.memory_space<vmem>> -> memref<1x128x256xf32, #tpu.memory_space<vmem>>
        %dma_wait3A_361 = tpu.memref_squeeze %dma_wait3A_360 : memref<1x128x256xf32, #tpu.memory_space<vmem>> -> memref<128x256xf32, #tpu.memory_space<vmem>>
        %dma_wait3A_362 = arith.constant 0 : i32
        %dma_wait3A_363 = tpu.memref_slice %arg3[%mul3A_348, %dma_wait3A_362] : memref<4096x1024xf32, #tpu.memory_space<hbm>> -> memref<128x256xf32, #tpu.memory_space<hbm>>
        tpu.wait_dma2 semaphore(%dma_wait3A_357 : memref<!tpu.dma_semaphore, #tpu.memory_space<semaphore_mem>>) src(%dma_wait3A_363 : memref<128x256xf32, #tpu.memory_space<hbm>>) dst(%dma_wait3A_361 : memref<128x256xf32, #tpu.memory_space<vmem>>)
        "tpu.trace_stop"() : () -> ()
      } else {
      }
      %ne3A_226 = arith.cmpi ne, %add3A_159, %add3A_169 : i32
      %or3A_227 = arith.constant false
      %or3A_228 = arith.ori %or3A_227, %ne3A_226 : i1
      %or3A_229 = arith.ori %or3A_228, %eq3A_155 : i1
      %convert_element_type3A_230 = arith.extui %or3A_229 : i1 to i32
      %cond3A_231 = arith.constant 0 : i32
      %cond3A_232 = arith.cmpi ne, %convert_element_type3A_230, %cond3A_231 : i32
      scf.if %cond3A_232 {
        "tpu.trace_start"() <{level = 10 : i32, message = "ep_wait_in"}> : () -> ()
        %mul3A_347 = arith.constant 128 : i32
        %mul3A_348 = arith.muli %mul3A_347, %add3A_159 : i32
        %rem3A_349 = arith.constant 2 : i32
        %rem3A_350 = arith.remui %scan3A_151, %rem3A_349 : i32
        %dma_wait3A = arith.constant 0 : i32
        %dma_wait3A_351 = arith.constant 0 : i32
        %dma_wait3A_352 = tpu.memref_slice %run_scoped3A_71[%rem3A_350, %dma_wait3A, %dma_wait3A_351] : memref<2x1x128xi32, #tpu.memory_space<vmem>> -> memref<1x1x128xi32, #tpu.memory_space<vmem>>
        %dma_wait3A_353 = tpu.memref_squeeze %dma_wait3A_352 : memref<1x1x128xi32, #tpu.memory_space<vmem>> -> memref<1x128xi32, #tpu.memory_space<vmem>>
        %dma_wait3A_354 = arith.constant 0 : i32
        %dma_wait3A_355 = tpu.memref_slice %arg5[%dma_wait3A_354, %mul3A_348] : memref<1x4096xi32, #tpu.memory_space<hbm>> -> memref<1x128xi32, #tpu.memory_space<hbm>>
        %dma_wait3A_356 = tpu.memref_slice %run_scoped3A_72[%rem3A_350] : memref<2x!tpu.dma_semaphore, #tpu.memory_space<semaphore_mem>> -> memref<1x!tpu.dma_semaphore, #tpu.memory_space<semaphore_mem>>
        %dma_wait3A_357 = tpu.memref_squeeze %dma_wait3A_356 : memref<1x!tpu.dma_semaphore, #tpu.memory_space<semaphore_mem>> -> memref<!tpu.dma_semaphore, #tpu.memory_space<semaphore_mem>>
        %dma_wait3A_358 = arith.constant 0 : i32
        %dma_wait3A_359 = arith.constant 0 : i32
        %dma_wait3A_360 = tpu.memref_slice %run_scoped3A_71[%rem3A_350, %dma_wait3A_358, %dma_wait3A_359] : memref<2x1x128xi32, #tpu.memory_space<vmem>> -> memref<1x1x128xi32, #tpu.memory_space<vmem>>
        %dma_wait3A_361 = tpu.memref_squeeze %dma_wait3A_360 : memref<1x1x128xi32, #tpu.memory_space<vmem>> -> memref<1x128xi32, #tpu.memory_space<vmem>>
        %dma_wait3A_362 = arith.constant 0 : i32
        %dma_wait3A_363 = tpu.memref_slice %arg5[%dma_wait3A_362, %mul3A_348] : memref<1x4096xi32, #tpu.memory_space<hbm>> -> memref<1x128xi32, #tpu.memory_space<hbm>>
        tpu.wait_dma2 semaphore(%dma_wait3A_357 : memref<!tpu.dma_semaphore, #tpu.memory_space<semaphore_mem>>) src(%dma_wait3A_363 : memref<1x128xi32, #tpu.memory_space<hbm>>) dst(%dma_wait3A_361 : memref<1x128xi32, #tpu.memory_space<vmem>>)
        "tpu.trace_stop"() : () -> ()
      } else {
      }
      %rem3A_233 = arith.constant 2 : i32
      %rem3A_234 = arith.remui %scan3A, %rem3A_233 : i32
      %rem3A_235 = arith.constant 2 : i32
      %rem3A_236 = arith.remui %scan3A_151, %rem3A_235 : i32
      %run_scoped3A_237 = arith.constant 0 : i32
      "tpu.trace_start"() <{level = 10 : i32, message = "ep_run_kernel"}> : () -> ()
      "tpu.region"() ({
        %run_scoped3A_347 = tpu.sem_alloc : memref<!tpu.dma_semaphore, #tpu.memory_space<semaphore_mem>>
        %dma_start3A_348 = arith.constant 0 : i32
        %dma_start3A_349 = arith.constant 0 : i32
        %dma_start3A_350 = tpu.memref_slice %run_scoped3A[%rem3A_234, %dma_start3A_348, %dma_start3A_349] : memref<2x128x256xf32, #tpu.memory_space<vmem>> -> memref<1x128x256xf32, #tpu.memory_space<vmem>>
        %dma_start3A_351 = tpu.memref_squeeze %dma_start3A_350 : memref<1x128x256xf32, #tpu.memory_space<vmem>> -> memref<128x256xf32, #tpu.memory_space<vmem>>
        %dma_start3A_352 = arith.constant 0 : i32
        %dma_start3A_353 = arith.constant 0 : i32
        %dma_start3A_354 = tpu.memref_slice %run_scoped3A_71[%rem3A_236, %dma_start3A_352, %dma_start3A_353] : memref<2x1x128xi32, #tpu.memory_space<vmem>> -> memref<1x1x128xi32, #tpu.memory_space<vmem>>
        %dma_start3A_355 = tpu.memref_squeeze %dma_start3A_354 : memref<1x1x128xi32, #tpu.memory_space<vmem>> -> memref<1x128xi32, #tpu.memory_space<vmem>>
        %dma_start3A_356 = arith.constant 0 : i32
        %dma_start3A_357 = tpu.memref_slice %dma_start3A_355[%run_scoped3A_237, %dma_start3A_356] : memref<1x128xi32, #tpu.memory_space<vmem>> -> memref<1x128xi32, #tpu.memory_space<vmem>>
        %dma_start3A_358 = tpu.memref_squeeze %dma_start3A_357 : memref<1x128xi32, #tpu.memory_space<vmem>> -> memref<128xi32, #tpu.memory_space<vmem>>
        %dma_start3A_359 = arith.constant 0 : i32
        %dma_start3A_360 = arith.constant 0 : i32
        %dma_start3A_361 = tpu.memref_slice %arg6[%dma_start3A_359, %dma_start3A_360] : memref<12288x256xf32, #tpu.memory_space<hbm>> -> memref<12288x256xf32, #tpu.memory_space<hbm>>
        tpu.enqueue_indirect_dma source(%dma_start3A_351 : memref<128x256xf32, #tpu.memory_space<vmem>>) target(%dma_start3A_361 : memref<12288x256xf32, #tpu.memory_space<hbm>>) offsets(%dma_start3A_358 : memref<128xi32, #tpu.memory_space<vmem>>) semaphore(%run_scoped3A_347 : memref<!tpu.dma_semaphore, #tpu.memory_space<semaphore_mem>>)
        %dma_wait3A = arith.constant 0 : i32
        %dma_wait3A_362 = arith.constant 0 : i32
        %dma_wait3A_363 = tpu.memref_slice %run_scoped3A[%rem3A_234, %dma_wait3A, %dma_wait3A_362] : memref<2x128x256xf32, #tpu.memory_space<vmem>> -> memref<1x128x256xf32, #tpu.memory_space<vmem>>
        %dma_wait3A_364 = tpu.memref_squeeze %dma_wait3A_363 : memref<1x128x256xf32, #tpu.memory_space<vmem>> -> memref<128x256xf32, #tpu.memory_space<vmem>>
        %dma_wait3A_365 = arith.constant 0 : i32
        %dma_wait3A_366 = arith.constant 0 : i32
        %dma_wait3A_367 = tpu.memref_slice %run_scoped3A_71[%rem3A_236, %dma_wait3A_365, %dma_wait3A_366] : memref<2x1x128xi32, #tpu.memory_space<vmem>> -> memref<1x1x128xi32, #tpu.memory_space<vmem>>
        %dma_wait3A_368 = tpu.memref_squeeze %dma_wait3A_367 : memref<1x1x128xi32, #tpu.memory_space<vmem>> -> memref<1x128xi32, #tpu.memory_space<vmem>>
        %dma_wait3A_369 = arith.constant 0 : i32
        %dma_wait3A_370 = tpu.memref_slice %dma_wait3A_368[%run_scoped3A_237, %dma_wait3A_369] : memref<1x128xi32, #tpu.memory_space<vmem>> -> memref<1x128xi32, #tpu.memory_space<vmem>>
        %dma_wait3A_371 = tpu.memref_squeeze %dma_wait3A_370 : memref<1x128xi32, #tpu.memory_space<vmem>> -> memref<128xi32, #tpu.memory_space<vmem>>
        %dma_wait3A_372 = arith.constant 0 : i32
        %dma_wait3A_373 = arith.constant 0 : i32
        %dma_wait3A_374 = tpu.memref_slice %arg6[%dma_wait3A_372, %dma_wait3A_373] : memref<12288x256xf32, #tpu.memory_space<hbm>> -> memref<12288x256xf32, #tpu.memory_space<hbm>>
        tpu.wait_indirect_dma semaphore(%run_scoped3A_347 : memref<!tpu.dma_semaphore, #tpu.memory_space<semaphore_mem>>) src(%dma_wait3A_364 : memref<128x256xf32, #tpu.memory_space<vmem>>) dst(%dma_wait3A_374 : memref<12288x256xf32, #tpu.memory_space<hbm>>)
        tpu.yield
      }) : () -> ()
      "tpu.trace_stop"() : () -> ()
      %ne3A_238 = arith.cmpi ne, %add3A_159, %add3A_179 : i32
      %or3A_239 = arith.constant false
      %or3A_240 = arith.ori %or3A_239, %ne3A_238 : i1
      %or3A_241 = arith.constant false
      %or3A_242 = arith.ori %or3A_240, %or3A_241 : i1
      %or3A_243 = arith.ori %or3A_242, %eq3A_157 : i1
      %convert_element_type3A_244 = arith.extui %or3A_243 : i1 to i32
      %cond3A_245 = arith.constant 0 : i32
      %cond3A_246 = arith.cmpi ne, %convert_element_type3A_244, %cond3A_245 : i32
      scf.if %cond3A_246 {
      } else {
      }
      %and3A_247 = arith.constant false
      %and3A_248 = arith.andi %or3A_243, %and3A_247 : i1
      %ne3A_249 = arith.cmpi ne, %add3A_159, %add3A_179 : i32
      %or3A_250 = arith.constant false
      %or3A_251 = arith.ori %or3A_250, %ne3A_249 : i1
      %or3A_252 = arith.ori %or3A_251, %eq3A_157 : i1
      %convert_element_type3A_253 = arith.extui %or3A_252 : i1 to i32
      %cond3A_254 = arith.constant 0 : i32
      %cond3A_255 = arith.cmpi ne, %convert_element_type3A_253, %cond3A_254 : i32
      scf.if %cond3A_255 {
      } else {
      }
      %and3A_256 = arith.constant false
      %and3A_257 = arith.andi %or3A_252, %and3A_256 : i1
      %ne3A_258 = arith.cmpi ne, %add3A_159, %add3A_169 : i32
      %or3A_259 = arith.constant false
      %or3A_260 = arith.ori %or3A_259, %ne3A_258 : i1
      %or3A_261 = arith.constant false
      %or3A_262 = arith.ori %or3A_260, %or3A_261 : i1
      %not3A_263 = arith.constant true
      %not3A_264 = arith.xori %eq3A_155, %not3A_263 : i1
      %and3A_265 = arith.andi %or3A_262, %not3A_264 : i1
      %convert_element_type3A_266 = arith.extui %and3A_265 : i1 to i32
      %cond3A_267 = arith.constant 0 : i32
      %cond3A_268 = arith.cmpi ne, %convert_element_type3A_266, %cond3A_267 : i32
      scf.if %cond3A_268 {
      } else {
      }
      %and3A_269 = arith.constant false
      %and3A_270 = arith.andi %and3A_265, %and3A_269 : i1
      %ne3A_271 = arith.cmpi ne, %add3A_159, %add3A_169 : i32
      %or3A_272 = arith.constant false
      %or3A_273 = arith.ori %or3A_272, %ne3A_271 : i1
      %not3A_274 = arith.constant true
      %not3A_275 = arith.xori %eq3A_155, %not3A_274 : i1
      %and3A_276 = arith.andi %or3A_273, %not3A_275 : i1
      %convert_element_type3A_277 = arith.extui %and3A_276 : i1 to i32
      %cond3A_278 = arith.constant 0 : i32
      %cond3A_279 = arith.cmpi ne, %convert_element_type3A_277, %cond3A_278 : i32
      scf.if %cond3A_279 {
      } else {
      }
      %and3A_280 = arith.constant false
      %and3A_281 = arith.andi %and3A_276, %and3A_280 : i1
      %ne3A_282 = arith.cmpi ne, %add3A_159, %add3A_179 : i32
      %or3A_283 = arith.constant false
      %or3A_284 = arith.ori %or3A_283, %ne3A_282 : i1
      %or3A_285 = arith.constant false
      %or3A_286 = arith.ori %or3A_284, %or3A_285 : i1
      %or3A_287 = arith.ori %or3A_286, %eq3A_157 : i1
      %add3A_288 = arith.constant 1 : i32
      %add3A_289 = arith.addi %scan3A, %add3A_288 : i32
      %select_n3A_290 = arith.select %or3A_287, %add3A_289, %scan3A : i32
      %ne3A_291 = arith.cmpi ne, %add3A_159, %add3A_179 : i32
      %or3A_292 = arith.constant false
      %or3A_293 = arith.ori %or3A_292, %ne3A_291 : i1
      %or3A_294 = arith.ori %or3A_293, %eq3A_157 : i1
      %add3A_295 = arith.constant 1 : i32
      %add3A_296 = arith.addi %scan3A_151, %add3A_295 : i32
      %select_n3A_297 = arith.select %or3A_294, %add3A_296, %scan3A_151 : i32
      %select_n3A_298 = arith.constant true
      %select_n3A_299 = arith.constant 0 : i32
      %select_n3A_300 = arith.constant 1 : i32
      %select_n3A_301 = arith.select %select_n3A_298, %select_n3A_300, %select_n3A_299 : i32
      %eq3A_302 = arith.constant 1 : i32
      %eq3A_303 = arith.cmpi eq, %select_n3A_301, %eq3A_302 : i32
      %select_n3A_304 = arith.constant 0 : i32
      %select_n3A_305 = arith.select %eq3A_303, %select_n3A_304, %select_n3A_301 : i32
      %scan3A_306 = arith.constant 0 : i32
      %scan3A_307 = arith.constant 1 : i32
      %sub3A = arith.constant 1 : i32
      %sub3A_308 = arith.subi %scan3A_306, %sub3A : i32
      %select_n3A_309 = arith.constant true
      %select_n3A_310 = arith.select %select_n3A_309, %sub3A_308, %scan3A_306 : i32
      %eq3A_311 = arith.constant -1 : i32
      %eq3A_312 = arith.cmpi eq, %select_n3A_310, %eq3A_311 : i32
      %select_n3A_313 = arith.constant 0 : i32
      %select_n3A_314 = arith.select %eq3A_312, %select_n3A_313, %select_n3A_310 : i32
      %add3A_315 = arith.constant 0 : i32
      %add3A_316 = arith.addi %add3A_315, %mul3A_15 : i32
      %select_n3A_317 = arith.constant true
      %select_n3A_318 = arith.constant 0 : i32
      %select_n3A_319 = arith.constant -1 : i32
      %select_n3A_320 = arith.select %select_n3A_317, %select_n3A_319, %select_n3A_318 : i32
      %eq3A_321 = arith.constant -1 : i32
      %eq3A_322 = arith.cmpi eq, %select_n3A_320, %eq3A_321 : i32
      %select_n3A_323 = arith.constant 0 : i32
      %select_n3A_324 = arith.select %eq3A_322, %select_n3A_323, %select_n3A_320 : i32
      %add3A_325 = arith.constant 0 : i32
      %add3A_326 = arith.addi %add3A_325, %mul3A_15 : i32
      %select_n3A_327 = arith.constant true
      %select_n3A_328 = arith.constant 0 : i32
      %select_n3A_329 = arith.constant 1 : i32
      %select_n3A_330 = arith.select %select_n3A_327, %select_n3A_329, %select_n3A_328 : i32
      %eq3A_331 = arith.constant 1 : i32
      %eq3A_332 = arith.cmpi eq, %select_n3A_330, %eq3A_331 : i32
      %select_n3A_333 = arith.constant 0 : i32
      %select_n3A_334 = arith.select %eq3A_332, %select_n3A_333, %select_n3A_330 : i32
      %add3A_335 = arith.constant 0 : i32
      %add3A_336 = arith.addi %add3A_335, %mul3A_15 : i32
      %select_n3A_337 = arith.constant true
      %select_n3A_338 = arith.constant 0 : i32
      %select_n3A_339 = arith.constant 1 : i32
      %select_n3A_340 = arith.select %select_n3A_337, %select_n3A_339, %select_n3A_338 : i32
      %eq3A_341 = arith.constant 1 : i32
      %eq3A_342 = arith.cmpi eq, %select_n3A_340, %eq3A_341 : i32
      %select_n3A_343 = arith.constant 0 : i32
      %select_n3A_344 = arith.select %eq3A_342, %select_n3A_343, %select_n3A_340 : i32
      %add3A_345 = arith.constant 0 : i32
      %add3A_346 = arith.addi %add3A_345, %mul3A_15 : i32
      tpu.yield
    }) : () -> ()
    %mul3A_16 = arith.constant 1 : i32
    %mul3A_17 = arith.muli %arg1, %mul3A_16 : i32
    %add3A_18 = arith.constant 0 : i32
    %add3A_19 = arith.addi %add3A_18, %mul3A_17 : i32
    %mul3A_20 = arith.constant 16 : i32
    %mul3A_21 = arith.muli %arg0, %mul3A_20 : i32
    %add3A_22 = arith.addi %add3A_19, %mul3A_21 : i32
    %mul3A_23 = arith.constant 1 : i32
    %mul3A_24 = arith.muli %add3A_22, %mul3A_23 : i32
    "tpu.region"() ({
      %run_scoped3A = memref.alloca() : memref<2x128x256xf32, #tpu.memory_space<vmem>>
      %run_scoped3A_70 = tpu.sem_alloc : memref<2x!tpu.dma_semaphore, #tpu.memory_space<semaphore_mem>>
      %run_scoped3A_71 = memref.alloca() : memref<2x1x128xi32, #tpu.memory_space<vmem>>
      %run_scoped3A_72 = tpu.sem_alloc : memref<2x!tpu.dma_semaphore, #tpu.memory_space<semaphore_mem>>
      %add3A_73 = arith.constant 0 : i32
      %add3A_74 = arith.addi %add3A_73, %mul3A_24 : i32
      %select_n3A = arith.constant true
      %select_n3A_75 = arith.constant 0 : i32
      %select_n3A_76 = arith.constant -1 : i32
      %select_n3A_77 = arith.select %select_n3A, %select_n3A_76, %select_n3A_75 : i32
      %eq3A = arith.constant -1 : i32
      %eq3A_78 = arith.cmpi eq, %select_n3A_77, %eq3A : i32
      %select_n3A_79 = arith.constant 0 : i32
      %select_n3A_80 = arith.select %eq3A_78, %select_n3A_79, %select_n3A_77 : i32
      %add3A_81 = arith.constant 0 : i32
      %add3A_82 = arith.addi %add3A_81, %mul3A_24 : i32
      %select_n3A_83 = arith.constant true
      %select_n3A_84 = arith.constant 0 : i32
      %select_n3A_85 = arith.constant 1 : i32
      %select_n3A_86 = arith.select %select_n3A_83, %select_n3A_85, %select_n3A_84 : i32
      %eq3A_87 = arith.constant 1 : i32
      %eq3A_88 = arith.cmpi eq, %select_n3A_86, %eq3A_87 : i32
      %select_n3A_89 = arith.constant 0 : i32
      %select_n3A_90 = arith.select %eq3A_88, %select_n3A_89, %select_n3A_86 : i32
      %add3A_91 = arith.constant 0 : i32
      %add3A_92 = arith.addi %add3A_91, %mul3A_24 : i32
      %select_n3A_93 = arith.constant true
      %select_n3A_94 = arith.constant 0 : i32
      %select_n3A_95 = arith.constant 1 : i32
      %select_n3A_96 = arith.select %select_n3A_93, %select_n3A_95, %select_n3A_94 : i32
      %eq3A_97 = arith.constant 1 : i32
      %eq3A_98 = arith.cmpi eq, %select_n3A_96, %eq3A_97 : i32
      %select_n3A_99 = arith.constant 0 : i32
      %select_n3A_100 = arith.select %eq3A_98, %select_n3A_99, %select_n3A_96 : i32
      %add3A_101 = arith.constant 0 : i32
      %add3A_102 = arith.addi %add3A_101, %mul3A_24 : i32
      "tpu.trace_start"() <{level = 10 : i32, message = "ep_initialize_0"}> : () -> ()
      %rem3A = arith.constant 0 : i32
      %rem3A_103 = arith.constant 2 : i32
      %rem3A_104 = arith.remui %rem3A, %rem3A_103 : i32
      %mul3A_105 = arith.constant 128 : i32
      %mul3A_106 = arith.muli %mul3A_105, %add3A_74 : i32
      %dma_start3A = arith.constant 0 : i32
      %dma_start3A_107 = arith.constant 0 : i32
      %dma_start3A_108 = tpu.memref_slice %run_scoped3A[%rem3A_104, %dma_start3A, %dma_start3A_107] : memref<2x128x256xf32, #tpu.memory_space<vmem>> -> memref<1x128x256xf32, #tpu.memory_space<vmem>>
      %dma_start3A_109 = tpu.memref_squeeze %dma_start3A_108 : memref<1x128x256xf32, #tpu.memory_space<vmem>> -> memref<128x256xf32, #tpu.memory_space<vmem>>
      %dma_start3A_110 = arith.constant 256 : i32
      %dma_start3A_111 = tpu.memref_slice %arg2[%mul3A_106, %dma_start3A_110] : memref<4096x1024xf32, #tpu.memory_space<hbm>> -> memref<128x256xf32, #tpu.memory_space<hbm>>
      %dma_start3A_112 = tpu.memref_slice %run_scoped3A_70[%rem3A_104] : memref<2x!tpu.dma_semaphore, #tpu.memory_space<semaphore_mem>> -> memref<1x!tpu.dma_semaphore, #tpu.memory_space<semaphore_mem>>
      %dma_start3A_113 = tpu.memref_squeeze %dma_start3A_112 : memref<1x!tpu.dma_semaphore, #tpu.memory_space<semaphore_mem>> -> memref<!tpu.dma_semaphore, #tpu.memory_space<semaphore_mem>>
      %dma_start3A_114 = arith.constant 0 : i32
      %dma_start3A_115 = arith.constant 0 : i32
      %dma_start3A_116 = tpu.memref_slice %run_scoped3A[%rem3A_104, %dma_start3A_114, %dma_start3A_115] : memref<2x128x256xf32, #tpu.memory_space<vmem>> -> memref<1x128x256xf32, #tpu.memory_space<vmem>>
      %dma_start3A_117 = tpu.memref_squeeze %dma_start3A_116 : memref<1x128x256xf32, #tpu.memory_space<vmem>> -> memref<128x256xf32, #tpu.memory_space<vmem>>
      %dma_start3A_118 = arith.constant 256 : i32
      %dma_start3A_119 = tpu.memref_slice %arg2[%mul3A_106, %dma_start3A_118] : memref<4096x1024xf32, #tpu.memory_space<hbm>> -> memref<128x256xf32, #tpu.memory_space<hbm>>
      tpu.enqueue_dma source(%dma_start3A_119 : memref<128x256xf32, #tpu.memory_space<hbm>>) target(%dma_start3A_117 : memref<128x256xf32, #tpu.memory_space<vmem>>) target_semaphore(%dma_start3A_113 : memref<!tpu.dma_semaphore, #tpu.memory_space<semaphore_mem>>)
      %add3A_120 = arith.constant 0 : i32
      %add3A_121 = arith.constant 1 : i32
      %add3A_122 = arith.addi %add3A_120, %add3A_121 : i32
      %select_n3A_123 = arith.constant true
      %select_n3A_124 = arith.constant 0 : i32
      %select_n3A_125 = arith.select %select_n3A_123, %add3A_122, %select_n3A_124 : i32
      %rem3A_126 = arith.constant 0 : i32
      %rem3A_127 = arith.constant 2 : i32
      %rem3A_128 = arith.remui %rem3A_126, %rem3A_127 : i32
      %mul3A_129 = arith.constant 128 : i32
      %mul3A_130 = arith.muli %mul3A_129, %add3A_74 : i32
      %dma_start3A_131 = arith.constant 0 : i32
      %dma_start3A_132 = arith.constant 0 : i32
      %dma_start3A_133 = tpu.memref_slice %run_scoped3A_71[%rem3A_128, %dma_start3A_131, %dma_start3A_132] : memref<2x1x128xi32, #tpu.memory_space<vmem>> -> memref<1x1x128xi32, #tpu.memory_space<vmem>>
      %dma_start3A_134 = tpu.memref_squeeze %dma_start3A_133 : memref<1x1x128xi32, #tpu.memory_space<vmem>> -> memref<1x128xi32, #tpu.memory_space<vmem>>
      %dma_start3A_135 = arith.constant 0 : i32
      %dma_start3A_136 = tpu.memref_slice %arg4[%dma_start3A_135, %mul3A_130] : memref<1x4096xi32, #tpu.memory_space<hbm>> -> memref<1x128xi32, #tpu.memory_space<hbm>>
      %dma_start3A_137 = tpu.memref_slice %run_scoped3A_72[%rem3A_128] : memref<2x!tpu.dma_semaphore, #tpu.memory_space<semaphore_mem>> -> memref<1x!tpu.dma_semaphore, #tpu.memory_space<semaphore_mem>>
      %dma_start3A_138 = tpu.memref_squeeze %dma_start3A_137 : memref<1x!tpu.dma_semaphore, #tpu.memory_space<semaphore_mem>> -> memref<!tpu.dma_semaphore, #tpu.memory_space<semaphore_mem>>
      %dma_start3A_139 = arith.constant 0 : i32
      %dma_start3A_140 = arith.constant 0 : i32
      %dma_start3A_141 = tpu.memref_slice %run_scoped3A_71[%rem3A_128, %dma_start3A_139, %dma_start3A_140] : memref<2x1x128xi32, #tpu.memory_space<vmem>> -> memref<1x1x128xi32, #tpu.memory_space<vmem>>
      %dma_start3A_142 = tpu.memref_squeeze %dma_start3A_141 : memref<1x1x128xi32, #tpu.memory_space<vmem>> -> memref<1x128xi32, #tpu.memory_space<vmem>>
      %dma_start3A_143 = arith.constant 0 : i32
      %dma_start3A_144 = tpu.memref_slice %arg4[%dma_start3A_143, %mul3A_130] : memref<1x4096xi32, #tpu.memory_space<hbm>> -> memref<1x128xi32, #tpu.memory_space<hbm>>
      tpu.enqueue_dma source(%dma_start3A_144 : memref<1x128xi32, #tpu.memory_space<hbm>>) target(%dma_start3A_142 : memref<1x128xi32, #tpu.memory_space<vmem>>) target_semaphore(%dma_start3A_138 : memref<!tpu.dma_semaphore, #tpu.memory_space<semaphore_mem>>)
      %add3A_145 = arith.constant 0 : i32
      %add3A_146 = arith.constant 1 : i32
      %add3A_147 = arith.addi %add3A_145, %add3A_146 : i32
      %select_n3A_148 = arith.constant true
      %select_n3A_149 = arith.constant 0 : i32
      %select_n3A_150 = arith.select %select_n3A_148, %add3A_147, %select_n3A_149 : i32
      "tpu.trace_stop"() : () -> ()
      %scan3A = arith.constant 0 : i32
      %scan3A_151 = arith.constant 0 : i32
      %scan3A_152 = arith.constant 0 : i32
      %scan3A_153 = arith.constant 0 : i32
      %eq3A_154 = arith.constant 0 : i32
      %eq3A_155 = arith.cmpi eq, %scan3A_153, %eq3A_154 : i32
      %eq3A_156 = arith.constant 0 : i32
      %eq3A_157 = arith.cmpi eq, %scan3A_153, %eq3A_156 : i32
      %add3A_158 = arith.constant 0 : i32
      %add3A_159 = arith.addi %add3A_158, %mul3A_24 : i32
      %select_n3A_160 = arith.constant true
      %select_n3A_161 = arith.constant 0 : i32
      %select_n3A_162 = arith.constant -1 : i32
      %select_n3A_163 = arith.select %select_n3A_160, %select_n3A_162, %select_n3A_161 : i32
      %eq3A_164 = arith.constant -1 : i32
      %eq3A_165 = arith.cmpi eq, %select_n3A_163, %eq3A_164 : i32
      %select_n3A_166 = arith.constant 0 : i32
      %select_n3A_167 = arith.select %eq3A_165, %select_n3A_166, %select_n3A_163 : i32
      %add3A_168 = arith.constant 0 : i32
      %add3A_169 = arith.addi %add3A_168, %mul3A_24 : i32
      %select_n3A_170 = arith.constant true
      %select_n3A_171 = arith.constant 0 : i32
      %select_n3A_172 = arith.constant 1 : i32
      %select_n3A_173 = arith.select %select_n3A_170, %select_n3A_172, %select_n3A_171 : i32
      %eq3A_174 = arith.constant 1 : i32
      %eq3A_175 = arith.cmpi eq, %select_n3A_173, %eq3A_174 : i32
      %select_n3A_176 = arith.constant 0 : i32
      %select_n3A_177 = arith.select %eq3A_175, %select_n3A_176, %select_n3A_173 : i32
      %add3A_178 = arith.constant 0 : i32
      %add3A_179 = arith.addi %add3A_178, %mul3A_24 : i32
      %select_n3A_180 = arith.constant true
      %select_n3A_181 = arith.constant 0 : i32
      %select_n3A_182 = arith.constant 1 : i32
      %select_n3A_183 = arith.select %select_n3A_180, %select_n3A_182, %select_n3A_181 : i32
      %eq3A_184 = arith.constant 1 : i32
      %eq3A_185 = arith.cmpi eq, %select_n3A_183, %eq3A_184 : i32
      %select_n3A_186 = arith.constant 0 : i32
      %select_n3A_187 = arith.select %eq3A_185, %select_n3A_186, %select_n3A_183 : i32
      %add3A_188 = arith.constant 0 : i32
      %add3A_189 = arith.addi %add3A_188, %mul3A_24 : i32
      %ne3A = arith.cmpi ne, %add3A_159, %add3A_179 : i32
      %or3A = arith.constant false
      %or3A_190 = arith.ori %or3A, %ne3A : i1
      %or3A_191 = arith.constant false
      %or3A_192 = arith.ori %or3A_190, %or3A_191 : i1
      %ge3A = arith.constant 0 : i32
      %ge3A_193 = arith.cmpi sge, %scan3A_153, %ge3A : i32
      %not3A = arith.constant true
      %not3A_194 = arith.xori %ge3A_193, %not3A : i1
      %and3A = arith.andi %or3A_192, %not3A_194 : i1
      %convert_element_type3A = arith.extui %and3A : i1 to i32
      %cond3A = arith.constant 0 : i32
      %cond3A_195 = arith.cmpi ne, %convert_element_type3A, %cond3A : i32
      scf.if %cond3A_195 {
        "tpu.trace_start"() <{level = 10 : i32, message = "ep_copy_in"}> : () -> ()
        %rem3A_347 = arith.constant 2 : i32
        %rem3A_348 = arith.remui %select_n3A_125, %rem3A_347 : i32
        %mul3A_349 = arith.constant 128 : i32
        %mul3A_350 = arith.muli %mul3A_349, %add3A_179 : i32
        %dma_start3A_351 = arith.constant 0 : i32
        %dma_start3A_352 = arith.constant 0 : i32
        %dma_start3A_353 = tpu.memref_slice %run_scoped3A[%rem3A_348, %dma_start3A_351, %dma_start3A_352] : memref<2x128x256xf32, #tpu.memory_space<vmem>> -> memref<1x128x256xf32, #tpu.memory_space<vmem>>
        %dma_start3A_354 = tpu.memref_squeeze %dma_start3A_353 : memref<1x128x256xf32, #tpu.memory_space<vmem>> -> memref<128x256xf32, #tpu.memory_space<vmem>>
        %dma_start3A_355 = arith.constant 256 : i32
        %dma_start3A_356 = tpu.memref_slice %arg2[%mul3A_350, %dma_start3A_355] : memref<4096x1024xf32, #tpu.memory_space<hbm>> -> memref<128x256xf32, #tpu.memory_space<hbm>>
        %dma_start3A_357 = tpu.memref_slice %run_scoped3A_70[%rem3A_348] : memref<2x!tpu.dma_semaphore, #tpu.memory_space<semaphore_mem>> -> memref<1x!tpu.dma_semaphore, #tpu.memory_space<semaphore_mem>>
        %dma_start3A_358 = tpu.memref_squeeze %dma_start3A_357 : memref<1x!tpu.dma_semaphore, #tpu.memory_space<semaphore_mem>> -> memref<!tpu.dma_semaphore, #tpu.memory_space<semaphore_mem>>
        %dma_start3A_359 = arith.constant 0 : i32
        %dma_start3A_360 = arith.constant 0 : i32
        %dma_start3A_361 = tpu.memref_slice %run_scoped3A[%rem3A_348, %dma_start3A_359, %dma_start3A_360] : memref<2x128x256xf32, #tpu.memory_space<vmem>> -> memref<1x128x256xf32, #tpu.memory_space<vmem>>
        %dma_start3A_362 = tpu.memref_squeeze %dma_start3A_361 : memref<1x128x256xf32, #tpu.memory_space<vmem>> -> memref<128x256xf32, #tpu.memory_space<vmem>>
        %dma_start3A_363 = arith.constant 256 : i32
        %dma_start3A_364 = tpu.memref_slice %arg2[%mul3A_350, %dma_start3A_363] : memref<4096x1024xf32, #tpu.memory_space<hbm>> -> memref<128x256xf32, #tpu.memory_space<hbm>>
        tpu.enqueue_dma source(%dma_start3A_364 : memref<128x256xf32, #tpu.memory_space<hbm>>) target(%dma_start3A_362 : memref<128x256xf32, #tpu.memory_space<vmem>>) target_semaphore(%dma_start3A_358 : memref<!tpu.dma_semaphore, #tpu.memory_space<semaphore_mem>>)
        "tpu.trace_stop"() : () -> ()
      } else {
      }
      %and3A_196 = arith.constant true
      %and3A_197 = arith.andi %and3A, %and3A_196 : i1
      %add3A_198 = arith.constant 1 : i32
      %add3A_199 = arith.addi %select_n3A_125, %add3A_198 : i32
      %select_n3A_200 = arith.select %and3A_197, %add3A_199, %select_n3A_125 : i32
      %ne3A_201 = arith.cmpi ne, %add3A_159, %add3A_179 : i32
      %or3A_202 = arith.constant false
      %or3A_203 = arith.ori %or3A_202, %ne3A_201 : i1
      %ge3A_204 = arith.constant 0 : i32
      %ge3A_205 = arith.cmpi sge, %scan3A_153, %ge3A_204 : i32
      %not3A_206 = arith.constant true
      %not3A_207 = arith.xori %ge3A_205, %not3A_206 : i1
      %and3A_208 = arith.andi %or3A_203, %not3A_207 : i1
      %convert_element_type3A_209 = arith.extui %and3A_208 : i1 to i32
      %cond3A_210 = arith.constant 0 : i32
      %cond3A_211 = arith.cmpi ne, %convert_element_type3A_209, %cond3A_210 : i32
      scf.if %cond3A_211 {
        "tpu.trace_start"() <{level = 10 : i32, message = "ep_copy_in"}> : () -> ()
        %rem3A_347 = arith.constant 2 : i32
        %rem3A_348 = arith.remui %select_n3A_150, %rem3A_347 : i32
        %mul3A_349 = arith.constant 128 : i32
        %mul3A_350 = arith.muli %mul3A_349, %add3A_179 : i32
        %dma_start3A_351 = arith.constant 0 : i32
        %dma_start3A_352 = arith.constant 0 : i32
        %dma_start3A_353 = tpu.memref_slice %run_scoped3A_71[%rem3A_348, %dma_start3A_351, %dma_start3A_352] : memref<2x1x128xi32, #tpu.memory_space<vmem>> -> memref<1x1x128xi32, #tpu.memory_space<vmem>>
        %dma_start3A_354 = tpu.memref_squeeze %dma_start3A_353 : memref<1x1x128xi32, #tpu.memory_space<vmem>> -> memref<1x128xi32, #tpu.memory_space<vmem>>
        %dma_start3A_355 = arith.constant 0 : i32
        %dma_start3A_356 = tpu.memref_slice %arg4[%dma_start3A_355, %mul3A_350] : memref<1x4096xi32, #tpu.memory_space<hbm>> -> memref<1x128xi32, #tpu.memory_space<hbm>>
        %dma_start3A_357 = tpu.memref_slice %run_scoped3A_72[%rem3A_348] : memref<2x!tpu.dma_semaphore, #tpu.memory_space<semaphore_mem>> -> memref<1x!tpu.dma_semaphore, #tpu.memory_space<semaphore_mem>>
        %dma_start3A_358 = tpu.memref_squeeze %dma_start3A_357 : memref<1x!tpu.dma_semaphore, #tpu.memory_space<semaphore_mem>> -> memref<!tpu.dma_semaphore, #tpu.memory_space<semaphore_mem>>
        %dma_start3A_359 = arith.constant 0 : i32
        %dma_start3A_360 = arith.constant 0 : i32
        %dma_start3A_361 = tpu.memref_slice %run_scoped3A_71[%rem3A_348, %dma_start3A_359, %dma_start3A_360] : memref<2x1x128xi32, #tpu.memory_space<vmem>> -> memref<1x1x128xi32, #tpu.memory_space<vmem>>
        %dma_start3A_362 = tpu.memref_squeeze %dma_start3A_361 : memref<1x1x128xi32, #tpu.memory_space<vmem>> -> memref<1x128xi32, #tpu.memory_space<vmem>>
        %dma_start3A_363 = arith.constant 0 : i32
        %dma_start3A_364 = tpu.memref_slice %arg4[%dma_start3A_363, %mul3A_350] : memref<1x4096xi32, #tpu.memory_space<hbm>> -> memref<1x128xi32, #tpu.memory_space<hbm>>
        tpu.enqueue_dma source(%dma_start3A_364 : memref<1x128xi32, #tpu.memory_space<hbm>>) target(%dma_start3A_362 : memref<1x128xi32, #tpu.memory_space<vmem>>) target_semaphore(%dma_start3A_358 : memref<!tpu.dma_semaphore, #tpu.memory_space<semaphore_mem>>)
        "tpu.trace_stop"() : () -> ()
      } else {
      }
      %and3A_212 = arith.constant true
      %and3A_213 = arith.andi %and3A_208, %and3A_212 : i1
      %add3A_214 = arith.constant 1 : i32
      %add3A_215 = arith.addi %select_n3A_150, %add3A_214 : i32
      %select_n3A_216 = arith.select %and3A_213, %add3A_215, %select_n3A_150 : i32
      %ne3A_217 = arith.cmpi ne, %add3A_159, %add3A_169 : i32
      %or3A_218 = arith.constant false
      %or3A_219 = arith.ori %or3A_218, %ne3A_217 : i1
      %or3A_220 = arith.constant false
      %or3A_221 = arith.ori %or3A_219, %or3A_220 : i1
      %or3A_222 = arith.ori %or3A_221, %eq3A_155 : i1
      %convert_element_type3A_223 = arith.extui %or3A_222 : i1 to i32
      %cond3A_224 = arith.constant 0 : i32
      %cond3A_225 = arith.cmpi ne, %convert_element_type3A_223, %cond3A_224 : i32
      scf.if %cond3A_225 {
        "tpu.trace_start"() <{level = 10 : i32, message = "ep_wait_in"}> : () -> ()
        %mul3A_347 = arith.constant 128 : i32
        %mul3A_348 = arith.muli %mul3A_347, %add3A_159 : i32
        %rem3A_349 = arith.constant 2 : i32
        %rem3A_350 = arith.remui %scan3A, %rem3A_349 : i32
        %dma_wait3A = arith.constant 0 : i32
        %dma_wait3A_351 = arith.constant 0 : i32
        %dma_wait3A_352 = tpu.memref_slice %run_scoped3A[%rem3A_350, %dma_wait3A, %dma_wait3A_351] : memref<2x128x256xf32, #tpu.memory_space<vmem>> -> memref<1x128x256xf32, #tpu.memory_space<vmem>>
        %dma_wait3A_353 = tpu.memref_squeeze %dma_wait3A_352 : memref<1x128x256xf32, #tpu.memory_space<vmem>> -> memref<128x256xf32, #tpu.memory_space<vmem>>
        %dma_wait3A_354 = arith.constant 256 : i32
        %dma_wait3A_355 = tpu.memref_slice %arg2[%mul3A_348, %dma_wait3A_354] : memref<4096x1024xf32, #tpu.memory_space<hbm>> -> memref<128x256xf32, #tpu.memory_space<hbm>>
        %dma_wait3A_356 = tpu.memref_slice %run_scoped3A_70[%rem3A_350] : memref<2x!tpu.dma_semaphore, #tpu.memory_space<semaphore_mem>> -> memref<1x!tpu.dma_semaphore, #tpu.memory_space<semaphore_mem>>
        %dma_wait3A_357 = tpu.memref_squeeze %dma_wait3A_356 : memref<1x!tpu.dma_semaphore, #tpu.memory_space<semaphore_mem>> -> memref<!tpu.dma_semaphore, #tpu.memory_space<semaphore_mem>>
        %dma_wait3A_358 = arith.constant 0 : i32
        %dma_wait3A_359 = arith.constant 0 : i32
        %dma_wait3A_360 = tpu.memref_slice %run_scoped3A[%rem3A_350, %dma_wait3A_358, %dma_wait3A_359] : memref<2x128x256xf32, #tpu.memory_space<vmem>> -> memref<1x128x256xf32, #tpu.memory_space<vmem>>
        %dma_wait3A_361 = tpu.memref_squeeze %dma_wait3A_360 : memref<1x128x256xf32, #tpu.memory_space<vmem>> -> memref<128x256xf32, #tpu.memory_space<vmem>>
        %dma_wait3A_362 = arith.constant 256 : i32
        %dma_wait3A_363 = tpu.memref_slice %arg2[%mul3A_348, %dma_wait3A_362] : memref<4096x1024xf32, #tpu.memory_space<hbm>> -> memref<128x256xf32, #tpu.memory_space<hbm>>
        tpu.wait_dma2 semaphore(%dma_wait3A_357 : memref<!tpu.dma_semaphore, #tpu.memory_space<semaphore_mem>>) src(%dma_wait3A_363 : memref<128x256xf32, #tpu.memory_space<hbm>>) dst(%dma_wait3A_361 : memref<128x256xf32, #tpu.memory_space<vmem>>)
        "tpu.trace_stop"() : () -> ()
      } else {
      }
      %ne3A_226 = arith.cmpi ne, %add3A_159, %add3A_169 : i32
      %or3A_227 = arith.constant false
      %or3A_228 = arith.ori %or3A_227, %ne3A_226 : i1
      %or3A_229 = arith.ori %or3A_228, %eq3A_155 : i1
      %convert_element_type3A_230 = arith.extui %or3A_229 : i1 to i32
      %cond3A_231 = arith.constant 0 : i32
      %cond3A_232 = arith.cmpi ne, %convert_element_type3A_230, %cond3A_231 : i32
      scf.if %cond3A_232 {
        "tpu.trace_start"() <{level = 10 : i32, message = "ep_wait_in"}> : () -> ()
        %mul3A_347 = arith.constant 128 : i32
        %mul3A_348 = arith.muli %mul3A_347, %add3A_159 : i32
        %rem3A_349 = arith.constant 2 : i32
        %rem3A_350 = arith.remui %scan3A_151, %rem3A_349 : i32
        %dma_wait3A = arith.constant 0 : i32
        %dma_wait3A_351 = arith.constant 0 : i32
        %dma_wait3A_352 = tpu.memref_slice %run_scoped3A_71[%rem3A_350, %dma_wait3A, %dma_wait3A_351] : memref<2x1x128xi32, #tpu.memory_space<vmem>> -> memref<1x1x128xi32, #tpu.memory_space<vmem>>
        %dma_wait3A_353 = tpu.memref_squeeze %dma_wait3A_352 : memref<1x1x128xi32, #tpu.memory_space<vmem>> -> memref<1x128xi32, #tpu.memory_space<vmem>>
        %dma_wait3A_354 = arith.constant 0 : i32
        %dma_wait3A_355 = tpu.memref_slice %arg4[%dma_wait3A_354, %mul3A_348] : memref<1x4096xi32, #tpu.memory_space<hbm>> -> memref<1x128xi32, #tpu.memory_space<hbm>>
        %dma_wait3A_356 = tpu.memref_slice %run_scoped3A_72[%rem3A_350] : memref<2x!tpu.dma_semaphore, #tpu.memory_space<semaphore_mem>> -> memref<1x!tpu.dma_semaphore, #tpu.memory_space<semaphore_mem>>
        %dma_wait3A_357 = tpu.memref_squeeze %dma_wait3A_356 : memref<1x!tpu.dma_semaphore, #tpu.memory_space<semaphore_mem>> -> memref<!tpu.dma_semaphore, #tpu.memory_space<semaphore_mem>>
        %dma_wait3A_358 = arith.constant 0 : i32
        %dma_wait3A_359 = arith.constant 0 : i32
        %dma_wait3A_360 = tpu.memref_slice %run_scoped3A_71[%rem3A_350, %dma_wait3A_358, %dma_wait3A_359] : memref<2x1x128xi32, #tpu.memory_space<vmem>> -> memref<1x1x128xi32, #tpu.memory_space<vmem>>
        %dma_wait3A_361 = tpu.memref_squeeze %dma_wait3A_360 : memref<1x1x128xi32, #tpu.memory_space<vmem>> -> memref<1x128xi32, #tpu.memory_space<vmem>>
        %dma_wait3A_362 = arith.constant 0 : i32
        %dma_wait3A_363 = tpu.memref_slice %arg4[%dma_wait3A_362, %mul3A_348] : memref<1x4096xi32, #tpu.memory_space<hbm>> -> memref<1x128xi32, #tpu.memory_space<hbm>>
        tpu.wait_dma2 semaphore(%dma_wait3A_357 : memref<!tpu.dma_semaphore, #tpu.memory_space<semaphore_mem>>) src(%dma_wait3A_363 : memref<1x128xi32, #tpu.memory_space<hbm>>) dst(%dma_wait3A_361 : memref<1x128xi32, #tpu.memory_space<vmem>>)
        "tpu.trace_stop"() : () -> ()
      } else {
      }
      %rem3A_233 = arith.constant 2 : i32
      %rem3A_234 = arith.remui %scan3A, %rem3A_233 : i32
      %rem3A_235 = arith.constant 2 : i32
      %rem3A_236 = arith.remui %scan3A_151, %rem3A_235 : i32
      %run_scoped3A_237 = arith.constant 0 : i32
      "tpu.trace_start"() <{level = 10 : i32, message = "ep_run_kernel"}> : () -> ()
      "tpu.region"() ({
        %run_scoped3A_347 = tpu.sem_alloc : memref<!tpu.dma_semaphore, #tpu.memory_space<semaphore_mem>>
        %dma_start3A_348 = arith.constant 0 : i32
        %dma_start3A_349 = arith.constant 0 : i32
        %dma_start3A_350 = tpu.memref_slice %run_scoped3A[%rem3A_234, %dma_start3A_348, %dma_start3A_349] : memref<2x128x256xf32, #tpu.memory_space<vmem>> -> memref<1x128x256xf32, #tpu.memory_space<vmem>>
        %dma_start3A_351 = tpu.memref_squeeze %dma_start3A_350 : memref<1x128x256xf32, #tpu.memory_space<vmem>> -> memref<128x256xf32, #tpu.memory_space<vmem>>
        %dma_start3A_352 = arith.constant 0 : i32
        %dma_start3A_353 = arith.constant 0 : i32
        %dma_start3A_354 = tpu.memref_slice %run_scoped3A_71[%rem3A_236, %dma_start3A_352, %dma_start3A_353] : memref<2x1x128xi32, #tpu.memory_space<vmem>> -> memref<1x1x128xi32, #tpu.memory_space<vmem>>
        %dma_start3A_355 = tpu.memref_squeeze %dma_start3A_354 : memref<1x1x128xi32, #tpu.memory_space<vmem>> -> memref<1x128xi32, #tpu.memory_space<vmem>>
        %dma_start3A_356 = arith.constant 0 : i32
        %dma_start3A_357 = tpu.memref_slice %dma_start3A_355[%run_scoped3A_237, %dma_start3A_356] : memref<1x128xi32, #tpu.memory_space<vmem>> -> memref<1x128xi32, #tpu.memory_space<vmem>>
        %dma_start3A_358 = tpu.memref_squeeze %dma_start3A_357 : memref<1x128xi32, #tpu.memory_space<vmem>> -> memref<128xi32, #tpu.memory_space<vmem>>
        %dma_start3A_359 = arith.constant 0 : i32
        %dma_start3A_360 = arith.constant 0 : i32
        %dma_start3A_361 = tpu.memref_slice %arg7[%dma_start3A_359, %dma_start3A_360] : memref<12288x256xf32, #tpu.memory_space<hbm>> -> memref<12288x256xf32, #tpu.memory_space<hbm>>
        tpu.enqueue_indirect_dma source(%dma_start3A_351 : memref<128x256xf32, #tpu.memory_space<vmem>>) target(%dma_start3A_361 : memref<12288x256xf32, #tpu.memory_space<hbm>>) offsets(%dma_start3A_358 : memref<128xi32, #tpu.memory_space<vmem>>) semaphore(%run_scoped3A_347 : memref<!tpu.dma_semaphore, #tpu.memory_space<semaphore_mem>>)
        %dma_wait3A = arith.constant 0 : i32
        %dma_wait3A_362 = arith.constant 0 : i32
        %dma_wait3A_363 = tpu.memref_slice %run_scoped3A[%rem3A_234, %dma_wait3A, %dma_wait3A_362] : memref<2x128x256xf32, #tpu.memory_space<vmem>> -> memref<1x128x256xf32, #tpu.memory_space<vmem>>
        %dma_wait3A_364 = tpu.memref_squeeze %dma_wait3A_363 : memref<1x128x256xf32, #tpu.memory_space<vmem>> -> memref<128x256xf32, #tpu.memory_space<vmem>>
        %dma_wait3A_365 = arith.constant 0 : i32
        %dma_wait3A_366 = arith.constant 0 : i32
        %dma_wait3A_367 = tpu.memref_slice %run_scoped3A_71[%rem3A_236, %dma_wait3A_365, %dma_wait3A_366] : memref<2x1x128xi32, #tpu.memory_space<vmem>> -> memref<1x1x128xi32, #tpu.memory_space<vmem>>
        %dma_wait3A_368 = tpu.memref_squeeze %dma_wait3A_367 : memref<1x1x128xi32, #tpu.memory_space<vmem>> -> memref<1x128xi32, #tpu.memory_space<vmem>>
        %dma_wait3A_369 = arith.constant 0 : i32
        %dma_wait3A_370 = tpu.memref_slice %dma_wait3A_368[%run_scoped3A_237, %dma_wait3A_369] : memref<1x128xi32, #tpu.memory_space<vmem>> -> memref<1x128xi32, #tpu.memory_space<vmem>>
        %dma_wait3A_371 = tpu.memref_squeeze %dma_wait3A_370 : memref<1x128xi32, #tpu.memory_space<vmem>> -> memref<128xi32, #tpu.memory_space<vmem>>
        %dma_wait3A_372 = arith.constant 0 : i32
        %dma_wait3A_373 = arith.constant 0 : i32
        %dma_wait3A_374 = tpu.memref_slice %arg7[%dma_wait3A_372, %dma_wait3A_373] : memref<12288x256xf32, #tpu.memory_space<hbm>> -> memref<12288x256xf32, #tpu.memory_space<hbm>>
        tpu.wait_indirect_dma semaphore(%run_scoped3A_347 : memref<!tpu.dma_semaphore, #tpu.memory_space<semaphore_mem>>) src(%dma_wait3A_364 : memref<128x256xf32, #tpu.memory_space<vmem>>) dst(%dma_wait3A_374 : memref<12288x256xf32, #tpu.memory_space<hbm>>)
        tpu.yield
      }) : () -> ()
      "tpu.trace_stop"() : () -> ()
      %ne3A_238 = arith.cmpi ne, %add3A_159, %add3A_179 : i32
      %or3A_239 = arith.constant false
      %or3A_240 = arith.ori %or3A_239, %ne3A_238 : i1
      %or3A_241 = arith.constant false
      %or3A_242 = arith.ori %or3A_240, %or3A_241 : i1
      %or3A_243 = arith.ori %or3A_242, %eq3A_157 : i1
      %convert_element_type3A_244 = arith.extui %or3A_243 : i1 to i32
      %cond3A_245 = arith.constant 0 : i32
      %cond3A_246 = arith.cmpi ne, %convert_element_type3A_244, %cond3A_245 : i32
      scf.if %cond3A_246 {
      } else {
      }
      %and3A_247 = arith.constant false
      %and3A_248 = arith.andi %or3A_243, %and3A_247 : i1
      %ne3A_249 = arith.cmpi ne, %add3A_159, %add3A_179 : i32
      %or3A_250 = arith.constant false
      %or3A_251 = arith.ori %or3A_250, %ne3A_249 : i1
      %or3A_252 = arith.ori %or3A_251, %eq3A_157 : i1
      %convert_element_type3A_253 = arith.extui %or3A_252 : i1 to i32
      %cond3A_254 = arith.constant 0 : i32
      %cond3A_255 = arith.cmpi ne, %convert_element_type3A_253, %cond3A_254 : i32
      scf.if %cond3A_255 {
      } else {
      }
      %and3A_256 = arith.constant false
      %and3A_257 = arith.andi %or3A_252, %and3A_256 : i1
      %ne3A_258 = arith.cmpi ne, %add3A_159, %add3A_169 : i32
      %or3A_259 = arith.constant false
      %or3A_260 = arith.ori %or3A_259, %ne3A_258 : i1
      %or3A_261 = arith.constant false
      %or3A_262 = arith.ori %or3A_260, %or3A_261 : i1
      %not3A_263 = arith.constant true
      %not3A_264 = arith.xori %eq3A_155, %not3A_263 : i1
      %and3A_265 = arith.andi %or3A_262, %not3A_264 : i1
      %convert_element_type3A_266 = arith.extui %and3A_265 : i1 to i32
      %cond3A_267 = arith.constant 0 : i32
      %cond3A_268 = arith.cmpi ne, %convert_element_type3A_266, %cond3A_267 : i32
      scf.if %cond3A_268 {
      } else {
      }
      %and3A_269 = arith.constant false
      %and3A_270 = arith.andi %and3A_265, %and3A_269 : i1
      %ne3A_271 = arith.cmpi ne, %add3A_159, %add3A_169 : i32
      %or3A_272 = arith.constant false
      %or3A_273 = arith.ori %or3A_272, %ne3A_271 : i1
      %not3A_274 = arith.constant true
      %not3A_275 = arith.xori %eq3A_155, %not3A_274 : i1
      %and3A_276 = arith.andi %or3A_273, %not3A_275 : i1
      %convert_element_type3A_277 = arith.extui %and3A_276 : i1 to i32
      %cond3A_278 = arith.constant 0 : i32
      %cond3A_279 = arith.cmpi ne, %convert_element_type3A_277, %cond3A_278 : i32
      scf.if %cond3A_279 {
      } else {
      }
      %and3A_280 = arith.constant false
      %and3A_281 = arith.andi %and3A_276, %and3A_280 : i1
      %ne3A_282 = arith.cmpi ne, %add3A_159, %add3A_179 : i32
      %or3A_283 = arith.constant false
      %or3A_284 = arith.ori %or3A_283, %ne3A_282 : i1
      %or3A_285 = arith.constant false
      %or3A_286 = arith.ori %or3A_284, %or3A_285 : i1
      %or3A_287 = arith.ori %or3A_286, %eq3A_157 : i1
      %add3A_288 = arith.constant 1 : i32
      %add3A_289 = arith.addi %scan3A, %add3A_288 : i32
      %select_n3A_290 = arith.select %or3A_287, %add3A_289, %scan3A : i32
      %ne3A_291 = arith.cmpi ne, %add3A_159, %add3A_179 : i32
      %or3A_292 = arith.constant false
      %or3A_293 = arith.ori %or3A_292, %ne3A_291 : i1
      %or3A_294 = arith.ori %or3A_293, %eq3A_157 : i1
      %add3A_295 = arith.constant 1 : i32
      %add3A_296 = arith.addi %scan3A_151, %add3A_295 : i32
      %select_n3A_297 = arith.select %or3A_294, %add3A_296, %scan3A_151 : i32
      %select_n3A_298 = arith.constant true
      %select_n3A_299 = arith.constant 0 : i32
      %select_n3A_300 = arith.constant 1 : i32
      %select_n3A_301 = arith.select %select_n3A_298, %select_n3A_300, %select_n3A_299 : i32
      %eq3A_302 = arith.constant 1 : i32
      %eq3A_303 = arith.cmpi eq, %select_n3A_301, %eq3A_302 : i32
      %select_n3A_304 = arith.constant 0 : i32
      %select_n3A_305 = arith.select %eq3A_303, %select_n3A_304, %select_n3A_301 : i32
      %scan3A_306 = arith.constant 0 : i32
      %scan3A_307 = arith.constant 1 : i32
      %sub3A = arith.constant 1 : i32
      %sub3A_308 = arith.subi %scan3A_306, %sub3A : i32
      %select_n3A_309 = arith.constant true
      %select_n3A_310 = arith.select %select_n3A_309, %sub3A_308, %scan3A_306 : i32
      %eq3A_311 = arith.constant -1 : i32
      %eq3A_312 = arith.cmpi eq, %select_n3A_310, %eq3A_311 : i32
      %select_n3A_313 = arith.constant 0 : i32
      %select_n3A_314 = arith.select %eq3A_312, %select_n3A_313, %select_n3A_310 : i32
      %add3A_315 = arith.constant 0 : i32
      %add3A_316 = arith.addi %add3A_315, %mul3A_24 : i32
      %select_n3A_317 = arith.constant true
      %select_n3A_318 = arith.constant 0 : i32
      %select_n3A_319 = arith.constant -1 : i32
      %select_n3A_320 = arith.select %select_n3A_317, %select_n3A_319, %select_n3A_318 : i32
      %eq3A_321 = arith.constant -1 : i32
      %eq3A_322 = arith.cmpi eq, %select_n3A_320, %eq3A_321 : i32
      %select_n3A_323 = arith.constant 0 : i32
      %select_n3A_324 = arith.select %eq3A_322, %select_n3A_323, %select_n3A_320 : i32
      %add3A_325 = arith.constant 0 : i32
      %add3A_326 = arith.addi %add3A_325, %mul3A_24 : i32
      %select_n3A_327 = arith.constant true
      %select_n3A_328 = arith.constant 0 : i32
      %select_n3A_329 = arith.constant 1 : i32
      %select_n3A_330 = arith.select %select_n3A_327, %select_n3A_329, %select_n3A_328 : i32
      %eq3A_331 = arith.constant 1 : i32
      %eq3A_332 = arith.cmpi eq, %select_n3A_330, %eq3A_331 : i32
      %select_n3A_333 = arith.constant 0 : i32
      %select_n3A_334 = arith.select %eq3A_332, %select_n3A_333, %select_n3A_330 : i32
      %add3A_335 = arith.constant 0 : i32
      %add3A_336 = arith.addi %add3A_335, %mul3A_24 : i32
      %select_n3A_337 = arith.constant true
      %select_n3A_338 = arith.constant 0 : i32
      %select_n3A_339 = arith.constant 1 : i32
      %select_n3A_340 = arith.select %select_n3A_337, %select_n3A_339, %select_n3A_338 : i32
      %eq3A_341 = arith.constant 1 : i32
      %eq3A_342 = arith.cmpi eq, %select_n3A_340, %eq3A_341 : i32
      %select_n3A_343 = arith.constant 0 : i32
      %select_n3A_344 = arith.select %eq3A_342, %select_n3A_343, %select_n3A_340 : i32
      %add3A_345 = arith.constant 0 : i32
      %add3A_346 = arith.addi %add3A_345, %mul3A_24 : i32
      tpu.yield
    }) : () -> ()
    %mul3A_25 = arith.constant 1 : i32
    %mul3A_26 = arith.muli %arg1, %mul3A_25 : i32
    %add3A_27 = arith.constant 0 : i32
    %add3A_28 = arith.addi %add3A_27, %mul3A_26 : i32
    %mul3A_29 = arith.constant 16 : i32
    %mul3A_30 = arith.muli %arg0, %mul3A_29 : i32
    %add3A_31 = arith.addi %add3A_28, %mul3A_30 : i32
    %mul3A_32 = arith.constant 1 : i32
    %mul3A_33 = arith.muli %add3A_31, %mul3A_32 : i32
    "tpu.region"() ({
      %run_scoped3A = memref.alloca() : memref<2x128x256xf32, #tpu.memory_space<vmem>>
      %run_scoped3A_70 = tpu.sem_alloc : memref<2x!tpu.dma_semaphore, #tpu.memory_space<semaphore_mem>>
      %run_scoped3A_71 = memref.alloca() : memref<2x1x128xi32, #tpu.memory_space<vmem>>
      %run_scoped3A_72 = tpu.sem_alloc : memref<2x!tpu.dma_semaphore, #tpu.memory_space<semaphore_mem>>
      %add3A_73 = arith.constant 0 : i32
      %add3A_74 = arith.addi %add3A_73, %mul3A_33 : i32
      %select_n3A = arith.constant true
      %select_n3A_75 = arith.constant 0 : i32
      %select_n3A_76 = arith.constant -1 : i32
      %select_n3A_77 = arith.select %select_n3A, %select_n3A_76, %select_n3A_75 : i32
      %eq3A = arith.constant -1 : i32
      %eq3A_78 = arith.cmpi eq, %select_n3A_77, %eq3A : i32
      %select_n3A_79 = arith.constant 0 : i32
      %select_n3A_80 = arith.select %eq3A_78, %select_n3A_79, %select_n3A_77 : i32
      %add3A_81 = arith.constant 0 : i32
      %add3A_82 = arith.addi %add3A_81, %mul3A_33 : i32
      %select_n3A_83 = arith.constant true
      %select_n3A_84 = arith.constant 0 : i32
      %select_n3A_85 = arith.constant 1 : i32
      %select_n3A_86 = arith.select %select_n3A_83, %select_n3A_85, %select_n3A_84 : i32
      %eq3A_87 = arith.constant 1 : i32
      %eq3A_88 = arith.cmpi eq, %select_n3A_86, %eq3A_87 : i32
      %select_n3A_89 = arith.constant 0 : i32
      %select_n3A_90 = arith.select %eq3A_88, %select_n3A_89, %select_n3A_86 : i32
      %add3A_91 = arith.constant 0 : i32
      %add3A_92 = arith.addi %add3A_91, %mul3A_33 : i32
      %select_n3A_93 = arith.constant true
      %select_n3A_94 = arith.constant 0 : i32
      %select_n3A_95 = arith.constant 1 : i32
      %select_n3A_96 = arith.select %select_n3A_93, %select_n3A_95, %select_n3A_94 : i32
      %eq3A_97 = arith.constant 1 : i32
      %eq3A_98 = arith.cmpi eq, %select_n3A_96, %eq3A_97 : i32
      %select_n3A_99 = arith.constant 0 : i32
      %select_n3A_100 = arith.select %eq3A_98, %select_n3A_99, %select_n3A_96 : i32
      %add3A_101 = arith.constant 0 : i32
      %add3A_102 = arith.addi %add3A_101, %mul3A_33 : i32
      "tpu.trace_start"() <{level = 10 : i32, message = "ep_initialize_0"}> : () -> ()
      %rem3A = arith.constant 0 : i32
      %rem3A_103 = arith.constant 2 : i32
      %rem3A_104 = arith.remui %rem3A, %rem3A_103 : i32
      %mul3A_105 = arith.constant 128 : i32
      %mul3A_106 = arith.muli %mul3A_105, %add3A_74 : i32
      %dma_start3A = arith.constant 0 : i32
      %dma_start3A_107 = arith.constant 0 : i32
      %dma_start3A_108 = tpu.memref_slice %run_scoped3A[%rem3A_104, %dma_start3A, %dma_start3A_107] : memref<2x128x256xf32, #tpu.memory_space<vmem>> -> memref<1x128x256xf32, #tpu.memory_space<vmem>>
      %dma_start3A_109 = tpu.memref_squeeze %dma_start3A_108 : memref<1x128x256xf32, #tpu.memory_space<vmem>> -> memref<128x256xf32, #tpu.memory_space<vmem>>
      %dma_start3A_110 = arith.constant 256 : i32
      %dma_start3A_111 = tpu.memref_slice %arg3[%mul3A_106, %dma_start3A_110] : memref<4096x1024xf32, #tpu.memory_space<hbm>> -> memref<128x256xf32, #tpu.memory_space<hbm>>
      %dma_start3A_112 = tpu.memref_slice %run_scoped3A_70[%rem3A_104] : memref<2x!tpu.dma_semaphore, #tpu.memory_space<semaphore_mem>> -> memref<1x!tpu.dma_semaphore, #tpu.memory_space<semaphore_mem>>
      %dma_start3A_113 = tpu.memref_squeeze %dma_start3A_112 : memref<1x!tpu.dma_semaphore, #tpu.memory_space<semaphore_mem>> -> memref<!tpu.dma_semaphore, #tpu.memory_space<semaphore_mem>>
      %dma_start3A_114 = arith.constant 0 : i32
      %dma_start3A_115 = arith.constant 0 : i32
      %dma_start3A_116 = tpu.memref_slice %run_scoped3A[%rem3A_104, %dma_start3A_114, %dma_start3A_115] : memref<2x128x256xf32, #tpu.memory_space<vmem>> -> memref<1x128x256xf32, #tpu.memory_space<vmem>>
      %dma_start3A_117 = tpu.memref_squeeze %dma_start3A_116 : memref<1x128x256xf32, #tpu.memory_space<vmem>> -> memref<128x256xf32, #tpu.memory_space<vmem>>
      %dma_start3A_118 = arith.constant 256 : i32
      %dma_start3A_119 = tpu.memref_slice %arg3[%mul3A_106, %dma_start3A_118] : memref<4096x1024xf32, #tpu.memory_space<hbm>> -> memref<128x256xf32, #tpu.memory_space<hbm>>
      tpu.enqueue_dma source(%dma_start3A_119 : memref<128x256xf32, #tpu.memory_space<hbm>>) target(%dma_start3A_117 : memref<128x256xf32, #tpu.memory_space<vmem>>) target_semaphore(%dma_start3A_113 : memref<!tpu.dma_semaphore, #tpu.memory_space<semaphore_mem>>)
      %add3A_120 = arith.constant 0 : i32
      %add3A_121 = arith.constant 1 : i32
      %add3A_122 = arith.addi %add3A_120, %add3A_121 : i32
      %select_n3A_123 = arith.constant true
      %select_n3A_124 = arith.constant 0 : i32
      %select_n3A_125 = arith.select %select_n3A_123, %add3A_122, %select_n3A_124 : i32
      %rem3A_126 = arith.constant 0 : i32
      %rem3A_127 = arith.constant 2 : i32
      %rem3A_128 = arith.remui %rem3A_126, %rem3A_127 : i32
      %mul3A_129 = arith.constant 128 : i32
      %mul3A_130 = arith.muli %mul3A_129, %add3A_74 : i32
      %dma_start3A_131 = arith.constant 0 : i32
      %dma_start3A_132 = arith.constant 0 : i32
      %dma_start3A_133 = tpu.memref_slice %run_scoped3A_71[%rem3A_128, %dma_start3A_131, %dma_start3A_132] : memref<2x1x128xi32, #tpu.memory_space<vmem>> -> memref<1x1x128xi32, #tpu.memory_space<vmem>>
      %dma_start3A_134 = tpu.memref_squeeze %dma_start3A_133 : memref<1x1x128xi32, #tpu.memory_space<vmem>> -> memref<1x128xi32, #tpu.memory_space<vmem>>
      %dma_start3A_135 = arith.constant 0 : i32
      %dma_start3A_136 = tpu.memref_slice %arg5[%dma_start3A_135, %mul3A_130] : memref<1x4096xi32, #tpu.memory_space<hbm>> -> memref<1x128xi32, #tpu.memory_space<hbm>>
      %dma_start3A_137 = tpu.memref_slice %run_scoped3A_72[%rem3A_128] : memref<2x!tpu.dma_semaphore, #tpu.memory_space<semaphore_mem>> -> memref<1x!tpu.dma_semaphore, #tpu.memory_space<semaphore_mem>>
      %dma_start3A_138 = tpu.memref_squeeze %dma_start3A_137 : memref<1x!tpu.dma_semaphore, #tpu.memory_space<semaphore_mem>> -> memref<!tpu.dma_semaphore, #tpu.memory_space<semaphore_mem>>
      %dma_start3A_139 = arith.constant 0 : i32
      %dma_start3A_140 = arith.constant 0 : i32
      %dma_start3A_141 = tpu.memref_slice %run_scoped3A_71[%rem3A_128, %dma_start3A_139, %dma_start3A_140] : memref<2x1x128xi32, #tpu.memory_space<vmem>> -> memref<1x1x128xi32, #tpu.memory_space<vmem>>
      %dma_start3A_142 = tpu.memref_squeeze %dma_start3A_141 : memref<1x1x128xi32, #tpu.memory_space<vmem>> -> memref<1x128xi32, #tpu.memory_space<vmem>>
      %dma_start3A_143 = arith.constant 0 : i32
      %dma_start3A_144 = tpu.memref_slice %arg5[%dma_start3A_143, %mul3A_130] : memref<1x4096xi32, #tpu.memory_space<hbm>> -> memref<1x128xi32, #tpu.memory_space<hbm>>
      tpu.enqueue_dma source(%dma_start3A_144 : memref<1x128xi32, #tpu.memory_space<hbm>>) target(%dma_start3A_142 : memref<1x128xi32, #tpu.memory_space<vmem>>) target_semaphore(%dma_start3A_138 : memref<!tpu.dma_semaphore, #tpu.memory_space<semaphore_mem>>)
      %add3A_145 = arith.constant 0 : i32
      %add3A_146 = arith.constant 1 : i32
      %add3A_147 = arith.addi %add3A_145, %add3A_146 : i32
      %select_n3A_148 = arith.constant true
      %select_n3A_149 = arith.constant 0 : i32
      %select_n3A_150 = arith.select %select_n3A_148, %add3A_147, %select_n3A_149 : i32
      "tpu.trace_stop"() : () -> ()
      %scan3A = arith.constant 0 : i32
      %scan3A_151 = arith.constant 0 : i32
      %scan3A_152 = arith.constant 0 : i32
      %scan3A_153 = arith.constant 0 : i32
      %eq3A_154 = arith.constant 0 : i32
      %eq3A_155 = arith.cmpi eq, %scan3A_153, %eq3A_154 : i32
      %eq3A_156 = arith.constant 0 : i32
      %eq3A_157 = arith.cmpi eq, %scan3A_153, %eq3A_156 : i32
      %add3A_158 = arith.constant 0 : i32
      %add3A_159 = arith.addi %add3A_158, %mul3A_33 : i32
      %select_n3A_160 = arith.constant true
      %select_n3A_161 = arith.constant 0 : i32
      %select_n3A_162 = arith.constant -1 : i32
      %select_n3A_163 = arith.select %select_n3A_160, %select_n3A_162, %select_n3A_161 : i32
      %eq3A_164 = arith.constant -1 : i32
      %eq3A_165 = arith.cmpi eq, %select_n3A_163, %eq3A_164 : i32
      %select_n3A_166 = arith.constant 0 : i32
      %select_n3A_167 = arith.select %eq3A_165, %select_n3A_166, %select_n3A_163 : i32
      %add3A_168 = arith.constant 0 : i32
      %add3A_169 = arith.addi %add3A_168, %mul3A_33 : i32
      %select_n3A_170 = arith.constant true
      %select_n3A_171 = arith.constant 0 : i32
      %select_n3A_172 = arith.constant 1 : i32
      %select_n3A_173 = arith.select %select_n3A_170, %select_n3A_172, %select_n3A_171 : i32
      %eq3A_174 = arith.constant 1 : i32
      %eq3A_175 = arith.cmpi eq, %select_n3A_173, %eq3A_174 : i32
      %select_n3A_176 = arith.constant 0 : i32
      %select_n3A_177 = arith.select %eq3A_175, %select_n3A_176, %select_n3A_173 : i32
      %add3A_178 = arith.constant 0 : i32
      %add3A_179 = arith.addi %add3A_178, %mul3A_33 : i32
      %select_n3A_180 = arith.constant true
      %select_n3A_181 = arith.constant 0 : i32
      %select_n3A_182 = arith.constant 1 : i32
      %select_n3A_183 = arith.select %select_n3A_180, %select_n3A_182, %select_n3A_181 : i32
      %eq3A_184 = arith.constant 1 : i32
      %eq3A_185 = arith.cmpi eq, %select_n3A_183, %eq3A_184 : i32
      %select_n3A_186 = arith.constant 0 : i32
      %select_n3A_187 = arith.select %eq3A_185, %select_n3A_186, %select_n3A_183 : i32
      %add3A_188 = arith.constant 0 : i32
      %add3A_189 = arith.addi %add3A_188, %mul3A_33 : i32
      %ne3A = arith.cmpi ne, %add3A_159, %add3A_179 : i32
      %or3A = arith.constant false
      %or3A_190 = arith.ori %or3A, %ne3A : i1
      %or3A_191 = arith.constant false
      %or3A_192 = arith.ori %or3A_190, %or3A_191 : i1
      %ge3A = arith.constant 0 : i32
      %ge3A_193 = arith.cmpi sge, %scan3A_153, %ge3A : i32
      %not3A = arith.constant true
      %not3A_194 = arith.xori %ge3A_193, %not3A : i1
      %and3A = arith.andi %or3A_192, %not3A_194 : i1
      %convert_element_type3A = arith.extui %and3A : i1 to i32
      %cond3A = arith.constant 0 : i32
      %cond3A_195 = arith.cmpi ne, %convert_element_type3A, %cond3A : i32
      scf.if %cond3A_195 {
        "tpu.trace_start"() <{level = 10 : i32, message = "ep_copy_in"}> : () -> ()
        %rem3A_347 = arith.constant 2 : i32
        %rem3A_348 = arith.remui %select_n3A_125, %rem3A_347 : i32
        %mul3A_349 = arith.constant 128 : i32
        %mul3A_350 = arith.muli %mul3A_349, %add3A_179 : i32
        %dma_start3A_351 = arith.constant 0 : i32
        %dma_start3A_352 = arith.constant 0 : i32
        %dma_start3A_353 = tpu.memref_slice %run_scoped3A[%rem3A_348, %dma_start3A_351, %dma_start3A_352] : memref<2x128x256xf32, #tpu.memory_space<vmem>> -> memref<1x128x256xf32, #tpu.memory_space<vmem>>
        %dma_start3A_354 = tpu.memref_squeeze %dma_start3A_353 : memref<1x128x256xf32, #tpu.memory_space<vmem>> -> memref<128x256xf32, #tpu.memory_space<vmem>>
        %dma_start3A_355 = arith.constant 256 : i32
        %dma_start3A_356 = tpu.memref_slice %arg3[%mul3A_350, %dma_start3A_355] : memref<4096x1024xf32, #tpu.memory_space<hbm>> -> memref<128x256xf32, #tpu.memory_space<hbm>>
        %dma_start3A_357 = tpu.memref_slice %run_scoped3A_70[%rem3A_348] : memref<2x!tpu.dma_semaphore, #tpu.memory_space<semaphore_mem>> -> memref<1x!tpu.dma_semaphore, #tpu.memory_space<semaphore_mem>>
        %dma_start3A_358 = tpu.memref_squeeze %dma_start3A_357 : memref<1x!tpu.dma_semaphore, #tpu.memory_space<semaphore_mem>> -> memref<!tpu.dma_semaphore, #tpu.memory_space<semaphore_mem>>
        %dma_start3A_359 = arith.constant 0 : i32
        %dma_start3A_360 = arith.constant 0 : i32
        %dma_start3A_361 = tpu.memref_slice %run_scoped3A[%rem3A_348, %dma_start3A_359, %dma_start3A_360] : memref<2x128x256xf32, #tpu.memory_space<vmem>> -> memref<1x128x256xf32, #tpu.memory_space<vmem>>
        %dma_start3A_362 = tpu.memref_squeeze %dma_start3A_361 : memref<1x128x256xf32, #tpu.memory_space<vmem>> -> memref<128x256xf32, #tpu.memory_space<vmem>>
        %dma_start3A_363 = arith.constant 256 : i32
        %dma_start3A_364 = tpu.memref_slice %arg3[%mul3A_350, %dma_start3A_363] : memref<4096x1024xf32, #tpu.memory_space<hbm>> -> memref<128x256xf32, #tpu.memory_space<hbm>>
        tpu.enqueue_dma source(%dma_start3A_364 : memref<128x256xf32, #tpu.memory_space<hbm>>) target(%dma_start3A_362 : memref<128x256xf32, #tpu.memory_space<vmem>>) target_semaphore(%dma_start3A_358 : memref<!tpu.dma_semaphore, #tpu.memory_space<semaphore_mem>>)
        "tpu.trace_stop"() : () -> ()
      } else {
      }
      %and3A_196 = arith.constant true
      %and3A_197 = arith.andi %and3A, %and3A_196 : i1
      %add3A_198 = arith.constant 1 : i32
      %add3A_199 = arith.addi %select_n3A_125, %add3A_198 : i32
      %select_n3A_200 = arith.select %and3A_197, %add3A_199, %select_n3A_125 : i32
      %ne3A_201 = arith.cmpi ne, %add3A_159, %add3A_179 : i32
      %or3A_202 = arith.constant false
      %or3A_203 = arith.ori %or3A_202, %ne3A_201 : i1
      %ge3A_204 = arith.constant 0 : i32
      %ge3A_205 = arith.cmpi sge, %scan3A_153, %ge3A_204 : i32
      %not3A_206 = arith.constant true
      %not3A_207 = arith.xori %ge3A_205, %not3A_206 : i1
      %and3A_208 = arith.andi %or3A_203, %not3A_207 : i1
      %convert_element_type3A_209 = arith.extui %and3A_208 : i1 to i32
      %cond3A_210 = arith.constant 0 : i32
      %cond3A_211 = arith.cmpi ne, %convert_element_type3A_209, %cond3A_210 : i32
      scf.if %cond3A_211 {
        "tpu.trace_start"() <{level = 10 : i32, message = "ep_copy_in"}> : () -> ()
        %rem3A_347 = arith.constant 2 : i32
        %rem3A_348 = arith.remui %select_n3A_150, %rem3A_347 : i32
        %mul3A_349 = arith.constant 128 : i32
        %mul3A_350 = arith.muli %mul3A_349, %add3A_179 : i32
        %dma_start3A_351 = arith.constant 0 : i32
        %dma_start3A_352 = arith.constant 0 : i32
        %dma_start3A_353 = tpu.memref_slice %run_scoped3A_71[%rem3A_348, %dma_start3A_351, %dma_start3A_352] : memref<2x1x128xi32, #tpu.memory_space<vmem>> -> memref<1x1x128xi32, #tpu.memory_space<vmem>>
        %dma_start3A_354 = tpu.memref_squeeze %dma_start3A_353 : memref<1x1x128xi32, #tpu.memory_space<vmem>> -> memref<1x128xi32, #tpu.memory_space<vmem>>
        %dma_start3A_355 = arith.constant 0 : i32
        %dma_start3A_356 = tpu.memref_slice %arg5[%dma_start3A_355, %mul3A_350] : memref<1x4096xi32, #tpu.memory_space<hbm>> -> memref<1x128xi32, #tpu.memory_space<hbm>>
        %dma_start3A_357 = tpu.memref_slice %run_scoped3A_72[%rem3A_348] : memref<2x!tpu.dma_semaphore, #tpu.memory_space<semaphore_mem>> -> memref<1x!tpu.dma_semaphore, #tpu.memory_space<semaphore_mem>>
        %dma_start3A_358 = tpu.memref_squeeze %dma_start3A_357 : memref<1x!tpu.dma_semaphore, #tpu.memory_space<semaphore_mem>> -> memref<!tpu.dma_semaphore, #tpu.memory_space<semaphore_mem>>
        %dma_start3A_359 = arith.constant 0 : i32
        %dma_start3A_360 = arith.constant 0 : i32
        %dma_start3A_361 = tpu.memref_slice %run_scoped3A_71[%rem3A_348, %dma_start3A_359, %dma_start3A_360] : memref<2x1x128xi32, #tpu.memory_space<vmem>> -> memref<1x1x128xi32, #tpu.memory_space<vmem>>
        %dma_start3A_362 = tpu.memref_squeeze %dma_start3A_361 : memref<1x1x128xi32, #tpu.memory_space<vmem>> -> memref<1x128xi32, #tpu.memory_space<vmem>>
        %dma_start3A_363 = arith.constant 0 : i32
        %dma_start3A_364 = tpu.memref_slice %arg5[%dma_start3A_363, %mul3A_350] : memref<1x4096xi32, #tpu.memory_space<hbm>> -> memref<1x128xi32, #tpu.memory_space<hbm>>
        tpu.enqueue_dma source(%dma_start3A_364 : memref<1x128xi32, #tpu.memory_space<hbm>>) target(%dma_start3A_362 : memref<1x128xi32, #tpu.memory_space<vmem>>) target_semaphore(%dma_start3A_358 : memref<!tpu.dma_semaphore, #tpu.memory_space<semaphore_mem>>)
        "tpu.trace_stop"() : () -> ()
      } else {
      }
      %and3A_212 = arith.constant true
      %and3A_213 = arith.andi %and3A_208, %and3A_212 : i1
      %add3A_214 = arith.constant 1 : i32
      %add3A_215 = arith.addi %select_n3A_150, %add3A_214 : i32
      %select_n3A_216 = arith.select %and3A_213, %add3A_215, %select_n3A_150 : i32
      %ne3A_217 = arith.cmpi ne, %add3A_159, %add3A_169 : i32
      %or3A_218 = arith.constant false
      %or3A_219 = arith.ori %or3A_218, %ne3A_217 : i1
      %or3A_220 = arith.constant false
      %or3A_221 = arith.ori %or3A_219, %or3A_220 : i1
      %or3A_222 = arith.ori %or3A_221, %eq3A_155 : i1
      %convert_element_type3A_223 = arith.extui %or3A_222 : i1 to i32
      %cond3A_224 = arith.constant 0 : i32
      %cond3A_225 = arith.cmpi ne, %convert_element_type3A_223, %cond3A_224 : i32
      scf.if %cond3A_225 {
        "tpu.trace_start"() <{level = 10 : i32, message = "ep_wait_in"}> : () -> ()
        %mul3A_347 = arith.constant 128 : i32
        %mul3A_348 = arith.muli %mul3A_347, %add3A_159 : i32
        %rem3A_349 = arith.constant 2 : i32
        %rem3A_350 = arith.remui %scan3A, %rem3A_349 : i32
        %dma_wait3A = arith.constant 0 : i32
        %dma_wait3A_351 = arith.constant 0 : i32
        %dma_wait3A_352 = tpu.memref_slice %run_scoped3A[%rem3A_350, %dma_wait3A, %dma_wait3A_351] : memref<2x128x256xf32, #tpu.memory_space<vmem>> -> memref<1x128x256xf32, #tpu.memory_space<vmem>>
        %dma_wait3A_353 = tpu.memref_squeeze %dma_wait3A_352 : memref<1x128x256xf32, #tpu.memory_space<vmem>> -> memref<128x256xf32, #tpu.memory_space<vmem>>
        %dma_wait3A_354 = arith.constant 256 : i32
        %dma_wait3A_355 = tpu.memref_slice %arg3[%mul3A_348, %dma_wait3A_354] : memref<4096x1024xf32, #tpu.memory_space<hbm>> -> memref<128x256xf32, #tpu.memory_space<hbm>>
        %dma_wait3A_356 = tpu.memref_slice %run_scoped3A_70[%rem3A_350] : memref<2x!tpu.dma_semaphore, #tpu.memory_space<semaphore_mem>> -> memref<1x!tpu.dma_semaphore, #tpu.memory_space<semaphore_mem>>
        %dma_wait3A_357 = tpu.memref_squeeze %dma_wait3A_356 : memref<1x!tpu.dma_semaphore, #tpu.memory_space<semaphore_mem>> -> memref<!tpu.dma_semaphore, #tpu.memory_space<semaphore_mem>>
        %dma_wait3A_358 = arith.constant 0 : i32
        %dma_wait3A_359 = arith.constant 0 : i32
        %dma_wait3A_360 = tpu.memref_slice %run_scoped3A[%rem3A_350, %dma_wait3A_358, %dma_wait3A_359] : memref<2x128x256xf32, #tpu.memory_space<vmem>> -> memref<1x128x256xf32, #tpu.memory_space<vmem>>
        %dma_wait3A_361 = tpu.memref_squeeze %dma_wait3A_360 : memref<1x128x256xf32, #tpu.memory_space<vmem>> -> memref<128x256xf32, #tpu.memory_space<vmem>>
        %dma_wait3A_362 = arith.constant 256 : i32
        %dma_wait3A_363 = tpu.memref_slice %arg3[%mul3A_348, %dma_wait3A_362] : memref<4096x1024xf32, #tpu.memory_space<hbm>> -> memref<128x256xf32, #tpu.memory_space<hbm>>
        tpu.wait_dma2 semaphore(%dma_wait3A_357 : memref<!tpu.dma_semaphore, #tpu.memory_space<semaphore_mem>>) src(%dma_wait3A_363 : memref<128x256xf32, #tpu.memory_space<hbm>>) dst(%dma_wait3A_361 : memref<128x256xf32, #tpu.memory_space<vmem>>)
        "tpu.trace_stop"() : () -> ()
      } else {
      }
      %ne3A_226 = arith.cmpi ne, %add3A_159, %add3A_169 : i32
      %or3A_227 = arith.constant false
      %or3A_228 = arith.ori %or3A_227, %ne3A_226 : i1
      %or3A_229 = arith.ori %or3A_228, %eq3A_155 : i1
      %convert_element_type3A_230 = arith.extui %or3A_229 : i1 to i32
      %cond3A_231 = arith.constant 0 : i32
      %cond3A_232 = arith.cmpi ne, %convert_element_type3A_230, %cond3A_231 : i32
      scf.if %cond3A_232 {
        "tpu.trace_start"() <{level = 10 : i32, message = "ep_wait_in"}> : () -> ()
        %mul3A_347 = arith.constant 128 : i32
        %mul3A_348 = arith.muli %mul3A_347, %add3A_159 : i32
        %rem3A_349 = arith.constant 2 : i32
        %rem3A_350 = arith.remui %scan3A_151, %rem3A_349 : i32
        %dma_wait3A = arith.constant 0 : i32
        %dma_wait3A_351 = arith.constant 0 : i32
        %dma_wait3A_352 = tpu.memref_slice %run_scoped3A_71[%rem3A_350, %dma_wait3A, %dma_wait3A_351] : memref<2x1x128xi32, #tpu.memory_space<vmem>> -> memref<1x1x128xi32, #tpu.memory_space<vmem>>
        %dma_wait3A_353 = tpu.memref_squeeze %dma_wait3A_352 : memref<1x1x128xi32, #tpu.memory_space<vmem>> -> memref<1x128xi32, #tpu.memory_space<vmem>>
        %dma_wait3A_354 = arith.constant 0 : i32
        %dma_wait3A_355 = tpu.memref_slice %arg5[%dma_wait3A_354, %mul3A_348] : memref<1x4096xi32, #tpu.memory_space<hbm>> -> memref<1x128xi32, #tpu.memory_space<hbm>>
        %dma_wait3A_356 = tpu.memref_slice %run_scoped3A_72[%rem3A_350] : memref<2x!tpu.dma_semaphore, #tpu.memory_space<semaphore_mem>> -> memref<1x!tpu.dma_semaphore, #tpu.memory_space<semaphore_mem>>
        %dma_wait3A_357 = tpu.memref_squeeze %dma_wait3A_356 : memref<1x!tpu.dma_semaphore, #tpu.memory_space<semaphore_mem>> -> memref<!tpu.dma_semaphore, #tpu.memory_space<semaphore_mem>>
        %dma_wait3A_358 = arith.constant 0 : i32
        %dma_wait3A_359 = arith.constant 0 : i32
        %dma_wait3A_360 = tpu.memref_slice %run_scoped3A_71[%rem3A_350, %dma_wait3A_358, %dma_wait3A_359] : memref<2x1x128xi32, #tpu.memory_space<vmem>> -> memref<1x1x128xi32, #tpu.memory_space<vmem>>
        %dma_wait3A_361 = tpu.memref_squeeze %dma_wait3A_360 : memref<1x1x128xi32, #tpu.memory_space<vmem>> -> memref<1x128xi32, #tpu.memory_space<vmem>>
        %dma_wait3A_362 = arith.constant 0 : i32
        %dma_wait3A_363 = tpu.memref_slice %arg5[%dma_wait3A_362, %mul3A_348] : memref<1x4096xi32, #tpu.memory_space<hbm>> -> memref<1x128xi32, #tpu.memory_space<hbm>>
        tpu.wait_dma2 semaphore(%dma_wait3A_357 : memref<!tpu.dma_semaphore, #tpu.memory_space<semaphore_mem>>) src(%dma_wait3A_363 : memref<1x128xi32, #tpu.memory_space<hbm>>) dst(%dma_wait3A_361 : memref<1x128xi32, #tpu.memory_space<vmem>>)
        "tpu.trace_stop"() : () -> ()
      } else {
      }
      %rem3A_233 = arith.constant 2 : i32
      %rem3A_234 = arith.remui %scan3A, %rem3A_233 : i32
      %rem3A_235 = arith.constant 2 : i32
      %rem3A_236 = arith.remui %scan3A_151, %rem3A_235 : i32
      %run_scoped3A_237 = arith.constant 0 : i32
      "tpu.trace_start"() <{level = 10 : i32, message = "ep_run_kernel"}> : () -> ()
      "tpu.region"() ({
        %run_scoped3A_347 = tpu.sem_alloc : memref<!tpu.dma_semaphore, #tpu.memory_space<semaphore_mem>>
        %dma_start3A_348 = arith.constant 0 : i32
        %dma_start3A_349 = arith.constant 0 : i32
        %dma_start3A_350 = tpu.memref_slice %run_scoped3A[%rem3A_234, %dma_start3A_348, %dma_start3A_349] : memref<2x128x256xf32, #tpu.memory_space<vmem>> -> memref<1x128x256xf32, #tpu.memory_space<vmem>>
        %dma_start3A_351 = tpu.memref_squeeze %dma_start3A_350 : memref<1x128x256xf32, #tpu.memory_space<vmem>> -> memref<128x256xf32, #tpu.memory_space<vmem>>
        %dma_start3A_352 = arith.constant 0 : i32
        %dma_start3A_353 = arith.constant 0 : i32
        %dma_start3A_354 = tpu.memref_slice %run_scoped3A_71[%rem3A_236, %dma_start3A_352, %dma_start3A_353] : memref<2x1x128xi32, #tpu.memory_space<vmem>> -> memref<1x1x128xi32, #tpu.memory_space<vmem>>
        %dma_start3A_355 = tpu.memref_squeeze %dma_start3A_354 : memref<1x1x128xi32, #tpu.memory_space<vmem>> -> memref<1x128xi32, #tpu.memory_space<vmem>>
        %dma_start3A_356 = arith.constant 0 : i32
        %dma_start3A_357 = tpu.memref_slice %dma_start3A_355[%run_scoped3A_237, %dma_start3A_356] : memref<1x128xi32, #tpu.memory_space<vmem>> -> memref<1x128xi32, #tpu.memory_space<vmem>>
        %dma_start3A_358 = tpu.memref_squeeze %dma_start3A_357 : memref<1x128xi32, #tpu.memory_space<vmem>> -> memref<128xi32, #tpu.memory_space<vmem>>
        %dma_start3A_359 = arith.constant 0 : i32
        %dma_start3A_360 = arith.constant 0 : i32
        %dma_start3A_361 = tpu.memref_slice %arg7[%dma_start3A_359, %dma_start3A_360] : memref<12288x256xf32, #tpu.memory_space<hbm>> -> memref<12288x256xf32, #tpu.memory_space<hbm>>
        tpu.enqueue_indirect_dma source(%dma_start3A_351 : memref<128x256xf32, #tpu.memory_space<vmem>>) target(%dma_start3A_361 : memref<12288x256xf32, #tpu.memory_space<hbm>>) offsets(%dma_start3A_358 : memref<128xi32, #tpu.memory_space<vmem>>) semaphore(%run_scoped3A_347 : memref<!tpu.dma_semaphore, #tpu.memory_space<semaphore_mem>>)
        %dma_wait3A = arith.constant 0 : i32
        %dma_wait3A_362 = arith.constant 0 : i32
        %dma_wait3A_363 = tpu.memref_slice %run_scoped3A[%rem3A_234, %dma_wait3A, %dma_wait3A_362] : memref<2x128x256xf32, #tpu.memory_space<vmem>> -> memref<1x128x256xf32, #tpu.memory_space<vmem>>
        %dma_wait3A_364 = tpu.memref_squeeze %dma_wait3A_363 : memref<1x128x256xf32, #tpu.memory_space<vmem>> -> memref<128x256xf32, #tpu.memory_space<vmem>>
        %dma_wait3A_365 = arith.constant 0 : i32
        %dma_wait3A_366 = arith.constant 0 : i32
        %dma_wait3A_367 = tpu.memref_slice %run_scoped3A_71[%rem3A_236, %dma_wait3A_365, %dma_wait3A_366] : memref<2x1x128xi32, #tpu.memory_space<vmem>> -> memref<1x1x128xi32, #tpu.memory_space<vmem>>
        %dma_wait3A_368 = tpu.memref_squeeze %dma_wait3A_367 : memref<1x1x128xi32, #tpu.memory_space<vmem>> -> memref<1x128xi32, #tpu.memory_space<vmem>>
        %dma_wait3A_369 = arith.constant 0 : i32
        %dma_wait3A_370 = tpu.memref_slice %dma_wait3A_368[%run_scoped3A_237, %dma_wait3A_369] : memref<1x128xi32, #tpu.memory_space<vmem>> -> memref<1x128xi32, #tpu.memory_space<vmem>>
        %dma_wait3A_371 = tpu.memref_squeeze %dma_wait3A_370 : memref<1x128xi32, #tpu.memory_space<vmem>> -> memref<128xi32, #tpu.memory_space<vmem>>
        %dma_wait3A_372 = arith.constant 0 : i32
        %dma_wait3A_373 = arith.constant 0 : i32
        %dma_wait3A_374 = tpu.memref_slice %arg7[%dma_wait3A_372, %dma_wait3A_373] : memref<12288x256xf32, #tpu.memory_space<hbm>> -> memref<12288x256xf32, #tpu.memory_space<hbm>>
        tpu.wait_indirect_dma semaphore(%run_scoped3A_347 : memref<!tpu.dma_semaphore, #tpu.memory_space<semaphore_mem>>) src(%dma_wait3A_364 : memref<128x256xf32, #tpu.memory_space<vmem>>) dst(%dma_wait3A_374 : memref<12288x256xf32, #tpu.memory_space<hbm>>)
        tpu.yield
      }) : () -> ()
      "tpu.trace_stop"() : () -> ()
      %ne3A_238 = arith.cmpi ne, %add3A_159, %add3A_179 : i32
      %or3A_239 = arith.constant false
      %or3A_240 = arith.ori %or3A_239, %ne3A_238 : i1
      %or3A_241 = arith.constant false
      %or3A_242 = arith.ori %or3A_240, %or3A_241 : i1
      %or3A_243 = arith.ori %or3A_242, %eq3A_157 : i1
      %convert_element_type3A_244 = arith.extui %or3A_243 : i1 to i32
      %cond3A_245 = arith.constant 0 : i32
      %cond3A_246 = arith.cmpi ne, %convert_element_type3A_244, %cond3A_245 : i32
      scf.if %cond3A_246 {
      } else {
      }
      %and3A_247 = arith.constant false
      %and3A_248 = arith.andi %or3A_243, %and3A_247 : i1
      %ne3A_249 = arith.cmpi ne, %add3A_159, %add3A_179 : i32
      %or3A_250 = arith.constant false
      %or3A_251 = arith.ori %or3A_250, %ne3A_249 : i1
      %or3A_252 = arith.ori %or3A_251, %eq3A_157 : i1
      %convert_element_type3A_253 = arith.extui %or3A_252 : i1 to i32
      %cond3A_254 = arith.constant 0 : i32
      %cond3A_255 = arith.cmpi ne, %convert_element_type3A_253, %cond3A_254 : i32
      scf.if %cond3A_255 {
      } else {
      }
      %and3A_256 = arith.constant false
      %and3A_257 = arith.andi %or3A_252, %and3A_256 : i1
      %ne3A_258 = arith.cmpi ne, %add3A_159, %add3A_169 : i32
      %or3A_259 = arith.constant false
      %or3A_260 = arith.ori %or3A_259, %ne3A_258 : i1
      %or3A_261 = arith.constant false
      %or3A_262 = arith.ori %or3A_260, %or3A_261 : i1
      %not3A_263 = arith.constant true
      %not3A_264 = arith.xori %eq3A_155, %not3A_263 : i1
      %and3A_265 = arith.andi %or3A_262, %not3A_264 : i1
      %convert_element_type3A_266 = arith.extui %and3A_265 : i1 to i32
      %cond3A_267 = arith.constant 0 : i32
      %cond3A_268 = arith.cmpi ne, %convert_element_type3A_266, %cond3A_267 : i32
      scf.if %cond3A_268 {
      } else {
      }
      %and3A_269 = arith.constant false
      %and3A_270 = arith.andi %and3A_265, %and3A_269 : i1
      %ne3A_271 = arith.cmpi ne, %add3A_159, %add3A_169 : i32
      %or3A_272 = arith.constant false
      %or3A_273 = arith.ori %or3A_272, %ne3A_271 : i1
      %not3A_274 = arith.constant true
      %not3A_275 = arith.xori %eq3A_155, %not3A_274 : i1
      %and3A_276 = arith.andi %or3A_273, %not3A_275 : i1
      %convert_element_type3A_277 = arith.extui %and3A_276 : i1 to i32
      %cond3A_278 = arith.constant 0 : i32
      %cond3A_279 = arith.cmpi ne, %convert_element_type3A_277, %cond3A_278 : i32
      scf.if %cond3A_279 {
      } else {
      }
      %and3A_280 = arith.constant false
      %and3A_281 = arith.andi %and3A_276, %and3A_280 : i1
      %ne3A_282 = arith.cmpi ne, %add3A_159, %add3A_179 : i32
      %or3A_283 = arith.constant false
      %or3A_284 = arith.ori %or3A_283, %ne3A_282 : i1
      %or3A_285 = arith.constant false
      %or3A_286 = arith.ori %or3A_284, %or3A_285 : i1
      %or3A_287 = arith.ori %or3A_286, %eq3A_157 : i1
      %add3A_288 = arith.constant 1 : i32
      %add3A_289 = arith.addi %scan3A, %add3A_288 : i32
      %select_n3A_290 = arith.select %or3A_287, %add3A_289, %scan3A : i32
      %ne3A_291 = arith.cmpi ne, %add3A_159, %add3A_179 : i32
      %or3A_292 = arith.constant false
      %or3A_293 = arith.ori %or3A_292, %ne3A_291 : i1
      %or3A_294 = arith.ori %or3A_293, %eq3A_157 : i1
      %add3A_295 = arith.constant 1 : i32
      %add3A_296 = arith.addi %scan3A_151, %add3A_295 : i32
      %select_n3A_297 = arith.select %or3A_294, %add3A_296, %scan3A_151 : i32
      %select_n3A_298 = arith.constant true
      %select_n3A_299 = arith.constant 0 : i32
      %select_n3A_300 = arith.constant 1 : i32
      %select_n3A_301 = arith.select %select_n3A_298, %select_n3A_300, %select_n3A_299 : i32
      %eq3A_302 = arith.constant 1 : i32
      %eq3A_303 = arith.cmpi eq, %select_n3A_301, %eq3A_302 : i32
      %select_n3A_304 = arith.constant 0 : i32
      %select_n3A_305 = arith.select %eq3A_303, %select_n3A_304, %select_n3A_301 : i32
      %scan3A_306 = arith.constant 0 : i32
      %scan3A_307 = arith.constant 1 : i32
      %sub3A = arith.constant 1 : i32
      %sub3A_308 = arith.subi %scan3A_306, %sub3A : i32
      %select_n3A_309 = arith.constant true
      %select_n3A_310 = arith.select %select_n3A_309, %sub3A_308, %scan3A_306 : i32
      %eq3A_311 = arith.constant -1 : i32
      %eq3A_312 = arith.cmpi eq, %select_n3A_310, %eq3A_311 : i32
      %select_n3A_313 = arith.constant 0 : i32
      %select_n3A_314 = arith.select %eq3A_312, %select_n3A_313, %select_n3A_310 : i32
      %add3A_315 = arith.constant 0 : i32
      %add3A_316 = arith.addi %add3A_315, %mul3A_33 : i32
      %select_n3A_317 = arith.constant true
      %select_n3A_318 = arith.constant 0 : i32
      %select_n3A_319 = arith.constant -1 : i32
      %select_n3A_320 = arith.select %select_n3A_317, %select_n3A_319, %select_n3A_318 : i32
      %eq3A_321 = arith.constant -1 : i32
      %eq3A_322 = arith.cmpi eq, %select_n3A_320, %eq3A_321 : i32
      %select_n3A_323 = arith.constant 0 : i32
      %select_n3A_324 = arith.select %eq3A_322, %select_n3A_323, %select_n3A_320 : i32
      %add3A_325 = arith.constant 0 : i32
      %add3A_326 = arith.addi %add3A_325, %mul3A_33 : i32
      %select_n3A_327 = arith.constant true
      %select_n3A_328 = arith.constant 0 : i32
      %select_n3A_329 = arith.constant 1 : i32
      %select_n3A_330 = arith.select %select_n3A_327, %select_n3A_329, %select_n3A_328 : i32
      %eq3A_331 = arith.constant 1 : i32
      %eq3A_332 = arith.cmpi eq, %select_n3A_330, %eq3A_331 : i32
      %select_n3A_333 = arith.constant 0 : i32
      %select_n3A_334 = arith.select %eq3A_332, %select_n3A_333, %select_n3A_330 : i32
      %add3A_335 = arith.constant 0 : i32
      %add3A_336 = arith.addi %add3A_335, %mul3A_33 : i32
      %select_n3A_337 = arith.constant true
      %select_n3A_338 = arith.constant 0 : i32
      %select_n3A_339 = arith.constant 1 : i32
      %select_n3A_340 = arith.select %select_n3A_337, %select_n3A_339, %select_n3A_338 : i32
      %eq3A_341 = arith.constant 1 : i32
      %eq3A_342 = arith.cmpi eq, %select_n3A_340, %eq3A_341 : i32
      %select_n3A_343 = arith.constant 0 : i32
      %select_n3A_344 = arith.select %eq3A_342, %select_n3A_343, %select_n3A_340 : i32
      %add3A_345 = arith.constant 0 : i32
      %add3A_346 = arith.addi %add3A_345, %mul3A_33 : i32
      tpu.yield
    }) : () -> ()
    %mul3A_34 = arith.constant 1 : i32
    %mul3A_35 = arith.muli %arg1, %mul3A_34 : i32
    %add3A_36 = arith.constant 0 : i32
    %add3A_37 = arith.addi %add3A_36, %mul3A_35 : i32
    %mul3A_38 = arith.constant 16 : i32
    %mul3A_39 = arith.muli %arg0, %mul3A_38 : i32
    %add3A_40 = arith.addi %add3A_37, %mul3A_39 : i32
    %mul3A_41 = arith.constant 1 : i32
    %mul3A_42 = arith.muli %add3A_40, %mul3A_41 : i32
    "tpu.region"() ({
      %run_scoped3A = memref.alloca() : memref<2x128x256xf32, #tpu.memory_space<vmem>>
      %run_scoped3A_70 = tpu.sem_alloc : memref<2x!tpu.dma_semaphore, #tpu.memory_space<semaphore_mem>>
      %run_scoped3A_71 = memref.alloca() : memref<2x1x128xi32, #tpu.memory_space<vmem>>
      %run_scoped3A_72 = tpu.sem_alloc : memref<2x!tpu.dma_semaphore, #tpu.memory_space<semaphore_mem>>
      %add3A_73 = arith.constant 0 : i32
      %add3A_74 = arith.addi %add3A_73, %mul3A_42 : i32
      %select_n3A = arith.constant true
      %select_n3A_75 = arith.constant 0 : i32
      %select_n3A_76 = arith.constant -1 : i32
      %select_n3A_77 = arith.select %select_n3A, %select_n3A_76, %select_n3A_75 : i32
      %eq3A = arith.constant -1 : i32
      %eq3A_78 = arith.cmpi eq, %select_n3A_77, %eq3A : i32
      %select_n3A_79 = arith.constant 0 : i32
      %select_n3A_80 = arith.select %eq3A_78, %select_n3A_79, %select_n3A_77 : i32
      %add3A_81 = arith.constant 0 : i32
      %add3A_82 = arith.addi %add3A_81, %mul3A_42 : i32
      %select_n3A_83 = arith.constant true
      %select_n3A_84 = arith.constant 0 : i32
      %select_n3A_85 = arith.constant 1 : i32
      %select_n3A_86 = arith.select %select_n3A_83, %select_n3A_85, %select_n3A_84 : i32
      %eq3A_87 = arith.constant 1 : i32
      %eq3A_88 = arith.cmpi eq, %select_n3A_86, %eq3A_87 : i32
      %select_n3A_89 = arith.constant 0 : i32
      %select_n3A_90 = arith.select %eq3A_88, %select_n3A_89, %select_n3A_86 : i32
      %add3A_91 = arith.constant 0 : i32
      %add3A_92 = arith.addi %add3A_91, %mul3A_42 : i32
      %select_n3A_93 = arith.constant true
      %select_n3A_94 = arith.constant 0 : i32
      %select_n3A_95 = arith.constant 1 : i32
      %select_n3A_96 = arith.select %select_n3A_93, %select_n3A_95, %select_n3A_94 : i32
      %eq3A_97 = arith.constant 1 : i32
      %eq3A_98 = arith.cmpi eq, %select_n3A_96, %eq3A_97 : i32
      %select_n3A_99 = arith.constant 0 : i32
      %select_n3A_100 = arith.select %eq3A_98, %select_n3A_99, %select_n3A_96 : i32
      %add3A_101 = arith.constant 0 : i32
      %add3A_102 = arith.addi %add3A_101, %mul3A_42 : i32
      "tpu.trace_start"() <{level = 10 : i32, message = "ep_initialize_0"}> : () -> ()
      %rem3A = arith.constant 0 : i32
      %rem3A_103 = arith.constant 2 : i32
      %rem3A_104 = arith.remui %rem3A, %rem3A_103 : i32
      %mul3A_105 = arith.constant 128 : i32
      %mul3A_106 = arith.muli %mul3A_105, %add3A_74 : i32
      %dma_start3A = arith.constant 0 : i32
      %dma_start3A_107 = arith.constant 0 : i32
      %dma_start3A_108 = tpu.memref_slice %run_scoped3A[%rem3A_104, %dma_start3A, %dma_start3A_107] : memref<2x128x256xf32, #tpu.memory_space<vmem>> -> memref<1x128x256xf32, #tpu.memory_space<vmem>>
      %dma_start3A_109 = tpu.memref_squeeze %dma_start3A_108 : memref<1x128x256xf32, #tpu.memory_space<vmem>> -> memref<128x256xf32, #tpu.memory_space<vmem>>
      %dma_start3A_110 = arith.constant 512 : i32
      %dma_start3A_111 = tpu.memref_slice %arg2[%mul3A_106, %dma_start3A_110] : memref<4096x1024xf32, #tpu.memory_space<hbm>> -> memref<128x256xf32, #tpu.memory_space<hbm>>
      %dma_start3A_112 = tpu.memref_slice %run_scoped3A_70[%rem3A_104] : memref<2x!tpu.dma_semaphore, #tpu.memory_space<semaphore_mem>> -> memref<1x!tpu.dma_semaphore, #tpu.memory_space<semaphore_mem>>
      %dma_start3A_113 = tpu.memref_squeeze %dma_start3A_112 : memref<1x!tpu.dma_semaphore, #tpu.memory_space<semaphore_mem>> -> memref<!tpu.dma_semaphore, #tpu.memory_space<semaphore_mem>>
      %dma_start3A_114 = arith.constant 0 : i32
      %dma_start3A_115 = arith.constant 0 : i32
      %dma_start3A_116 = tpu.memref_slice %run_scoped3A[%rem3A_104, %dma_start3A_114, %dma_start3A_115] : memref<2x128x256xf32, #tpu.memory_space<vmem>> -> memref<1x128x256xf32, #tpu.memory_space<vmem>>
      %dma_start3A_117 = tpu.memref_squeeze %dma_start3A_116 : memref<1x128x256xf32, #tpu.memory_space<vmem>> -> memref<128x256xf32, #tpu.memory_space<vmem>>
      %dma_start3A_118 = arith.constant 512 : i32
      %dma_start3A_119 = tpu.memref_slice %arg2[%mul3A_106, %dma_start3A_118] : memref<4096x1024xf32, #tpu.memory_space<hbm>> -> memref<128x256xf32, #tpu.memory_space<hbm>>
      tpu.enqueue_dma source(%dma_start3A_119 : memref<128x256xf32, #tpu.memory_space<hbm>>) target(%dma_start3A_117 : memref<128x256xf32, #tpu.memory_space<vmem>>) target_semaphore(%dma_start3A_113 : memref<!tpu.dma_semaphore, #tpu.memory_space<semaphore_mem>>)
      %add3A_120 = arith.constant 0 : i32
      %add3A_121 = arith.constant 1 : i32
      %add3A_122 = arith.addi %add3A_120, %add3A_121 : i32
      %select_n3A_123 = arith.constant true
      %select_n3A_124 = arith.constant 0 : i32
      %select_n3A_125 = arith.select %select_n3A_123, %add3A_122, %select_n3A_124 : i32
      %rem3A_126 = arith.constant 0 : i32
      %rem3A_127 = arith.constant 2 : i32
      %rem3A_128 = arith.remui %rem3A_126, %rem3A_127 : i32
      %mul3A_129 = arith.constant 128 : i32
      %mul3A_130 = arith.muli %mul3A_129, %add3A_74 : i32
      %dma_start3A_131 = arith.constant 0 : i32
      %dma_start3A_132 = arith.constant 0 : i32
      %dma_start3A_133 = tpu.memref_slice %run_scoped3A_71[%rem3A_128, %dma_start3A_131, %dma_start3A_132] : memref<2x1x128xi32, #tpu.memory_space<vmem>> -> memref<1x1x128xi32, #tpu.memory_space<vmem>>
      %dma_start3A_134 = tpu.memref_squeeze %dma_start3A_133 : memref<1x1x128xi32, #tpu.memory_space<vmem>> -> memref<1x128xi32, #tpu.memory_space<vmem>>
      %dma_start3A_135 = arith.constant 0 : i32
      %dma_start3A_136 = tpu.memref_slice %arg4[%dma_start3A_135, %mul3A_130] : memref<1x4096xi32, #tpu.memory_space<hbm>> -> memref<1x128xi32, #tpu.memory_space<hbm>>
      %dma_start3A_137 = tpu.memref_slice %run_scoped3A_72[%rem3A_128] : memref<2x!tpu.dma_semaphore, #tpu.memory_space<semaphore_mem>> -> memref<1x!tpu.dma_semaphore, #tpu.memory_space<semaphore_mem>>
      %dma_start3A_138 = tpu.memref_squeeze %dma_start3A_137 : memref<1x!tpu.dma_semaphore, #tpu.memory_space<semaphore_mem>> -> memref<!tpu.dma_semaphore, #tpu.memory_space<semaphore_mem>>
      %dma_start3A_139 = arith.constant 0 : i32
      %dma_start3A_140 = arith.constant 0 : i32
      %dma_start3A_141 = tpu.memref_slice %run_scoped3A_71[%rem3A_128, %dma_start3A_139, %dma_start3A_140] : memref<2x1x128xi32, #tpu.memory_space<vmem>> -> memref<1x1x128xi32, #tpu.memory_space<vmem>>
      %dma_start3A_142 = tpu.memref_squeeze %dma_start3A_141 : memref<1x1x128xi32, #tpu.memory_space<vmem>> -> memref<1x128xi32, #tpu.memory_space<vmem>>
      %dma_start3A_143 = arith.constant 0 : i32
      %dma_start3A_144 = tpu.memref_slice %arg4[%dma_start3A_143, %mul3A_130] : memref<1x4096xi32, #tpu.memory_space<hbm>> -> memref<1x128xi32, #tpu.memory_space<hbm>>
      tpu.enqueue_dma source(%dma_start3A_144 : memref<1x128xi32, #tpu.memory_space<hbm>>) target(%dma_start3A_142 : memref<1x128xi32, #tpu.memory_space<vmem>>) target_semaphore(%dma_start3A_138 : memref<!tpu.dma_semaphore, #tpu.memory_space<semaphore_mem>>)
      %add3A_145 = arith.constant 0 : i32
      %add3A_146 = arith.constant 1 : i32
      %add3A_147 = arith.addi %add3A_145, %add3A_146 : i32
      %select_n3A_148 = arith.constant true
      %select_n3A_149 = arith.constant 0 : i32
      %select_n3A_150 = arith.select %select_n3A_148, %add3A_147, %select_n3A_149 : i32
      "tpu.trace_stop"() : () -> ()
      %scan3A = arith.constant 0 : i32
      %scan3A_151 = arith.constant 0 : i32
      %scan3A_152 = arith.constant 0 : i32
      %scan3A_153 = arith.constant 0 : i32
      %eq3A_154 = arith.constant 0 : i32
      %eq3A_155 = arith.cmpi eq, %scan3A_153, %eq3A_154 : i32
      %eq3A_156 = arith.constant 0 : i32
      %eq3A_157 = arith.cmpi eq, %scan3A_153, %eq3A_156 : i32
      %add3A_158 = arith.constant 0 : i32
      %add3A_159 = arith.addi %add3A_158, %mul3A_42 : i32
      %select_n3A_160 = arith.constant true
      %select_n3A_161 = arith.constant 0 : i32
      %select_n3A_162 = arith.constant -1 : i32
      %select_n3A_163 = arith.select %select_n3A_160, %select_n3A_162, %select_n3A_161 : i32
      %eq3A_164 = arith.constant -1 : i32
      %eq3A_165 = arith.cmpi eq, %select_n3A_163, %eq3A_164 : i32
      %select_n3A_166 = arith.constant 0 : i32
      %select_n3A_167 = arith.select %eq3A_165, %select_n3A_166, %select_n3A_163 : i32
      %add3A_168 = arith.constant 0 : i32
      %add3A_169 = arith.addi %add3A_168, %mul3A_42 : i32
      %select_n3A_170 = arith.constant true
      %select_n3A_171 = arith.constant 0 : i32
      %select_n3A_172 = arith.constant 1 : i32
      %select_n3A_173 = arith.select %select_n3A_170, %select_n3A_172, %select_n3A_171 : i32
      %eq3A_174 = arith.constant 1 : i32
      %eq3A_175 = arith.cmpi eq, %select_n3A_173, %eq3A_174 : i32
      %select_n3A_176 = arith.constant 0 : i32
      %select_n3A_177 = arith.select %eq3A_175, %select_n3A_176, %select_n3A_173 : i32
      %add3A_178 = arith.constant 0 : i32
      %add3A_179 = arith.addi %add3A_178, %mul3A_42 : i32
      %select_n3A_180 = arith.constant true
      %select_n3A_181 = arith.constant 0 : i32
      %select_n3A_182 = arith.constant 1 : i32
      %select_n3A_183 = arith.select %select_n3A_180, %select_n3A_182, %select_n3A_181 : i32
      %eq3A_184 = arith.constant 1 : i32
      %eq3A_185 = arith.cmpi eq, %select_n3A_183, %eq3A_184 : i32
      %select_n3A_186 = arith.constant 0 : i32
      %select_n3A_187 = arith.select %eq3A_185, %select_n3A_186, %select_n3A_183 : i32
      %add3A_188 = arith.constant 0 : i32
      %add3A_189 = arith.addi %add3A_188, %mul3A_42 : i32
      %ne3A = arith.cmpi ne, %add3A_159, %add3A_179 : i32
      %or3A = arith.constant false
      %or3A_190 = arith.ori %or3A, %ne3A : i1
      %or3A_191 = arith.constant false
      %or3A_192 = arith.ori %or3A_190, %or3A_191 : i1
      %ge3A = arith.constant 0 : i32
      %ge3A_193 = arith.cmpi sge, %scan3A_153, %ge3A : i32
      %not3A = arith.constant true
      %not3A_194 = arith.xori %ge3A_193, %not3A : i1
      %and3A = arith.andi %or3A_192, %not3A_194 : i1
      %convert_element_type3A = arith.extui %and3A : i1 to i32
      %cond3A = arith.constant 0 : i32
      %cond3A_195 = arith.cmpi ne, %convert_element_type3A, %cond3A : i32
      scf.if %cond3A_195 {
        "tpu.trace_start"() <{level = 10 : i32, message = "ep_copy_in"}> : () -> ()
        %rem3A_347 = arith.constant 2 : i32
        %rem3A_348 = arith.remui %select_n3A_125, %rem3A_347 : i32
        %mul3A_349 = arith.constant 128 : i32
        %mul3A_350 = arith.muli %mul3A_349, %add3A_179 : i32
        %dma_start3A_351 = arith.constant 0 : i32
        %dma_start3A_352 = arith.constant 0 : i32
        %dma_start3A_353 = tpu.memref_slice %run_scoped3A[%rem3A_348, %dma_start3A_351, %dma_start3A_352] : memref<2x128x256xf32, #tpu.memory_space<vmem>> -> memref<1x128x256xf32, #tpu.memory_space<vmem>>
        %dma_start3A_354 = tpu.memref_squeeze %dma_start3A_353 : memref<1x128x256xf32, #tpu.memory_space<vmem>> -> memref<128x256xf32, #tpu.memory_space<vmem>>
        %dma_start3A_355 = arith.constant 512 : i32
        %dma_start3A_356 = tpu.memref_slice %arg2[%mul3A_350, %dma_start3A_355] : memref<4096x1024xf32, #tpu.memory_space<hbm>> -> memref<128x256xf32, #tpu.memory_space<hbm>>
        %dma_start3A_357 = tpu.memref_slice %run_scoped3A_70[%rem3A_348] : memref<2x!tpu.dma_semaphore, #tpu.memory_space<semaphore_mem>> -> memref<1x!tpu.dma_semaphore, #tpu.memory_space<semaphore_mem>>
        %dma_start3A_358 = tpu.memref_squeeze %dma_start3A_357 : memref<1x!tpu.dma_semaphore, #tpu.memory_space<semaphore_mem>> -> memref<!tpu.dma_semaphore, #tpu.memory_space<semaphore_mem>>
        %dma_start3A_359 = arith.constant 0 : i32
        %dma_start3A_360 = arith.constant 0 : i32
        %dma_start3A_361 = tpu.memref_slice %run_scoped3A[%rem3A_348, %dma_start3A_359, %dma_start3A_360] : memref<2x128x256xf32, #tpu.memory_space<vmem>> -> memref<1x128x256xf32, #tpu.memory_space<vmem>>
        %dma_start3A_362 = tpu.memref_squeeze %dma_start3A_361 : memref<1x128x256xf32, #tpu.memory_space<vmem>> -> memref<128x256xf32, #tpu.memory_space<vmem>>
        %dma_start3A_363 = arith.constant 512 : i32
        %dma_start3A_364 = tpu.memref_slice %arg2[%mul3A_350, %dma_start3A_363] : memref<4096x1024xf32, #tpu.memory_space<hbm>> -> memref<128x256xf32, #tpu.memory_space<hbm>>
        tpu.enqueue_dma source(%dma_start3A_364 : memref<128x256xf32, #tpu.memory_space<hbm>>) target(%dma_start3A_362 : memref<128x256xf32, #tpu.memory_space<vmem>>) target_semaphore(%dma_start3A_358 : memref<!tpu.dma_semaphore, #tpu.memory_space<semaphore_mem>>)
        "tpu.trace_stop"() : () -> ()
      } else {
      }
      %and3A_196 = arith.constant true
      %and3A_197 = arith.andi %and3A, %and3A_196 : i1
      %add3A_198 = arith.constant 1 : i32
      %add3A_199 = arith.addi %select_n3A_125, %add3A_198 : i32
      %select_n3A_200 = arith.select %and3A_197, %add3A_199, %select_n3A_125 : i32
      %ne3A_201 = arith.cmpi ne, %add3A_159, %add3A_179 : i32
      %or3A_202 = arith.constant false
      %or3A_203 = arith.ori %or3A_202, %ne3A_201 : i1
      %ge3A_204 = arith.constant 0 : i32
      %ge3A_205 = arith.cmpi sge, %scan3A_153, %ge3A_204 : i32
      %not3A_206 = arith.constant true
      %not3A_207 = arith.xori %ge3A_205, %not3A_206 : i1
      %and3A_208 = arith.andi %or3A_203, %not3A_207 : i1
      %convert_element_type3A_209 = arith.extui %and3A_208 : i1 to i32
      %cond3A_210 = arith.constant 0 : i32
      %cond3A_211 = arith.cmpi ne, %convert_element_type3A_209, %cond3A_210 : i32
      scf.if %cond3A_211 {
        "tpu.trace_start"() <{level = 10 : i32, message = "ep_copy_in"}> : () -> ()
        %rem3A_347 = arith.constant 2 : i32
        %rem3A_348 = arith.remui %select_n3A_150, %rem3A_347 : i32
        %mul3A_349 = arith.constant 128 : i32
        %mul3A_350 = arith.muli %mul3A_349, %add3A_179 : i32
        %dma_start3A_351 = arith.constant 0 : i32
        %dma_start3A_352 = arith.constant 0 : i32
        %dma_start3A_353 = tpu.memref_slice %run_scoped3A_71[%rem3A_348, %dma_start3A_351, %dma_start3A_352] : memref<2x1x128xi32, #tpu.memory_space<vmem>> -> memref<1x1x128xi32, #tpu.memory_space<vmem>>
        %dma_start3A_354 = tpu.memref_squeeze %dma_start3A_353 : memref<1x1x128xi32, #tpu.memory_space<vmem>> -> memref<1x128xi32, #tpu.memory_space<vmem>>
        %dma_start3A_355 = arith.constant 0 : i32
        %dma_start3A_356 = tpu.memref_slice %arg4[%dma_start3A_355, %mul3A_350] : memref<1x4096xi32, #tpu.memory_space<hbm>> -> memref<1x128xi32, #tpu.memory_space<hbm>>
        %dma_start3A_357 = tpu.memref_slice %run_scoped3A_72[%rem3A_348] : memref<2x!tpu.dma_semaphore, #tpu.memory_space<semaphore_mem>> -> memref<1x!tpu.dma_semaphore, #tpu.memory_space<semaphore_mem>>
        %dma_start3A_358 = tpu.memref_squeeze %dma_start3A_357 : memref<1x!tpu.dma_semaphore, #tpu.memory_space<semaphore_mem>> -> memref<!tpu.dma_semaphore, #tpu.memory_space<semaphore_mem>>
        %dma_start3A_359 = arith.constant 0 : i32
        %dma_start3A_360 = arith.constant 0 : i32
        %dma_start3A_361 = tpu.memref_slice %run_scoped3A_71[%rem3A_348, %dma_start3A_359, %dma_start3A_360] : memref<2x1x128xi32, #tpu.memory_space<vmem>> -> memref<1x1x128xi32, #tpu.memory_space<vmem>>
        %dma_start3A_362 = tpu.memref_squeeze %dma_start3A_361 : memref<1x1x128xi32, #tpu.memory_space<vmem>> -> memref<1x128xi32, #tpu.memory_space<vmem>>
        %dma_start3A_363 = arith.constant 0 : i32
        %dma_start3A_364 = tpu.memref_slice %arg4[%dma_start3A_363, %mul3A_350] : memref<1x4096xi32, #tpu.memory_space<hbm>> -> memref<1x128xi32, #tpu.memory_space<hbm>>
        tpu.enqueue_dma source(%dma_start3A_364 : memref<1x128xi32, #tpu.memory_space<hbm>>) target(%dma_start3A_362 : memref<1x128xi32, #tpu.memory_space<vmem>>) target_semaphore(%dma_start3A_358 : memref<!tpu.dma_semaphore, #tpu.memory_space<semaphore_mem>>)
        "tpu.trace_stop"() : () -> ()
      } else {
      }
      %and3A_212 = arith.constant true
      %and3A_213 = arith.andi %and3A_208, %and3A_212 : i1
      %add3A_214 = arith.constant 1 : i32
      %add3A_215 = arith.addi %select_n3A_150, %add3A_214 : i32
      %select_n3A_216 = arith.select %and3A_213, %add3A_215, %select_n3A_150 : i32
      %ne3A_217 = arith.cmpi ne, %add3A_159, %add3A_169 : i32
      %or3A_218 = arith.constant false
      %or3A_219 = arith.ori %or3A_218, %ne3A_217 : i1
      %or3A_220 = arith.constant false
      %or3A_221 = arith.ori %or3A_219, %or3A_220 : i1
      %or3A_222 = arith.ori %or3A_221, %eq3A_155 : i1
      %convert_element_type3A_223 = arith.extui %or3A_222 : i1 to i32
      %cond3A_224 = arith.constant 0 : i32
      %cond3A_225 = arith.cmpi ne, %convert_element_type3A_223, %cond3A_224 : i32
      scf.if %cond3A_225 {
        "tpu.trace_start"() <{level = 10 : i32, message = "ep_wait_in"}> : () -> ()
        %mul3A_347 = arith.constant 128 : i32
        %mul3A_348 = arith.muli %mul3A_347, %add3A_159 : i32
        %rem3A_349 = arith.constant 2 : i32
        %rem3A_350 = arith.remui %scan3A, %rem3A_349 : i32
        %dma_wait3A = arith.constant 0 : i32
        %dma_wait3A_351 = arith.constant 0 : i32
        %dma_wait3A_352 = tpu.memref_slice %run_scoped3A[%rem3A_350, %dma_wait3A, %dma_wait3A_351] : memref<2x128x256xf32, #tpu.memory_space<vmem>> -> memref<1x128x256xf32, #tpu.memory_space<vmem>>
        %dma_wait3A_353 = tpu.memref_squeeze %dma_wait3A_352 : memref<1x128x256xf32, #tpu.memory_space<vmem>> -> memref<128x256xf32, #tpu.memory_space<vmem>>
        %dma_wait3A_354 = arith.constant 512 : i32
        %dma_wait3A_355 = tpu.memref_slice %arg2[%mul3A_348, %dma_wait3A_354] : memref<4096x1024xf32, #tpu.memory_space<hbm>> -> memref<128x256xf32, #tpu.memory_space<hbm>>
        %dma_wait3A_356 = tpu.memref_slice %run_scoped3A_70[%rem3A_350] : memref<2x!tpu.dma_semaphore, #tpu.memory_space<semaphore_mem>> -> memref<1x!tpu.dma_semaphore, #tpu.memory_space<semaphore_mem>>
        %dma_wait3A_357 = tpu.memref_squeeze %dma_wait3A_356 : memref<1x!tpu.dma_semaphore, #tpu.memory_space<semaphore_mem>> -> memref<!tpu.dma_semaphore, #tpu.memory_space<semaphore_mem>>
        %dma_wait3A_358 = arith.constant 0 : i32
        %dma_wait3A_359 = arith.constant 0 : i32
        %dma_wait3A_360 = tpu.memref_slice %run_scoped3A[%rem3A_350, %dma_wait3A_358, %dma_wait3A_359] : memref<2x128x256xf32, #tpu.memory_space<vmem>> -> memref<1x128x256xf32, #tpu.memory_space<vmem>>
        %dma_wait3A_361 = tpu.memref_squeeze %dma_wait3A_360 : memref<1x128x256xf32, #tpu.memory_space<vmem>> -> memref<128x256xf32, #tpu.memory_space<vmem>>
        %dma_wait3A_362 = arith.constant 512 : i32
        %dma_wait3A_363 = tpu.memref_slice %arg2[%mul3A_348, %dma_wait3A_362] : memref<4096x1024xf32, #tpu.memory_space<hbm>> -> memref<128x256xf32, #tpu.memory_space<hbm>>
        tpu.wait_dma2 semaphore(%dma_wait3A_357 : memref<!tpu.dma_semaphore, #tpu.memory_space<semaphore_mem>>) src(%dma_wait3A_363 : memref<128x256xf32, #tpu.memory_space<hbm>>) dst(%dma_wait3A_361 : memref<128x256xf32, #tpu.memory_space<vmem>>)
        "tpu.trace_stop"() : () -> ()
      } else {
      }
      %ne3A_226 = arith.cmpi ne, %add3A_159, %add3A_169 : i32
      %or3A_227 = arith.constant false
      %or3A_228 = arith.ori %or3A_227, %ne3A_226 : i1
      %or3A_229 = arith.ori %or3A_228, %eq3A_155 : i1
      %convert_element_type3A_230 = arith.extui %or3A_229 : i1 to i32
      %cond3A_231 = arith.constant 0 : i32
      %cond3A_232 = arith.cmpi ne, %convert_element_type3A_230, %cond3A_231 : i32
      scf.if %cond3A_232 {
        "tpu.trace_start"() <{level = 10 : i32, message = "ep_wait_in"}> : () -> ()
        %mul3A_347 = arith.constant 128 : i32
        %mul3A_348 = arith.muli %mul3A_347, %add3A_159 : i32
        %rem3A_349 = arith.constant 2 : i32
        %rem3A_350 = arith.remui %scan3A_151, %rem3A_349 : i32
        %dma_wait3A = arith.constant 0 : i32
        %dma_wait3A_351 = arith.constant 0 : i32
        %dma_wait3A_352 = tpu.memref_slice %run_scoped3A_71[%rem3A_350, %dma_wait3A, %dma_wait3A_351] : memref<2x1x128xi32, #tpu.memory_space<vmem>> -> memref<1x1x128xi32, #tpu.memory_space<vmem>>
        %dma_wait3A_353 = tpu.memref_squeeze %dma_wait3A_352 : memref<1x1x128xi32, #tpu.memory_space<vmem>> -> memref<1x128xi32, #tpu.memory_space<vmem>>
        %dma_wait3A_354 = arith.constant 0 : i32
        %dma_wait3A_355 = tpu.memref_slice %arg4[%dma_wait3A_354, %mul3A_348] : memref<1x4096xi32, #tpu.memory_space<hbm>> -> memref<1x128xi32, #tpu.memory_space<hbm>>
        %dma_wait3A_356 = tpu.memref_slice %run_scoped3A_72[%rem3A_350] : memref<2x!tpu.dma_semaphore, #tpu.memory_space<semaphore_mem>> -> memref<1x!tpu.dma_semaphore, #tpu.memory_space<semaphore_mem>>
        %dma_wait3A_357 = tpu.memref_squeeze %dma_wait3A_356 : memref<1x!tpu.dma_semaphore, #tpu.memory_space<semaphore_mem>> -> memref<!tpu.dma_semaphore, #tpu.memory_space<semaphore_mem>>
        %dma_wait3A_358 = arith.constant 0 : i32
        %dma_wait3A_359 = arith.constant 0 : i32
        %dma_wait3A_360 = tpu.memref_slice %run_scoped3A_71[%rem3A_350, %dma_wait3A_358, %dma_wait3A_359] : memref<2x1x128xi32, #tpu.memory_space<vmem>> -> memref<1x1x128xi32, #tpu.memory_space<vmem>>
        %dma_wait3A_361 = tpu.memref_squeeze %dma_wait3A_360 : memref<1x1x128xi32, #tpu.memory_space<vmem>> -> memref<1x128xi32, #tpu.memory_space<vmem>>
        %dma_wait3A_362 = arith.constant 0 : i32
        %dma_wait3A_363 = tpu.memref_slice %arg4[%dma_wait3A_362, %mul3A_348] : memref<1x4096xi32, #tpu.memory_space<hbm>> -> memref<1x128xi32, #tpu.memory_space<hbm>>
        tpu.wait_dma2 semaphore(%dma_wait3A_357 : memref<!tpu.dma_semaphore, #tpu.memory_space<semaphore_mem>>) src(%dma_wait3A_363 : memref<1x128xi32, #tpu.memory_space<hbm>>) dst(%dma_wait3A_361 : memref<1x128xi32, #tpu.memory_space<vmem>>)
        "tpu.trace_stop"() : () -> ()
      } else {
      }
      %rem3A_233 = arith.constant 2 : i32
      %rem3A_234 = arith.remui %scan3A, %rem3A_233 : i32
      %rem3A_235 = arith.constant 2 : i32
      %rem3A_236 = arith.remui %scan3A_151, %rem3A_235 : i32
      %run_scoped3A_237 = arith.constant 0 : i32
      "tpu.trace_start"() <{level = 10 : i32, message = "ep_run_kernel"}> : () -> ()
      "tpu.region"() ({
        %run_scoped3A_347 = tpu.sem_alloc : memref<!tpu.dma_semaphore, #tpu.memory_space<semaphore_mem>>
        %dma_start3A_348 = arith.constant 0 : i32
        %dma_start3A_349 = arith.constant 0 : i32
        %dma_start3A_350 = tpu.memref_slice %run_scoped3A[%rem3A_234, %dma_start3A_348, %dma_start3A_349] : memref<2x128x256xf32, #tpu.memory_space<vmem>> -> memref<1x128x256xf32, #tpu.memory_space<vmem>>
        %dma_start3A_351 = tpu.memref_squeeze %dma_start3A_350 : memref<1x128x256xf32, #tpu.memory_space<vmem>> -> memref<128x256xf32, #tpu.memory_space<vmem>>
        %dma_start3A_352 = arith.constant 0 : i32
        %dma_start3A_353 = arith.constant 0 : i32
        %dma_start3A_354 = tpu.memref_slice %run_scoped3A_71[%rem3A_236, %dma_start3A_352, %dma_start3A_353] : memref<2x1x128xi32, #tpu.memory_space<vmem>> -> memref<1x1x128xi32, #tpu.memory_space<vmem>>
        %dma_start3A_355 = tpu.memref_squeeze %dma_start3A_354 : memref<1x1x128xi32, #tpu.memory_space<vmem>> -> memref<1x128xi32, #tpu.memory_space<vmem>>
        %dma_start3A_356 = arith.constant 0 : i32
        %dma_start3A_357 = tpu.memref_slice %dma_start3A_355[%run_scoped3A_237, %dma_start3A_356] : memref<1x128xi32, #tpu.memory_space<vmem>> -> memref<1x128xi32, #tpu.memory_space<vmem>>
        %dma_start3A_358 = tpu.memref_squeeze %dma_start3A_357 : memref<1x128xi32, #tpu.memory_space<vmem>> -> memref<128xi32, #tpu.memory_space<vmem>>
        %dma_start3A_359 = arith.constant 0 : i32
        %dma_start3A_360 = arith.constant 0 : i32
        %dma_start3A_361 = tpu.memref_slice %arg8[%dma_start3A_359, %dma_start3A_360] : memref<12288x256xf32, #tpu.memory_space<hbm>> -> memref<12288x256xf32, #tpu.memory_space<hbm>>
        tpu.enqueue_indirect_dma source(%dma_start3A_351 : memref<128x256xf32, #tpu.memory_space<vmem>>) target(%dma_start3A_361 : memref<12288x256xf32, #tpu.memory_space<hbm>>) offsets(%dma_start3A_358 : memref<128xi32, #tpu.memory_space<vmem>>) semaphore(%run_scoped3A_347 : memref<!tpu.dma_semaphore, #tpu.memory_space<semaphore_mem>>)
        %dma_wait3A = arith.constant 0 : i32
        %dma_wait3A_362 = arith.constant 0 : i32
        %dma_wait3A_363 = tpu.memref_slice %run_scoped3A[%rem3A_234, %dma_wait3A, %dma_wait3A_362] : memref<2x128x256xf32, #tpu.memory_space<vmem>> -> memref<1x128x256xf32, #tpu.memory_space<vmem>>
        %dma_wait3A_364 = tpu.memref_squeeze %dma_wait3A_363 : memref<1x128x256xf32, #tpu.memory_space<vmem>> -> memref<128x256xf32, #tpu.memory_space<vmem>>
        %dma_wait3A_365 = arith.constant 0 : i32
        %dma_wait3A_366 = arith.constant 0 : i32
        %dma_wait3A_367 = tpu.memref_slice %run_scoped3A_71[%rem3A_236, %dma_wait3A_365, %dma_wait3A_366] : memref<2x1x128xi32, #tpu.memory_space<vmem>> -> memref<1x1x128xi32, #tpu.memory_space<vmem>>
        %dma_wait3A_368 = tpu.memref_squeeze %dma_wait3A_367 : memref<1x1x128xi32, #tpu.memory_space<vmem>> -> memref<1x128xi32, #tpu.memory_space<vmem>>
        %dma_wait3A_369 = arith.constant 0 : i32
        %dma_wait3A_370 = tpu.memref_slice %dma_wait3A_368[%run_scoped3A_237, %dma_wait3A_369] : memref<1x128xi32, #tpu.memory_space<vmem>> -> memref<1x128xi32, #tpu.memory_space<vmem>>
        %dma_wait3A_371 = tpu.memref_squeeze %dma_wait3A_370 : memref<1x128xi32, #tpu.memory_space<vmem>> -> memref<128xi32, #tpu.memory_space<vmem>>
        %dma_wait3A_372 = arith.constant 0 : i32
        %dma_wait3A_373 = arith.constant 0 : i32
        %dma_wait3A_374 = tpu.memref_slice %arg8[%dma_wait3A_372, %dma_wait3A_373] : memref<12288x256xf32, #tpu.memory_space<hbm>> -> memref<12288x256xf32, #tpu.memory_space<hbm>>
        tpu.wait_indirect_dma semaphore(%run_scoped3A_347 : memref<!tpu.dma_semaphore, #tpu.memory_space<semaphore_mem>>) src(%dma_wait3A_364 : memref<128x256xf32, #tpu.memory_space<vmem>>) dst(%dma_wait3A_374 : memref<12288x256xf32, #tpu.memory_space<hbm>>)
        tpu.yield
      }) : () -> ()
      "tpu.trace_stop"() : () -> ()
      %ne3A_238 = arith.cmpi ne, %add3A_159, %add3A_179 : i32
      %or3A_239 = arith.constant false
      %or3A_240 = arith.ori %or3A_239, %ne3A_238 : i1
      %or3A_241 = arith.constant false
      %or3A_242 = arith.ori %or3A_240, %or3A_241 : i1
      %or3A_243 = arith.ori %or3A_242, %eq3A_157 : i1
      %convert_element_type3A_244 = arith.extui %or3A_243 : i1 to i32
      %cond3A_245 = arith.constant 0 : i32
      %cond3A_246 = arith.cmpi ne, %convert_element_type3A_244, %cond3A_245 : i32
      scf.if %cond3A_246 {
      } else {
      }
      %and3A_247 = arith.constant false
      %and3A_248 = arith.andi %or3A_243, %and3A_247 : i1
      %ne3A_249 = arith.cmpi ne, %add3A_159, %add3A_179 : i32
      %or3A_250 = arith.constant false
      %or3A_251 = arith.ori %or3A_250, %ne3A_249 : i1
      %or3A_252 = arith.ori %or3A_251, %eq3A_157 : i1
      %convert_element_type3A_253 = arith.extui %or3A_252 : i1 to i32
      %cond3A_254 = arith.constant 0 : i32
      %cond3A_255 = arith.cmpi ne, %convert_element_type3A_253, %cond3A_254 : i32
      scf.if %cond3A_255 {
      } else {
      }
      %and3A_256 = arith.constant false
      %and3A_257 = arith.andi %or3A_252, %and3A_256 : i1
      %ne3A_258 = arith.cmpi ne, %add3A_159, %add3A_169 : i32
      %or3A_259 = arith.constant false
      %or3A_260 = arith.ori %or3A_259, %ne3A_258 : i1
      %or3A_261 = arith.constant false
      %or3A_262 = arith.ori %or3A_260, %or3A_261 : i1
      %not3A_263 = arith.constant true
      %not3A_264 = arith.xori %eq3A_155, %not3A_263 : i1
      %and3A_265 = arith.andi %or3A_262, %not3A_264 : i1
      %convert_element_type3A_266 = arith.extui %and3A_265 : i1 to i32
      %cond3A_267 = arith.constant 0 : i32
      %cond3A_268 = arith.cmpi ne, %convert_element_type3A_266, %cond3A_267 : i32
      scf.if %cond3A_268 {
      } else {
      }
      %and3A_269 = arith.constant false
      %and3A_270 = arith.andi %and3A_265, %and3A_269 : i1
      %ne3A_271 = arith.cmpi ne, %add3A_159, %add3A_169 : i32
      %or3A_272 = arith.constant false
      %or3A_273 = arith.ori %or3A_272, %ne3A_271 : i1
      %not3A_274 = arith.constant true
      %not3A_275 = arith.xori %eq3A_155, %not3A_274 : i1
      %and3A_276 = arith.andi %or3A_273, %not3A_275 : i1
      %convert_element_type3A_277 = arith.extui %and3A_276 : i1 to i32
      %cond3A_278 = arith.constant 0 : i32
      %cond3A_279 = arith.cmpi ne, %convert_element_type3A_277, %cond3A_278 : i32
      scf.if %cond3A_279 {
      } else {
      }
      %and3A_280 = arith.constant false
      %and3A_281 = arith.andi %and3A_276, %and3A_280 : i1
      %ne3A_282 = arith.cmpi ne, %add3A_159, %add3A_179 : i32
      %or3A_283 = arith.constant false
      %or3A_284 = arith.ori %or3A_283, %ne3A_282 : i1
      %or3A_285 = arith.constant false
      %or3A_286 = arith.ori %or3A_284, %or3A_285 : i1
      %or3A_287 = arith.ori %or3A_286, %eq3A_157 : i1
      %add3A_288 = arith.constant 1 : i32
      %add3A_289 = arith.addi %scan3A, %add3A_288 : i32
      %select_n3A_290 = arith.select %or3A_287, %add3A_289, %scan3A : i32
      %ne3A_291 = arith.cmpi ne, %add3A_159, %add3A_179 : i32
      %or3A_292 = arith.constant false
      %or3A_293 = arith.ori %or3A_292, %ne3A_291 : i1
      %or3A_294 = arith.ori %or3A_293, %eq3A_157 : i1
      %add3A_295 = arith.constant 1 : i32
      %add3A_296 = arith.addi %scan3A_151, %add3A_295 : i32
      %select_n3A_297 = arith.select %or3A_294, %add3A_296, %scan3A_151 : i32
      %select_n3A_298 = arith.constant true
      %select_n3A_299 = arith.constant 0 : i32
      %select_n3A_300 = arith.constant 1 : i32
      %select_n3A_301 = arith.select %select_n3A_298, %select_n3A_300, %select_n3A_299 : i32
      %eq3A_302 = arith.constant 1 : i32
      %eq3A_303 = arith.cmpi eq, %select_n3A_301, %eq3A_302 : i32
      %select_n3A_304 = arith.constant 0 : i32
      %select_n3A_305 = arith.select %eq3A_303, %select_n3A_304, %select_n3A_301 : i32
      %scan3A_306 = arith.constant 0 : i32
      %scan3A_307 = arith.constant 1 : i32
      %sub3A = arith.constant 1 : i32
      %sub3A_308 = arith.subi %scan3A_306, %sub3A : i32
      %select_n3A_309 = arith.constant true
      %select_n3A_310 = arith.select %select_n3A_309, %sub3A_308, %scan3A_306 : i32
      %eq3A_311 = arith.constant -1 : i32
      %eq3A_312 = arith.cmpi eq, %select_n3A_310, %eq3A_311 : i32
      %select_n3A_313 = arith.constant 0 : i32
      %select_n3A_314 = arith.select %eq3A_312, %select_n3A_313, %select_n3A_310 : i32
      %add3A_315 = arith.constant 0 : i32
      %add3A_316 = arith.addi %add3A_315, %mul3A_42 : i32
      %select_n3A_317 = arith.constant true
      %select_n3A_318 = arith.constant 0 : i32
      %select_n3A_319 = arith.constant -1 : i32
      %select_n3A_320 = arith.select %select_n3A_317, %select_n3A_319, %select_n3A_318 : i32
      %eq3A_321 = arith.constant -1 : i32
      %eq3A_322 = arith.cmpi eq, %select_n3A_320, %eq3A_321 : i32
      %select_n3A_323 = arith.constant 0 : i32
      %select_n3A_324 = arith.select %eq3A_322, %select_n3A_323, %select_n3A_320 : i32
      %add3A_325 = arith.constant 0 : i32
      %add3A_326 = arith.addi %add3A_325, %mul3A_42 : i32
      %select_n3A_327 = arith.constant true
      %select_n3A_328 = arith.constant 0 : i32
      %select_n3A_329 = arith.constant 1 : i32
      %select_n3A_330 = arith.select %select_n3A_327, %select_n3A_329, %select_n3A_328 : i32
      %eq3A_331 = arith.constant 1 : i32
      %eq3A_332 = arith.cmpi eq, %select_n3A_330, %eq3A_331 : i32
      %select_n3A_333 = arith.constant 0 : i32
      %select_n3A_334 = arith.select %eq3A_332, %select_n3A_333, %select_n3A_330 : i32
      %add3A_335 = arith.constant 0 : i32
      %add3A_336 = arith.addi %add3A_335, %mul3A_42 : i32
      %select_n3A_337 = arith.constant true
      %select_n3A_338 = arith.constant 0 : i32
      %select_n3A_339 = arith.constant 1 : i32
      %select_n3A_340 = arith.select %select_n3A_337, %select_n3A_339, %select_n3A_338 : i32
      %eq3A_341 = arith.constant 1 : i32
      %eq3A_342 = arith.cmpi eq, %select_n3A_340, %eq3A_341 : i32
      %select_n3A_343 = arith.constant 0 : i32
      %select_n3A_344 = arith.select %eq3A_342, %select_n3A_343, %select_n3A_340 : i32
      %add3A_345 = arith.constant 0 : i32
      %add3A_346 = arith.addi %add3A_345, %mul3A_42 : i32
      tpu.yield
    }) : () -> ()
    %mul3A_43 = arith.constant 1 : i32
    %mul3A_44 = arith.muli %arg1, %mul3A_43 : i32
    %add3A_45 = arith.constant 0 : i32
    %add3A_46 = arith.addi %add3A_45, %mul3A_44 : i32
    %mul3A_47 = arith.constant 16 : i32
    %mul3A_48 = arith.muli %arg0, %mul3A_47 : i32
    %add3A_49 = arith.addi %add3A_46, %mul3A_48 : i32
    %mul3A_50 = arith.constant 1 : i32
    %mul3A_51 = arith.muli %add3A_49, %mul3A_50 : i32
    "tpu.region"() ({
      %run_scoped3A = memref.alloca() : memref<2x128x256xf32, #tpu.memory_space<vmem>>
      %run_scoped3A_70 = tpu.sem_alloc : memref<2x!tpu.dma_semaphore, #tpu.memory_space<semaphore_mem>>
      %run_scoped3A_71 = memref.alloca() : memref<2x1x128xi32, #tpu.memory_space<vmem>>
      %run_scoped3A_72 = tpu.sem_alloc : memref<2x!tpu.dma_semaphore, #tpu.memory_space<semaphore_mem>>
      %add3A_73 = arith.constant 0 : i32
      %add3A_74 = arith.addi %add3A_73, %mul3A_51 : i32
      %select_n3A = arith.constant true
      %select_n3A_75 = arith.constant 0 : i32
      %select_n3A_76 = arith.constant -1 : i32
      %select_n3A_77 = arith.select %select_n3A, %select_n3A_76, %select_n3A_75 : i32
      %eq3A = arith.constant -1 : i32
      %eq3A_78 = arith.cmpi eq, %select_n3A_77, %eq3A : i32
      %select_n3A_79 = arith.constant 0 : i32
      %select_n3A_80 = arith.select %eq3A_78, %select_n3A_79, %select_n3A_77 : i32
      %add3A_81 = arith.constant 0 : i32
      %add3A_82 = arith.addi %add3A_81, %mul3A_51 : i32
      %select_n3A_83 = arith.constant true
      %select_n3A_84 = arith.constant 0 : i32
      %select_n3A_85 = arith.constant 1 : i32
      %select_n3A_86 = arith.select %select_n3A_83, %select_n3A_85, %select_n3A_84 : i32
      %eq3A_87 = arith.constant 1 : i32
      %eq3A_88 = arith.cmpi eq, %select_n3A_86, %eq3A_87 : i32
      %select_n3A_89 = arith.constant 0 : i32
      %select_n3A_90 = arith.select %eq3A_88, %select_n3A_89, %select_n3A_86 : i32
      %add3A_91 = arith.constant 0 : i32
      %add3A_92 = arith.addi %add3A_91, %mul3A_51 : i32
      %select_n3A_93 = arith.constant true
      %select_n3A_94 = arith.constant 0 : i32
      %select_n3A_95 = arith.constant 1 : i32
      %select_n3A_96 = arith.select %select_n3A_93, %select_n3A_95, %select_n3A_94 : i32
      %eq3A_97 = arith.constant 1 : i32
      %eq3A_98 = arith.cmpi eq, %select_n3A_96, %eq3A_97 : i32
      %select_n3A_99 = arith.constant 0 : i32
      %select_n3A_100 = arith.select %eq3A_98, %select_n3A_99, %select_n3A_96 : i32
      %add3A_101 = arith.constant 0 : i32
      %add3A_102 = arith.addi %add3A_101, %mul3A_51 : i32
      "tpu.trace_start"() <{level = 10 : i32, message = "ep_initialize_0"}> : () -> ()
      %rem3A = arith.constant 0 : i32
      %rem3A_103 = arith.constant 2 : i32
      %rem3A_104 = arith.remui %rem3A, %rem3A_103 : i32
      %mul3A_105 = arith.constant 128 : i32
      %mul3A_106 = arith.muli %mul3A_105, %add3A_74 : i32
      %dma_start3A = arith.constant 0 : i32
      %dma_start3A_107 = arith.constant 0 : i32
      %dma_start3A_108 = tpu.memref_slice %run_scoped3A[%rem3A_104, %dma_start3A, %dma_start3A_107] : memref<2x128x256xf32, #tpu.memory_space<vmem>> -> memref<1x128x256xf32, #tpu.memory_space<vmem>>
      %dma_start3A_109 = tpu.memref_squeeze %dma_start3A_108 : memref<1x128x256xf32, #tpu.memory_space<vmem>> -> memref<128x256xf32, #tpu.memory_space<vmem>>
      %dma_start3A_110 = arith.constant 512 : i32
      %dma_start3A_111 = tpu.memref_slice %arg3[%mul3A_106, %dma_start3A_110] : memref<4096x1024xf32, #tpu.memory_space<hbm>> -> memref<128x256xf32, #tpu.memory_space<hbm>>
      %dma_start3A_112 = tpu.memref_slice %run_scoped3A_70[%rem3A_104] : memref<2x!tpu.dma_semaphore, #tpu.memory_space<semaphore_mem>> -> memref<1x!tpu.dma_semaphore, #tpu.memory_space<semaphore_mem>>
      %dma_start3A_113 = tpu.memref_squeeze %dma_start3A_112 : memref<1x!tpu.dma_semaphore, #tpu.memory_space<semaphore_mem>> -> memref<!tpu.dma_semaphore, #tpu.memory_space<semaphore_mem>>
      %dma_start3A_114 = arith.constant 0 : i32
      %dma_start3A_115 = arith.constant 0 : i32
      %dma_start3A_116 = tpu.memref_slice %run_scoped3A[%rem3A_104, %dma_start3A_114, %dma_start3A_115] : memref<2x128x256xf32, #tpu.memory_space<vmem>> -> memref<1x128x256xf32, #tpu.memory_space<vmem>>
      %dma_start3A_117 = tpu.memref_squeeze %dma_start3A_116 : memref<1x128x256xf32, #tpu.memory_space<vmem>> -> memref<128x256xf32, #tpu.memory_space<vmem>>
      %dma_start3A_118 = arith.constant 512 : i32
      %dma_start3A_119 = tpu.memref_slice %arg3[%mul3A_106, %dma_start3A_118] : memref<4096x1024xf32, #tpu.memory_space<hbm>> -> memref<128x256xf32, #tpu.memory_space<hbm>>
      tpu.enqueue_dma source(%dma_start3A_119 : memref<128x256xf32, #tpu.memory_space<hbm>>) target(%dma_start3A_117 : memref<128x256xf32, #tpu.memory_space<vmem>>) target_semaphore(%dma_start3A_113 : memref<!tpu.dma_semaphore, #tpu.memory_space<semaphore_mem>>)
      %add3A_120 = arith.constant 0 : i32
      %add3A_121 = arith.constant 1 : i32
      %add3A_122 = arith.addi %add3A_120, %add3A_121 : i32
      %select_n3A_123 = arith.constant true
      %select_n3A_124 = arith.constant 0 : i32
      %select_n3A_125 = arith.select %select_n3A_123, %add3A_122, %select_n3A_124 : i32
      %rem3A_126 = arith.constant 0 : i32
      %rem3A_127 = arith.constant 2 : i32
      %rem3A_128 = arith.remui %rem3A_126, %rem3A_127 : i32
      %mul3A_129 = arith.constant 128 : i32
      %mul3A_130 = arith.muli %mul3A_129, %add3A_74 : i32
      %dma_start3A_131 = arith.constant 0 : i32
      %dma_start3A_132 = arith.constant 0 : i32
      %dma_start3A_133 = tpu.memref_slice %run_scoped3A_71[%rem3A_128, %dma_start3A_131, %dma_start3A_132] : memref<2x1x128xi32, #tpu.memory_space<vmem>> -> memref<1x1x128xi32, #tpu.memory_space<vmem>>
      %dma_start3A_134 = tpu.memref_squeeze %dma_start3A_133 : memref<1x1x128xi32, #tpu.memory_space<vmem>> -> memref<1x128xi32, #tpu.memory_space<vmem>>
      %dma_start3A_135 = arith.constant 0 : i32
      %dma_start3A_136 = tpu.memref_slice %arg5[%dma_start3A_135, %mul3A_130] : memref<1x4096xi32, #tpu.memory_space<hbm>> -> memref<1x128xi32, #tpu.memory_space<hbm>>
      %dma_start3A_137 = tpu.memref_slice %run_scoped3A_72[%rem3A_128] : memref<2x!tpu.dma_semaphore, #tpu.memory_space<semaphore_mem>> -> memref<1x!tpu.dma_semaphore, #tpu.memory_space<semaphore_mem>>
      %dma_start3A_138 = tpu.memref_squeeze %dma_start3A_137 : memref<1x!tpu.dma_semaphore, #tpu.memory_space<semaphore_mem>> -> memref<!tpu.dma_semaphore, #tpu.memory_space<semaphore_mem>>
      %dma_start3A_139 = arith.constant 0 : i32
      %dma_start3A_140 = arith.constant 0 : i32
      %dma_start3A_141 = tpu.memref_slice %run_scoped3A_71[%rem3A_128, %dma_start3A_139, %dma_start3A_140] : memref<2x1x128xi32, #tpu.memory_space<vmem>> -> memref<1x1x128xi32, #tpu.memory_space<vmem>>
      %dma_start3A_142 = tpu.memref_squeeze %dma_start3A_141 : memref<1x1x128xi32, #tpu.memory_space<vmem>> -> memref<1x128xi32, #tpu.memory_space<vmem>>
      %dma_start3A_143 = arith.constant 0 : i32
      %dma_start3A_144 = tpu.memref_slice %arg5[%dma_start3A_143, %mul3A_130] : memref<1x4096xi32, #tpu.memory_space<hbm>> -> memref<1x128xi32, #tpu.memory_space<hbm>>
      tpu.enqueue_dma source(%dma_start3A_144 : memref<1x128xi32, #tpu.memory_space<hbm>>) target(%dma_start3A_142 : memref<1x128xi32, #tpu.memory_space<vmem>>) target_semaphore(%dma_start3A_138 : memref<!tpu.dma_semaphore, #tpu.memory_space<semaphore_mem>>)
      %add3A_145 = arith.constant 0 : i32
      %add3A_146 = arith.constant 1 : i32
      %add3A_147 = arith.addi %add3A_145, %add3A_146 : i32
      %select_n3A_148 = arith.constant true
      %select_n3A_149 = arith.constant 0 : i32
      %select_n3A_150 = arith.select %select_n3A_148, %add3A_147, %select_n3A_149 : i32
      "tpu.trace_stop"() : () -> ()
      %scan3A = arith.constant 0 : i32
      %scan3A_151 = arith.constant 0 : i32
      %scan3A_152 = arith.constant 0 : i32
      %scan3A_153 = arith.constant 0 : i32
      %eq3A_154 = arith.constant 0 : i32
      %eq3A_155 = arith.cmpi eq, %scan3A_153, %eq3A_154 : i32
      %eq3A_156 = arith.constant 0 : i32
      %eq3A_157 = arith.cmpi eq, %scan3A_153, %eq3A_156 : i32
      %add3A_158 = arith.constant 0 : i32
      %add3A_159 = arith.addi %add3A_158, %mul3A_51 : i32
      %select_n3A_160 = arith.constant true
      %select_n3A_161 = arith.constant 0 : i32
      %select_n3A_162 = arith.constant -1 : i32
      %select_n3A_163 = arith.select %select_n3A_160, %select_n3A_162, %select_n3A_161 : i32
      %eq3A_164 = arith.constant -1 : i32
      %eq3A_165 = arith.cmpi eq, %select_n3A_163, %eq3A_164 : i32
      %select_n3A_166 = arith.constant 0 : i32
      %select_n3A_167 = arith.select %eq3A_165, %select_n3A_166, %select_n3A_163 : i32
      %add3A_168 = arith.constant 0 : i32
      %add3A_169 = arith.addi %add3A_168, %mul3A_51 : i32
      %select_n3A_170 = arith.constant true
      %select_n3A_171 = arith.constant 0 : i32
      %select_n3A_172 = arith.constant 1 : i32
      %select_n3A_173 = arith.select %select_n3A_170, %select_n3A_172, %select_n3A_171 : i32
      %eq3A_174 = arith.constant 1 : i32
      %eq3A_175 = arith.cmpi eq, %select_n3A_173, %eq3A_174 : i32
      %select_n3A_176 = arith.constant 0 : i32
      %select_n3A_177 = arith.select %eq3A_175, %select_n3A_176, %select_n3A_173 : i32
      %add3A_178 = arith.constant 0 : i32
      %add3A_179 = arith.addi %add3A_178, %mul3A_51 : i32
      %select_n3A_180 = arith.constant true
      %select_n3A_181 = arith.constant 0 : i32
      %select_n3A_182 = arith.constant 1 : i32
      %select_n3A_183 = arith.select %select_n3A_180, %select_n3A_182, %select_n3A_181 : i32
      %eq3A_184 = arith.constant 1 : i32
      %eq3A_185 = arith.cmpi eq, %select_n3A_183, %eq3A_184 : i32
      %select_n3A_186 = arith.constant 0 : i32
      %select_n3A_187 = arith.select %eq3A_185, %select_n3A_186, %select_n3A_183 : i32
      %add3A_188 = arith.constant 0 : i32
      %add3A_189 = arith.addi %add3A_188, %mul3A_51 : i32
      %ne3A = arith.cmpi ne, %add3A_159, %add3A_179 : i32
      %or3A = arith.constant false
      %or3A_190 = arith.ori %or3A, %ne3A : i1
      %or3A_191 = arith.constant false
      %or3A_192 = arith.ori %or3A_190, %or3A_191 : i1
      %ge3A = arith.constant 0 : i32
      %ge3A_193 = arith.cmpi sge, %scan3A_153, %ge3A : i32
      %not3A = arith.constant true
      %not3A_194 = arith.xori %ge3A_193, %not3A : i1
      %and3A = arith.andi %or3A_192, %not3A_194 : i1
      %convert_element_type3A = arith.extui %and3A : i1 to i32
      %cond3A = arith.constant 0 : i32
      %cond3A_195 = arith.cmpi ne, %convert_element_type3A, %cond3A : i32
      scf.if %cond3A_195 {
        "tpu.trace_start"() <{level = 10 : i32, message = "ep_copy_in"}> : () -> ()
        %rem3A_347 = arith.constant 2 : i32
        %rem3A_348 = arith.remui %select_n3A_125, %rem3A_347 : i32
        %mul3A_349 = arith.constant 128 : i32
        %mul3A_350 = arith.muli %mul3A_349, %add3A_179 : i32
        %dma_start3A_351 = arith.constant 0 : i32
        %dma_start3A_352 = arith.constant 0 : i32
        %dma_start3A_353 = tpu.memref_slice %run_scoped3A[%rem3A_348, %dma_start3A_351, %dma_start3A_352] : memref<2x128x256xf32, #tpu.memory_space<vmem>> -> memref<1x128x256xf32, #tpu.memory_space<vmem>>
        %dma_start3A_354 = tpu.memref_squeeze %dma_start3A_353 : memref<1x128x256xf32, #tpu.memory_space<vmem>> -> memref<128x256xf32, #tpu.memory_space<vmem>>
        %dma_start3A_355 = arith.constant 512 : i32
        %dma_start3A_356 = tpu.memref_slice %arg3[%mul3A_350, %dma_start3A_355] : memref<4096x1024xf32, #tpu.memory_space<hbm>> -> memref<128x256xf32, #tpu.memory_space<hbm>>
        %dma_start3A_357 = tpu.memref_slice %run_scoped3A_70[%rem3A_348] : memref<2x!tpu.dma_semaphore, #tpu.memory_space<semaphore_mem>> -> memref<1x!tpu.dma_semaphore, #tpu.memory_space<semaphore_mem>>
        %dma_start3A_358 = tpu.memref_squeeze %dma_start3A_357 : memref<1x!tpu.dma_semaphore, #tpu.memory_space<semaphore_mem>> -> memref<!tpu.dma_semaphore, #tpu.memory_space<semaphore_mem>>
        %dma_start3A_359 = arith.constant 0 : i32
        %dma_start3A_360 = arith.constant 0 : i32
        %dma_start3A_361 = tpu.memref_slice %run_scoped3A[%rem3A_348, %dma_start3A_359, %dma_start3A_360] : memref<2x128x256xf32, #tpu.memory_space<vmem>> -> memref<1x128x256xf32, #tpu.memory_space<vmem>>
        %dma_start3A_362 = tpu.memref_squeeze %dma_start3A_361 : memref<1x128x256xf32, #tpu.memory_space<vmem>> -> memref<128x256xf32, #tpu.memory_space<vmem>>
        %dma_start3A_363 = arith.constant 512 : i32
        %dma_start3A_364 = tpu.memref_slice %arg3[%mul3A_350, %dma_start3A_363] : memref<4096x1024xf32, #tpu.memory_space<hbm>> -> memref<128x256xf32, #tpu.memory_space<hbm>>
        tpu.enqueue_dma source(%dma_start3A_364 : memref<128x256xf32, #tpu.memory_space<hbm>>) target(%dma_start3A_362 : memref<128x256xf32, #tpu.memory_space<vmem>>) target_semaphore(%dma_start3A_358 : memref<!tpu.dma_semaphore, #tpu.memory_space<semaphore_mem>>)
        "tpu.trace_stop"() : () -> ()
      } else {
      }
      %and3A_196 = arith.constant true
      %and3A_197 = arith.andi %and3A, %and3A_196 : i1
      %add3A_198 = arith.constant 1 : i32
      %add3A_199 = arith.addi %select_n3A_125, %add3A_198 : i32
      %select_n3A_200 = arith.select %and3A_197, %add3A_199, %select_n3A_125 : i32
      %ne3A_201 = arith.cmpi ne, %add3A_159, %add3A_179 : i32
      %or3A_202 = arith.constant false
      %or3A_203 = arith.ori %or3A_202, %ne3A_201 : i1
      %ge3A_204 = arith.constant 0 : i32
      %ge3A_205 = arith.cmpi sge, %scan3A_153, %ge3A_204 : i32
      %not3A_206 = arith.constant true
      %not3A_207 = arith.xori %ge3A_205, %not3A_206 : i1
      %and3A_208 = arith.andi %or3A_203, %not3A_207 : i1
      %convert_element_type3A_209 = arith.extui %and3A_208 : i1 to i32
      %cond3A_210 = arith.constant 0 : i32
      %cond3A_211 = arith.cmpi ne, %convert_element_type3A_209, %cond3A_210 : i32
      scf.if %cond3A_211 {
        "tpu.trace_start"() <{level = 10 : i32, message = "ep_copy_in"}> : () -> ()
        %rem3A_347 = arith.constant 2 : i32
        %rem3A_348 = arith.remui %select_n3A_150, %rem3A_347 : i32
        %mul3A_349 = arith.constant 128 : i32
        %mul3A_350 = arith.muli %mul3A_349, %add3A_179 : i32
        %dma_start3A_351 = arith.constant 0 : i32
        %dma_start3A_352 = arith.constant 0 : i32
        %dma_start3A_353 = tpu.memref_slice %run_scoped3A_71[%rem3A_348, %dma_start3A_351, %dma_start3A_352] : memref<2x1x128xi32, #tpu.memory_space<vmem>> -> memref<1x1x128xi32, #tpu.memory_space<vmem>>
        %dma_start3A_354 = tpu.memref_squeeze %dma_start3A_353 : memref<1x1x128xi32, #tpu.memory_space<vmem>> -> memref<1x128xi32, #tpu.memory_space<vmem>>
        %dma_start3A_355 = arith.constant 0 : i32
        %dma_start3A_356 = tpu.memref_slice %arg5[%dma_start3A_355, %mul3A_350] : memref<1x4096xi32, #tpu.memory_space<hbm>> -> memref<1x128xi32, #tpu.memory_space<hbm>>
        %dma_start3A_357 = tpu.memref_slice %run_scoped3A_72[%rem3A_348] : memref<2x!tpu.dma_semaphore, #tpu.memory_space<semaphore_mem>> -> memref<1x!tpu.dma_semaphore, #tpu.memory_space<semaphore_mem>>
        %dma_start3A_358 = tpu.memref_squeeze %dma_start3A_357 : memref<1x!tpu.dma_semaphore, #tpu.memory_space<semaphore_mem>> -> memref<!tpu.dma_semaphore, #tpu.memory_space<semaphore_mem>>
        %dma_start3A_359 = arith.constant 0 : i32
        %dma_start3A_360 = arith.constant 0 : i32
        %dma_start3A_361 = tpu.memref_slice %run_scoped3A_71[%rem3A_348, %dma_start3A_359, %dma_start3A_360] : memref<2x1x128xi32, #tpu.memory_space<vmem>> -> memref<1x1x128xi32, #tpu.memory_space<vmem>>
        %dma_start3A_362 = tpu.memref_squeeze %dma_start3A_361 : memref<1x1x128xi32, #tpu.memory_space<vmem>> -> memref<1x128xi32, #tpu.memory_space<vmem>>
        %dma_start3A_363 = arith.constant 0 : i32
        %dma_start3A_364 = tpu.memref_slice %arg5[%dma_start3A_363, %mul3A_350] : memref<1x4096xi32, #tpu.memory_space<hbm>> -> memref<1x128xi32, #tpu.memory_space<hbm>>
        tpu.enqueue_dma source(%dma_start3A_364 : memref<1x128xi32, #tpu.memory_space<hbm>>) target(%dma_start3A_362 : memref<1x128xi32, #tpu.memory_space<vmem>>) target_semaphore(%dma_start3A_358 : memref<!tpu.dma_semaphore, #tpu.memory_space<semaphore_mem>>)
        "tpu.trace_stop"() : () -> ()
      } else {
      }
      %and3A_212 = arith.constant true
      %and3A_213 = arith.andi %and3A_208, %and3A_212 : i1
      %add3A_214 = arith.constant 1 : i32
      %add3A_215 = arith.addi %select_n3A_150, %add3A_214 : i32
      %select_n3A_216 = arith.select %and3A_213, %add3A_215, %select_n3A_150 : i32
      %ne3A_217 = arith.cmpi ne, %add3A_159, %add3A_169 : i32
      %or3A_218 = arith.constant false
      %or3A_219 = arith.ori %or3A_218, %ne3A_217 : i1
      %or3A_220 = arith.constant false
      %or3A_221 = arith.ori %or3A_219, %or3A_220 : i1
      %or3A_222 = arith.ori %or3A_221, %eq3A_155 : i1
      %convert_element_type3A_223 = arith.extui %or3A_222 : i1 to i32
      %cond3A_224 = arith.constant 0 : i32
      %cond3A_225 = arith.cmpi ne, %convert_element_type3A_223, %cond3A_224 : i32
      scf.if %cond3A_225 {
        "tpu.trace_start"() <{level = 10 : i32, message = "ep_wait_in"}> : () -> ()
        %mul3A_347 = arith.constant 128 : i32
        %mul3A_348 = arith.muli %mul3A_347, %add3A_159 : i32
        %rem3A_349 = arith.constant 2 : i32
        %rem3A_350 = arith.remui %scan3A, %rem3A_349 : i32
        %dma_wait3A = arith.constant 0 : i32
        %dma_wait3A_351 = arith.constant 0 : i32
        %dma_wait3A_352 = tpu.memref_slice %run_scoped3A[%rem3A_350, %dma_wait3A, %dma_wait3A_351] : memref<2x128x256xf32, #tpu.memory_space<vmem>> -> memref<1x128x256xf32, #tpu.memory_space<vmem>>
        %dma_wait3A_353 = tpu.memref_squeeze %dma_wait3A_352 : memref<1x128x256xf32, #tpu.memory_space<vmem>> -> memref<128x256xf32, #tpu.memory_space<vmem>>
        %dma_wait3A_354 = arith.constant 512 : i32
        %dma_wait3A_355 = tpu.memref_slice %arg3[%mul3A_348, %dma_wait3A_354] : memref<4096x1024xf32, #tpu.memory_space<hbm>> -> memref<128x256xf32, #tpu.memory_space<hbm>>
        %dma_wait3A_356 = tpu.memref_slice %run_scoped3A_70[%rem3A_350] : memref<2x!tpu.dma_semaphore, #tpu.memory_space<semaphore_mem>> -> memref<1x!tpu.dma_semaphore, #tpu.memory_space<semaphore_mem>>
        %dma_wait3A_357 = tpu.memref_squeeze %dma_wait3A_356 : memref<1x!tpu.dma_semaphore, #tpu.memory_space<semaphore_mem>> -> memref<!tpu.dma_semaphore, #tpu.memory_space<semaphore_mem>>
        %dma_wait3A_358 = arith.constant 0 : i32
        %dma_wait3A_359 = arith.constant 0 : i32
        %dma_wait3A_360 = tpu.memref_slice %run_scoped3A[%rem3A_350, %dma_wait3A_358, %dma_wait3A_359] : memref<2x128x256xf32, #tpu.memory_space<vmem>> -> memref<1x128x256xf32, #tpu.memory_space<vmem>>
        %dma_wait3A_361 = tpu.memref_squeeze %dma_wait3A_360 : memref<1x128x256xf32, #tpu.memory_space<vmem>> -> memref<128x256xf32, #tpu.memory_space<vmem>>
        %dma_wait3A_362 = arith.constant 512 : i32
        %dma_wait3A_363 = tpu.memref_slice %arg3[%mul3A_348, %dma_wait3A_362] : memref<4096x1024xf32, #tpu.memory_space<hbm>> -> memref<128x256xf32, #tpu.memory_space<hbm>>
        tpu.wait_dma2 semaphore(%dma_wait3A_357 : memref<!tpu.dma_semaphore, #tpu.memory_space<semaphore_mem>>) src(%dma_wait3A_363 : memref<128x256xf32, #tpu.memory_space<hbm>>) dst(%dma_wait3A_361 : memref<128x256xf32, #tpu.memory_space<vmem>>)
        "tpu.trace_stop"() : () -> ()
      } else {
      }
      %ne3A_226 = arith.cmpi ne, %add3A_159, %add3A_169 : i32
      %or3A_227 = arith.constant false
      %or3A_228 = arith.ori %or3A_227, %ne3A_226 : i1
      %or3A_229 = arith.ori %or3A_228, %eq3A_155 : i1
      %convert_element_type3A_230 = arith.extui %or3A_229 : i1 to i32
      %cond3A_231 = arith.constant 0 : i32
      %cond3A_232 = arith.cmpi ne, %convert_element_type3A_230, %cond3A_231 : i32
      scf.if %cond3A_232 {
        "tpu.trace_start"() <{level = 10 : i32, message = "ep_wait_in"}> : () -> ()
        %mul3A_347 = arith.constant 128 : i32
        %mul3A_348 = arith.muli %mul3A_347, %add3A_159 : i32
        %rem3A_349 = arith.constant 2 : i32
        %rem3A_350 = arith.remui %scan3A_151, %rem3A_349 : i32
        %dma_wait3A = arith.constant 0 : i32
        %dma_wait3A_351 = arith.constant 0 : i32
        %dma_wait3A_352 = tpu.memref_slice %run_scoped3A_71[%rem3A_350, %dma_wait3A, %dma_wait3A_351] : memref<2x1x128xi32, #tpu.memory_space<vmem>> -> memref<1x1x128xi32, #tpu.memory_space<vmem>>
        %dma_wait3A_353 = tpu.memref_squeeze %dma_wait3A_352 : memref<1x1x128xi32, #tpu.memory_space<vmem>> -> memref<1x128xi32, #tpu.memory_space<vmem>>
        %dma_wait3A_354 = arith.constant 0 : i32
        %dma_wait3A_355 = tpu.memref_slice %arg5[%dma_wait3A_354, %mul3A_348] : memref<1x4096xi32, #tpu.memory_space<hbm>> -> memref<1x128xi32, #tpu.memory_space<hbm>>
        %dma_wait3A_356 = tpu.memref_slice %run_scoped3A_72[%rem3A_350] : memref<2x!tpu.dma_semaphore, #tpu.memory_space<semaphore_mem>> -> memref<1x!tpu.dma_semaphore, #tpu.memory_space<semaphore_mem>>
        %dma_wait3A_357 = tpu.memref_squeeze %dma_wait3A_356 : memref<1x!tpu.dma_semaphore, #tpu.memory_space<semaphore_mem>> -> memref<!tpu.dma_semaphore, #tpu.memory_space<semaphore_mem>>
        %dma_wait3A_358 = arith.constant 0 : i32
        %dma_wait3A_359 = arith.constant 0 : i32
        %dma_wait3A_360 = tpu.memref_slice %run_scoped3A_71[%rem3A_350, %dma_wait3A_358, %dma_wait3A_359] : memref<2x1x128xi32, #tpu.memory_space<vmem>> -> memref<1x1x128xi32, #tpu.memory_space<vmem>>
        %dma_wait3A_361 = tpu.memref_squeeze %dma_wait3A_360 : memref<1x1x128xi32, #tpu.memory_space<vmem>> -> memref<1x128xi32, #tpu.memory_space<vmem>>
        %dma_wait3A_362 = arith.constant 0 : i32
        %dma_wait3A_363 = tpu.memref_slice %arg5[%dma_wait3A_362, %mul3A_348] : memref<1x4096xi32, #tpu.memory_space<hbm>> -> memref<1x128xi32, #tpu.memory_space<hbm>>
        tpu.wait_dma2 semaphore(%dma_wait3A_357 : memref<!tpu.dma_semaphore, #tpu.memory_space<semaphore_mem>>) src(%dma_wait3A_363 : memref<1x128xi32, #tpu.memory_space<hbm>>) dst(%dma_wait3A_361 : memref<1x128xi32, #tpu.memory_space<vmem>>)
        "tpu.trace_stop"() : () -> ()
      } else {
      }
      %rem3A_233 = arith.constant 2 : i32
      %rem3A_234 = arith.remui %scan3A, %rem3A_233 : i32
      %rem3A_235 = arith.constant 2 : i32
      %rem3A_236 = arith.remui %scan3A_151, %rem3A_235 : i32
      %run_scoped3A_237 = arith.constant 0 : i32
      "tpu.trace_start"() <{level = 10 : i32, message = "ep_run_kernel"}> : () -> ()
      "tpu.region"() ({
        %run_scoped3A_347 = tpu.sem_alloc : memref<!tpu.dma_semaphore, #tpu.memory_space<semaphore_mem>>
        %dma_start3A_348 = arith.constant 0 : i32
        %dma_start3A_349 = arith.constant 0 : i32
        %dma_start3A_350 = tpu.memref_slice %run_scoped3A[%rem3A_234, %dma_start3A_348, %dma_start3A_349] : memref<2x128x256xf32, #tpu.memory_space<vmem>> -> memref<1x128x256xf32, #tpu.memory_space<vmem>>
        %dma_start3A_351 = tpu.memref_squeeze %dma_start3A_350 : memref<1x128x256xf32, #tpu.memory_space<vmem>> -> memref<128x256xf32, #tpu.memory_space<vmem>>
        %dma_start3A_352 = arith.constant 0 : i32
        %dma_start3A_353 = arith.constant 0 : i32
        %dma_start3A_354 = tpu.memref_slice %run_scoped3A_71[%rem3A_236, %dma_start3A_352, %dma_start3A_353] : memref<2x1x128xi32, #tpu.memory_space<vmem>> -> memref<1x1x128xi32, #tpu.memory_space<vmem>>
        %dma_start3A_355 = tpu.memref_squeeze %dma_start3A_354 : memref<1x1x128xi32, #tpu.memory_space<vmem>> -> memref<1x128xi32, #tpu.memory_space<vmem>>
        %dma_start3A_356 = arith.constant 0 : i32
        %dma_start3A_357 = tpu.memref_slice %dma_start3A_355[%run_scoped3A_237, %dma_start3A_356] : memref<1x128xi32, #tpu.memory_space<vmem>> -> memref<1x128xi32, #tpu.memory_space<vmem>>
        %dma_start3A_358 = tpu.memref_squeeze %dma_start3A_357 : memref<1x128xi32, #tpu.memory_space<vmem>> -> memref<128xi32, #tpu.memory_space<vmem>>
        %dma_start3A_359 = arith.constant 0 : i32
        %dma_start3A_360 = arith.constant 0 : i32
        %dma_start3A_361 = tpu.memref_slice %arg8[%dma_start3A_359, %dma_start3A_360] : memref<12288x256xf32, #tpu.memory_space<hbm>> -> memref<12288x256xf32, #tpu.memory_space<hbm>>
        tpu.enqueue_indirect_dma source(%dma_start3A_351 : memref<128x256xf32, #tpu.memory_space<vmem>>) target(%dma_start3A_361 : memref<12288x256xf32, #tpu.memory_space<hbm>>) offsets(%dma_start3A_358 : memref<128xi32, #tpu.memory_space<vmem>>) semaphore(%run_scoped3A_347 : memref<!tpu.dma_semaphore, #tpu.memory_space<semaphore_mem>>)
        %dma_wait3A = arith.constant 0 : i32
        %dma_wait3A_362 = arith.constant 0 : i32
        %dma_wait3A_363 = tpu.memref_slice %run_scoped3A[%rem3A_234, %dma_wait3A, %dma_wait3A_362] : memref<2x128x256xf32, #tpu.memory_space<vmem>> -> memref<1x128x256xf32, #tpu.memory_space<vmem>>
        %dma_wait3A_364 = tpu.memref_squeeze %dma_wait3A_363 : memref<1x128x256xf32, #tpu.memory_space<vmem>> -> memref<128x256xf32, #tpu.memory_space<vmem>>
        %dma_wait3A_365 = arith.constant 0 : i32
        %dma_wait3A_366 = arith.constant 0 : i32
        %dma_wait3A_367 = tpu.memref_slice %run_scoped3A_71[%rem3A_236, %dma_wait3A_365, %dma_wait3A_366] : memref<2x1x128xi32, #tpu.memory_space<vmem>> -> memref<1x1x128xi32, #tpu.memory_space<vmem>>
        %dma_wait3A_368 = tpu.memref_squeeze %dma_wait3A_367 : memref<1x1x128xi32, #tpu.memory_space<vmem>> -> memref<1x128xi32, #tpu.memory_space<vmem>>
        %dma_wait3A_369 = arith.constant 0 : i32
        %dma_wait3A_370 = tpu.memref_slice %dma_wait3A_368[%run_scoped3A_237, %dma_wait3A_369] : memref<1x128xi32, #tpu.memory_space<vmem>> -> memref<1x128xi32, #tpu.memory_space<vmem>>
        %dma_wait3A_371 = tpu.memref_squeeze %dma_wait3A_370 : memref<1x128xi32, #tpu.memory_space<vmem>> -> memref<128xi32, #tpu.memory_space<vmem>>
        %dma_wait3A_372 = arith.constant 0 : i32
        %dma_wait3A_373 = arith.constant 0 : i32
        %dma_wait3A_374 = tpu.memref_slice %arg8[%dma_wait3A_372, %dma_wait3A_373] : memref<12288x256xf32, #tpu.memory_space<hbm>> -> memref<12288x256xf32, #tpu.memory_space<hbm>>
        tpu.wait_indirect_dma semaphore(%run_scoped3A_347 : memref<!tpu.dma_semaphore, #tpu.memory_space<semaphore_mem>>) src(%dma_wait3A_364 : memref<128x256xf32, #tpu.memory_space<vmem>>) dst(%dma_wait3A_374 : memref<12288x256xf32, #tpu.memory_space<hbm>>)
        tpu.yield
      }) : () -> ()
      "tpu.trace_stop"() : () -> ()
      %ne3A_238 = arith.cmpi ne, %add3A_159, %add3A_179 : i32
      %or3A_239 = arith.constant false
      %or3A_240 = arith.ori %or3A_239, %ne3A_238 : i1
      %or3A_241 = arith.constant false
      %or3A_242 = arith.ori %or3A_240, %or3A_241 : i1
      %or3A_243 = arith.ori %or3A_242, %eq3A_157 : i1
      %convert_element_type3A_244 = arith.extui %or3A_243 : i1 to i32
      %cond3A_245 = arith.constant 0 : i32
      %cond3A_246 = arith.cmpi ne, %convert_element_type3A_244, %cond3A_245 : i32
      scf.if %cond3A_246 {
      } else {
      }
      %and3A_247 = arith.constant false
      %and3A_248 = arith.andi %or3A_243, %and3A_247 : i1
      %ne3A_249 = arith.cmpi ne, %add3A_159, %add3A_179 : i32
      %or3A_250 = arith.constant false
      %or3A_251 = arith.ori %or3A_250, %ne3A_249 : i1
      %or3A_252 = arith.ori %or3A_251, %eq3A_157 : i1
      %convert_element_type3A_253 = arith.extui %or3A_252 : i1 to i32
      %cond3A_254 = arith.constant 0 : i32
      %cond3A_255 = arith.cmpi ne, %convert_element_type3A_253, %cond3A_254 : i32
      scf.if %cond3A_255 {
      } else {
      }
      %and3A_256 = arith.constant false
      %and3A_257 = arith.andi %or3A_252, %and3A_256 : i1
      %ne3A_258 = arith.cmpi ne, %add3A_159, %add3A_169 : i32
      %or3A_259 = arith.constant false
      %or3A_260 = arith.ori %or3A_259, %ne3A_258 : i1
      %or3A_261 = arith.constant false
      %or3A_262 = arith.ori %or3A_260, %or3A_261 : i1
      %not3A_263 = arith.constant true
      %not3A_264 = arith.xori %eq3A_155, %not3A_263 : i1
      %and3A_265 = arith.andi %or3A_262, %not3A_264 : i1
      %convert_element_type3A_266 = arith.extui %and3A_265 : i1 to i32
      %cond3A_267 = arith.constant 0 : i32
      %cond3A_268 = arith.cmpi ne, %convert_element_type3A_266, %cond3A_267 : i32
      scf.if %cond3A_268 {
      } else {
      }
      %and3A_269 = arith.constant false
      %and3A_270 = arith.andi %and3A_265, %and3A_269 : i1
      %ne3A_271 = arith.cmpi ne, %add3A_159, %add3A_169 : i32
      %or3A_272 = arith.constant false
      %or3A_273 = arith.ori %or3A_272, %ne3A_271 : i1
      %not3A_274 = arith.constant true
      %not3A_275 = arith.xori %eq3A_155, %not3A_274 : i1
      %and3A_276 = arith.andi %or3A_273, %not3A_275 : i1
      %convert_element_type3A_277 = arith.extui %and3A_276 : i1 to i32
      %cond3A_278 = arith.constant 0 : i32
      %cond3A_279 = arith.cmpi ne, %convert_element_type3A_277, %cond3A_278 : i32
      scf.if %cond3A_279 {
      } else {
      }
      %and3A_280 = arith.constant false
      %and3A_281 = arith.andi %and3A_276, %and3A_280 : i1
      %ne3A_282 = arith.cmpi ne, %add3A_159, %add3A_179 : i32
      %or3A_283 = arith.constant false
      %or3A_284 = arith.ori %or3A_283, %ne3A_282 : i1
      %or3A_285 = arith.constant false
      %or3A_286 = arith.ori %or3A_284, %or3A_285 : i1
      %or3A_287 = arith.ori %or3A_286, %eq3A_157 : i1
      %add3A_288 = arith.constant 1 : i32
      %add3A_289 = arith.addi %scan3A, %add3A_288 : i32
      %select_n3A_290 = arith.select %or3A_287, %add3A_289, %scan3A : i32
      %ne3A_291 = arith.cmpi ne, %add3A_159, %add3A_179 : i32
      %or3A_292 = arith.constant false
      %or3A_293 = arith.ori %or3A_292, %ne3A_291 : i1
      %or3A_294 = arith.ori %or3A_293, %eq3A_157 : i1
      %add3A_295 = arith.constant 1 : i32
      %add3A_296 = arith.addi %scan3A_151, %add3A_295 : i32
      %select_n3A_297 = arith.select %or3A_294, %add3A_296, %scan3A_151 : i32
      %select_n3A_298 = arith.constant true
      %select_n3A_299 = arith.constant 0 : i32
      %select_n3A_300 = arith.constant 1 : i32
      %select_n3A_301 = arith.select %select_n3A_298, %select_n3A_300, %select_n3A_299 : i32
      %eq3A_302 = arith.constant 1 : i32
      %eq3A_303 = arith.cmpi eq, %select_n3A_301, %eq3A_302 : i32
      %select_n3A_304 = arith.constant 0 : i32
      %select_n3A_305 = arith.select %eq3A_303, %select_n3A_304, %select_n3A_301 : i32
      %scan3A_306 = arith.constant 0 : i32
      %scan3A_307 = arith.constant 1 : i32
      %sub3A = arith.constant 1 : i32
      %sub3A_308 = arith.subi %scan3A_306, %sub3A : i32
      %select_n3A_309 = arith.constant true
      %select_n3A_310 = arith.select %select_n3A_309, %sub3A_308, %scan3A_306 : i32
      %eq3A_311 = arith.constant -1 : i32
      %eq3A_312 = arith.cmpi eq, %select_n3A_310, %eq3A_311 : i32
      %select_n3A_313 = arith.constant 0 : i32
      %select_n3A_314 = arith.select %eq3A_312, %select_n3A_313, %select_n3A_310 : i32
      %add3A_315 = arith.constant 0 : i32
      %add3A_316 = arith.addi %add3A_315, %mul3A_51 : i32
      %select_n3A_317 = arith.constant true
      %select_n3A_318 = arith.constant 0 : i32
      %select_n3A_319 = arith.constant -1 : i32
      %select_n3A_320 = arith.select %select_n3A_317, %select_n3A_319, %select_n3A_318 : i32
      %eq3A_321 = arith.constant -1 : i32
      %eq3A_322 = arith.cmpi eq, %select_n3A_320, %eq3A_321 : i32
      %select_n3A_323 = arith.constant 0 : i32
      %select_n3A_324 = arith.select %eq3A_322, %select_n3A_323, %select_n3A_320 : i32
      %add3A_325 = arith.constant 0 : i32
      %add3A_326 = arith.addi %add3A_325, %mul3A_51 : i32
      %select_n3A_327 = arith.constant true
      %select_n3A_328 = arith.constant 0 : i32
      %select_n3A_329 = arith.constant 1 : i32
      %select_n3A_330 = arith.select %select_n3A_327, %select_n3A_329, %select_n3A_328 : i32
      %eq3A_331 = arith.constant 1 : i32
      %eq3A_332 = arith.cmpi eq, %select_n3A_330, %eq3A_331 : i32
      %select_n3A_333 = arith.constant 0 : i32
      %select_n3A_334 = arith.select %eq3A_332, %select_n3A_333, %select_n3A_330 : i32
      %add3A_335 = arith.constant 0 : i32
      %add3A_336 = arith.addi %add3A_335, %mul3A_51 : i32
      %select_n3A_337 = arith.constant true
      %select_n3A_338 = arith.constant 0 : i32
      %select_n3A_339 = arith.constant 1 : i32
      %select_n3A_340 = arith.select %select_n3A_337, %select_n3A_339, %select_n3A_338 : i32
      %eq3A_341 = arith.constant 1 : i32
      %eq3A_342 = arith.cmpi eq, %select_n3A_340, %eq3A_341 : i32
      %select_n3A_343 = arith.constant 0 : i32
      %select_n3A_344 = arith.select %eq3A_342, %select_n3A_343, %select_n3A_340 : i32
      %add3A_345 = arith.constant 0 : i32
      %add3A_346 = arith.addi %add3A_345, %mul3A_51 : i32
      tpu.yield
    }) : () -> ()
    %mul3A_52 = arith.constant 1 : i32
    %mul3A_53 = arith.muli %arg1, %mul3A_52 : i32
    %add3A_54 = arith.constant 0 : i32
    %add3A_55 = arith.addi %add3A_54, %mul3A_53 : i32
    %mul3A_56 = arith.constant 16 : i32
    %mul3A_57 = arith.muli %arg0, %mul3A_56 : i32
    %add3A_58 = arith.addi %add3A_55, %mul3A_57 : i32
    %mul3A_59 = arith.constant 1 : i32
    %mul3A_60 = arith.muli %add3A_58, %mul3A_59 : i32
    "tpu.region"() ({
      %run_scoped3A = memref.alloca() : memref<2x128x256xf32, #tpu.memory_space<vmem>>
      %run_scoped3A_70 = tpu.sem_alloc : memref<2x!tpu.dma_semaphore, #tpu.memory_space<semaphore_mem>>
      %run_scoped3A_71 = memref.alloca() : memref<2x1x128xi32, #tpu.memory_space<vmem>>
      %run_scoped3A_72 = tpu.sem_alloc : memref<2x!tpu.dma_semaphore, #tpu.memory_space<semaphore_mem>>
      %add3A_73 = arith.constant 0 : i32
      %add3A_74 = arith.addi %add3A_73, %mul3A_60 : i32
      %select_n3A = arith.constant true
      %select_n3A_75 = arith.constant 0 : i32
      %select_n3A_76 = arith.constant -1 : i32
      %select_n3A_77 = arith.select %select_n3A, %select_n3A_76, %select_n3A_75 : i32
      %eq3A = arith.constant -1 : i32
      %eq3A_78 = arith.cmpi eq, %select_n3A_77, %eq3A : i32
      %select_n3A_79 = arith.constant 0 : i32
      %select_n3A_80 = arith.select %eq3A_78, %select_n3A_79, %select_n3A_77 : i32
      %add3A_81 = arith.constant 0 : i32
      %add3A_82 = arith.addi %add3A_81, %mul3A_60 : i32
      %select_n3A_83 = arith.constant true
      %select_n3A_84 = arith.constant 0 : i32
      %select_n3A_85 = arith.constant 1 : i32
      %select_n3A_86 = arith.select %select_n3A_83, %select_n3A_85, %select_n3A_84 : i32
      %eq3A_87 = arith.constant 1 : i32
      %eq3A_88 = arith.cmpi eq, %select_n3A_86, %eq3A_87 : i32
      %select_n3A_89 = arith.constant 0 : i32
      %select_n3A_90 = arith.select %eq3A_88, %select_n3A_89, %select_n3A_86 : i32
      %add3A_91 = arith.constant 0 : i32
      %add3A_92 = arith.addi %add3A_91, %mul3A_60 : i32
      %select_n3A_93 = arith.constant true
      %select_n3A_94 = arith.constant 0 : i32
      %select_n3A_95 = arith.constant 1 : i32
      %select_n3A_96 = arith.select %select_n3A_93, %select_n3A_95, %select_n3A_94 : i32
      %eq3A_97 = arith.constant 1 : i32
      %eq3A_98 = arith.cmpi eq, %select_n3A_96, %eq3A_97 : i32
      %select_n3A_99 = arith.constant 0 : i32
      %select_n3A_100 = arith.select %eq3A_98, %select_n3A_99, %select_n3A_96 : i32
      %add3A_101 = arith.constant 0 : i32
      %add3A_102 = arith.addi %add3A_101, %mul3A_60 : i32
      "tpu.trace_start"() <{level = 10 : i32, message = "ep_initialize_0"}> : () -> ()
      %rem3A = arith.constant 0 : i32
      %rem3A_103 = arith.constant 2 : i32
      %rem3A_104 = arith.remui %rem3A, %rem3A_103 : i32
      %mul3A_105 = arith.constant 128 : i32
      %mul3A_106 = arith.muli %mul3A_105, %add3A_74 : i32
      %dma_start3A = arith.constant 0 : i32
      %dma_start3A_107 = arith.constant 0 : i32
      %dma_start3A_108 = tpu.memref_slice %run_scoped3A[%rem3A_104, %dma_start3A, %dma_start3A_107] : memref<2x128x256xf32, #tpu.memory_space<vmem>> -> memref<1x128x256xf32, #tpu.memory_space<vmem>>
      %dma_start3A_109 = tpu.memref_squeeze %dma_start3A_108 : memref<1x128x256xf32, #tpu.memory_space<vmem>> -> memref<128x256xf32, #tpu.memory_space<vmem>>
      %dma_start3A_110 = arith.constant 768 : i32
      %dma_start3A_111 = tpu.memref_slice %arg2[%mul3A_106, %dma_start3A_110] : memref<4096x1024xf32, #tpu.memory_space<hbm>> -> memref<128x256xf32, #tpu.memory_space<hbm>>
      %dma_start3A_112 = tpu.memref_slice %run_scoped3A_70[%rem3A_104] : memref<2x!tpu.dma_semaphore, #tpu.memory_space<semaphore_mem>> -> memref<1x!tpu.dma_semaphore, #tpu.memory_space<semaphore_mem>>
      %dma_start3A_113 = tpu.memref_squeeze %dma_start3A_112 : memref<1x!tpu.dma_semaphore, #tpu.memory_space<semaphore_mem>> -> memref<!tpu.dma_semaphore, #tpu.memory_space<semaphore_mem>>
      %dma_start3A_114 = arith.constant 0 : i32
      %dma_start3A_115 = arith.constant 0 : i32
      %dma_start3A_116 = tpu.memref_slice %run_scoped3A[%rem3A_104, %dma_start3A_114, %dma_start3A_115] : memref<2x128x256xf32, #tpu.memory_space<vmem>> -> memref<1x128x256xf32, #tpu.memory_space<vmem>>
      %dma_start3A_117 = tpu.memref_squeeze %dma_start3A_116 : memref<1x128x256xf32, #tpu.memory_space<vmem>> -> memref<128x256xf32, #tpu.memory_space<vmem>>
      %dma_start3A_118 = arith.constant 768 : i32
      %dma_start3A_119 = tpu.memref_slice %arg2[%mul3A_106, %dma_start3A_118] : memref<4096x1024xf32, #tpu.memory_space<hbm>> -> memref<128x256xf32, #tpu.memory_space<hbm>>
      tpu.enqueue_dma source(%dma_start3A_119 : memref<128x256xf32, #tpu.memory_space<hbm>>) target(%dma_start3A_117 : memref<128x256xf32, #tpu.memory_space<vmem>>) target_semaphore(%dma_start3A_113 : memref<!tpu.dma_semaphore, #tpu.memory_space<semaphore_mem>>)
      %add3A_120 = arith.constant 0 : i32
      %add3A_121 = arith.constant 1 : i32
      %add3A_122 = arith.addi %add3A_120, %add3A_121 : i32
      %select_n3A_123 = arith.constant true
      %select_n3A_124 = arith.constant 0 : i32
      %select_n3A_125 = arith.select %select_n3A_123, %add3A_122, %select_n3A_124 : i32
      %rem3A_126 = arith.constant 0 : i32
      %rem3A_127 = arith.constant 2 : i32
      %rem3A_128 = arith.remui %rem3A_126, %rem3A_127 : i32
      %mul3A_129 = arith.constant 128 : i32
      %mul3A_130 = arith.muli %mul3A_129, %add3A_74 : i32
      %dma_start3A_131 = arith.constant 0 : i32
      %dma_start3A_132 = arith.constant 0 : i32
      %dma_start3A_133 = tpu.memref_slice %run_scoped3A_71[%rem3A_128, %dma_start3A_131, %dma_start3A_132] : memref<2x1x128xi32, #tpu.memory_space<vmem>> -> memref<1x1x128xi32, #tpu.memory_space<vmem>>
      %dma_start3A_134 = tpu.memref_squeeze %dma_start3A_133 : memref<1x1x128xi32, #tpu.memory_space<vmem>> -> memref<1x128xi32, #tpu.memory_space<vmem>>
      %dma_start3A_135 = arith.constant 0 : i32
      %dma_start3A_136 = tpu.memref_slice %arg4[%dma_start3A_135, %mul3A_130] : memref<1x4096xi32, #tpu.memory_space<hbm>> -> memref<1x128xi32, #tpu.memory_space<hbm>>
      %dma_start3A_137 = tpu.memref_slice %run_scoped3A_72[%rem3A_128] : memref<2x!tpu.dma_semaphore, #tpu.memory_space<semaphore_mem>> -> memref<1x!tpu.dma_semaphore, #tpu.memory_space<semaphore_mem>>
      %dma_start3A_138 = tpu.memref_squeeze %dma_start3A_137 : memref<1x!tpu.dma_semaphore, #tpu.memory_space<semaphore_mem>> -> memref<!tpu.dma_semaphore, #tpu.memory_space<semaphore_mem>>
      %dma_start3A_139 = arith.constant 0 : i32
      %dma_start3A_140 = arith.constant 0 : i32
      %dma_start3A_141 = tpu.memref_slice %run_scoped3A_71[%rem3A_128, %dma_start3A_139, %dma_start3A_140] : memref<2x1x128xi32, #tpu.memory_space<vmem>> -> memref<1x1x128xi32, #tpu.memory_space<vmem>>
      %dma_start3A_142 = tpu.memref_squeeze %dma_start3A_141 : memref<1x1x128xi32, #tpu.memory_space<vmem>> -> memref<1x128xi32, #tpu.memory_space<vmem>>
      %dma_start3A_143 = arith.constant 0 : i32
      %dma_start3A_144 = tpu.memref_slice %arg4[%dma_start3A_143, %mul3A_130] : memref<1x4096xi32, #tpu.memory_space<hbm>> -> memref<1x128xi32, #tpu.memory_space<hbm>>
      tpu.enqueue_dma source(%dma_start3A_144 : memref<1x128xi32, #tpu.memory_space<hbm>>) target(%dma_start3A_142 : memref<1x128xi32, #tpu.memory_space<vmem>>) target_semaphore(%dma_start3A_138 : memref<!tpu.dma_semaphore, #tpu.memory_space<semaphore_mem>>)
      %add3A_145 = arith.constant 0 : i32
      %add3A_146 = arith.constant 1 : i32
      %add3A_147 = arith.addi %add3A_145, %add3A_146 : i32
      %select_n3A_148 = arith.constant true
      %select_n3A_149 = arith.constant 0 : i32
      %select_n3A_150 = arith.select %select_n3A_148, %add3A_147, %select_n3A_149 : i32
      "tpu.trace_stop"() : () -> ()
      %scan3A = arith.constant 0 : i32
      %scan3A_151 = arith.constant 0 : i32
      %scan3A_152 = arith.constant 0 : i32
      %scan3A_153 = arith.constant 0 : i32
      %eq3A_154 = arith.constant 0 : i32
      %eq3A_155 = arith.cmpi eq, %scan3A_153, %eq3A_154 : i32
      %eq3A_156 = arith.constant 0 : i32
      %eq3A_157 = arith.cmpi eq, %scan3A_153, %eq3A_156 : i32
      %add3A_158 = arith.constant 0 : i32
      %add3A_159 = arith.addi %add3A_158, %mul3A_60 : i32
      %select_n3A_160 = arith.constant true
      %select_n3A_161 = arith.constant 0 : i32
      %select_n3A_162 = arith.constant -1 : i32
      %select_n3A_163 = arith.select %select_n3A_160, %select_n3A_162, %select_n3A_161 : i32
      %eq3A_164 = arith.constant -1 : i32
      %eq3A_165 = arith.cmpi eq, %select_n3A_163, %eq3A_164 : i32
      %select_n3A_166 = arith.constant 0 : i32
      %select_n3A_167 = arith.select %eq3A_165, %select_n3A_166, %select_n3A_163 : i32
      %add3A_168 = arith.constant 0 : i32
      %add3A_169 = arith.addi %add3A_168, %mul3A_60 : i32
      %select_n3A_170 = arith.constant true
      %select_n3A_171 = arith.constant 0 : i32
      %select_n3A_172 = arith.constant 1 : i32
      %select_n3A_173 = arith.select %select_n3A_170, %select_n3A_172, %select_n3A_171 : i32
      %eq3A_174 = arith.constant 1 : i32
      %eq3A_175 = arith.cmpi eq, %select_n3A_173, %eq3A_174 : i32
      %select_n3A_176 = arith.constant 0 : i32
      %select_n3A_177 = arith.select %eq3A_175, %select_n3A_176, %select_n3A_173 : i32
      %add3A_178 = arith.constant 0 : i32
      %add3A_179 = arith.addi %add3A_178, %mul3A_60 : i32
      %select_n3A_180 = arith.constant true
      %select_n3A_181 = arith.constant 0 : i32
      %select_n3A_182 = arith.constant 1 : i32
      %select_n3A_183 = arith.select %select_n3A_180, %select_n3A_182, %select_n3A_181 : i32
      %eq3A_184 = arith.constant 1 : i32
      %eq3A_185 = arith.cmpi eq, %select_n3A_183, %eq3A_184 : i32
      %select_n3A_186 = arith.constant 0 : i32
      %select_n3A_187 = arith.select %eq3A_185, %select_n3A_186, %select_n3A_183 : i32
      %add3A_188 = arith.constant 0 : i32
      %add3A_189 = arith.addi %add3A_188, %mul3A_60 : i32
      %ne3A = arith.cmpi ne, %add3A_159, %add3A_179 : i32
      %or3A = arith.constant false
      %or3A_190 = arith.ori %or3A, %ne3A : i1
      %or3A_191 = arith.constant false
      %or3A_192 = arith.ori %or3A_190, %or3A_191 : i1
      %ge3A = arith.constant 0 : i32
      %ge3A_193 = arith.cmpi sge, %scan3A_153, %ge3A : i32
      %not3A = arith.constant true
      %not3A_194 = arith.xori %ge3A_193, %not3A : i1
      %and3A = arith.andi %or3A_192, %not3A_194 : i1
      %convert_element_type3A = arith.extui %and3A : i1 to i32
      %cond3A = arith.constant 0 : i32
      %cond3A_195 = arith.cmpi ne, %convert_element_type3A, %cond3A : i32
      scf.if %cond3A_195 {
        "tpu.trace_start"() <{level = 10 : i32, message = "ep_copy_in"}> : () -> ()
        %rem3A_347 = arith.constant 2 : i32
        %rem3A_348 = arith.remui %select_n3A_125, %rem3A_347 : i32
        %mul3A_349 = arith.constant 128 : i32
        %mul3A_350 = arith.muli %mul3A_349, %add3A_179 : i32
        %dma_start3A_351 = arith.constant 0 : i32
        %dma_start3A_352 = arith.constant 0 : i32
        %dma_start3A_353 = tpu.memref_slice %run_scoped3A[%rem3A_348, %dma_start3A_351, %dma_start3A_352] : memref<2x128x256xf32, #tpu.memory_space<vmem>> -> memref<1x128x256xf32, #tpu.memory_space<vmem>>
        %dma_start3A_354 = tpu.memref_squeeze %dma_start3A_353 : memref<1x128x256xf32, #tpu.memory_space<vmem>> -> memref<128x256xf32, #tpu.memory_space<vmem>>
        %dma_start3A_355 = arith.constant 768 : i32
        %dma_start3A_356 = tpu.memref_slice %arg2[%mul3A_350, %dma_start3A_355] : memref<4096x1024xf32, #tpu.memory_space<hbm>> -> memref<128x256xf32, #tpu.memory_space<hbm>>
        %dma_start3A_357 = tpu.memref_slice %run_scoped3A_70[%rem3A_348] : memref<2x!tpu.dma_semaphore, #tpu.memory_space<semaphore_mem>> -> memref<1x!tpu.dma_semaphore, #tpu.memory_space<semaphore_mem>>
        %dma_start3A_358 = tpu.memref_squeeze %dma_start3A_357 : memref<1x!tpu.dma_semaphore, #tpu.memory_space<semaphore_mem>> -> memref<!tpu.dma_semaphore, #tpu.memory_space<semaphore_mem>>
        %dma_start3A_359 = arith.constant 0 : i32
        %dma_start3A_360 = arith.constant 0 : i32
        %dma_start3A_361 = tpu.memref_slice %run_scoped3A[%rem3A_348, %dma_start3A_359, %dma_start3A_360] : memref<2x128x256xf32, #tpu.memory_space<vmem>> -> memref<1x128x256xf32, #tpu.memory_space<vmem>>
        %dma_start3A_362 = tpu.memref_squeeze %dma_start3A_361 : memref<1x128x256xf32, #tpu.memory_space<vmem>> -> memref<128x256xf32, #tpu.memory_space<vmem>>
        %dma_start3A_363 = arith.constant 768 : i32
        %dma_start3A_364 = tpu.memref_slice %arg2[%mul3A_350, %dma_start3A_363] : memref<4096x1024xf32, #tpu.memory_space<hbm>> -> memref<128x256xf32, #tpu.memory_space<hbm>>
        tpu.enqueue_dma source(%dma_start3A_364 : memref<128x256xf32, #tpu.memory_space<hbm>>) target(%dma_start3A_362 : memref<128x256xf32, #tpu.memory_space<vmem>>) target_semaphore(%dma_start3A_358 : memref<!tpu.dma_semaphore, #tpu.memory_space<semaphore_mem>>)
        "tpu.trace_stop"() : () -> ()
      } else {
      }
      %and3A_196 = arith.constant true
      %and3A_197 = arith.andi %and3A, %and3A_196 : i1
      %add3A_198 = arith.constant 1 : i32
      %add3A_199 = arith.addi %select_n3A_125, %add3A_198 : i32
      %select_n3A_200 = arith.select %and3A_197, %add3A_199, %select_n3A_125 : i32
      %ne3A_201 = arith.cmpi ne, %add3A_159, %add3A_179 : i32
      %or3A_202 = arith.constant false
      %or3A_203 = arith.ori %or3A_202, %ne3A_201 : i1
      %ge3A_204 = arith.constant 0 : i32
      %ge3A_205 = arith.cmpi sge, %scan3A_153, %ge3A_204 : i32
      %not3A_206 = arith.constant true
      %not3A_207 = arith.xori %ge3A_205, %not3A_206 : i1
      %and3A_208 = arith.andi %or3A_203, %not3A_207 : i1
      %convert_element_type3A_209 = arith.extui %and3A_208 : i1 to i32
      %cond3A_210 = arith.constant 0 : i32
      %cond3A_211 = arith.cmpi ne, %convert_element_type3A_209, %cond3A_210 : i32
      scf.if %cond3A_211 {
        "tpu.trace_start"() <{level = 10 : i32, message = "ep_copy_in"}> : () -> ()
        %rem3A_347 = arith.constant 2 : i32
        %rem3A_348 = arith.remui %select_n3A_150, %rem3A_347 : i32
        %mul3A_349 = arith.constant 128 : i32
        %mul3A_350 = arith.muli %mul3A_349, %add3A_179 : i32
        %dma_start3A_351 = arith.constant 0 : i32
        %dma_start3A_352 = arith.constant 0 : i32
        %dma_start3A_353 = tpu.memref_slice %run_scoped3A_71[%rem3A_348, %dma_start3A_351, %dma_start3A_352] : memref<2x1x128xi32, #tpu.memory_space<vmem>> -> memref<1x1x128xi32, #tpu.memory_space<vmem>>
        %dma_start3A_354 = tpu.memref_squeeze %dma_start3A_353 : memref<1x1x128xi32, #tpu.memory_space<vmem>> -> memref<1x128xi32, #tpu.memory_space<vmem>>
        %dma_start3A_355 = arith.constant 0 : i32
        %dma_start3A_356 = tpu.memref_slice %arg4[%dma_start3A_355, %mul3A_350] : memref<1x4096xi32, #tpu.memory_space<hbm>> -> memref<1x128xi32, #tpu.memory_space<hbm>>
        %dma_start3A_357 = tpu.memref_slice %run_scoped3A_72[%rem3A_348] : memref<2x!tpu.dma_semaphore, #tpu.memory_space<semaphore_mem>> -> memref<1x!tpu.dma_semaphore, #tpu.memory_space<semaphore_mem>>
        %dma_start3A_358 = tpu.memref_squeeze %dma_start3A_357 : memref<1x!tpu.dma_semaphore, #tpu.memory_space<semaphore_mem>> -> memref<!tpu.dma_semaphore, #tpu.memory_space<semaphore_mem>>
        %dma_start3A_359 = arith.constant 0 : i32
        %dma_start3A_360 = arith.constant 0 : i32
        %dma_start3A_361 = tpu.memref_slice %run_scoped3A_71[%rem3A_348, %dma_start3A_359, %dma_start3A_360] : memref<2x1x128xi32, #tpu.memory_space<vmem>> -> memref<1x1x128xi32, #tpu.memory_space<vmem>>
        %dma_start3A_362 = tpu.memref_squeeze %dma_start3A_361 : memref<1x1x128xi32, #tpu.memory_space<vmem>> -> memref<1x128xi32, #tpu.memory_space<vmem>>
        %dma_start3A_363 = arith.constant 0 : i32
        %dma_start3A_364 = tpu.memref_slice %arg4[%dma_start3A_363, %mul3A_350] : memref<1x4096xi32, #tpu.memory_space<hbm>> -> memref<1x128xi32, #tpu.memory_space<hbm>>
        tpu.enqueue_dma source(%dma_start3A_364 : memref<1x128xi32, #tpu.memory_space<hbm>>) target(%dma_start3A_362 : memref<1x128xi32, #tpu.memory_space<vmem>>) target_semaphore(%dma_start3A_358 : memref<!tpu.dma_semaphore, #tpu.memory_space<semaphore_mem>>)
        "tpu.trace_stop"() : () -> ()
      } else {
      }
      %and3A_212 = arith.constant true
      %and3A_213 = arith.andi %and3A_208, %and3A_212 : i1
      %add3A_214 = arith.constant 1 : i32
      %add3A_215 = arith.addi %select_n3A_150, %add3A_214 : i32
      %select_n3A_216 = arith.select %and3A_213, %add3A_215, %select_n3A_150 : i32
      %ne3A_217 = arith.cmpi ne, %add3A_159, %add3A_169 : i32
      %or3A_218 = arith.constant false
      %or3A_219 = arith.ori %or3A_218, %ne3A_217 : i1
      %or3A_220 = arith.constant false
      %or3A_221 = arith.ori %or3A_219, %or3A_220 : i1
      %or3A_222 = arith.ori %or3A_221, %eq3A_155 : i1
      %convert_element_type3A_223 = arith.extui %or3A_222 : i1 to i32
      %cond3A_224 = arith.constant 0 : i32
      %cond3A_225 = arith.cmpi ne, %convert_element_type3A_223, %cond3A_224 : i32
      scf.if %cond3A_225 {
        "tpu.trace_start"() <{level = 10 : i32, message = "ep_wait_in"}> : () -> ()
        %mul3A_347 = arith.constant 128 : i32
        %mul3A_348 = arith.muli %mul3A_347, %add3A_159 : i32
        %rem3A_349 = arith.constant 2 : i32
        %rem3A_350 = arith.remui %scan3A, %rem3A_349 : i32
        %dma_wait3A = arith.constant 0 : i32
        %dma_wait3A_351 = arith.constant 0 : i32
        %dma_wait3A_352 = tpu.memref_slice %run_scoped3A[%rem3A_350, %dma_wait3A, %dma_wait3A_351] : memref<2x128x256xf32, #tpu.memory_space<vmem>> -> memref<1x128x256xf32, #tpu.memory_space<vmem>>
        %dma_wait3A_353 = tpu.memref_squeeze %dma_wait3A_352 : memref<1x128x256xf32, #tpu.memory_space<vmem>> -> memref<128x256xf32, #tpu.memory_space<vmem>>
        %dma_wait3A_354 = arith.constant 768 : i32
        %dma_wait3A_355 = tpu.memref_slice %arg2[%mul3A_348, %dma_wait3A_354] : memref<4096x1024xf32, #tpu.memory_space<hbm>> -> memref<128x256xf32, #tpu.memory_space<hbm>>
        %dma_wait3A_356 = tpu.memref_slice %run_scoped3A_70[%rem3A_350] : memref<2x!tpu.dma_semaphore, #tpu.memory_space<semaphore_mem>> -> memref<1x!tpu.dma_semaphore, #tpu.memory_space<semaphore_mem>>
        %dma_wait3A_357 = tpu.memref_squeeze %dma_wait3A_356 : memref<1x!tpu.dma_semaphore, #tpu.memory_space<semaphore_mem>> -> memref<!tpu.dma_semaphore, #tpu.memory_space<semaphore_mem>>
        %dma_wait3A_358 = arith.constant 0 : i32
        %dma_wait3A_359 = arith.constant 0 : i32
        %dma_wait3A_360 = tpu.memref_slice %run_scoped3A[%rem3A_350, %dma_wait3A_358, %dma_wait3A_359] : memref<2x128x256xf32, #tpu.memory_space<vmem>> -> memref<1x128x256xf32, #tpu.memory_space<vmem>>
        %dma_wait3A_361 = tpu.memref_squeeze %dma_wait3A_360 : memref<1x128x256xf32, #tpu.memory_space<vmem>> -> memref<128x256xf32, #tpu.memory_space<vmem>>
        %dma_wait3A_362 = arith.constant 768 : i32
        %dma_wait3A_363 = tpu.memref_slice %arg2[%mul3A_348, %dma_wait3A_362] : memref<4096x1024xf32, #tpu.memory_space<hbm>> -> memref<128x256xf32, #tpu.memory_space<hbm>>
        tpu.wait_dma2 semaphore(%dma_wait3A_357 : memref<!tpu.dma_semaphore, #tpu.memory_space<semaphore_mem>>) src(%dma_wait3A_363 : memref<128x256xf32, #tpu.memory_space<hbm>>) dst(%dma_wait3A_361 : memref<128x256xf32, #tpu.memory_space<vmem>>)
        "tpu.trace_stop"() : () -> ()
      } else {
      }
      %ne3A_226 = arith.cmpi ne, %add3A_159, %add3A_169 : i32
      %or3A_227 = arith.constant false
      %or3A_228 = arith.ori %or3A_227, %ne3A_226 : i1
      %or3A_229 = arith.ori %or3A_228, %eq3A_155 : i1
      %convert_element_type3A_230 = arith.extui %or3A_229 : i1 to i32
      %cond3A_231 = arith.constant 0 : i32
      %cond3A_232 = arith.cmpi ne, %convert_element_type3A_230, %cond3A_231 : i32
      scf.if %cond3A_232 {
        "tpu.trace_start"() <{level = 10 : i32, message = "ep_wait_in"}> : () -> ()
        %mul3A_347 = arith.constant 128 : i32
        %mul3A_348 = arith.muli %mul3A_347, %add3A_159 : i32
        %rem3A_349 = arith.constant 2 : i32
        %rem3A_350 = arith.remui %scan3A_151, %rem3A_349 : i32
        %dma_wait3A = arith.constant 0 : i32
        %dma_wait3A_351 = arith.constant 0 : i32
        %dma_wait3A_352 = tpu.memref_slice %run_scoped3A_71[%rem3A_350, %dma_wait3A, %dma_wait3A_351] : memref<2x1x128xi32, #tpu.memory_space<vmem>> -> memref<1x1x128xi32, #tpu.memory_space<vmem>>
        %dma_wait3A_353 = tpu.memref_squeeze %dma_wait3A_352 : memref<1x1x128xi32, #tpu.memory_space<vmem>> -> memref<1x128xi32, #tpu.memory_space<vmem>>
        %dma_wait3A_354 = arith.constant 0 : i32
        %dma_wait3A_355 = tpu.memref_slice %arg4[%dma_wait3A_354, %mul3A_348] : memref<1x4096xi32, #tpu.memory_space<hbm>> -> memref<1x128xi32, #tpu.memory_space<hbm>>
        %dma_wait3A_356 = tpu.memref_slice %run_scoped3A_72[%rem3A_350] : memref<2x!tpu.dma_semaphore, #tpu.memory_space<semaphore_mem>> -> memref<1x!tpu.dma_semaphore, #tpu.memory_space<semaphore_mem>>
        %dma_wait3A_357 = tpu.memref_squeeze %dma_wait3A_356 : memref<1x!tpu.dma_semaphore, #tpu.memory_space<semaphore_mem>> -> memref<!tpu.dma_semaphore, #tpu.memory_space<semaphore_mem>>
        %dma_wait3A_358 = arith.constant 0 : i32
        %dma_wait3A_359 = arith.constant 0 : i32
        %dma_wait3A_360 = tpu.memref_slice %run_scoped3A_71[%rem3A_350, %dma_wait3A_358, %dma_wait3A_359] : memref<2x1x128xi32, #tpu.memory_space<vmem>> -> memref<1x1x128xi32, #tpu.memory_space<vmem>>
        %dma_wait3A_361 = tpu.memref_squeeze %dma_wait3A_360 : memref<1x1x128xi32, #tpu.memory_space<vmem>> -> memref<1x128xi32, #tpu.memory_space<vmem>>
        %dma_wait3A_362 = arith.constant 0 : i32
        %dma_wait3A_363 = tpu.memref_slice %arg4[%dma_wait3A_362, %mul3A_348] : memref<1x4096xi32, #tpu.memory_space<hbm>> -> memref<1x128xi32, #tpu.memory_space<hbm>>
        tpu.wait_dma2 semaphore(%dma_wait3A_357 : memref<!tpu.dma_semaphore, #tpu.memory_space<semaphore_mem>>) src(%dma_wait3A_363 : memref<1x128xi32, #tpu.memory_space<hbm>>) dst(%dma_wait3A_361 : memref<1x128xi32, #tpu.memory_space<vmem>>)
        "tpu.trace_stop"() : () -> ()
      } else {
      }
      %rem3A_233 = arith.constant 2 : i32
      %rem3A_234 = arith.remui %scan3A, %rem3A_233 : i32
      %rem3A_235 = arith.constant 2 : i32
      %rem3A_236 = arith.remui %scan3A_151, %rem3A_235 : i32
      %run_scoped3A_237 = arith.constant 0 : i32
      "tpu.trace_start"() <{level = 10 : i32, message = "ep_run_kernel"}> : () -> ()
      "tpu.region"() ({
        %run_scoped3A_347 = tpu.sem_alloc : memref<!tpu.dma_semaphore, #tpu.memory_space<semaphore_mem>>
        %dma_start3A_348 = arith.constant 0 : i32
        %dma_start3A_349 = arith.constant 0 : i32
        %dma_start3A_350 = tpu.memref_slice %run_scoped3A[%rem3A_234, %dma_start3A_348, %dma_start3A_349] : memref<2x128x256xf32, #tpu.memory_space<vmem>> -> memref<1x128x256xf32, #tpu.memory_space<vmem>>
        %dma_start3A_351 = tpu.memref_squeeze %dma_start3A_350 : memref<1x128x256xf32, #tpu.memory_space<vmem>> -> memref<128x256xf32, #tpu.memory_space<vmem>>
        %dma_start3A_352 = arith.constant 0 : i32
        %dma_start3A_353 = arith.constant 0 : i32
        %dma_start3A_354 = tpu.memref_slice %run_scoped3A_71[%rem3A_236, %dma_start3A_352, %dma_start3A_353] : memref<2x1x128xi32, #tpu.memory_space<vmem>> -> memref<1x1x128xi32, #tpu.memory_space<vmem>>
        %dma_start3A_355 = tpu.memref_squeeze %dma_start3A_354 : memref<1x1x128xi32, #tpu.memory_space<vmem>> -> memref<1x128xi32, #tpu.memory_space<vmem>>
        %dma_start3A_356 = arith.constant 0 : i32
        %dma_start3A_357 = tpu.memref_slice %dma_start3A_355[%run_scoped3A_237, %dma_start3A_356] : memref<1x128xi32, #tpu.memory_space<vmem>> -> memref<1x128xi32, #tpu.memory_space<vmem>>
        %dma_start3A_358 = tpu.memref_squeeze %dma_start3A_357 : memref<1x128xi32, #tpu.memory_space<vmem>> -> memref<128xi32, #tpu.memory_space<vmem>>
        %dma_start3A_359 = arith.constant 0 : i32
        %dma_start3A_360 = arith.constant 0 : i32
        %dma_start3A_361 = tpu.memref_slice %arg9[%dma_start3A_359, %dma_start3A_360] : memref<12288x256xf32, #tpu.memory_space<hbm>> -> memref<12288x256xf32, #tpu.memory_space<hbm>>
        tpu.enqueue_indirect_dma source(%dma_start3A_351 : memref<128x256xf32, #tpu.memory_space<vmem>>) target(%dma_start3A_361 : memref<12288x256xf32, #tpu.memory_space<hbm>>) offsets(%dma_start3A_358 : memref<128xi32, #tpu.memory_space<vmem>>) semaphore(%run_scoped3A_347 : memref<!tpu.dma_semaphore, #tpu.memory_space<semaphore_mem>>)
        %dma_wait3A = arith.constant 0 : i32
        %dma_wait3A_362 = arith.constant 0 : i32
        %dma_wait3A_363 = tpu.memref_slice %run_scoped3A[%rem3A_234, %dma_wait3A, %dma_wait3A_362] : memref<2x128x256xf32, #tpu.memory_space<vmem>> -> memref<1x128x256xf32, #tpu.memory_space<vmem>>
        %dma_wait3A_364 = tpu.memref_squeeze %dma_wait3A_363 : memref<1x128x256xf32, #tpu.memory_space<vmem>> -> memref<128x256xf32, #tpu.memory_space<vmem>>
        %dma_wait3A_365 = arith.constant 0 : i32
        %dma_wait3A_366 = arith.constant 0 : i32
        %dma_wait3A_367 = tpu.memref_slice %run_scoped3A_71[%rem3A_236, %dma_wait3A_365, %dma_wait3A_366] : memref<2x1x128xi32, #tpu.memory_space<vmem>> -> memref<1x1x128xi32, #tpu.memory_space<vmem>>
        %dma_wait3A_368 = tpu.memref_squeeze %dma_wait3A_367 : memref<1x1x128xi32, #tpu.memory_space<vmem>> -> memref<1x128xi32, #tpu.memory_space<vmem>>
        %dma_wait3A_369 = arith.constant 0 : i32
        %dma_wait3A_370 = tpu.memref_slice %dma_wait3A_368[%run_scoped3A_237, %dma_wait3A_369] : memref<1x128xi32, #tpu.memory_space<vmem>> -> memref<1x128xi32, #tpu.memory_space<vmem>>
        %dma_wait3A_371 = tpu.memref_squeeze %dma_wait3A_370 : memref<1x128xi32, #tpu.memory_space<vmem>> -> memref<128xi32, #tpu.memory_space<vmem>>
        %dma_wait3A_372 = arith.constant 0 : i32
        %dma_wait3A_373 = arith.constant 0 : i32
        %dma_wait3A_374 = tpu.memref_slice %arg9[%dma_wait3A_372, %dma_wait3A_373] : memref<12288x256xf32, #tpu.memory_space<hbm>> -> memref<12288x256xf32, #tpu.memory_space<hbm>>
        tpu.wait_indirect_dma semaphore(%run_scoped3A_347 : memref<!tpu.dma_semaphore, #tpu.memory_space<semaphore_mem>>) src(%dma_wait3A_364 : memref<128x256xf32, #tpu.memory_space<vmem>>) dst(%dma_wait3A_374 : memref<12288x256xf32, #tpu.memory_space<hbm>>)
        tpu.yield
      }) : () -> ()
      "tpu.trace_stop"() : () -> ()
      %ne3A_238 = arith.cmpi ne, %add3A_159, %add3A_179 : i32
      %or3A_239 = arith.constant false
      %or3A_240 = arith.ori %or3A_239, %ne3A_238 : i1
      %or3A_241 = arith.constant false
      %or3A_242 = arith.ori %or3A_240, %or3A_241 : i1
      %or3A_243 = arith.ori %or3A_242, %eq3A_157 : i1
      %convert_element_type3A_244 = arith.extui %or3A_243 : i1 to i32
      %cond3A_245 = arith.constant 0 : i32
      %cond3A_246 = arith.cmpi ne, %convert_element_type3A_244, %cond3A_245 : i32
      scf.if %cond3A_246 {
      } else {
      }
      %and3A_247 = arith.constant false
      %and3A_248 = arith.andi %or3A_243, %and3A_247 : i1
      %ne3A_249 = arith.cmpi ne, %add3A_159, %add3A_179 : i32
      %or3A_250 = arith.constant false
      %or3A_251 = arith.ori %or3A_250, %ne3A_249 : i1
      %or3A_252 = arith.ori %or3A_251, %eq3A_157 : i1
      %convert_element_type3A_253 = arith.extui %or3A_252 : i1 to i32
      %cond3A_254 = arith.constant 0 : i32
      %cond3A_255 = arith.cmpi ne, %convert_element_type3A_253, %cond3A_254 : i32
      scf.if %cond3A_255 {
      } else {
      }
      %and3A_256 = arith.constant false
      %and3A_257 = arith.andi %or3A_252, %and3A_256 : i1
      %ne3A_258 = arith.cmpi ne, %add3A_159, %add3A_169 : i32
      %or3A_259 = arith.constant false
      %or3A_260 = arith.ori %or3A_259, %ne3A_258 : i1
      %or3A_261 = arith.constant false
      %or3A_262 = arith.ori %or3A_260, %or3A_261 : i1
      %not3A_263 = arith.constant true
      %not3A_264 = arith.xori %eq3A_155, %not3A_263 : i1
      %and3A_265 = arith.andi %or3A_262, %not3A_264 : i1
      %convert_element_type3A_266 = arith.extui %and3A_265 : i1 to i32
      %cond3A_267 = arith.constant 0 : i32
      %cond3A_268 = arith.cmpi ne, %convert_element_type3A_266, %cond3A_267 : i32
      scf.if %cond3A_268 {
      } else {
      }
      %and3A_269 = arith.constant false
      %and3A_270 = arith.andi %and3A_265, %and3A_269 : i1
      %ne3A_271 = arith.cmpi ne, %add3A_159, %add3A_169 : i32
      %or3A_272 = arith.constant false
      %or3A_273 = arith.ori %or3A_272, %ne3A_271 : i1
      %not3A_274 = arith.constant true
      %not3A_275 = arith.xori %eq3A_155, %not3A_274 : i1
      %and3A_276 = arith.andi %or3A_273, %not3A_275 : i1
      %convert_element_type3A_277 = arith.extui %and3A_276 : i1 to i32
      %cond3A_278 = arith.constant 0 : i32
      %cond3A_279 = arith.cmpi ne, %convert_element_type3A_277, %cond3A_278 : i32
      scf.if %cond3A_279 {
      } else {
      }
      %and3A_280 = arith.constant false
      %and3A_281 = arith.andi %and3A_276, %and3A_280 : i1
      %ne3A_282 = arith.cmpi ne, %add3A_159, %add3A_179 : i32
      %or3A_283 = arith.constant false
      %or3A_284 = arith.ori %or3A_283, %ne3A_282 : i1
      %or3A_285 = arith.constant false
      %or3A_286 = arith.ori %or3A_284, %or3A_285 : i1
      %or3A_287 = arith.ori %or3A_286, %eq3A_157 : i1
      %add3A_288 = arith.constant 1 : i32
      %add3A_289 = arith.addi %scan3A, %add3A_288 : i32
      %select_n3A_290 = arith.select %or3A_287, %add3A_289, %scan3A : i32
      %ne3A_291 = arith.cmpi ne, %add3A_159, %add3A_179 : i32
      %or3A_292 = arith.constant false
      %or3A_293 = arith.ori %or3A_292, %ne3A_291 : i1
      %or3A_294 = arith.ori %or3A_293, %eq3A_157 : i1
      %add3A_295 = arith.constant 1 : i32
      %add3A_296 = arith.addi %scan3A_151, %add3A_295 : i32
      %select_n3A_297 = arith.select %or3A_294, %add3A_296, %scan3A_151 : i32
      %select_n3A_298 = arith.constant true
      %select_n3A_299 = arith.constant 0 : i32
      %select_n3A_300 = arith.constant 1 : i32
      %select_n3A_301 = arith.select %select_n3A_298, %select_n3A_300, %select_n3A_299 : i32
      %eq3A_302 = arith.constant 1 : i32
      %eq3A_303 = arith.cmpi eq, %select_n3A_301, %eq3A_302 : i32
      %select_n3A_304 = arith.constant 0 : i32
      %select_n3A_305 = arith.select %eq3A_303, %select_n3A_304, %select_n3A_301 : i32
      %scan3A_306 = arith.constant 0 : i32
      %scan3A_307 = arith.constant 1 : i32
      %sub3A = arith.constant 1 : i32
      %sub3A_308 = arith.subi %scan3A_306, %sub3A : i32
      %select_n3A_309 = arith.constant true
      %select_n3A_310 = arith.select %select_n3A_309, %sub3A_308, %scan3A_306 : i32
      %eq3A_311 = arith.constant -1 : i32
      %eq3A_312 = arith.cmpi eq, %select_n3A_310, %eq3A_311 : i32
      %select_n3A_313 = arith.constant 0 : i32
      %select_n3A_314 = arith.select %eq3A_312, %select_n3A_313, %select_n3A_310 : i32
      %add3A_315 = arith.constant 0 : i32
      %add3A_316 = arith.addi %add3A_315, %mul3A_60 : i32
      %select_n3A_317 = arith.constant true
      %select_n3A_318 = arith.constant 0 : i32
      %select_n3A_319 = arith.constant -1 : i32
      %select_n3A_320 = arith.select %select_n3A_317, %select_n3A_319, %select_n3A_318 : i32
      %eq3A_321 = arith.constant -1 : i32
      %eq3A_322 = arith.cmpi eq, %select_n3A_320, %eq3A_321 : i32
      %select_n3A_323 = arith.constant 0 : i32
      %select_n3A_324 = arith.select %eq3A_322, %select_n3A_323, %select_n3A_320 : i32
      %add3A_325 = arith.constant 0 : i32
      %add3A_326 = arith.addi %add3A_325, %mul3A_60 : i32
      %select_n3A_327 = arith.constant true
      %select_n3A_328 = arith.constant 0 : i32
      %select_n3A_329 = arith.constant 1 : i32
      %select_n3A_330 = arith.select %select_n3A_327, %select_n3A_329, %select_n3A_328 : i32
      %eq3A_331 = arith.constant 1 : i32
      %eq3A_332 = arith.cmpi eq, %select_n3A_330, %eq3A_331 : i32
      %select_n3A_333 = arith.constant 0 : i32
      %select_n3A_334 = arith.select %eq3A_332, %select_n3A_333, %select_n3A_330 : i32
      %add3A_335 = arith.constant 0 : i32
      %add3A_336 = arith.addi %add3A_335, %mul3A_60 : i32
      %select_n3A_337 = arith.constant true
      %select_n3A_338 = arith.constant 0 : i32
      %select_n3A_339 = arith.constant 1 : i32
      %select_n3A_340 = arith.select %select_n3A_337, %select_n3A_339, %select_n3A_338 : i32
      %eq3A_341 = arith.constant 1 : i32
      %eq3A_342 = arith.cmpi eq, %select_n3A_340, %eq3A_341 : i32
      %select_n3A_343 = arith.constant 0 : i32
      %select_n3A_344 = arith.select %eq3A_342, %select_n3A_343, %select_n3A_340 : i32
      %add3A_345 = arith.constant 0 : i32
      %add3A_346 = arith.addi %add3A_345, %mul3A_60 : i32
      tpu.yield
    }) : () -> ()
    %mul3A_61 = arith.constant 1 : i32
    %mul3A_62 = arith.muli %arg1, %mul3A_61 : i32
    %add3A_63 = arith.constant 0 : i32
    %add3A_64 = arith.addi %add3A_63, %mul3A_62 : i32
    %mul3A_65 = arith.constant 16 : i32
    %mul3A_66 = arith.muli %arg0, %mul3A_65 : i32
    %add3A_67 = arith.addi %add3A_64, %mul3A_66 : i32
    %mul3A_68 = arith.constant 1 : i32
    %mul3A_69 = arith.muli %add3A_67, %mul3A_68 : i32
    "tpu.region"() ({
      %run_scoped3A = memref.alloca() : memref<2x128x256xf32, #tpu.memory_space<vmem>>
      %run_scoped3A_70 = tpu.sem_alloc : memref<2x!tpu.dma_semaphore, #tpu.memory_space<semaphore_mem>>
      %run_scoped3A_71 = memref.alloca() : memref<2x1x128xi32, #tpu.memory_space<vmem>>
      %run_scoped3A_72 = tpu.sem_alloc : memref<2x!tpu.dma_semaphore, #tpu.memory_space<semaphore_mem>>
      %add3A_73 = arith.constant 0 : i32
      %add3A_74 = arith.addi %add3A_73, %mul3A_69 : i32
      %select_n3A = arith.constant true
      %select_n3A_75 = arith.constant 0 : i32
      %select_n3A_76 = arith.constant -1 : i32
      %select_n3A_77 = arith.select %select_n3A, %select_n3A_76, %select_n3A_75 : i32
      %eq3A = arith.constant -1 : i32
      %eq3A_78 = arith.cmpi eq, %select_n3A_77, %eq3A : i32
      %select_n3A_79 = arith.constant 0 : i32
      %select_n3A_80 = arith.select %eq3A_78, %select_n3A_79, %select_n3A_77 : i32
      %add3A_81 = arith.constant 0 : i32
      %add3A_82 = arith.addi %add3A_81, %mul3A_69 : i32
      %select_n3A_83 = arith.constant true
      %select_n3A_84 = arith.constant 0 : i32
      %select_n3A_85 = arith.constant 1 : i32
      %select_n3A_86 = arith.select %select_n3A_83, %select_n3A_85, %select_n3A_84 : i32
      %eq3A_87 = arith.constant 1 : i32
      %eq3A_88 = arith.cmpi eq, %select_n3A_86, %eq3A_87 : i32
      %select_n3A_89 = arith.constant 0 : i32
      %select_n3A_90 = arith.select %eq3A_88, %select_n3A_89, %select_n3A_86 : i32
      %add3A_91 = arith.constant 0 : i32
      %add3A_92 = arith.addi %add3A_91, %mul3A_69 : i32
      %select_n3A_93 = arith.constant true
      %select_n3A_94 = arith.constant 0 : i32
      %select_n3A_95 = arith.constant 1 : i32
      %select_n3A_96 = arith.select %select_n3A_93, %select_n3A_95, %select_n3A_94 : i32
      %eq3A_97 = arith.constant 1 : i32
      %eq3A_98 = arith.cmpi eq, %select_n3A_96, %eq3A_97 : i32
      %select_n3A_99 = arith.constant 0 : i32
      %select_n3A_100 = arith.select %eq3A_98, %select_n3A_99, %select_n3A_96 : i32
      %add3A_101 = arith.constant 0 : i32
      %add3A_102 = arith.addi %add3A_101, %mul3A_69 : i32
      "tpu.trace_start"() <{level = 10 : i32, message = "ep_initialize_0"}> : () -> ()
      %rem3A = arith.constant 0 : i32
      %rem3A_103 = arith.constant 2 : i32
      %rem3A_104 = arith.remui %rem3A, %rem3A_103 : i32
      %mul3A_105 = arith.constant 128 : i32
      %mul3A_106 = arith.muli %mul3A_105, %add3A_74 : i32
      %dma_start3A = arith.constant 0 : i32
      %dma_start3A_107 = arith.constant 0 : i32
      %dma_start3A_108 = tpu.memref_slice %run_scoped3A[%rem3A_104, %dma_start3A, %dma_start3A_107] : memref<2x128x256xf32, #tpu.memory_space<vmem>> -> memref<1x128x256xf32, #tpu.memory_space<vmem>>
      %dma_start3A_109 = tpu.memref_squeeze %dma_start3A_108 : memref<1x128x256xf32, #tpu.memory_space<vmem>> -> memref<128x256xf32, #tpu.memory_space<vmem>>
      %dma_start3A_110 = arith.constant 768 : i32
      %dma_start3A_111 = tpu.memref_slice %arg3[%mul3A_106, %dma_start3A_110] : memref<4096x1024xf32, #tpu.memory_space<hbm>> -> memref<128x256xf32, #tpu.memory_space<hbm>>
      %dma_start3A_112 = tpu.memref_slice %run_scoped3A_70[%rem3A_104] : memref<2x!tpu.dma_semaphore, #tpu.memory_space<semaphore_mem>> -> memref<1x!tpu.dma_semaphore, #tpu.memory_space<semaphore_mem>>
      %dma_start3A_113 = tpu.memref_squeeze %dma_start3A_112 : memref<1x!tpu.dma_semaphore, #tpu.memory_space<semaphore_mem>> -> memref<!tpu.dma_semaphore, #tpu.memory_space<semaphore_mem>>
      %dma_start3A_114 = arith.constant 0 : i32
      %dma_start3A_115 = arith.constant 0 : i32
      %dma_start3A_116 = tpu.memref_slice %run_scoped3A[%rem3A_104, %dma_start3A_114, %dma_start3A_115] : memref<2x128x256xf32, #tpu.memory_space<vmem>> -> memref<1x128x256xf32, #tpu.memory_space<vmem>>
      %dma_start3A_117 = tpu.memref_squeeze %dma_start3A_116 : memref<1x128x256xf32, #tpu.memory_space<vmem>> -> memref<128x256xf32, #tpu.memory_space<vmem>>
      %dma_start3A_118 = arith.constant 768 : i32
      %dma_start3A_119 = tpu.memref_slice %arg3[%mul3A_106, %dma_start3A_118] : memref<4096x1024xf32, #tpu.memory_space<hbm>> -> memref<128x256xf32, #tpu.memory_space<hbm>>
      tpu.enqueue_dma source(%dma_start3A_119 : memref<128x256xf32, #tpu.memory_space<hbm>>) target(%dma_start3A_117 : memref<128x256xf32, #tpu.memory_space<vmem>>) target_semaphore(%dma_start3A_113 : memref<!tpu.dma_semaphore, #tpu.memory_space<semaphore_mem>>)
      %add3A_120 = arith.constant 0 : i32
      %add3A_121 = arith.constant 1 : i32
      %add3A_122 = arith.addi %add3A_120, %add3A_121 : i32
      %select_n3A_123 = arith.constant true
      %select_n3A_124 = arith.constant 0 : i32
      %select_n3A_125 = arith.select %select_n3A_123, %add3A_122, %select_n3A_124 : i32
      %rem3A_126 = arith.constant 0 : i32
      %rem3A_127 = arith.constant 2 : i32
      %rem3A_128 = arith.remui %rem3A_126, %rem3A_127 : i32
      %mul3A_129 = arith.constant 128 : i32
      %mul3A_130 = arith.muli %mul3A_129, %add3A_74 : i32
      %dma_start3A_131 = arith.constant 0 : i32
      %dma_start3A_132 = arith.constant 0 : i32
      %dma_start3A_133 = tpu.memref_slice %run_scoped3A_71[%rem3A_128, %dma_start3A_131, %dma_start3A_132] : memref<2x1x128xi32, #tpu.memory_space<vmem>> -> memref<1x1x128xi32, #tpu.memory_space<vmem>>
      %dma_start3A_134 = tpu.memref_squeeze %dma_start3A_133 : memref<1x1x128xi32, #tpu.memory_space<vmem>> -> memref<1x128xi32, #tpu.memory_space<vmem>>
      %dma_start3A_135 = arith.constant 0 : i32
      %dma_start3A_136 = tpu.memref_slice %arg5[%dma_start3A_135, %mul3A_130] : memref<1x4096xi32, #tpu.memory_space<hbm>> -> memref<1x128xi32, #tpu.memory_space<hbm>>
      %dma_start3A_137 = tpu.memref_slice %run_scoped3A_72[%rem3A_128] : memref<2x!tpu.dma_semaphore, #tpu.memory_space<semaphore_mem>> -> memref<1x!tpu.dma_semaphore, #tpu.memory_space<semaphore_mem>>
      %dma_start3A_138 = tpu.memref_squeeze %dma_start3A_137 : memref<1x!tpu.dma_semaphore, #tpu.memory_space<semaphore_mem>> -> memref<!tpu.dma_semaphore, #tpu.memory_space<semaphore_mem>>
      %dma_start3A_139 = arith.constant 0 : i32
      %dma_start3A_140 = arith.constant 0 : i32
      %dma_start3A_141 = tpu.memref_slice %run_scoped3A_71[%rem3A_128, %dma_start3A_139, %dma_start3A_140] : memref<2x1x128xi32, #tpu.memory_space<vmem>> -> memref<1x1x128xi32, #tpu.memory_space<vmem>>
      %dma_start3A_142 = tpu.memref_squeeze %dma_start3A_141 : memref<1x1x128xi32, #tpu.memory_space<vmem>> -> memref<1x128xi32, #tpu.memory_space<vmem>>
      %dma_start3A_143 = arith.constant 0 : i32
      %dma_start3A_144 = tpu.memref_slice %arg5[%dma_start3A_143, %mul3A_130] : memref<1x4096xi32, #tpu.memory_space<hbm>> -> memref<1x128xi32, #tpu.memory_space<hbm>>
      tpu.enqueue_dma source(%dma_start3A_144 : memref<1x128xi32, #tpu.memory_space<hbm>>) target(%dma_start3A_142 : memref<1x128xi32, #tpu.memory_space<vmem>>) target_semaphore(%dma_start3A_138 : memref<!tpu.dma_semaphore, #tpu.memory_space<semaphore_mem>>)
      %add3A_145 = arith.constant 0 : i32
      %add3A_146 = arith.constant 1 : i32
      %add3A_147 = arith.addi %add3A_145, %add3A_146 : i32
      %select_n3A_148 = arith.constant true
      %select_n3A_149 = arith.constant 0 : i32
      %select_n3A_150 = arith.select %select_n3A_148, %add3A_147, %select_n3A_149 : i32
      "tpu.trace_stop"() : () -> ()
      %scan3A = arith.constant 0 : i32
      %scan3A_151 = arith.constant 0 : i32
      %scan3A_152 = arith.constant 0 : i32
      %scan3A_153 = arith.constant 0 : i32
      %eq3A_154 = arith.constant 0 : i32
      %eq3A_155 = arith.cmpi eq, %scan3A_153, %eq3A_154 : i32
      %eq3A_156 = arith.constant 0 : i32
      %eq3A_157 = arith.cmpi eq, %scan3A_153, %eq3A_156 : i32
      %add3A_158 = arith.constant 0 : i32
      %add3A_159 = arith.addi %add3A_158, %mul3A_69 : i32
      %select_n3A_160 = arith.constant true
      %select_n3A_161 = arith.constant 0 : i32
      %select_n3A_162 = arith.constant -1 : i32
      %select_n3A_163 = arith.select %select_n3A_160, %select_n3A_162, %select_n3A_161 : i32
      %eq3A_164 = arith.constant -1 : i32
      %eq3A_165 = arith.cmpi eq, %select_n3A_163, %eq3A_164 : i32
      %select_n3A_166 = arith.constant 0 : i32
      %select_n3A_167 = arith.select %eq3A_165, %select_n3A_166, %select_n3A_163 : i32
      %add3A_168 = arith.constant 0 : i32
      %add3A_169 = arith.addi %add3A_168, %mul3A_69 : i32
      %select_n3A_170 = arith.constant true
      %select_n3A_171 = arith.constant 0 : i32
      %select_n3A_172 = arith.constant 1 : i32
      %select_n3A_173 = arith.select %select_n3A_170, %select_n3A_172, %select_n3A_171 : i32
      %eq3A_174 = arith.constant 1 : i32
      %eq3A_175 = arith.cmpi eq, %select_n3A_173, %eq3A_174 : i32
      %select_n3A_176 = arith.constant 0 : i32
      %select_n3A_177 = arith.select %eq3A_175, %select_n3A_176, %select_n3A_173 : i32
      %add3A_178 = arith.constant 0 : i32
      %add3A_179 = arith.addi %add3A_178, %mul3A_69 : i32
      %select_n3A_180 = arith.constant true
      %select_n3A_181 = arith.constant 0 : i32
      %select_n3A_182 = arith.constant 1 : i32
      %select_n3A_183 = arith.select %select_n3A_180, %select_n3A_182, %select_n3A_181 : i32
      %eq3A_184 = arith.constant 1 : i32
      %eq3A_185 = arith.cmpi eq, %select_n3A_183, %eq3A_184 : i32
      %select_n3A_186 = arith.constant 0 : i32
      %select_n3A_187 = arith.select %eq3A_185, %select_n3A_186, %select_n3A_183 : i32
      %add3A_188 = arith.constant 0 : i32
      %add3A_189 = arith.addi %add3A_188, %mul3A_69 : i32
      %ne3A = arith.cmpi ne, %add3A_159, %add3A_179 : i32
      %or3A = arith.constant false
      %or3A_190 = arith.ori %or3A, %ne3A : i1
      %or3A_191 = arith.constant false
      %or3A_192 = arith.ori %or3A_190, %or3A_191 : i1
      %ge3A = arith.constant 0 : i32
      %ge3A_193 = arith.cmpi sge, %scan3A_153, %ge3A : i32
      %not3A = arith.constant true
      %not3A_194 = arith.xori %ge3A_193, %not3A : i1
      %and3A = arith.andi %or3A_192, %not3A_194 : i1
      %convert_element_type3A = arith.extui %and3A : i1 to i32
      %cond3A = arith.constant 0 : i32
      %cond3A_195 = arith.cmpi ne, %convert_element_type3A, %cond3A : i32
      scf.if %cond3A_195 {
        "tpu.trace_start"() <{level = 10 : i32, message = "ep_copy_in"}> : () -> ()
        %rem3A_347 = arith.constant 2 : i32
        %rem3A_348 = arith.remui %select_n3A_125, %rem3A_347 : i32
        %mul3A_349 = arith.constant 128 : i32
        %mul3A_350 = arith.muli %mul3A_349, %add3A_179 : i32
        %dma_start3A_351 = arith.constant 0 : i32
        %dma_start3A_352 = arith.constant 0 : i32
        %dma_start3A_353 = tpu.memref_slice %run_scoped3A[%rem3A_348, %dma_start3A_351, %dma_start3A_352] : memref<2x128x256xf32, #tpu.memory_space<vmem>> -> memref<1x128x256xf32, #tpu.memory_space<vmem>>
        %dma_start3A_354 = tpu.memref_squeeze %dma_start3A_353 : memref<1x128x256xf32, #tpu.memory_space<vmem>> -> memref<128x256xf32, #tpu.memory_space<vmem>>
        %dma_start3A_355 = arith.constant 768 : i32
        %dma_start3A_356 = tpu.memref_slice %arg3[%mul3A_350, %dma_start3A_355] : memref<4096x1024xf32, #tpu.memory_space<hbm>> -> memref<128x256xf32, #tpu.memory_space<hbm>>
        %dma_start3A_357 = tpu.memref_slice %run_scoped3A_70[%rem3A_348] : memref<2x!tpu.dma_semaphore, #tpu.memory_space<semaphore_mem>> -> memref<1x!tpu.dma_semaphore, #tpu.memory_space<semaphore_mem>>
        %dma_start3A_358 = tpu.memref_squeeze %dma_start3A_357 : memref<1x!tpu.dma_semaphore, #tpu.memory_space<semaphore_mem>> -> memref<!tpu.dma_semaphore, #tpu.memory_space<semaphore_mem>>
        %dma_start3A_359 = arith.constant 0 : i32
        %dma_start3A_360 = arith.constant 0 : i32
        %dma_start3A_361 = tpu.memref_slice %run_scoped3A[%rem3A_348, %dma_start3A_359, %dma_start3A_360] : memref<2x128x256xf32, #tpu.memory_space<vmem>> -> memref<1x128x256xf32, #tpu.memory_space<vmem>>
        %dma_start3A_362 = tpu.memref_squeeze %dma_start3A_361 : memref<1x128x256xf32, #tpu.memory_space<vmem>> -> memref<128x256xf32, #tpu.memory_space<vmem>>
        %dma_start3A_363 = arith.constant 768 : i32
        %dma_start3A_364 = tpu.memref_slice %arg3[%mul3A_350, %dma_start3A_363] : memref<4096x1024xf32, #tpu.memory_space<hbm>> -> memref<128x256xf32, #tpu.memory_space<hbm>>
        tpu.enqueue_dma source(%dma_start3A_364 : memref<128x256xf32, #tpu.memory_space<hbm>>) target(%dma_start3A_362 : memref<128x256xf32, #tpu.memory_space<vmem>>) target_semaphore(%dma_start3A_358 : memref<!tpu.dma_semaphore, #tpu.memory_space<semaphore_mem>>)
        "tpu.trace_stop"() : () -> ()
      } else {
      }
      %and3A_196 = arith.constant true
      %and3A_197 = arith.andi %and3A, %and3A_196 : i1
      %add3A_198 = arith.constant 1 : i32
      %add3A_199 = arith.addi %select_n3A_125, %add3A_198 : i32
      %select_n3A_200 = arith.select %and3A_197, %add3A_199, %select_n3A_125 : i32
      %ne3A_201 = arith.cmpi ne, %add3A_159, %add3A_179 : i32
      %or3A_202 = arith.constant false
      %or3A_203 = arith.ori %or3A_202, %ne3A_201 : i1
      %ge3A_204 = arith.constant 0 : i32
      %ge3A_205 = arith.cmpi sge, %scan3A_153, %ge3A_204 : i32
      %not3A_206 = arith.constant true
      %not3A_207 = arith.xori %ge3A_205, %not3A_206 : i1
      %and3A_208 = arith.andi %or3A_203, %not3A_207 : i1
      %convert_element_type3A_209 = arith.extui %and3A_208 : i1 to i32
      %cond3A_210 = arith.constant 0 : i32
      %cond3A_211 = arith.cmpi ne, %convert_element_type3A_209, %cond3A_210 : i32
      scf.if %cond3A_211 {
        "tpu.trace_start"() <{level = 10 : i32, message = "ep_copy_in"}> : () -> ()
        %rem3A_347 = arith.constant 2 : i32
        %rem3A_348 = arith.remui %select_n3A_150, %rem3A_347 : i32
        %mul3A_349 = arith.constant 128 : i32
        %mul3A_350 = arith.muli %mul3A_349, %add3A_179 : i32
        %dma_start3A_351 = arith.constant 0 : i32
        %dma_start3A_352 = arith.constant 0 : i32
        %dma_start3A_353 = tpu.memref_slice %run_scoped3A_71[%rem3A_348, %dma_start3A_351, %dma_start3A_352] : memref<2x1x128xi32, #tpu.memory_space<vmem>> -> memref<1x1x128xi32, #tpu.memory_space<vmem>>
        %dma_start3A_354 = tpu.memref_squeeze %dma_start3A_353 : memref<1x1x128xi32, #tpu.memory_space<vmem>> -> memref<1x128xi32, #tpu.memory_space<vmem>>
        %dma_start3A_355 = arith.constant 0 : i32
        %dma_start3A_356 = tpu.memref_slice %arg5[%dma_start3A_355, %mul3A_350] : memref<1x4096xi32, #tpu.memory_space<hbm>> -> memref<1x128xi32, #tpu.memory_space<hbm>>
        %dma_start3A_357 = tpu.memref_slice %run_scoped3A_72[%rem3A_348] : memref<2x!tpu.dma_semaphore, #tpu.memory_space<semaphore_mem>> -> memref<1x!tpu.dma_semaphore, #tpu.memory_space<semaphore_mem>>
        %dma_start3A_358 = tpu.memref_squeeze %dma_start3A_357 : memref<1x!tpu.dma_semaphore, #tpu.memory_space<semaphore_mem>> -> memref<!tpu.dma_semaphore, #tpu.memory_space<semaphore_mem>>
        %dma_start3A_359 = arith.constant 0 : i32
        %dma_start3A_360 = arith.constant 0 : i32
        %dma_start3A_361 = tpu.memref_slice %run_scoped3A_71[%rem3A_348, %dma_start3A_359, %dma_start3A_360] : memref<2x1x128xi32, #tpu.memory_space<vmem>> -> memref<1x1x128xi32, #tpu.memory_space<vmem>>
        %dma_start3A_362 = tpu.memref_squeeze %dma_start3A_361 : memref<1x1x128xi32, #tpu.memory_space<vmem>> -> memref<1x128xi32, #tpu.memory_space<vmem>>
        %dma_start3A_363 = arith.constant 0 : i32
        %dma_start3A_364 = tpu.memref_slice %arg5[%dma_start3A_363, %mul3A_350] : memref<1x4096xi32, #tpu.memory_space<hbm>> -> memref<1x128xi32, #tpu.memory_space<hbm>>
        tpu.enqueue_dma source(%dma_start3A_364 : memref<1x128xi32, #tpu.memory_space<hbm>>) target(%dma_start3A_362 : memref<1x128xi32, #tpu.memory_space<vmem>>) target_semaphore(%dma_start3A_358 : memref<!tpu.dma_semaphore, #tpu.memory_space<semaphore_mem>>)
        "tpu.trace_stop"() : () -> ()
      } else {
      }
      %and3A_212 = arith.constant true
      %and3A_213 = arith.andi %and3A_208, %and3A_212 : i1
      %add3A_214 = arith.constant 1 : i32
      %add3A_215 = arith.addi %select_n3A_150, %add3A_214 : i32
      %select_n3A_216 = arith.select %and3A_213, %add3A_215, %select_n3A_150 : i32
      %ne3A_217 = arith.cmpi ne, %add3A_159, %add3A_169 : i32
      %or3A_218 = arith.constant false
      %or3A_219 = arith.ori %or3A_218, %ne3A_217 : i1
      %or3A_220 = arith.constant false
      %or3A_221 = arith.ori %or3A_219, %or3A_220 : i1
      %or3A_222 = arith.ori %or3A_221, %eq3A_155 : i1
      %convert_element_type3A_223 = arith.extui %or3A_222 : i1 to i32
      %cond3A_224 = arith.constant 0 : i32
      %cond3A_225 = arith.cmpi ne, %convert_element_type3A_223, %cond3A_224 : i32
      scf.if %cond3A_225 {
        "tpu.trace_start"() <{level = 10 : i32, message = "ep_wait_in"}> : () -> ()
        %mul3A_347 = arith.constant 128 : i32
        %mul3A_348 = arith.muli %mul3A_347, %add3A_159 : i32
        %rem3A_349 = arith.constant 2 : i32
        %rem3A_350 = arith.remui %scan3A, %rem3A_349 : i32
        %dma_wait3A = arith.constant 0 : i32
        %dma_wait3A_351 = arith.constant 0 : i32
        %dma_wait3A_352 = tpu.memref_slice %run_scoped3A[%rem3A_350, %dma_wait3A, %dma_wait3A_351] : memref<2x128x256xf32, #tpu.memory_space<vmem>> -> memref<1x128x256xf32, #tpu.memory_space<vmem>>
        %dma_wait3A_353 = tpu.memref_squeeze %dma_wait3A_352 : memref<1x128x256xf32, #tpu.memory_space<vmem>> -> memref<128x256xf32, #tpu.memory_space<vmem>>
        %dma_wait3A_354 = arith.constant 768 : i32
        %dma_wait3A_355 = tpu.memref_slice %arg3[%mul3A_348, %dma_wait3A_354] : memref<4096x1024xf32, #tpu.memory_space<hbm>> -> memref<128x256xf32, #tpu.memory_space<hbm>>
        %dma_wait3A_356 = tpu.memref_slice %run_scoped3A_70[%rem3A_350] : memref<2x!tpu.dma_semaphore, #tpu.memory_space<semaphore_mem>> -> memref<1x!tpu.dma_semaphore, #tpu.memory_space<semaphore_mem>>
        %dma_wait3A_357 = tpu.memref_squeeze %dma_wait3A_356 : memref<1x!tpu.dma_semaphore, #tpu.memory_space<semaphore_mem>> -> memref<!tpu.dma_semaphore, #tpu.memory_space<semaphore_mem>>
        %dma_wait3A_358 = arith.constant 0 : i32
        %dma_wait3A_359 = arith.constant 0 : i32
        %dma_wait3A_360 = tpu.memref_slice %run_scoped3A[%rem3A_350, %dma_wait3A_358, %dma_wait3A_359] : memref<2x128x256xf32, #tpu.memory_space<vmem>> -> memref<1x128x256xf32, #tpu.memory_space<vmem>>
        %dma_wait3A_361 = tpu.memref_squeeze %dma_wait3A_360 : memref<1x128x256xf32, #tpu.memory_space<vmem>> -> memref<128x256xf32, #tpu.memory_space<vmem>>
        %dma_wait3A_362 = arith.constant 768 : i32
        %dma_wait3A_363 = tpu.memref_slice %arg3[%mul3A_348, %dma_wait3A_362] : memref<4096x1024xf32, #tpu.memory_space<hbm>> -> memref<128x256xf32, #tpu.memory_space<hbm>>
        tpu.wait_dma2 semaphore(%dma_wait3A_357 : memref<!tpu.dma_semaphore, #tpu.memory_space<semaphore_mem>>) src(%dma_wait3A_363 : memref<128x256xf32, #tpu.memory_space<hbm>>) dst(%dma_wait3A_361 : memref<128x256xf32, #tpu.memory_space<vmem>>)
        "tpu.trace_stop"() : () -> ()
      } else {
      }
      %ne3A_226 = arith.cmpi ne, %add3A_159, %add3A_169 : i32
      %or3A_227 = arith.constant false
      %or3A_228 = arith.ori %or3A_227, %ne3A_226 : i1
      %or3A_229 = arith.ori %or3A_228, %eq3A_155 : i1
      %convert_element_type3A_230 = arith.extui %or3A_229 : i1 to i32
      %cond3A_231 = arith.constant 0 : i32
      %cond3A_232 = arith.cmpi ne, %convert_element_type3A_230, %cond3A_231 : i32
      scf.if %cond3A_232 {
        "tpu.trace_start"() <{level = 10 : i32, message = "ep_wait_in"}> : () -> ()
        %mul3A_347 = arith.constant 128 : i32
        %mul3A_348 = arith.muli %mul3A_347, %add3A_159 : i32
        %rem3A_349 = arith.constant 2 : i32
        %rem3A_350 = arith.remui %scan3A_151, %rem3A_349 : i32
        %dma_wait3A = arith.constant 0 : i32
        %dma_wait3A_351 = arith.constant 0 : i32
        %dma_wait3A_352 = tpu.memref_slice %run_scoped3A_71[%rem3A_350, %dma_wait3A, %dma_wait3A_351] : memref<2x1x128xi32, #tpu.memory_space<vmem>> -> memref<1x1x128xi32, #tpu.memory_space<vmem>>
        %dma_wait3A_353 = tpu.memref_squeeze %dma_wait3A_352 : memref<1x1x128xi32, #tpu.memory_space<vmem>> -> memref<1x128xi32, #tpu.memory_space<vmem>>
        %dma_wait3A_354 = arith.constant 0 : i32
        %dma_wait3A_355 = tpu.memref_slice %arg5[%dma_wait3A_354, %mul3A_348] : memref<1x4096xi32, #tpu.memory_space<hbm>> -> memref<1x128xi32, #tpu.memory_space<hbm>>
        %dma_wait3A_356 = tpu.memref_slice %run_scoped3A_72[%rem3A_350] : memref<2x!tpu.dma_semaphore, #tpu.memory_space<semaphore_mem>> -> memref<1x!tpu.dma_semaphore, #tpu.memory_space<semaphore_mem>>
        %dma_wait3A_357 = tpu.memref_squeeze %dma_wait3A_356 : memref<1x!tpu.dma_semaphore, #tpu.memory_space<semaphore_mem>> -> memref<!tpu.dma_semaphore, #tpu.memory_space<semaphore_mem>>
        %dma_wait3A_358 = arith.constant 0 : i32
        %dma_wait3A_359 = arith.constant 0 : i32
        %dma_wait3A_360 = tpu.memref_slice %run_scoped3A_71[%rem3A_350, %dma_wait3A_358, %dma_wait3A_359] : memref<2x1x128xi32, #tpu.memory_space<vmem>> -> memref<1x1x128xi32, #tpu.memory_space<vmem>>
        %dma_wait3A_361 = tpu.memref_squeeze %dma_wait3A_360 : memref<1x1x128xi32, #tpu.memory_space<vmem>> -> memref<1x128xi32, #tpu.memory_space<vmem>>
        %dma_wait3A_362 = arith.constant 0 : i32
        %dma_wait3A_363 = tpu.memref_slice %arg5[%dma_wait3A_362, %mul3A_348] : memref<1x4096xi32, #tpu.memory_space<hbm>> -> memref<1x128xi32, #tpu.memory_space<hbm>>
        tpu.wait_dma2 semaphore(%dma_wait3A_357 : memref<!tpu.dma_semaphore, #tpu.memory_space<semaphore_mem>>) src(%dma_wait3A_363 : memref<1x128xi32, #tpu.memory_space<hbm>>) dst(%dma_wait3A_361 : memref<1x128xi32, #tpu.memory_space<vmem>>)
        "tpu.trace_stop"() : () -> ()
      } else {
      }
      %rem3A_233 = arith.constant 2 : i32
      %rem3A_234 = arith.remui %scan3A, %rem3A_233 : i32
      %rem3A_235 = arith.constant 2 : i32
      %rem3A_236 = arith.remui %scan3A_151, %rem3A_235 : i32
      %run_scoped3A_237 = arith.constant 0 : i32
      "tpu.trace_start"() <{level = 10 : i32, message = "ep_run_kernel"}> : () -> ()
      "tpu.region"() ({
        %run_scoped3A_347 = tpu.sem_alloc : memref<!tpu.dma_semaphore, #tpu.memory_space<semaphore_mem>>
        %dma_start3A_348 = arith.constant 0 : i32
        %dma_start3A_349 = arith.constant 0 : i32
        %dma_start3A_350 = tpu.memref_slice %run_scoped3A[%rem3A_234, %dma_start3A_348, %dma_start3A_349] : memref<2x128x256xf32, #tpu.memory_space<vmem>> -> memref<1x128x256xf32, #tpu.memory_space<vmem>>
        %dma_start3A_351 = tpu.memref_squeeze %dma_start3A_350 : memref<1x128x256xf32, #tpu.memory_space<vmem>> -> memref<128x256xf32, #tpu.memory_space<vmem>>
        %dma_start3A_352 = arith.constant 0 : i32
        %dma_start3A_353 = arith.constant 0 : i32
        %dma_start3A_354 = tpu.memref_slice %run_scoped3A_71[%rem3A_236, %dma_start3A_352, %dma_start3A_353] : memref<2x1x128xi32, #tpu.memory_space<vmem>> -> memref<1x1x128xi32, #tpu.memory_space<vmem>>
        %dma_start3A_355 = tpu.memref_squeeze %dma_start3A_354 : memref<1x1x128xi32, #tpu.memory_space<vmem>> -> memref<1x128xi32, #tpu.memory_space<vmem>>
        %dma_start3A_356 = arith.constant 0 : i32
        %dma_start3A_357 = tpu.memref_slice %dma_start3A_355[%run_scoped3A_237, %dma_start3A_356] : memref<1x128xi32, #tpu.memory_space<vmem>> -> memref<1x128xi32, #tpu.memory_space<vmem>>
        %dma_start3A_358 = tpu.memref_squeeze %dma_start3A_357 : memref<1x128xi32, #tpu.memory_space<vmem>> -> memref<128xi32, #tpu.memory_space<vmem>>
        %dma_start3A_359 = arith.constant 0 : i32
        %dma_start3A_360 = arith.constant 0 : i32
        %dma_start3A_361 = tpu.memref_slice %arg9[%dma_start3A_359, %dma_start3A_360] : memref<12288x256xf32, #tpu.memory_space<hbm>> -> memref<12288x256xf32, #tpu.memory_space<hbm>>
        tpu.enqueue_indirect_dma source(%dma_start3A_351 : memref<128x256xf32, #tpu.memory_space<vmem>>) target(%dma_start3A_361 : memref<12288x256xf32, #tpu.memory_space<hbm>>) offsets(%dma_start3A_358 : memref<128xi32, #tpu.memory_space<vmem>>) semaphore(%run_scoped3A_347 : memref<!tpu.dma_semaphore, #tpu.memory_space<semaphore_mem>>)
        %dma_wait3A = arith.constant 0 : i32
        %dma_wait3A_362 = arith.constant 0 : i32
        %dma_wait3A_363 = tpu.memref_slice %run_scoped3A[%rem3A_234, %dma_wait3A, %dma_wait3A_362] : memref<2x128x256xf32, #tpu.memory_space<vmem>> -> memref<1x128x256xf32, #tpu.memory_space<vmem>>
        %dma_wait3A_364 = tpu.memref_squeeze %dma_wait3A_363 : memref<1x128x256xf32, #tpu.memory_space<vmem>> -> memref<128x256xf32, #tpu.memory_space<vmem>>
        %dma_wait3A_365 = arith.constant 0 : i32
        %dma_wait3A_366 = arith.constant 0 : i32
        %dma_wait3A_367 = tpu.memref_slice %run_scoped3A_71[%rem3A_236, %dma_wait3A_365, %dma_wait3A_366] : memref<2x1x128xi32, #tpu.memory_space<vmem>> -> memref<1x1x128xi32, #tpu.memory_space<vmem>>
        %dma_wait3A_368 = tpu.memref_squeeze %dma_wait3A_367 : memref<1x1x128xi32, #tpu.memory_space<vmem>> -> memref<1x128xi32, #tpu.memory_space<vmem>>
        %dma_wait3A_369 = arith.constant 0 : i32
        %dma_wait3A_370 = tpu.memref_slice %dma_wait3A_368[%run_scoped3A_237, %dma_wait3A_369] : memref<1x128xi32, #tpu.memory_space<vmem>> -> memref<1x128xi32, #tpu.memory_space<vmem>>
        %dma_wait3A_371 = tpu.memref_squeeze %dma_wait3A_370 : memref<1x128xi32, #tpu.memory_space<vmem>> -> memref<128xi32, #tpu.memory_space<vmem>>
        %dma_wait3A_372 = arith.constant 0 : i32
        %dma_wait3A_373 = arith.constant 0 : i32
        %dma_wait3A_374 = tpu.memref_slice %arg9[%dma_wait3A_372, %dma_wait3A_373] : memref<12288x256xf32, #tpu.memory_space<hbm>> -> memref<12288x256xf32, #tpu.memory_space<hbm>>
        tpu.wait_indirect_dma semaphore(%run_scoped3A_347 : memref<!tpu.dma_semaphore, #tpu.memory_space<semaphore_mem>>) src(%dma_wait3A_364 : memref<128x256xf32, #tpu.memory_space<vmem>>) dst(%dma_wait3A_374 : memref<12288x256xf32, #tpu.memory_space<hbm>>)
        tpu.yield
      }) : () -> ()
      "tpu.trace_stop"() : () -> ()
      %ne3A_238 = arith.cmpi ne, %add3A_159, %add3A_179 : i32
      %or3A_239 = arith.constant false
      %or3A_240 = arith.ori %or3A_239, %ne3A_238 : i1
      %or3A_241 = arith.constant false
      %or3A_242 = arith.ori %or3A_240, %or3A_241 : i1
      %or3A_243 = arith.ori %or3A_242, %eq3A_157 : i1
      %convert_element_type3A_244 = arith.extui %or3A_243 : i1 to i32
      %cond3A_245 = arith.constant 0 : i32
      %cond3A_246 = arith.cmpi ne, %convert_element_type3A_244, %cond3A_245 : i32
      scf.if %cond3A_246 {
      } else {
      }
      %and3A_247 = arith.constant false
      %and3A_248 = arith.andi %or3A_243, %and3A_247 : i1
      %ne3A_249 = arith.cmpi ne, %add3A_159, %add3A_179 : i32
      %or3A_250 = arith.constant false
      %or3A_251 = arith.ori %or3A_250, %ne3A_249 : i1
      %or3A_252 = arith.ori %or3A_251, %eq3A_157 : i1
      %convert_element_type3A_253 = arith.extui %or3A_252 : i1 to i32
      %cond3A_254 = arith.constant 0 : i32
      %cond3A_255 = arith.cmpi ne, %convert_element_type3A_253, %cond3A_254 : i32
      scf.if %cond3A_255 {
      } else {
      }
      %and3A_256 = arith.constant false
      %and3A_257 = arith.andi %or3A_252, %and3A_256 : i1
      %ne3A_258 = arith.cmpi ne, %add3A_159, %add3A_169 : i32
      %or3A_259 = arith.constant false
      %or3A_260 = arith.ori %or3A_259, %ne3A_258 : i1
      %or3A_261 = arith.constant false
      %or3A_262 = arith.ori %or3A_260, %or3A_261 : i1
      %not3A_263 = arith.constant true
      %not3A_264 = arith.xori %eq3A_155, %not3A_263 : i1
      %and3A_265 = arith.andi %or3A_262, %not3A_264 : i1
      %convert_element_type3A_266 = arith.extui %and3A_265 : i1 to i32
      %cond3A_267 = arith.constant 0 : i32
      %cond3A_268 = arith.cmpi ne, %convert_element_type3A_266, %cond3A_267 : i32
      scf.if %cond3A_268 {
      } else {
      }
      %and3A_269 = arith.constant false
      %and3A_270 = arith.andi %and3A_265, %and3A_269 : i1
      %ne3A_271 = arith.cmpi ne, %add3A_159, %add3A_169 : i32
      %or3A_272 = arith.constant false
      %or3A_273 = arith.ori %or3A_272, %ne3A_271 : i1
      %not3A_274 = arith.constant true
      %not3A_275 = arith.xori %eq3A_155, %not3A_274 : i1
      %and3A_276 = arith.andi %or3A_273, %not3A_275 : i1
      %convert_element_type3A_277 = arith.extui %and3A_276 : i1 to i32
      %cond3A_278 = arith.constant 0 : i32
      %cond3A_279 = arith.cmpi ne, %convert_element_type3A_277, %cond3A_278 : i32
      scf.if %cond3A_279 {
      } else {
      }
      %and3A_280 = arith.constant false
      %and3A_281 = arith.andi %and3A_276, %and3A_280 : i1
      %ne3A_282 = arith.cmpi ne, %add3A_159, %add3A_179 : i32
      %or3A_283 = arith.constant false
      %or3A_284 = arith.ori %or3A_283, %ne3A_282 : i1
      %or3A_285 = arith.constant false
      %or3A_286 = arith.ori %or3A_284, %or3A_285 : i1
      %or3A_287 = arith.ori %or3A_286, %eq3A_157 : i1
      %add3A_288 = arith.constant 1 : i32
      %add3A_289 = arith.addi %scan3A, %add3A_288 : i32
      %select_n3A_290 = arith.select %or3A_287, %add3A_289, %scan3A : i32
      %ne3A_291 = arith.cmpi ne, %add3A_159, %add3A_179 : i32
      %or3A_292 = arith.constant false
      %or3A_293 = arith.ori %or3A_292, %ne3A_291 : i1
      %or3A_294 = arith.ori %or3A_293, %eq3A_157 : i1
      %add3A_295 = arith.constant 1 : i32
      %add3A_296 = arith.addi %scan3A_151, %add3A_295 : i32
      %select_n3A_297 = arith.select %or3A_294, %add3A_296, %scan3A_151 : i32
      %select_n3A_298 = arith.constant true
      %select_n3A_299 = arith.constant 0 : i32
      %select_n3A_300 = arith.constant 1 : i32
      %select_n3A_301 = arith.select %select_n3A_298, %select_n3A_300, %select_n3A_299 : i32
      %eq3A_302 = arith.constant 1 : i32
      %eq3A_303 = arith.cmpi eq, %select_n3A_301, %eq3A_302 : i32
      %select_n3A_304 = arith.constant 0 : i32
      %select_n3A_305 = arith.select %eq3A_303, %select_n3A_304, %select_n3A_301 : i32
      %scan3A_306 = arith.constant 0 : i32
      %scan3A_307 = arith.constant 1 : i32
      %sub3A = arith.constant 1 : i32
      %sub3A_308 = arith.subi %scan3A_306, %sub3A : i32
      %select_n3A_309 = arith.constant true
      %select_n3A_310 = arith.select %select_n3A_309, %sub3A_308, %scan3A_306 : i32
      %eq3A_311 = arith.constant -1 : i32
      %eq3A_312 = arith.cmpi eq, %select_n3A_310, %eq3A_311 : i32
      %select_n3A_313 = arith.constant 0 : i32
      %select_n3A_314 = arith.select %eq3A_312, %select_n3A_313, %select_n3A_310 : i32
      %add3A_315 = arith.constant 0 : i32
      %add3A_316 = arith.addi %add3A_315, %mul3A_69 : i32
      %select_n3A_317 = arith.constant true
      %select_n3A_318 = arith.constant 0 : i32
      %select_n3A_319 = arith.constant -1 : i32
      %select_n3A_320 = arith.select %select_n3A_317, %select_n3A_319, %select_n3A_318 : i32
      %eq3A_321 = arith.constant -1 : i32
      %eq3A_322 = arith.cmpi eq, %select_n3A_320, %eq3A_321 : i32
      %select_n3A_323 = arith.constant 0 : i32
      %select_n3A_324 = arith.select %eq3A_322, %select_n3A_323, %select_n3A_320 : i32
      %add3A_325 = arith.constant 0 : i32
      %add3A_326 = arith.addi %add3A_325, %mul3A_69 : i32
      %select_n3A_327 = arith.constant true
      %select_n3A_328 = arith.constant 0 : i32
      %select_n3A_329 = arith.constant 1 : i32
      %select_n3A_330 = arith.select %select_n3A_327, %select_n3A_329, %select_n3A_328 : i32
      %eq3A_331 = arith.constant 1 : i32
      %eq3A_332 = arith.cmpi eq, %select_n3A_330, %eq3A_331 : i32
      %select_n3A_333 = arith.constant 0 : i32
      %select_n3A_334 = arith.select %eq3A_332, %select_n3A_333, %select_n3A_330 : i32
      %add3A_335 = arith.constant 0 : i32
      %add3A_336 = arith.addi %add3A_335, %mul3A_69 : i32
      %select_n3A_337 = arith.constant true
      %select_n3A_338 = arith.constant 0 : i32
      %select_n3A_339 = arith.constant 1 : i32
      %select_n3A_340 = arith.select %select_n3A_337, %select_n3A_339, %select_n3A_338 : i32
      %eq3A_341 = arith.constant 1 : i32
      %eq3A_342 = arith.cmpi eq, %select_n3A_340, %eq3A_341 : i32
      %select_n3A_343 = arith.constant 0 : i32
      %select_n3A_344 = arith.select %eq3A_342, %select_n3A_343, %select_n3A_340 : i32
      %add3A_345 = arith.constant 0 : i32
      %add3A_346 = arith.addi %add3A_345, %mul3A_69 : i32
      tpu.yield
    }) : () -> ()
    return
  }
}

module attributes {stable_mosaic.version = 14 : i64} {
  func.func @_router_body(%arg0: i32, %arg1: memref<512x1024xf32, #tpu.memory_space<vmem>>, %arg2: memref<1024x512xf32, #tpu.memory_space<vmem>>, %arg3: memref<1x512xf32, #tpu.memory_space<vmem>>, %arg4: memref<512x8xf32, #tpu.memory_space<vmem>>, %arg5: memref<1x8xf32, #tpu.memory_space<vmem>>, %arg6: memref<1x1x512xi32, #tpu.memory_space<vmem>>) attributes {dimension_semantics = [#tpu.dimension_semantics<arbitrary>], iteration_bounds = array<i64: 8>, scalar_prefetch = 0 : i64, scratch_operands = 0 : i64, tpu.core_type = #tpu.core_type<tc>, window_params = [{transform_indices = @transform_0, window_bounds = array<i64: 512, 1024>}, {pipeline_mode = #tpu.pipeline_mode<synchronous>, transform_indices = @transform_1, window_bounds = array<i64: 1024, 512>}, {pipeline_mode = #tpu.pipeline_mode<synchronous>, transform_indices = @transform_2, window_bounds = array<i64: 1, 512>}, {pipeline_mode = #tpu.pipeline_mode<synchronous>, transform_indices = @transform_3, window_bounds = array<i64: 512, 8>}, {pipeline_mode = #tpu.pipeline_mode<synchronous>, transform_indices = @transform_4, window_bounds = array<i64: 1, 8>}, {transform_indices = @transform_5, window_bounds = array<i64: 1, 1, 512>}]} {
    %get3A = arith.constant 0 : index
    %get3A_0 = arith.constant 0 : index
    %get3A_1 = vector.load %arg1[%get3A, %get3A_0] : memref<512x1024xf32, #tpu.memory_space<vmem>>, vector<512x1024xf32>
    %get3A_2 = arith.constant 0 : index
    %get3A_3 = arith.constant 0 : index
    %get3A_4 = vector.load %arg2[%get3A_2, %get3A_3] : memref<1024x512xf32, #tpu.memory_space<vmem>>, vector<1024x512xf32>
    %dot_general3A = arith.constant dense<0.000000e+00> : vector<512x512xf32>
    %dot_general3A_5 = tpu.matmul %get3A_1, %get3A_4, %dot_general3A {dimension_numbers = #tpu.dot_dimension_numbers<[1], [0], [0], [1], [0, 0, 1, 1], [], []>, transpose_lhs_hint = false} : vector<512x1024xf32>, vector<1024x512xf32>, vector<512x512xf32> -> vector<512x512xf32>
    %get3A_6 = arith.constant 0 : index
    %get3A_7 = arith.constant 0 : index
    %get3A_8 = vector.load %arg3[%get3A_6, %get3A_7] : memref<1x512xf32, #tpu.memory_space<vmem>>, vector<1x512xf32>
    %add3A = vector.broadcast %get3A_8 : vector<1x512xf32> to vector<512x512xf32>
    %add3A_9 = arith.addf %dot_general3A_5, %add3A : vector<512x512xf32>
    %max3A = arith.constant 0.000000e+00 : f32
    %max3A_10 = vector.broadcast %max3A : f32 to vector<512x512xf32>
    %max3A_11 = arith.maximumf %add3A_9, %max3A_10 : vector<512x512xf32>
    %get3A_12 = arith.constant 0 : index
    %get3A_13 = arith.constant 0 : index
    %get3A_14 = vector.load %arg4[%get3A_12, %get3A_13] : memref<512x8xf32, #tpu.memory_space<vmem>>, vector<512x8xf32>
    %dot_general3A_15 = arith.constant dense<0.000000e+00> : vector<512x8xf32>
    %dot_general3A_16 = tpu.matmul %max3A_11, %get3A_14, %dot_general3A_15 {dimension_numbers = #tpu.dot_dimension_numbers<[1], [0], [0], [1], [0, 0, 1, 1], [], []>, transpose_lhs_hint = false} : vector<512x512xf32>, vector<512x8xf32>, vector<512x8xf32> -> vector<512x8xf32>
    %get3A_17 = arith.constant 0 : index
    %get3A_18 = arith.constant 0 : index
    %get3A_19 = vector.load %arg5[%get3A_17, %get3A_18] : memref<1x8xf32, #tpu.memory_space<vmem>>, vector<1x8xf32>
    %add3A_20 = vector.broadcast %get3A_19 : vector<1x8xf32> to vector<512x8xf32>
    %add3A_21 = arith.addf %dot_general3A_16, %add3A_20 : vector<512x8xf32>
    %argmax3A = tpu.reduce_index %add3A_21 {axis = 1 : i32, kind = #tpu.reduction_kind<arg_max>} : vector<512x8xf32> -> vector<512xi32>
    %swap3A = arith.constant 0 : index
    %swap3A_22 = arith.constant 0 : index
    %swap3A_23 = arith.constant 0 : index
    %swap3A_24 = vector.load %arg6[%swap3A, %swap3A_22, %swap3A_23] : memref<1x1x512xi32, #tpu.memory_space<vmem>>, vector<1x1x512xi32>
    %swap3A_25 = vector.shape_cast %swap3A_24 : vector<1x1x512xi32> to vector<512xi32>
    %swap3A_26 = vector.shape_cast %argmax3A : vector<512xi32> to vector<1x1x512xi32>
    tpu.vector_store %arg6[%swap3A, %swap3A_22, %swap3A_23], %swap3A_26 {strides = array<i32>} : memref<1x1x512xi32, #tpu.memory_space<vmem>>, vector<1x1x512xi32>,
    return
  }
  func.func @transform_0(%arg0: i32) -> (i32, i32) {
    %c0_i32 = arith.constant 0 : i32
    %c0_i32_0 = arith.constant 0 : i32
    return %arg0, %c0_i32 : i32, i32
  }
  func.func @transform_1(%arg0: i32) -> (i32, i32) {
    %c0_i32 = arith.constant 0 : i32
    %c0_i32_0 = arith.constant 0 : i32
    %c0_i32_1 = arith.constant 0 : i32
    return %c0_i32, %c0_i32_0 : i32, i32
  }
  func.func @transform_2(%arg0: i32) -> (i32, i32) {
    %c0_i32 = arith.constant 0 : i32
    %c0_i32_0 = arith.constant 0 : i32
    %c0_i32_1 = arith.constant 0 : i32
    return %c0_i32, %c0_i32_0 : i32, i32
  }
  func.func @transform_3(%arg0: i32) -> (i32, i32) {
    %c0_i32 = arith.constant 0 : i32
    %c0_i32_0 = arith.constant 0 : i32
    %c0_i32_1 = arith.constant 0 : i32
    return %c0_i32, %c0_i32_0 : i32, i32
  }
  func.func @transform_4(%arg0: i32) -> (i32, i32) {
    %c0_i32 = arith.constant 0 : i32
    %c0_i32_0 = arith.constant 0 : i32
    %c0_i32_1 = arith.constant 0 : i32
    return %c0_i32, %c0_i32_0 : i32, i32
  }
  func.func @transform_5(%arg0: i32) -> (i32, i32, i32) {
    %c0_i32 = arith.constant 0 : i32
    %c0_i32_0 = arith.constant 0 : i32
    %c0_i32_1 = arith.constant 0 : i32
    return %arg0, %c0_i32, %c0_i32_0 : i32, i32, i32
  }
}

module attributes {stable_mosaic.version = 14 : i64} {
  func.func @_meta_body(%arg0: i32, %arg1: memref<32x128xi32, #tpu.memory_space<vmem>>, %arg2: memref<32x128xi32, #tpu.memory_space<vmem>>, %arg3: memref<64x128xi32, #tpu.memory_space<vmem>>, %arg4: memref<1x24xi32, #tpu.memory_space<vmem>>) attributes {dimension_semantics = [#tpu.dimension_semantics<arbitrary>], iteration_bounds = array<i64: 1>, scalar_prefetch = 0 : i64, scratch_operands = 0 : i64, tpu.core_type = #tpu.core_type<tc>, window_params = [{pipeline_mode = #tpu.pipeline_mode<synchronous>, transform_indices = @transform_0, window_bounds = array<i64: 32, 128>}, {pipeline_mode = #tpu.pipeline_mode<synchronous>, transform_indices = @transform_1, window_bounds = array<i64: 32, 128>}, {pipeline_mode = #tpu.pipeline_mode<synchronous>, transform_indices = @transform_2, window_bounds = array<i64: 64, 128>}, {pipeline_mode = #tpu.pipeline_mode<synchronous>, transform_indices = @transform_3, window_bounds = array<i64: 1, 24>}]} {
    %get3A = arith.constant 0 : index
    %get3A_0 = arith.constant 0 : index
    %get3A_1 = vector.load %arg1[%get3A, %get3A_0] : memref<32x128xi32, #tpu.memory_space<vmem>>, vector<32x128xi32>
    %get3A_2 = arith.constant 0 : index
    %get3A_3 = arith.constant 0 : index
    %get3A_4 = vector.load %arg2[%get3A_2, %get3A_3] : memref<32x128xi32, #tpu.memory_space<vmem>>, vector<32x128xi32>
    %concatenate3A = tpu.concatenate %get3A_1, %get3A_4 in 0 : vector<32x128xi32>, vector<32x128xi32> -> vector<64x128xi32>
    %eq3A = arith.constant 0 : i32
    %eq3A_5 = vector.broadcast %eq3A : i32 to vector<64x128xi32>
    %eq3A_6 = arith.cmpi eq, %concatenate3A, %eq3A_5 : vector<64x128xi32>
    %eq3A_7 = arith.constant 1 : i32
    %eq3A_8 = vector.broadcast %eq3A_7 : i32 to vector<64x128xi32>
    %eq3A_9 = arith.cmpi eq, %concatenate3A, %eq3A_8 : vector<64x128xi32>
    %eq3A_10 = arith.constant 2 : i32
    %eq3A_11 = vector.broadcast %eq3A_10 : i32 to vector<64x128xi32>
    %eq3A_12 = arith.cmpi eq, %concatenate3A, %eq3A_11 : vector<64x128xi32>
    %eq3A_13 = arith.constant 3 : i32
    %eq3A_14 = vector.broadcast %eq3A_13 : i32 to vector<64x128xi32>
    %eq3A_15 = arith.cmpi eq, %concatenate3A, %eq3A_14 : vector<64x128xi32>
    %eq3A_16 = arith.constant 4 : i32
    %eq3A_17 = vector.broadcast %eq3A_16 : i32 to vector<64x128xi32>
    %eq3A_18 = arith.cmpi eq, %concatenate3A, %eq3A_17 : vector<64x128xi32>
    %eq3A_19 = arith.constant 5 : i32
    %eq3A_20 = vector.broadcast %eq3A_19 : i32 to vector<64x128xi32>
    %eq3A_21 = arith.cmpi eq, %concatenate3A, %eq3A_20 : vector<64x128xi32>
    %eq3A_22 = arith.constant 6 : i32
    %eq3A_23 = vector.broadcast %eq3A_22 : i32 to vector<64x128xi32>
    %eq3A_24 = arith.cmpi eq, %concatenate3A, %eq3A_23 : vector<64x128xi32>
    %eq3A_25 = arith.constant 7 : i32
    %eq3A_26 = vector.broadcast %eq3A_25 : i32 to vector<64x128xi32>
    %eq3A_27 = arith.cmpi eq, %concatenate3A, %eq3A_26 : vector<64x128xi32>
    %convert_element_type3A = arith.extui %eq3A_6 : vector<64x128xi1> to vector<64x128xi32>
    %reduce_sum3A = vector.shape_cast %convert_element_type3A : vector<64x128xi32> to vector<1x64x128xi32>
    %reduce_sum3A_28 = arith.constant dense<0> : vector<1xi32>
    %reduce_sum3A_29 = vector.multi_reduction <add>, %reduce_sum3A, %reduce_sum3A_28 [1, 2] : vector<1x64x128xi32> to vector<1xi32>
    %reduce_sum3A_30 = vector.shape_cast %reduce_sum3A_29 : vector<1xi32> to vector<1x1x1xi32>
    %reduce_sum3A_31 = vector.extract %reduce_sum3A_30[0, 0, 0] : i32 from vector<1x1x1xi32>
    %convert_element_type3A_32 = arith.extui %eq3A_9 : vector<64x128xi1> to vector<64x128xi32>
    %reduce_sum3A_33 = vector.shape_cast %convert_element_type3A_32 : vector<64x128xi32> to vector<1x64x128xi32>
    %reduce_sum3A_34 = arith.constant dense<0> : vector<1xi32>
    %reduce_sum3A_35 = vector.multi_reduction <add>, %reduce_sum3A_33, %reduce_sum3A_34 [1, 2] : vector<1x64x128xi32> to vector<1xi32>
    %reduce_sum3A_36 = vector.shape_cast %reduce_sum3A_35 : vector<1xi32> to vector<1x1x1xi32>
    %reduce_sum3A_37 = vector.extract %reduce_sum3A_36[0, 0, 0] : i32 from vector<1x1x1xi32>
    %convert_element_type3A_38 = arith.extui %eq3A_12 : vector<64x128xi1> to vector<64x128xi32>
    %reduce_sum3A_39 = vector.shape_cast %convert_element_type3A_38 : vector<64x128xi32> to vector<1x64x128xi32>
    %reduce_sum3A_40 = arith.constant dense<0> : vector<1xi32>
    %reduce_sum3A_41 = vector.multi_reduction <add>, %reduce_sum3A_39, %reduce_sum3A_40 [1, 2] : vector<1x64x128xi32> to vector<1xi32>
    %reduce_sum3A_42 = vector.shape_cast %reduce_sum3A_41 : vector<1xi32> to vector<1x1x1xi32>
    %reduce_sum3A_43 = vector.extract %reduce_sum3A_42[0, 0, 0] : i32 from vector<1x1x1xi32>
    %convert_element_type3A_44 = arith.extui %eq3A_15 : vector<64x128xi1> to vector<64x128xi32>
    %reduce_sum3A_45 = vector.shape_cast %convert_element_type3A_44 : vector<64x128xi32> to vector<1x64x128xi32>
    %reduce_sum3A_46 = arith.constant dense<0> : vector<1xi32>
    %reduce_sum3A_47 = vector.multi_reduction <add>, %reduce_sum3A_45, %reduce_sum3A_46 [1, 2] : vector<1x64x128xi32> to vector<1xi32>
    %reduce_sum3A_48 = vector.shape_cast %reduce_sum3A_47 : vector<1xi32> to vector<1x1x1xi32>
    %reduce_sum3A_49 = vector.extract %reduce_sum3A_48[0, 0, 0] : i32 from vector<1x1x1xi32>
    %convert_element_type3A_50 = arith.extui %eq3A_18 : vector<64x128xi1> to vector<64x128xi32>
    %reduce_sum3A_51 = vector.shape_cast %convert_element_type3A_50 : vector<64x128xi32> to vector<1x64x128xi32>
    %reduce_sum3A_52 = arith.constant dense<0> : vector<1xi32>
    %reduce_sum3A_53 = vector.multi_reduction <add>, %reduce_sum3A_51, %reduce_sum3A_52 [1, 2] : vector<1x64x128xi32> to vector<1xi32>
    %reduce_sum3A_54 = vector.shape_cast %reduce_sum3A_53 : vector<1xi32> to vector<1x1x1xi32>
    %reduce_sum3A_55 = vector.extract %reduce_sum3A_54[0, 0, 0] : i32 from vector<1x1x1xi32>
    %convert_element_type3A_56 = arith.extui %eq3A_21 : vector<64x128xi1> to vector<64x128xi32>
    %reduce_sum3A_57 = vector.shape_cast %convert_element_type3A_56 : vector<64x128xi32> to vector<1x64x128xi32>
    %reduce_sum3A_58 = arith.constant dense<0> : vector<1xi32>
    %reduce_sum3A_59 = vector.multi_reduction <add>, %reduce_sum3A_57, %reduce_sum3A_58 [1, 2] : vector<1x64x128xi32> to vector<1xi32>
    %reduce_sum3A_60 = vector.shape_cast %reduce_sum3A_59 : vector<1xi32> to vector<1x1x1xi32>
    %reduce_sum3A_61 = vector.extract %reduce_sum3A_60[0, 0, 0] : i32 from vector<1x1x1xi32>
    %convert_element_type3A_62 = arith.extui %eq3A_24 : vector<64x128xi1> to vector<64x128xi32>
    %reduce_sum3A_63 = vector.shape_cast %convert_element_type3A_62 : vector<64x128xi32> to vector<1x64x128xi32>
    %reduce_sum3A_64 = arith.constant dense<0> : vector<1xi32>
    %reduce_sum3A_65 = vector.multi_reduction <add>, %reduce_sum3A_63, %reduce_sum3A_64 [1, 2] : vector<1x64x128xi32> to vector<1xi32>
    %reduce_sum3A_66 = vector.shape_cast %reduce_sum3A_65 : vector<1xi32> to vector<1x1x1xi32>
    %reduce_sum3A_67 = vector.extract %reduce_sum3A_66[0, 0, 0] : i32 from vector<1x1x1xi32>
    %add3A = arith.constant 511 : i32
    %add3A_68 = arith.addi %reduce_sum3A_31, %add3A : i32
    %jit3A = arith.constant 512 : i32
    %div3A = arith.divsi %add3A_68, %jit3A : i32
    %sign3A = arith.constant 0 : i32
    %sign3A_69 = arith.cmpi sgt, %add3A_68, %sign3A : i32
    %sign3A_70 = arith.extui %sign3A_69 : i1 to i32
    %sign3A_71 = arith.constant 0 : i32
    %sign3A_72 = arith.cmpi slt, %add3A_68, %sign3A_71 : i32
    %sign3A_73 = arith.extui %sign3A_72 : i1 to i32
    %sign3A_74 = arith.subi %sign3A_70, %sign3A_73 : i32
    %sign3A_75 = arith.constant 0 : i32
    %sign3A_76 = arith.cmpi sgt, %jit3A, %sign3A_75 : i32
    %sign3A_77 = arith.extui %sign3A_76 : i1 to i32
    %sign3A_78 = arith.constant 0 : i32
    %sign3A_79 = arith.cmpi slt, %jit3A, %sign3A_78 : i32
    %sign3A_80 = arith.extui %sign3A_79 : i1 to i32
    %sign3A_81 = arith.subi %sign3A_77, %sign3A_80 : i32
    %ne3A = arith.cmpi ne, %sign3A_74, %sign3A_81 : i32
    %rem3A = arith.remsi %add3A_68, %jit3A : i32
    %ne3A_82 = arith.constant 0 : i32
    %ne3A_83 = arith.cmpi ne, %rem3A, %ne3A_82 : i32
    %and3A = arith.andi %ne3A, %ne3A_83 : i1
    %sub3A = arith.constant 1 : i32
    %sub3A_84 = arith.subi %div3A, %sub3A : i32
    %select_n3A = arith.select %and3A, %sub3A_84, %div3A : i32
    %mul3A = arith.constant 512 : i32
    %mul3A_85 = arith.muli %select_n3A, %mul3A : i32
    %add3A_86 = arith.constant 0 : i32
    %add3A_87 = arith.addi %add3A_86, %mul3A_85 : i32
    %add3A_88 = arith.constant 511 : i32
    %add3A_89 = arith.addi %reduce_sum3A_37, %add3A_88 : i32
    %jit3A_90 = arith.constant 512 : i32
    %div3A_91 = arith.divsi %add3A_89, %jit3A_90 : i32
    %sign3A_92 = arith.constant 0 : i32
    %sign3A_93 = arith.cmpi sgt, %add3A_89, %sign3A_92 : i32
    %sign3A_94 = arith.extui %sign3A_93 : i1 to i32
    %sign3A_95 = arith.constant 0 : i32
    %sign3A_96 = arith.cmpi slt, %add3A_89, %sign3A_95 : i32
    %sign3A_97 = arith.extui %sign3A_96 : i1 to i32
    %sign3A_98 = arith.subi %sign3A_94, %sign3A_97 : i32
    %sign3A_99 = arith.constant 0 : i32
    %sign3A_100 = arith.cmpi sgt, %jit3A_90, %sign3A_99 : i32
    %sign3A_101 = arith.extui %sign3A_100 : i1 to i32
    %sign3A_102 = arith.constant 0 : i32
    %sign3A_103 = arith.cmpi slt, %jit3A_90, %sign3A_102 : i32
    %sign3A_104 = arith.extui %sign3A_103 : i1 to i32
    %sign3A_105 = arith.subi %sign3A_101, %sign3A_104 : i32
    %ne3A_106 = arith.cmpi ne, %sign3A_98, %sign3A_105 : i32
    %rem3A_107 = arith.remsi %add3A_89, %jit3A_90 : i32
    %ne3A_108 = arith.constant 0 : i32
    %ne3A_109 = arith.cmpi ne, %rem3A_107, %ne3A_108 : i32
    %and3A_110 = arith.andi %ne3A_106, %ne3A_109 : i1
    %sub3A_111 = arith.constant 1 : i32
    %sub3A_112 = arith.subi %div3A_91, %sub3A_111 : i32
    %select_n3A_113 = arith.select %and3A_110, %sub3A_112, %div3A_91 : i32
    %mul3A_114 = arith.constant 512 : i32
    %mul3A_115 = arith.muli %select_n3A_113, %mul3A_114 : i32
    %add3A_116 = arith.addi %add3A_87, %mul3A_115 : i32
    %add3A_117 = arith.constant 511 : i32
    %add3A_118 = arith.addi %reduce_sum3A_43, %add3A_117 : i32
    %jit3A_119 = arith.constant 512 : i32
    %div3A_120 = arith.divsi %add3A_118, %jit3A_119 : i32
    %sign3A_121 = arith.constant 0 : i32
    %sign3A_122 = arith.cmpi sgt, %add3A_118, %sign3A_121 : i32
    %sign3A_123 = arith.extui %sign3A_122 : i1 to i32
    %sign3A_124 = arith.constant 0 : i32
    %sign3A_125 = arith.cmpi slt, %add3A_118, %sign3A_124 : i32
    %sign3A_126 = arith.extui %sign3A_125 : i1 to i32
    %sign3A_127 = arith.subi %sign3A_123, %sign3A_126 : i32
    %sign3A_128 = arith.constant 0 : i32
    %sign3A_129 = arith.cmpi sgt, %jit3A_119, %sign3A_128 : i32
    %sign3A_130 = arith.extui %sign3A_129 : i1 to i32
    %sign3A_131 = arith.constant 0 : i32
    %sign3A_132 = arith.cmpi slt, %jit3A_119, %sign3A_131 : i32
    %sign3A_133 = arith.extui %sign3A_132 : i1 to i32
    %sign3A_134 = arith.subi %sign3A_130, %sign3A_133 : i32
    %ne3A_135 = arith.cmpi ne, %sign3A_127, %sign3A_134 : i32
    %rem3A_136 = arith.remsi %add3A_118, %jit3A_119 : i32
    %ne3A_137 = arith.constant 0 : i32
    %ne3A_138 = arith.cmpi ne, %rem3A_136, %ne3A_137 : i32
    %and3A_139 = arith.andi %ne3A_135, %ne3A_138 : i1
    %sub3A_140 = arith.constant 1 : i32
    %sub3A_141 = arith.subi %div3A_120, %sub3A_140 : i32
    %select_n3A_142 = arith.select %and3A_139, %sub3A_141, %div3A_120 : i32
    %mul3A_143 = arith.constant 512 : i32
    %mul3A_144 = arith.muli %select_n3A_142, %mul3A_143 : i32
    %add3A_145 = arith.addi %add3A_116, %mul3A_144 : i32
    %add3A_146 = arith.constant 511 : i32
    %add3A_147 = arith.addi %reduce_sum3A_49, %add3A_146 : i32
    %jit3A_148 = arith.constant 512 : i32
    %div3A_149 = arith.divsi %add3A_147, %jit3A_148 : i32
    %sign3A_150 = arith.constant 0 : i32
    %sign3A_151 = arith.cmpi sgt, %add3A_147, %sign3A_150 : i32
    %sign3A_152 = arith.extui %sign3A_151 : i1 to i32
    %sign3A_153 = arith.constant 0 : i32
    %sign3A_154 = arith.cmpi slt, %add3A_147, %sign3A_153 : i32
    %sign3A_155 = arith.extui %sign3A_154 : i1 to i32
    %sign3A_156 = arith.subi %sign3A_152, %sign3A_155 : i32
    %sign3A_157 = arith.constant 0 : i32
    %sign3A_158 = arith.cmpi sgt, %jit3A_148, %sign3A_157 : i32
    %sign3A_159 = arith.extui %sign3A_158 : i1 to i32
    %sign3A_160 = arith.constant 0 : i32
    %sign3A_161 = arith.cmpi slt, %jit3A_148, %sign3A_160 : i32
    %sign3A_162 = arith.extui %sign3A_161 : i1 to i32
    %sign3A_163 = arith.subi %sign3A_159, %sign3A_162 : i32
    %ne3A_164 = arith.cmpi ne, %sign3A_156, %sign3A_163 : i32
    %rem3A_165 = arith.remsi %add3A_147, %jit3A_148 : i32
    %ne3A_166 = arith.constant 0 : i32
    %ne3A_167 = arith.cmpi ne, %rem3A_165, %ne3A_166 : i32
    %and3A_168 = arith.andi %ne3A_164, %ne3A_167 : i1
    %sub3A_169 = arith.constant 1 : i32
    %sub3A_170 = arith.subi %div3A_149, %sub3A_169 : i32
    %select_n3A_171 = arith.select %and3A_168, %sub3A_170, %div3A_149 : i32
    %mul3A_172 = arith.constant 512 : i32
    %mul3A_173 = arith.muli %select_n3A_171, %mul3A_172 : i32
    %add3A_174 = arith.addi %add3A_145, %mul3A_173 : i32
    %add3A_175 = arith.constant 511 : i32
    %add3A_176 = arith.addi %reduce_sum3A_55, %add3A_175 : i32
    %jit3A_177 = arith.constant 512 : i32
    %div3A_178 = arith.divsi %add3A_176, %jit3A_177 : i32
    %sign3A_179 = arith.constant 0 : i32
    %sign3A_180 = arith.cmpi sgt, %add3A_176, %sign3A_179 : i32
    %sign3A_181 = arith.extui %sign3A_180 : i1 to i32
    %sign3A_182 = arith.constant 0 : i32
    %sign3A_183 = arith.cmpi slt, %add3A_176, %sign3A_182 : i32
    %sign3A_184 = arith.extui %sign3A_183 : i1 to i32
    %sign3A_185 = arith.subi %sign3A_181, %sign3A_184 : i32
    %sign3A_186 = arith.constant 0 : i32
    %sign3A_187 = arith.cmpi sgt, %jit3A_177, %sign3A_186 : i32
    %sign3A_188 = arith.extui %sign3A_187 : i1 to i32
    %sign3A_189 = arith.constant 0 : i32
    %sign3A_190 = arith.cmpi slt, %jit3A_177, %sign3A_189 : i32
    %sign3A_191 = arith.extui %sign3A_190 : i1 to i32
    %sign3A_192 = arith.subi %sign3A_188, %sign3A_191 : i32
    %ne3A_193 = arith.cmpi ne, %sign3A_185, %sign3A_192 : i32
    %rem3A_194 = arith.remsi %add3A_176, %jit3A_177 : i32
    %ne3A_195 = arith.constant 0 : i32
    %ne3A_196 = arith.cmpi ne, %rem3A_194, %ne3A_195 : i32
    %and3A_197 = arith.andi %ne3A_193, %ne3A_196 : i1
    %sub3A_198 = arith.constant 1 : i32
    %sub3A_199 = arith.subi %div3A_178, %sub3A_198 : i32
    %select_n3A_200 = arith.select %and3A_197, %sub3A_199, %div3A_178 : i32
    %mul3A_201 = arith.constant 512 : i32
    %mul3A_202 = arith.muli %select_n3A_200, %mul3A_201 : i32
    %add3A_203 = arith.addi %add3A_174, %mul3A_202 : i32
    %add3A_204 = arith.constant 511 : i32
    %add3A_205 = arith.addi %reduce_sum3A_61, %add3A_204 : i32
    %jit3A_206 = arith.constant 512 : i32
    %div3A_207 = arith.divsi %add3A_205, %jit3A_206 : i32
    %sign3A_208 = arith.constant 0 : i32
    %sign3A_209 = arith.cmpi sgt, %add3A_205, %sign3A_208 : i32
    %sign3A_210 = arith.extui %sign3A_209 : i1 to i32
    %sign3A_211 = arith.constant 0 : i32
    %sign3A_212 = arith.cmpi slt, %add3A_205, %sign3A_211 : i32
    %sign3A_213 = arith.extui %sign3A_212 : i1 to i32
    %sign3A_214 = arith.subi %sign3A_210, %sign3A_213 : i32
    %sign3A_215 = arith.constant 0 : i32
    %sign3A_216 = arith.cmpi sgt, %jit3A_206, %sign3A_215 : i32
    %sign3A_217 = arith.extui %sign3A_216 : i1 to i32
    %sign3A_218 = arith.constant 0 : i32
    %sign3A_219 = arith.cmpi slt, %jit3A_206, %sign3A_218 : i32
    %sign3A_220 = arith.extui %sign3A_219 : i1 to i32
    %sign3A_221 = arith.subi %sign3A_217, %sign3A_220 : i32
    %ne3A_222 = arith.cmpi ne, %sign3A_214, %sign3A_221 : i32
    %rem3A_223 = arith.remsi %add3A_205, %jit3A_206 : i32
    %ne3A_224 = arith.constant 0 : i32
    %ne3A_225 = arith.cmpi ne, %rem3A_223, %ne3A_224 : i32
    %and3A_226 = arith.andi %ne3A_222, %ne3A_225 : i1
    %sub3A_227 = arith.constant 1 : i32
    %sub3A_228 = arith.subi %div3A_207, %sub3A_227 : i32
    %select_n3A_229 = arith.select %and3A_226, %sub3A_228, %div3A_207 : i32
    %mul3A_230 = arith.constant 512 : i32
    %mul3A_231 = arith.muli %select_n3A_229, %mul3A_230 : i32
    %add3A_232 = arith.addi %add3A_203, %mul3A_231 : i32
    %add3A_233 = arith.constant 511 : i32
    %add3A_234 = arith.addi %reduce_sum3A_67, %add3A_233 : i32
    %jit3A_235 = arith.constant 512 : i32
    %div3A_236 = arith.divsi %add3A_234, %jit3A_235 : i32
    %sign3A_237 = arith.constant 0 : i32
    %sign3A_238 = arith.cmpi sgt, %add3A_234, %sign3A_237 : i32
    %sign3A_239 = arith.extui %sign3A_238 : i1 to i32
    %sign3A_240 = arith.constant 0 : i32
    %sign3A_241 = arith.cmpi slt, %add3A_234, %sign3A_240 : i32
    %sign3A_242 = arith.extui %sign3A_241 : i1 to i32
    %sign3A_243 = arith.subi %sign3A_239, %sign3A_242 : i32
    %sign3A_244 = arith.constant 0 : i32
    %sign3A_245 = arith.cmpi sgt, %jit3A_235, %sign3A_244 : i32
    %sign3A_246 = arith.extui %sign3A_245 : i1 to i32
    %sign3A_247 = arith.constant 0 : i32
    %sign3A_248 = arith.cmpi slt, %jit3A_235, %sign3A_247 : i32
    %sign3A_249 = arith.extui %sign3A_248 : i1 to i32
    %sign3A_250 = arith.subi %sign3A_246, %sign3A_249 : i32
    %ne3A_251 = arith.cmpi ne, %sign3A_243, %sign3A_250 : i32
    %rem3A_252 = arith.remsi %add3A_234, %jit3A_235 : i32
    %ne3A_253 = arith.constant 0 : i32
    %ne3A_254 = arith.cmpi ne, %rem3A_252, %ne3A_253 : i32
    %and3A_255 = arith.andi %ne3A_251, %ne3A_254 : i1
    %sub3A_256 = arith.constant 1 : i32
    %sub3A_257 = arith.subi %div3A_236, %sub3A_256 : i32
    %select_n3A_258 = arith.select %and3A_255, %sub3A_257, %div3A_236 : i32
    %mul3A_259 = arith.constant 512 : i32
    %mul3A_260 = arith.muli %select_n3A_258, %mul3A_259 : i32
    %add3A_261 = arith.addi %add3A_232, %mul3A_260 : i32
    %iota3A = tpu.iota {dimensions = array<i32: 0>} : vector<128x128xi32>
    %iota3A_262 = tpu.iota {dimensions = array<i32: 1>} : vector<128x128xi32>
    %lt3A = arith.cmpi slt, %iota3A, %iota3A_262 : vector<128x128xi32>
    %convert_element_type3A_263 = arith.extui %lt3A : vector<128x128xi1> to vector<128x128xi32>
    %convert_element_type3A_264 = arith.sitofp %convert_element_type3A_263 : vector<128x128xi32> to vector<128x128xf32>
    %iota3A_265 = tpu.iota {dimensions = array<i32: 0>} : vector<64x64xi32>
    %iota3A_266 = tpu.iota {dimensions = array<i32: 1>} : vector<64x64xi32>
    %lt3A_267 = arith.cmpi slt, %iota3A_266, %iota3A_265 : vector<64x64xi32>
    %convert_element_type3A_268 = arith.extui %lt3A_267 : vector<64x64xi1> to vector<64x64xi32>
    %convert_element_type3A_269 = arith.sitofp %convert_element_type3A_268 : vector<64x64xi32> to vector<64x64xf32>
    %broadcast_in_dim3A = arith.constant 0 : i32
    %broadcast_in_dim3A_270 = vector.broadcast %broadcast_in_dim3A : i32 to vector<64x128xi32>
    %convert_element_type3A_271 = arith.extui %eq3A_6 : vector<64x128xi1> to vector<64x128xi32>
    %convert_element_type3A_272 = arith.sitofp %convert_element_type3A_271 : vector<64x128xi32> to vector<64x128xf32>
    %dot_general3A = arith.constant dense<0.000000e+00> : vector<64x128xf32>
    %dot_general3A_273 = tpu.matmul %convert_element_type3A_272, %convert_element_type3A_264, %dot_general3A {dimension_numbers = #tpu.dot_dimension_numbers<[1], [0], [0], [1], [0, 0, 1, 1], [], []>, transpose_lhs_hint = false} : vector<64x128xf32>, vector<128x128xf32>, vector<64x128xf32> -> vector<64x128xf32>
    %reduce_sum3A_274 = arith.constant dense<0.000000e+00> : vector<64xf32>
    %reduce_sum3A_275 = vector.multi_reduction <add>, %convert_element_type3A_272, %reduce_sum3A_274 [1] : vector<64x128xf32> to vector<64xf32>
    %broadcast_in_dim3A_276 = vector.shape_cast %reduce_sum3A_275 : vector<64xf32> to vector<64x1xf32>
    %dot_general3A_277 = arith.constant dense<0.000000e+00> : vector<64x1xf32>
    %dot_general3A_278 = tpu.matmul %convert_element_type3A_269, %broadcast_in_dim3A_276, %dot_general3A_277 {dimension_numbers = #tpu.dot_dimension_numbers<[1], [0], [0], [1], [0, 0, 1, 1], [], []>, transpose_lhs_hint = false} : vector<64x64xf32>, vector<64x1xf32>, vector<64x1xf32> -> vector<64x1xf32>
    %add3A_279 = vector.broadcast %dot_general3A_278 : vector<64x1xf32> to vector<64x128xf32>
    %add3A_280 = arith.addf %add3A_279, %dot_general3A_273 : vector<64x128xf32>
    %convert_element_type3A_281 = arith.fptosi %add3A_280 : vector<64x128xf32> to vector<64x128xi32>
    %add3A_282 = arith.constant 0 : i32
    %add3A_283 = vector.broadcast %add3A_282 : i32 to vector<64x128xi32>
    %add3A_284 = arith.addi %add3A_283, %convert_element_type3A_281 : vector<64x128xi32>
    %jit3A_285 = arith.constant 0 : i32
    %broadcast_in_dim3A_286 = vector.broadcast %jit3A_285 : i32 to vector<64x128xi32>
    %select_n3A_287 = arith.select %eq3A_6, %add3A_284, %broadcast_in_dim3A_286 : vector<64x128xi1>, vector<64x128xi32>
    %add3A_288 = arith.addi %broadcast_in_dim3A_270, %select_n3A_287 : vector<64x128xi32>
    %convert_element_type3A_289 = arith.extui %eq3A_9 : vector<64x128xi1> to vector<64x128xi32>
    %convert_element_type3A_290 = arith.sitofp %convert_element_type3A_289 : vector<64x128xi32> to vector<64x128xf32>
    %dot_general3A_291 = arith.constant dense<0.000000e+00> : vector<64x128xf32>
    %dot_general3A_292 = tpu.matmul %convert_element_type3A_290, %convert_element_type3A_264, %dot_general3A_291 {dimension_numbers = #tpu.dot_dimension_numbers<[1], [0], [0], [1], [0, 0, 1, 1], [], []>, transpose_lhs_hint = false} : vector<64x128xf32>, vector<128x128xf32>, vector<64x128xf32> -> vector<64x128xf32>
    %reduce_sum3A_293 = arith.constant dense<0.000000e+00> : vector<64xf32>
    %reduce_sum3A_294 = vector.multi_reduction <add>, %convert_element_type3A_290, %reduce_sum3A_293 [1] : vector<64x128xf32> to vector<64xf32>
    %broadcast_in_dim3A_295 = vector.shape_cast %reduce_sum3A_294 : vector<64xf32> to vector<64x1xf32>
    %dot_general3A_296 = arith.constant dense<0.000000e+00> : vector<64x1xf32>
    %dot_general3A_297 = tpu.matmul %convert_element_type3A_269, %broadcast_in_dim3A_295, %dot_general3A_296 {dimension_numbers = #tpu.dot_dimension_numbers<[1], [0], [0], [1], [0, 0, 1, 1], [], []>, transpose_lhs_hint = false} : vector<64x64xf32>, vector<64x1xf32>, vector<64x1xf32> -> vector<64x1xf32>
    %add3A_298 = vector.broadcast %dot_general3A_297 : vector<64x1xf32> to vector<64x128xf32>
    %add3A_299 = arith.addf %add3A_298, %dot_general3A_292 : vector<64x128xf32>
    %convert_element_type3A_300 = arith.fptosi %add3A_299 : vector<64x128xf32> to vector<64x128xi32>
    %add3A_301 = vector.broadcast %add3A_87 : i32 to vector<64x128xi32>
    %add3A_302 = arith.addi %add3A_301, %convert_element_type3A_300 : vector<64x128xi32>
    %jit3A_303 = arith.constant 0 : i32
    %broadcast_in_dim3A_304 = vector.broadcast %jit3A_303 : i32 to vector<64x128xi32>
    %select_n3A_305 = arith.select %eq3A_9, %add3A_302, %broadcast_in_dim3A_304 : vector<64x128xi1>, vector<64x128xi32>
    %add3A_306 = arith.addi %add3A_288, %select_n3A_305 : vector<64x128xi32>
    %convert_element_type3A_307 = arith.extui %eq3A_12 : vector<64x128xi1> to vector<64x128xi32>
    %convert_element_type3A_308 = arith.sitofp %convert_element_type3A_307 : vector<64x128xi32> to vector<64x128xf32>
    %dot_general3A_309 = arith.constant dense<0.000000e+00> : vector<64x128xf32>
    %dot_general3A_310 = tpu.matmul %convert_element_type3A_308, %convert_element_type3A_264, %dot_general3A_309 {dimension_numbers = #tpu.dot_dimension_numbers<[1], [0], [0], [1], [0, 0, 1, 1], [], []>, transpose_lhs_hint = false} : vector<64x128xf32>, vector<128x128xf32>, vector<64x128xf32> -> vector<64x128xf32>
    %reduce_sum3A_311 = arith.constant dense<0.000000e+00> : vector<64xf32>
    %reduce_sum3A_312 = vector.multi_reduction <add>, %convert_element_type3A_308, %reduce_sum3A_311 [1] : vector<64x128xf32> to vector<64xf32>
    %broadcast_in_dim3A_313 = vector.shape_cast %reduce_sum3A_312 : vector<64xf32> to vector<64x1xf32>
    %dot_general3A_314 = arith.constant dense<0.000000e+00> : vector<64x1xf32>
    %dot_general3A_315 = tpu.matmul %convert_element_type3A_269, %broadcast_in_dim3A_313, %dot_general3A_314 {dimension_numbers = #tpu.dot_dimension_numbers<[1], [0], [0], [1], [0, 0, 1, 1], [], []>, transpose_lhs_hint = false} : vector<64x64xf32>, vector<64x1xf32>, vector<64x1xf32> -> vector<64x1xf32>
    %add3A_316 = vector.broadcast %dot_general3A_315 : vector<64x1xf32> to vector<64x128xf32>
    %add3A_317 = arith.addf %add3A_316, %dot_general3A_310 : vector<64x128xf32>
    %convert_element_type3A_318 = arith.fptosi %add3A_317 : vector<64x128xf32> to vector<64x128xi32>
    %add3A_319 = vector.broadcast %add3A_116 : i32 to vector<64x128xi32>
    %add3A_320 = arith.addi %add3A_319, %convert_element_type3A_318 : vector<64x128xi32>
    %jit3A_321 = arith.constant 0 : i32
    %broadcast_in_dim3A_322 = vector.broadcast %jit3A_321 : i32 to vector<64x128xi32>
    %select_n3A_323 = arith.select %eq3A_12, %add3A_320, %broadcast_in_dim3A_322 : vector<64x128xi1>, vector<64x128xi32>
    %add3A_324 = arith.addi %add3A_306, %select_n3A_323 : vector<64x128xi32>
    %convert_element_type3A_325 = arith.extui %eq3A_15 : vector<64x128xi1> to vector<64x128xi32>
    %convert_element_type3A_326 = arith.sitofp %convert_element_type3A_325 : vector<64x128xi32> to vector<64x128xf32>
    %dot_general3A_327 = arith.constant dense<0.000000e+00> : vector<64x128xf32>
    %dot_general3A_328 = tpu.matmul %convert_element_type3A_326, %convert_element_type3A_264, %dot_general3A_327 {dimension_numbers = #tpu.dot_dimension_numbers<[1], [0], [0], [1], [0, 0, 1, 1], [], []>, transpose_lhs_hint = false} : vector<64x128xf32>, vector<128x128xf32>, vector<64x128xf32> -> vector<64x128xf32>
    %reduce_sum3A_329 = arith.constant dense<0.000000e+00> : vector<64xf32>
    %reduce_sum3A_330 = vector.multi_reduction <add>, %convert_element_type3A_326, %reduce_sum3A_329 [1] : vector<64x128xf32> to vector<64xf32>
    %broadcast_in_dim3A_331 = vector.shape_cast %reduce_sum3A_330 : vector<64xf32> to vector<64x1xf32>
    %dot_general3A_332 = arith.constant dense<0.000000e+00> : vector<64x1xf32>
    %dot_general3A_333 = tpu.matmul %convert_element_type3A_269, %broadcast_in_dim3A_331, %dot_general3A_332 {dimension_numbers = #tpu.dot_dimension_numbers<[1], [0], [0], [1], [0, 0, 1, 1], [], []>, transpose_lhs_hint = false} : vector<64x64xf32>, vector<64x1xf32>, vector<64x1xf32> -> vector<64x1xf32>
    %add3A_334 = vector.broadcast %dot_general3A_333 : vector<64x1xf32> to vector<64x128xf32>
    %add3A_335 = arith.addf %add3A_334, %dot_general3A_328 : vector<64x128xf32>
    %convert_element_type3A_336 = arith.fptosi %add3A_335 : vector<64x128xf32> to vector<64x128xi32>
    %add3A_337 = vector.broadcast %add3A_145 : i32 to vector<64x128xi32>
    %add3A_338 = arith.addi %add3A_337, %convert_element_type3A_336 : vector<64x128xi32>
    %jit3A_339 = arith.constant 0 : i32
    %broadcast_in_dim3A_340 = vector.broadcast %jit3A_339 : i32 to vector<64x128xi32>
    %select_n3A_341 = arith.select %eq3A_15, %add3A_338, %broadcast_in_dim3A_340 : vector<64x128xi1>, vector<64x128xi32>
    %add3A_342 = arith.addi %add3A_324, %select_n3A_341 : vector<64x128xi32>
    %convert_element_type3A_343 = arith.extui %eq3A_18 : vector<64x128xi1> to vector<64x128xi32>
    %convert_element_type3A_344 = arith.sitofp %convert_element_type3A_343 : vector<64x128xi32> to vector<64x128xf32>
    %dot_general3A_345 = arith.constant dense<0.000000e+00> : vector<64x128xf32>
    %dot_general3A_346 = tpu.matmul %convert_element_type3A_344, %convert_element_type3A_264, %dot_general3A_345 {dimension_numbers = #tpu.dot_dimension_numbers<[1], [0], [0], [1], [0, 0, 1, 1], [], []>, transpose_lhs_hint = false} : vector<64x128xf32>, vector<128x128xf32>, vector<64x128xf32> -> vector<64x128xf32>
    %reduce_sum3A_347 = arith.constant dense<0.000000e+00> : vector<64xf32>
    %reduce_sum3A_348 = vector.multi_reduction <add>, %convert_element_type3A_344, %reduce_sum3A_347 [1] : vector<64x128xf32> to vector<64xf32>
    %broadcast_in_dim3A_349 = vector.shape_cast %reduce_sum3A_348 : vector<64xf32> to vector<64x1xf32>
    %dot_general3A_350 = arith.constant dense<0.000000e+00> : vector<64x1xf32>
    %dot_general3A_351 = tpu.matmul %convert_element_type3A_269, %broadcast_in_dim3A_349, %dot_general3A_350 {dimension_numbers = #tpu.dot_dimension_numbers<[1], [0], [0], [1], [0, 0, 1, 1], [], []>, transpose_lhs_hint = false} : vector<64x64xf32>, vector<64x1xf32>, vector<64x1xf32> -> vector<64x1xf32>
    %add3A_352 = vector.broadcast %dot_general3A_351 : vector<64x1xf32> to vector<64x128xf32>
    %add3A_353 = arith.addf %add3A_352, %dot_general3A_346 : vector<64x128xf32>
    %convert_element_type3A_354 = arith.fptosi %add3A_353 : vector<64x128xf32> to vector<64x128xi32>
    %add3A_355 = vector.broadcast %add3A_174 : i32 to vector<64x128xi32>
    %add3A_356 = arith.addi %add3A_355, %convert_element_type3A_354 : vector<64x128xi32>
    %jit3A_357 = arith.constant 0 : i32
    %broadcast_in_dim3A_358 = vector.broadcast %jit3A_357 : i32 to vector<64x128xi32>
    %select_n3A_359 = arith.select %eq3A_18, %add3A_356, %broadcast_in_dim3A_358 : vector<64x128xi1>, vector<64x128xi32>
    %add3A_360 = arith.addi %add3A_342, %select_n3A_359 : vector<64x128xi32>
    %convert_element_type3A_361 = arith.extui %eq3A_21 : vector<64x128xi1> to vector<64x128xi32>
    %convert_element_type3A_362 = arith.sitofp %convert_element_type3A_361 : vector<64x128xi32> to vector<64x128xf32>
    %dot_general3A_363 = arith.constant dense<0.000000e+00> : vector<64x128xf32>
    %dot_general3A_364 = tpu.matmul %convert_element_type3A_362, %convert_element_type3A_264, %dot_general3A_363 {dimension_numbers = #tpu.dot_dimension_numbers<[1], [0], [0], [1], [0, 0, 1, 1], [], []>, transpose_lhs_hint = false} : vector<64x128xf32>, vector<128x128xf32>, vector<64x128xf32> -> vector<64x128xf32>
    %reduce_sum3A_365 = arith.constant dense<0.000000e+00> : vector<64xf32>
    %reduce_sum3A_366 = vector.multi_reduction <add>, %convert_element_type3A_362, %reduce_sum3A_365 [1] : vector<64x128xf32> to vector<64xf32>
    %broadcast_in_dim3A_367 = vector.shape_cast %reduce_sum3A_366 : vector<64xf32> to vector<64x1xf32>
    %dot_general3A_368 = arith.constant dense<0.000000e+00> : vector<64x1xf32>
    %dot_general3A_369 = tpu.matmul %convert_element_type3A_269, %broadcast_in_dim3A_367, %dot_general3A_368 {dimension_numbers = #tpu.dot_dimension_numbers<[1], [0], [0], [1], [0, 0, 1, 1], [], []>, transpose_lhs_hint = false} : vector<64x64xf32>, vector<64x1xf32>, vector<64x1xf32> -> vector<64x1xf32>
    %add3A_370 = vector.broadcast %dot_general3A_369 : vector<64x1xf32> to vector<64x128xf32>
    %add3A_371 = arith.addf %add3A_370, %dot_general3A_364 : vector<64x128xf32>
    %convert_element_type3A_372 = arith.fptosi %add3A_371 : vector<64x128xf32> to vector<64x128xi32>
    %add3A_373 = vector.broadcast %add3A_203 : i32 to vector<64x128xi32>
    %add3A_374 = arith.addi %add3A_373, %convert_element_type3A_372 : vector<64x128xi32>
    %jit3A_375 = arith.constant 0 : i32
    %broadcast_in_dim3A_376 = vector.broadcast %jit3A_375 : i32 to vector<64x128xi32>
    %select_n3A_377 = arith.select %eq3A_21, %add3A_374, %broadcast_in_dim3A_376 : vector<64x128xi1>, vector<64x128xi32>
    %add3A_378 = arith.addi %add3A_360, %select_n3A_377 : vector<64x128xi32>
    %convert_element_type3A_379 = arith.extui %eq3A_24 : vector<64x128xi1> to vector<64x128xi32>
    %convert_element_type3A_380 = arith.sitofp %convert_element_type3A_379 : vector<64x128xi32> to vector<64x128xf32>
    %dot_general3A_381 = arith.constant dense<0.000000e+00> : vector<64x128xf32>
    %dot_general3A_382 = tpu.matmul %convert_element_type3A_380, %convert_element_type3A_264, %dot_general3A_381 {dimension_numbers = #tpu.dot_dimension_numbers<[1], [0], [0], [1], [0, 0, 1, 1], [], []>, transpose_lhs_hint = false} : vector<64x128xf32>, vector<128x128xf32>, vector<64x128xf32> -> vector<64x128xf32>
    %reduce_sum3A_383 = arith.constant dense<0.000000e+00> : vector<64xf32>
    %reduce_sum3A_384 = vector.multi_reduction <add>, %convert_element_type3A_380, %reduce_sum3A_383 [1] : vector<64x128xf32> to vector<64xf32>
    %broadcast_in_dim3A_385 = vector.shape_cast %reduce_sum3A_384 : vector<64xf32> to vector<64x1xf32>
    %dot_general3A_386 = arith.constant dense<0.000000e+00> : vector<64x1xf32>
    %dot_general3A_387 = tpu.matmul %convert_element_type3A_269, %broadcast_in_dim3A_385, %dot_general3A_386 {dimension_numbers = #tpu.dot_dimension_numbers<[1], [0], [0], [1], [0, 0, 1, 1], [], []>, transpose_lhs_hint = false} : vector<64x64xf32>, vector<64x1xf32>, vector<64x1xf32> -> vector<64x1xf32>
    %add3A_388 = vector.broadcast %dot_general3A_387 : vector<64x1xf32> to vector<64x128xf32>
    %add3A_389 = arith.addf %add3A_388, %dot_general3A_382 : vector<64x128xf32>
    %convert_element_type3A_390 = arith.fptosi %add3A_389 : vector<64x128xf32> to vector<64x128xi32>
    %add3A_391 = vector.broadcast %add3A_232 : i32 to vector<64x128xi32>
    %add3A_392 = arith.addi %add3A_391, %convert_element_type3A_390 : vector<64x128xi32>
    %jit3A_393 = arith.constant 0 : i32
    %broadcast_in_dim3A_394 = vector.broadcast %jit3A_393 : i32 to vector<64x128xi32>
    %select_n3A_395 = arith.select %eq3A_24, %add3A_392, %broadcast_in_dim3A_394 : vector<64x128xi1>, vector<64x128xi32>
    %add3A_396 = arith.addi %add3A_378, %select_n3A_395 : vector<64x128xi32>
    %convert_element_type3A_397 = arith.extui %eq3A_27 : vector<64x128xi1> to vector<64x128xi32>
    %convert_element_type3A_398 = arith.sitofp %convert_element_type3A_397 : vector<64x128xi32> to vector<64x128xf32>
    %dot_general3A_399 = arith.constant dense<0.000000e+00> : vector<64x128xf32>
    %dot_general3A_400 = tpu.matmul %convert_element_type3A_398, %convert_element_type3A_264, %dot_general3A_399 {dimension_numbers = #tpu.dot_dimension_numbers<[1], [0], [0], [1], [0, 0, 1, 1], [], []>, transpose_lhs_hint = false} : vector<64x128xf32>, vector<128x128xf32>, vector<64x128xf32> -> vector<64x128xf32>
    %reduce_sum3A_401 = arith.constant dense<0.000000e+00> : vector<64xf32>
    %reduce_sum3A_402 = vector.multi_reduction <add>, %convert_element_type3A_398, %reduce_sum3A_401 [1] : vector<64x128xf32> to vector<64xf32>
    %broadcast_in_dim3A_403 = vector.shape_cast %reduce_sum3A_402 : vector<64xf32> to vector<64x1xf32>
    %dot_general3A_404 = arith.constant dense<0.000000e+00> : vector<64x1xf32>
    %dot_general3A_405 = tpu.matmul %convert_element_type3A_269, %broadcast_in_dim3A_403, %dot_general3A_404 {dimension_numbers = #tpu.dot_dimension_numbers<[1], [0], [0], [1], [0, 0, 1, 1], [], []>, transpose_lhs_hint = false} : vector<64x64xf32>, vector<64x1xf32>, vector<64x1xf32> -> vector<64x1xf32>
    %add3A_406 = vector.broadcast %dot_general3A_405 : vector<64x1xf32> to vector<64x128xf32>
    %add3A_407 = arith.addf %add3A_406, %dot_general3A_400 : vector<64x128xf32>
    %convert_element_type3A_408 = arith.fptosi %add3A_407 : vector<64x128xf32> to vector<64x128xi32>
    %add3A_409 = vector.broadcast %add3A_261 : i32 to vector<64x128xi32>
    %add3A_410 = arith.addi %add3A_409, %convert_element_type3A_408 : vector<64x128xi32>
    %jit3A_411 = arith.constant 0 : i32
    %broadcast_in_dim3A_412 = vector.broadcast %jit3A_411 : i32 to vector<64x128xi32>
    %select_n3A_413 = arith.select %eq3A_27, %add3A_410, %broadcast_in_dim3A_412 : vector<64x128xi1>, vector<64x128xi32>
    %add3A_414 = arith.addi %add3A_396, %select_n3A_413 : vector<64x128xi32>
    %swap3A = arith.constant 0 : index
    %swap3A_415 = arith.constant 0 : index
    %swap3A_416 = vector.load %arg3[%swap3A, %swap3A_415] : memref<64x128xi32, #tpu.memory_space<vmem>>, vector<64x128xi32>
    tpu.vector_store %arg3[%swap3A, %swap3A_415], %add3A_414 {strides = array<i32>} : memref<64x128xi32, #tpu.memory_space<vmem>>, vector<64x128xi32>,
    %iota3A_417 = tpu.iota {dimensions = array<i32: 1>} : vector<1x24xi32>
    %mul3A_418 = arith.constant 512 : i32
    %mul3A_419 = vector.broadcast %mul3A_418 : i32 to vector<1x24xi32>
    %mul3A_420 = arith.muli %iota3A_417, %mul3A_419 : vector<1x24xi32>
    %broadcast_in_dim3A_421 = arith.constant 0 : i32
    %broadcast_in_dim3A_422 = vector.broadcast %broadcast_in_dim3A_421 : i32 to vector<1x24xi32>
    %ge3A = vector.broadcast %add3A_87 : i32 to vector<1x24xi32>
    %ge3A_423 = arith.cmpi sge, %mul3A_420, %ge3A : vector<1x24xi32>
    %convert_element_type3A_424 = arith.extui %ge3A_423 : vector<1x24xi1> to vector<1x24xi32>
    %add3A_425 = arith.addi %broadcast_in_dim3A_422, %convert_element_type3A_424 : vector<1x24xi32>
    %ge3A_426 = vector.broadcast %add3A_116 : i32 to vector<1x24xi32>
    %ge3A_427 = arith.cmpi sge, %mul3A_420, %ge3A_426 : vector<1x24xi32>
    %convert_element_type3A_428 = arith.extui %ge3A_427 : vector<1x24xi1> to vector<1x24xi32>
    %add3A_429 = arith.addi %add3A_425, %convert_element_type3A_428 : vector<1x24xi32>
    %ge3A_430 = vector.broadcast %add3A_145 : i32 to vector<1x24xi32>
    %ge3A_431 = arith.cmpi sge, %mul3A_420, %ge3A_430 : vector<1x24xi32>
    %convert_element_type3A_432 = arith.extui %ge3A_431 : vector<1x24xi1> to vector<1x24xi32>
    %add3A_433 = arith.addi %add3A_429, %convert_element_type3A_432 : vector<1x24xi32>
    %ge3A_434 = vector.broadcast %add3A_174 : i32 to vector<1x24xi32>
    %ge3A_435 = arith.cmpi sge, %mul3A_420, %ge3A_434 : vector<1x24xi32>
    %convert_element_type3A_436 = arith.extui %ge3A_435 : vector<1x24xi1> to vector<1x24xi32>
    %add3A_437 = arith.addi %add3A_433, %convert_element_type3A_436 : vector<1x24xi32>
    %ge3A_438 = vector.broadcast %add3A_203 : i32 to vector<1x24xi32>
    %ge3A_439 = arith.cmpi sge, %mul3A_420, %ge3A_438 : vector<1x24xi32>
    %convert_element_type3A_440 = arith.extui %ge3A_439 : vector<1x24xi1> to vector<1x24xi32>
    %add3A_441 = arith.addi %add3A_437, %convert_element_type3A_440 : vector<1x24xi32>
    %ge3A_442 = vector.broadcast %add3A_232 : i32 to vector<1x24xi32>
    %ge3A_443 = arith.cmpi sge, %mul3A_420, %ge3A_442 : vector<1x24xi32>
    %convert_element_type3A_444 = arith.extui %ge3A_443 : vector<1x24xi1> to vector<1x24xi32>
    %add3A_445 = arith.addi %add3A_441, %convert_element_type3A_444 : vector<1x24xi32>
    %ge3A_446 = vector.broadcast %add3A_261 : i32 to vector<1x24xi32>
    %ge3A_447 = arith.cmpi sge, %mul3A_420, %ge3A_446 : vector<1x24xi32>
    %convert_element_type3A_448 = arith.extui %ge3A_447 : vector<1x24xi1> to vector<1x24xi32>
    %add3A_449 = arith.addi %add3A_445, %convert_element_type3A_448 : vector<1x24xi32>
    %swap3A_450 = arith.constant 0 : index
    %swap3A_451 = arith.constant 0 : index
    %swap3A_452 = vector.load %arg4[%swap3A_450, %swap3A_451] : memref<1x24xi32, #tpu.memory_space<vmem>>, vector<1x24xi32>
    tpu.vector_store %arg4[%swap3A_450, %swap3A_451], %add3A_449 {strides = array<i32>} : memref<1x24xi32, #tpu.memory_space<vmem>>, vector<1x24xi32>,
    return
  }
  func.func @transform_0(%arg0: i32) -> (i32, i32) {
    %c0_i32 = arith.constant 0 : i32
    %c0_i32_0 = arith.constant 0 : i32
    %c0_i32_1 = arith.constant 0 : i32
    return %c0_i32, %c0_i32_0 : i32, i32
  }
  func.func @transform_1(%arg0: i32) -> (i32, i32) {
    %c0_i32 = arith.constant 0 : i32
    %c0_i32_0 = arith.constant 0 : i32
    %c0_i32_1 = arith.constant 0 : i32
    return %c0_i32, %c0_i32_0 : i32, i32
  }
  func.func @transform_2(%arg0: i32) -> (i32, i32) {
    %c0_i32 = arith.constant 0 : i32
    %c0_i32_0 = arith.constant 0 : i32
    %c0_i32_1 = arith.constant 0 : i32
    return %c0_i32, %c0_i32_0 : i32, i32
  }
  func.func @transform_3(%arg0: i32) -> (i32, i32) {
    %c0_i32 = arith.constant 0 : i32
    %c0_i32_0 = arith.constant 0 : i32
    %c0_i32_1 = arith.constant 0 : i32
    return %c0_i32, %c0_i32_0 : i32, i32
  }
}

module attributes {stable_mosaic.version = 14 : i64} {
  func.func @_expert_body(%arg0: i32, %arg1: memref<24xi32, #tpu.memory_space<smem>>, %arg2: memref<512x256xf32, #tpu.memory_space<vmem>>, %arg3: memref<512x256xf32, #tpu.memory_space<vmem>>, %arg4: memref<512x256xf32, #tpu.memory_space<vmem>>, %arg5: memref<512x256xf32, #tpu.memory_space<vmem>>, %arg6: memref<1x4x256x512xf32, #tpu.memory_space<vmem>>, %arg7: memref<1x1x512xf32, #tpu.memory_space<vmem>>, %arg8: memref<1x512x1024xf32, #tpu.memory_space<vmem>>, %arg9: memref<1x1x1024xf32, #tpu.memory_space<vmem>>, %arg10: memref<512x1024xf32, #tpu.memory_space<vmem>>, %arg11: memref<4x256x512xbf16, #tpu.memory_space<vmem>>, %arg12: memref<512x1024xbf16, #tpu.memory_space<vmem>>) attributes {dimension_semantics = [#tpu.dimension_semantics<arbitrary>], iteration_bounds = array<i64: 24>, scalar_prefetch = 1 : i64, scratch_operands = 2 : i64, tpu.core_type = #tpu.core_type<tc>, window_params = [{transform_indices = @transform_0, window_bounds = array<i64: 512, 256>}, {transform_indices = @transform_1, window_bounds = array<i64: 512, 256>}, {transform_indices = @transform_2, window_bounds = array<i64: 512, 256>}, {transform_indices = @transform_3, window_bounds = array<i64: 512, 256>}, {transform_indices = @transform_4, window_bounds = array<i64: 1, 4, 256, 512>}, {transform_indices = @transform_5, window_bounds = array<i64: 1, 1, 512>}, {transform_indices = @transform_6, window_bounds = array<i64: 1, 512, 1024>}, {transform_indices = @transform_7, window_bounds = array<i64: 1, 1, 1024>}, {transform_indices = @transform_8, window_bounds = array<i64: 512, 1024>}]} {
    %sub3A = arith.constant 1 : i32
    %sub3A_0 = arith.subi %arg0, %sub3A : i32
    %max3A = arith.constant 0 : i32
    %max3A_1 = arith.maxsi %sub3A_0, %max3A : i32
    %get3A = arith.index_cast %max3A_1 : i32 to index
    %get3A_2 = memref.load %arg1[%get3A] : memref<24xi32, #tpu.memory_space<smem>>
    %eq3A = arith.constant 0 : i32
    %eq3A_3 = arith.cmpi eq, %arg0, %eq3A : i32
    %get3A_4 = arith.index_cast %arg0 : i32 to index
    %get3A_5 = memref.load %arg1[%get3A_4] : memref<24xi32, #tpu.memory_space<smem>>
    %ne3A = arith.cmpi ne, %get3A_5, %get3A_2 : i32
    %or3A = arith.ori %eq3A_3, %ne3A : i1
    %convert_element_type3A = arith.extui %or3A : i1 to i32
    %cond3A = arith.constant 0 : i32
    %cond3A_6 = arith.cmpi ne, %convert_element_type3A, %cond3A : i32
    scf.if %cond3A_6 {
      %get3A_101 = arith.constant 0 : index
      %get3A_102 = arith.constant 0 : index
      %get3A_103 = arith.constant 0 : index
      %get3A_104 = arith.constant 0 : index
      %get3A_105 = vector.load %arg6[%get3A_101, %get3A_102, %get3A_103, %get3A_104] : memref<1x4x256x512xf32, #tpu.memory_space<vmem>>, vector<1x4x256x512xf32>
      %get3A_106 = vector.shape_cast %get3A_105 : vector<1x4x256x512xf32> to vector<4x256x512xf32>
      %convert_element_type3A_107 = arith.truncf %get3A_106 : vector<4x256x512xf32> to vector<4x256x512xbf16>
      %swap3A_108 = arith.constant 0 : index
      %swap3A_109 = arith.constant 0 : index
      %swap3A_110 = arith.constant 0 : index
      %swap3A_111 = vector.load %arg11[%swap3A_108, %swap3A_109, %swap3A_110] : memref<4x256x512xbf16, #tpu.memory_space<vmem>>, vector<4x256x512xbf16>
      tpu.vector_store %arg11[%swap3A_108, %swap3A_109, %swap3A_110], %convert_element_type3A_107 {strides = array<i32>} : memref<4x256x512xbf16, #tpu.memory_space<vmem>>, vector<4x256x512xbf16>,
      %get3A_112 = arith.constant 0 : index
      %get3A_113 = arith.constant 0 : index
      %get3A_114 = arith.constant 0 : index
      %get3A_115 = vector.load %arg8[%get3A_112, %get3A_113, %get3A_114] : memref<1x512x1024xf32, #tpu.memory_space<vmem>>, vector<1x512x1024xf32>
      %get3A_116 = vector.shape_cast %get3A_115 : vector<1x512x1024xf32> to vector<512x1024xf32>
      %convert_element_type3A_117 = arith.truncf %get3A_116 : vector<512x1024xf32> to vector<512x1024xbf16>
      %swap3A_118 = arith.constant 0 : index
      %swap3A_119 = arith.constant 0 : index
      %swap3A_120 = vector.load %arg12[%swap3A_118, %swap3A_119] : memref<512x1024xbf16, #tpu.memory_space<vmem>>, vector<512x1024xbf16>
      tpu.vector_store %arg12[%swap3A_118, %swap3A_119], %convert_element_type3A_117 {strides = array<i32>} : memref<512x1024xbf16, #tpu.memory_space<vmem>>, vector<512x1024xbf16>,
    } else {
    }
    %get3A_7 = arith.constant 0 : index
    %get3A_8 = arith.constant 0 : index
    %get3A_9 = vector.load %arg2[%get3A_7, %get3A_8] : memref<512x256xf32, #tpu.memory_space<vmem>>, vector<512x256xf32>
    %get3A_10 = arith.constant 0 : index
    %get3A_11 = arith.constant 0 : index
    %get3A_12 = vector.load %arg3[%get3A_10, %get3A_11] : memref<512x256xf32, #tpu.memory_space<vmem>>, vector<512x256xf32>
    %get3A_13 = arith.constant 0 : index
    %get3A_14 = arith.constant 0 : index
    %get3A_15 = vector.load %arg4[%get3A_13, %get3A_14] : memref<512x256xf32, #tpu.memory_space<vmem>>, vector<512x256xf32>
    %get3A_16 = arith.constant 0 : index
    %get3A_17 = arith.constant 0 : index
    %get3A_18 = vector.load %arg5[%get3A_16, %get3A_17] : memref<512x256xf32, #tpu.memory_space<vmem>>, vector<512x256xf32>
    %convert_element_type3A_19 = arith.truncf %get3A_9 : vector<512x256xf32> to vector<512x256xbf16>
    %get3A_20 = arith.constant 0 : index
    %get3A_21 = arith.constant 0 : index
    %get3A_22 = arith.constant 0 : index
    %get3A_23 = vector.load %arg11[%get3A_20, %get3A_21, %get3A_22] : memref<4x256x512xbf16, #tpu.memory_space<vmem>>, vector<1x256x512xbf16>
    %get3A_24 = vector.shape_cast %get3A_23 : vector<1x256x512xbf16> to vector<256x512xbf16>
    %dot_general3A = arith.constant dense<0.000000e+00> : vector<512x512xf32>
    %dot_general3A_25 = tpu.matmul %convert_element_type3A_19, %get3A_24, %dot_general3A {dimension_numbers = #tpu.dot_dimension_numbers<[1], [0], [0], [1], [0, 0, 1, 1], [], []>, transpose_lhs_hint = false} : vector<512x256xbf16>, vector<256x512xbf16>, vector<512x512xf32> -> vector<512x512xf32>
    %convert_element_type3A_26 = arith.truncf %get3A_12 : vector<512x256xf32> to vector<512x256xbf16>
    %get3A_27 = arith.constant 1 : index
    %get3A_28 = arith.constant 0 : index
    %get3A_29 = arith.constant 0 : index
    %get3A_30 = vector.load %arg11[%get3A_27, %get3A_28, %get3A_29] : memref<4x256x512xbf16, #tpu.memory_space<vmem>>, vector<1x256x512xbf16>
    %get3A_31 = vector.shape_cast %get3A_30 : vector<1x256x512xbf16> to vector<256x512xbf16>
    %dot_general3A_32 = arith.constant dense<0.000000e+00> : vector<512x512xf32>
    %dot_general3A_33 = tpu.matmul %convert_element_type3A_26, %get3A_31, %dot_general3A_32 {dimension_numbers = #tpu.dot_dimension_numbers<[1], [0], [0], [1], [0, 0, 1, 1], [], []>, transpose_lhs_hint = false} : vector<512x256xbf16>, vector<256x512xbf16>, vector<512x512xf32> -> vector<512x512xf32>
    %add3A = arith.addf %dot_general3A_25, %dot_general3A_33 : vector<512x512xf32>
    %convert_element_type3A_34 = arith.truncf %get3A_15 : vector<512x256xf32> to vector<512x256xbf16>
    %get3A_35 = arith.constant 2 : index
    %get3A_36 = arith.constant 0 : index
    %get3A_37 = arith.constant 0 : index
    %get3A_38 = vector.load %arg11[%get3A_35, %get3A_36, %get3A_37] : memref<4x256x512xbf16, #tpu.memory_space<vmem>>, vector<1x256x512xbf16>
    %get3A_39 = vector.shape_cast %get3A_38 : vector<1x256x512xbf16> to vector<256x512xbf16>
    %dot_general3A_40 = arith.constant dense<0.000000e+00> : vector<512x512xf32>
    %dot_general3A_41 = tpu.matmul %convert_element_type3A_34, %get3A_39, %dot_general3A_40 {dimension_numbers = #tpu.dot_dimension_numbers<[1], [0], [0], [1], [0, 0, 1, 1], [], []>, transpose_lhs_hint = false} : vector<512x256xbf16>, vector<256x512xbf16>, vector<512x512xf32> -> vector<512x512xf32>
    %add3A_42 = arith.addf %add3A, %dot_general3A_41 : vector<512x512xf32>
    %convert_element_type3A_43 = arith.truncf %get3A_18 : vector<512x256xf32> to vector<512x256xbf16>
    %get3A_44 = arith.constant 3 : index
    %get3A_45 = arith.constant 0 : index
    %get3A_46 = arith.constant 0 : index
    %get3A_47 = vector.load %arg11[%get3A_44, %get3A_45, %get3A_46] : memref<4x256x512xbf16, #tpu.memory_space<vmem>>, vector<1x256x512xbf16>
    %get3A_48 = vector.shape_cast %get3A_47 : vector<1x256x512xbf16> to vector<256x512xbf16>
    %dot_general3A_49 = arith.constant dense<0.000000e+00> : vector<512x512xf32>
    %dot_general3A_50 = tpu.matmul %convert_element_type3A_43, %get3A_48, %dot_general3A_49 {dimension_numbers = #tpu.dot_dimension_numbers<[1], [0], [0], [1], [0, 0, 1, 1], [], []>, transpose_lhs_hint = false} : vector<512x256xbf16>, vector<256x512xbf16>, vector<512x512xf32> -> vector<512x512xf32>
    %add3A_51 = arith.addf %add3A_42, %dot_general3A_50 : vector<512x512xf32>
    %get3A_52 = arith.constant 0 : index
    %get3A_53 = arith.constant 0 : index
    %get3A_54 = arith.constant 0 : index
    %get3A_55 = vector.load %arg7[%get3A_52, %get3A_53, %get3A_54] : memref<1x1x512xf32, #tpu.memory_space<vmem>>, vector<1x1x512xf32>
    %get3A_56 = vector.shape_cast %get3A_55 : vector<1x1x512xf32> to vector<1x512xf32>
    %add3A_57 = vector.broadcast %get3A_56 : vector<1x512xf32> to vector<512x512xf32>
    %add3A_58 = arith.addf %add3A_51, %add3A_57 : vector<512x512xf32>
    %max3A_59 = arith.constant 0.000000e+00 : f32
    %max3A_60 = vector.broadcast %max3A_59 : f32 to vector<512x512xf32>
    %max3A_61 = arith.maximumf %add3A_58, %max3A_60 : vector<512x512xf32>
    %convert_element_type3A_62 = arith.truncf %max3A_61 : vector<512x512xf32> to vector<512x512xbf16>
    %get3A_63 = arith.constant 0 : index
    %get3A_64 = arith.constant 0 : index
    %get3A_65 = vector.load %arg12[%get3A_63, %get3A_64] : memref<512x1024xbf16, #tpu.memory_space<vmem>>, vector<512x1024xbf16>
    %dot_general3A_66 = arith.constant dense<0.000000e+00> : vector<512x1024xf32>
    %dot_general3A_67 = tpu.matmul %convert_element_type3A_62, %get3A_65, %dot_general3A_66 {dimension_numbers = #tpu.dot_dimension_numbers<[1], [0], [0], [1], [0, 0, 1, 1], [], []>, transpose_lhs_hint = false} : vector<512x512xbf16>, vector<512x1024xbf16>, vector<512x1024xf32> -> vector<512x1024xf32>
    %get3A_68 = arith.constant 0 : index
    %get3A_69 = arith.constant 0 : index
    %get3A_70 = arith.constant 0 : index
    %get3A_71 = vector.load %arg9[%get3A_68, %get3A_69, %get3A_70] : memref<1x1x1024xf32, #tpu.memory_space<vmem>>, vector<1x1x1024xf32>
    %get3A_72 = vector.shape_cast %get3A_71 : vector<1x1x1024xf32> to vector<1x1024xf32>
    %add3A_73 = vector.broadcast %get3A_72 : vector<1x1024xf32> to vector<512x1024xf32>
    %add3A_74 = arith.addf %dot_general3A_67, %add3A_73 : vector<512x1024xf32>
    %mul3A = arith.mulf %add3A_74, %add3A_74 : vector<512x1024xf32>
    %reduce_sum3A = arith.constant dense<0.000000e+00> : vector<512xf32>
    %reduce_sum3A_75 = vector.multi_reduction <add>, %mul3A, %reduce_sum3A [1] : vector<512x1024xf32> to vector<512xf32>
    %broadcast_in_dim3A = vector.shape_cast %reduce_sum3A_75 : vector<512xf32> to vector<512x1xf32>
    %sqrt3A = math.sqrt %broadcast_in_dim3A : vector<512x1xf32>
    %max3A_76 = arith.constant 9.99999997E-7 : f32
    %max3A_77 = vector.broadcast %max3A_76 : f32 to vector<512x1xf32>
    %max3A_78 = arith.maximumf %sqrt3A, %max3A_77 : vector<512x1xf32>
    %div3A = arith.constant 1.000000e+00 : f32
    %div3A_79 = vector.broadcast %div3A : f32 to vector<512x1xf32>
    %div3A_80 = arith.divf %div3A_79, %max3A_78 : vector<512x1xf32>
    %mul3A_81 = vector.broadcast %div3A_80 : vector<512x1xf32> to vector<512x1024xf32>
    %mul3A_82 = arith.mulf %add3A_74, %mul3A_81 : vector<512x1024xf32>
    %slice3A = vector.extract_strided_slice %mul3A_82 {offsets = [0, 0], sizes = [512, 256], strides = [1, 1]} : vector<512x1024xf32> to vector<512x256xf32>
    %add3A_83 = arith.addf %slice3A, %get3A_9 : vector<512x256xf32>
    %swap3A = arith.constant 0 : index
    %swap3A_84 = arith.constant 0 : index
    %swap3A_85 = vector.load %arg10[%swap3A, %swap3A_84] : memref<512x1024xf32, #tpu.memory_space<vmem>>, vector<512x256xf32>
    tpu.vector_store %arg10[%swap3A, %swap3A_84], %add3A_83 {strides = array<i32>} : memref<512x1024xf32, #tpu.memory_space<vmem>>, vector<512x256xf32>,
    %slice3A_86 = vector.extract_strided_slice %mul3A_82 {offsets = [0, 256], sizes = [512, 256], strides = [1, 1]} : vector<512x1024xf32> to vector<512x256xf32>
    %add3A_87 = arith.addf %slice3A_86, %get3A_12 : vector<512x256xf32>
    %swap3A_88 = arith.constant 0 : index
    %swap3A_89 = arith.constant 256 : index
    %swap3A_90 = vector.load %arg10[%swap3A_88, %swap3A_89] : memref<512x1024xf32, #tpu.memory_space<vmem>>, vector<512x256xf32>
    tpu.vector_store %arg10[%swap3A_88, %swap3A_89], %add3A_87 {strides = array<i32>} : memref<512x1024xf32, #tpu.memory_space<vmem>>, vector<512x256xf32>,
    %slice3A_91 = vector.extract_strided_slice %mul3A_82 {offsets = [0, 512], sizes = [512, 256], strides = [1, 1]} : vector<512x1024xf32> to vector<512x256xf32>
    %add3A_92 = arith.addf %slice3A_91, %get3A_15 : vector<512x256xf32>
    %swap3A_93 = arith.constant 0 : index
    %swap3A_94 = arith.constant 512 : index
    %swap3A_95 = vector.load %arg10[%swap3A_93, %swap3A_94] : memref<512x1024xf32, #tpu.memory_space<vmem>>, vector<512x256xf32>
    tpu.vector_store %arg10[%swap3A_93, %swap3A_94], %add3A_92 {strides = array<i32>} : memref<512x1024xf32, #tpu.memory_space<vmem>>, vector<512x256xf32>,
    %slice3A_96 = vector.extract_strided_slice %mul3A_82 {offsets = [0, 768], sizes = [512, 256], strides = [1, 1]} : vector<512x1024xf32> to vector<512x256xf32>
    %add3A_97 = arith.addf %slice3A_96, %get3A_18 : vector<512x256xf32>
    %swap3A_98 = arith.constant 0 : index
    %swap3A_99 = arith.constant 768 : index
    %swap3A_100 = vector.load %arg10[%swap3A_98, %swap3A_99] : memref<512x1024xf32, #tpu.memory_space<vmem>>, vector<512x256xf32>
    tpu.vector_store %arg10[%swap3A_98, %swap3A_99], %add3A_97 {strides = array<i32>} : memref<512x1024xf32, #tpu.memory_space<vmem>>, vector<512x256xf32>,
    return
  }
  func.func @transform_0(%arg0: i32, %arg1: memref<24xi32, #tpu.memory_space<smem>>) -> (i32, i32) {
    %c0_i32 = arith.constant 0 : i32
    %c0_i32_0 = arith.constant 0 : i32
    return %arg0, %c0_i32 : i32, i32
  }
  func.func @transform_1(%arg0: i32, %arg1: memref<24xi32, #tpu.memory_space<smem>>) -> (i32, i32) {
    %c0_i32 = arith.constant 0 : i32
    %c0_i32_0 = arith.constant 0 : i32
    return %arg0, %c0_i32 : i32, i32
  }
  func.func @transform_2(%arg0: i32, %arg1: memref<24xi32, #tpu.memory_space<smem>>) -> (i32, i32) {
    %c0_i32 = arith.constant 0 : i32
    %c0_i32_0 = arith.constant 0 : i32
    return %arg0, %c0_i32 : i32, i32
  }
  func.func @transform_3(%arg0: i32, %arg1: memref<24xi32, #tpu.memory_space<smem>>) -> (i32, i32) {
    %c0_i32 = arith.constant 0 : i32
    %c0_i32_0 = arith.constant 0 : i32
    return %arg0, %c0_i32 : i32, i32
  }
  func.func @transform_4(%arg0: i32, %arg1: memref<24xi32, #tpu.memory_space<smem>>) -> (i32, i32, i32, i32) {
    %get3A = arith.index_cast %arg0 : i32 to index
    %get3A_0 = memref.load %arg1[%get3A] : memref<24xi32, #tpu.memory_space<smem>>
    %c0_i32 = arith.constant 0 : i32
    %c0_i32_1 = arith.constant 0 : i32
    %c0_i32_2 = arith.constant 0 : i32
    %c0_i32_3 = arith.constant 0 : i32
    return %get3A_0, %c0_i32, %c0_i32_1, %c0_i32_2 : i32, i32, i32, i32
  }
  func.func @transform_5(%arg0: i32, %arg1: memref<24xi32, #tpu.memory_space<smem>>) -> (i32, i32, i32) {
    %get3A = arith.index_cast %arg0 : i32 to index
    %get3A_0 = memref.load %arg1[%get3A] : memref<24xi32, #tpu.memory_space<smem>>
    %c0_i32 = arith.constant 0 : i32
    %c0_i32_1 = arith.constant 0 : i32
    %c0_i32_2 = arith.constant 0 : i32
    return %get3A_0, %c0_i32, %c0_i32_1 : i32, i32, i32
  }
  func.func @transform_6(%arg0: i32, %arg1: memref<24xi32, #tpu.memory_space<smem>>) -> (i32, i32, i32) {
    %get3A = arith.index_cast %arg0 : i32 to index
    %get3A_0 = memref.load %arg1[%get3A] : memref<24xi32, #tpu.memory_space<smem>>
    %c0_i32 = arith.constant 0 : i32
    %c0_i32_1 = arith.constant 0 : i32
    %c0_i32_2 = arith.constant 0 : i32
    return %get3A_0, %c0_i32, %c0_i32_1 : i32, i32, i32
  }
  func.func @transform_7(%arg0: i32, %arg1: memref<24xi32, #tpu.memory_space<smem>>) -> (i32, i32, i32) {
    %get3A = arith.index_cast %arg0 : i32 to index
    %get3A_0 = memref.load %arg1[%get3A] : memref<24xi32, #tpu.memory_space<smem>>
    %c0_i32 = arith.constant 0 : i32
    %c0_i32_1 = arith.constant 0 : i32
    %c0_i32_2 = arith.constant 0 : i32
    return %get3A_0, %c0_i32, %c0_i32_1 : i32, i32, i32
  }
  func.func @transform_8(%arg0: i32, %arg1: memref<24xi32, #tpu.memory_space<smem>>) -> (i32, i32) {
    %c0_i32 = arith.constant 0 : i32
    %c0_i32_0 = arith.constant 0 : i32
    return %arg0, %c0_i32 : i32, i32
  }
}

</mosaic_0001>

<sc_bundles>
// kernel: kernel.11.cloned.1.call-start
scs
__scs_entry_jumppad:
0x0: {  	(pc) =	sbr.rel $0x88, $3  }
0x1: {  	(tag) =	ssettag $0x0;
	lr =	simm.s32 $0x1  }
0x2: {  	[smem:$0x3F97] =	sst lr;
	_ =	strace $0xD0000000  }
0x3: {  	_ = 	snop  }
0x4: {  	_ = 	snop  }
0x5: {  	_ = 	snop  }
0x6: {  	_ = 	snop  }
0x7: {  	_ = 	snop  }
__scs_overlays_trampoline_lowered:
0x8: {  	[smem:$0x3FA6] =	sst s0  }
0x9: {  	[smem:$0x3FA7] =	sst s1  }
0xa: {  	[smem:$0x3FA8] =	sst s2  }
0xb: {  	[smem:$0x3FA9] =	sst s3  }
0xc: {  	[smem:$0x3FAA] =	sst s4  }
0xd: {  	[smem:$0x3FAB] =	sst s5  }
0xe: {  	[smem:$0x3FAC] =	sst s6  }
0xf: {  	[smem:$0x3FAD] =	sst s7  }
0x10: {  	[smem:$0x3FAE] =	sst s8  }
0x11: {  	[smem:$0x3FAF] =	sst s9;
	s0 =	simm.s32 @!p0 $0x0  }
0x12: {  	s1 =	sld [smem:$0x3F95];
	s0 =	simm.s32 @p0 $0x1  }
0x13: {  	[smem:$0x3FB0] =	sst s0;
	s0 =	simm.s32 @!p1 $0x0  }
0x14: {  	s2 =	sld [smem:$0x3F94];
	s0 =	simm.s32 @p1 $0x1  }
0x15: {  	[smem:$0x3FB1] =	sst s0;
	s0 =	simm.s32 @!p2 $0x0  }
0x16: {  	s3 =	sld [smem:$0x3FDB];
	s0 =	simm.s32 @p2 $0x1  }
0x17: {  	s4 =	simm.s32 $0x1BF5;
	[smem:$0x3FB3] =	sst s0  }
0x18: {  	s0 =	sld [smem:$0x3F96];
	_ =	swait.ge [sflag:s4], $0x0  }
0x19: {  	s7 =	sld [smem:$0x3F97]  }
0x1a: {  	s8 =	sadd.s32 $0xFFFFE003, lr  }
0x1b: {  	s9 =	sadd.s32 $0xFFFFFEF7, lr;
	s5 =	simm.s32 $0xFFFFFFFF;
	p2 =	slt.u32 s8, $0xFFFFF086  }
0x1c: {  	p1 =	slt.u32 s9, $0xF7A;
	s5 =	simm.s32 @!p2 $0x0  }
0x1d: {  	s5 =	simm.s32 @p1 $0x1;
	p0 =	seq.s32 s7, s2  }
0x1e: {  	s7 =	smul.u32 @!p0 $0xF7A, s2;
	p2 =	seq.s32 @!p0 s5, $0x0  }
0x1f: {  	s9 =	smul.u32 $0xF7A, s1;
	s8 =	simm.s32 @!p0 $0x1BF5;
	p2 =	por !p2, p0  }
0x20: {  	[sflag:s8] =	ssyncset.s32 @!p0 $0xFFFFF086;
	s6 =	sadd.s32 @!p0 s3, s7;
	s7 =	simm.s32 @!p0 $0x108  }
0x21: {  	s3 =	sadd.s32 s3, s9;
	s6 =	sadd.s32 @!p0 $0x88, s6;
	s7 =	simm.s32 @p2 $0x1082  }
0x22: {  	[simem:s7], [sflag:s8] =	dma.local @!p0 [hbm:s6], $0xF7A  }
0x23: {  	s9 =	sor.u32 $0xD0000000, s2;
	s6 =	simm.s32 $0x108;
	_ =	swait.ge @!p0 [sflag:s8], $0x0  }
0x24: {  	s3 =	sadd.s32 $0x88, s3;
	s6 =	simm.s32 @!p1 $0x1082;
	[sflag:s4] =	ssyncset.s32 $0xFFFFF086  }
0x25: {  	[simem:s6], [sflag:s4] =	dma.local [hbm:s3], $0xF7A  }
0x26: {  	[smem:$0x3F97] =	sst s1;
	(tag) =	ssettag s2;
	_ =	strace s9  }
0x27: {  	s1 =	sld [smem:$0x3FA7]  }
0x28: {  	s2 =	sld [smem:$0x3FA8]  }
0x29: {  	s4 =	sld [smem:$0x3FAA]  }
0x2a: {  	p0 =	seq.s32 s5, $0x0;
	s5 =	sld [smem:$0x3FAB]  }
0x2b: {  	s6 =	sld [smem:$0x3FAC]  }
0x2c: {  	s7 =	sld [smem:$0x3FAD]  }
0x2d: {  	s3 =	simm.s32 $0x108;
	s8 =	sld [smem:$0x3FAE]  }
0x2e: {  	s3 =	simm.s32 @!p0 $0x1082;
	s9 =	sld [smem:$0x3FAF]  }
0x2f: {  	lr =	sadd.s32 s0, s3;
	s0 =	sld [smem:$0x3FA6]  }
0x30: {  	s3 =	sld [smem:$0x3FA9]  }
0x31: {  	[smem:$0x3FB2] =	sst s10  }
0x32: {  	s10 =	sld [smem:$0x3FB0];
	_ =	sdelay $0x3  }
0x33: {  	p0 =	seq.s32 s10, $0x1;
	s10 =	sld [smem:$0x3FB2];
	_ =	sdelay $0x3  }
0x34: {  	[smem:$0x3FB2] =	sst s10  }
0x35: {  	s10 =	sld [smem:$0x3FB1];
	_ =	sdelay $0x3  }
0x36: {  	p1 =	seq.s32 s10, $0x1;
	s10 =	sld [smem:$0x3FB2];
	_ =	sdelay $0x3  }
0x37: {  	[smem:$0x3FB2] =	sst s10  }
0x38: {  	s10 =	sld [smem:$0x3FB3]  }
0x39: {  	_ = 	snop;
	(pc) =	sbr.ind lr, $3  }
0x3a: {  	_ = 	snop  }
0x3b: {  	_ = 	snop  }
0x3c: {  	p2 =	seq.s32 s10, $0x1;
	s10 =	sld [smem:$0x3FB2]  }
0x3d: {  	_ =	shalt  }
0x3e: {  	_ =	shalt  }
0x3f: {  	_ =	shalt  }
0x40: {  	_ =	shalt  }
0x41: {  	_ =	shalt  }
0x42: {  	_ =	shalt  }
0x43: {  	_ =	shalt  }
0x44: {  	_ =	shalt  }
0x45: {  	_ =	shalt  }
0x46: {  	_ =	shalt  }
0x47: {  	_ =	shalt  }
0x48: {  	_ =	shalt  }
0x49: {  	_ =	shalt  }
0x4a: {  	_ =	shalt  }
0x4b: {  	_ =	shalt  }
0x4c: {  	_ =	shalt  }
0x4d: {  	_ =	shalt  }
0x4e: {  	_ =	shalt  }
0x4f: {  	_ =	shalt  }
0x50: {  	_ =	shalt  }
0x51: {  	_ =	shalt  }
0x52: {  	_ =	shalt  }
0x53: {  	_ =	shalt  }
0x54: {  	_ =	shalt  }
0x55: {  	_ =	shalt  }
0x56: {  	_ =	shalt  }
0x57: {  	_ =	shalt  }
0x58: {  	_ =	shalt  }
0x59: {  	_ =	shalt  }
0x5a: {  	_ =	shalt  }
0x5b: {  	_ =	shalt  }
0x5c: {  	_ =	shalt  }
0x5d: {  	_ =	shalt  }
0x5e: {  	_ =	shalt  }
0x5f: {  	_ =	shalt  }
0x60: {  	_ =	shalt  }
0x61: {  	_ =	shalt  }
0x62: {  	_ =	shalt  }
0x63: {  	_ =	shalt  }
0x64: {  	_ =	shalt  }
0x65: {  	_ =	shalt  }
0x66: {  	_ =	shalt  }
0x67: {  	_ =	shalt  }
0x68: {  	_ =	shalt  }
0x69: {  	_ =	shalt  }
0x6a: {  	_ =	shalt  }
0x6b: {  	_ =	shalt  }
0x6c: {  	_ =	shalt  }
0x6d: {  	_ =	shalt  }
0x6e: {  	_ =	shalt  }
0x6f: {  	_ =	shalt  }
0x70: {  	_ =	shalt  }
0x71: {  	_ =	shalt  }
0x72: {  	_ =	shalt  }
0x73: {  	_ =	shalt  }
0x74: {  	_ =	shalt  }
0x75: {  	_ =	shalt  }
0x76: {  	_ =	shalt  }
0x77: {  	_ =	shalt  }
0x78: {  	_ =	shalt  }
0x79: {  	_ =	shalt  }
0x7a: {  	_ =	shalt  }
0x7b: {  	_ =	shalt  }
0x7c: {  	_ =	shalt  }
0x7d: {  	_ =	shalt  }
0x7e: {  	_ =	shalt  }
0x7f: {  	_ =	shalt  }
0x80: {  	_ =	shalt  }
0x81: {  	_ =	shalt  }
0x82: {  	_ =	shalt  }
0x83: {  	_ =	shalt  }
0x84: {  	_ =	shalt  }
0x85: {  	_ =	shalt  }
0x86: {  	_ =	shalt  }
0x87: {  	_ =	shalt  }
.Lfunc_end0:
.L_simem_size_0:
called_computation.1_lowered:
.L_overlay_start_0:
0x88: {  	s2 =	sld [smem:$0x3FD9]  }
0x89: {  	s3 =	sld [smem:$0x3FFE];
	_ =	sdelay $0x1  }
0x8a: {  	s1 =	srdreg.scid  }
0x8b: {  	s0 =	sand.u32 $0x1, s1  }
0x8c: {  	s14 =	sshll.u32 s0, $0xA;
	s2 =	sadd.s32 s3, s2  }
0x8d: {  	s2 =	sadd.s32 s2, s14  }
0x8e: {  	[smem:$0x3FBE] =	sst s2  }
0x8f: {  	_ = 	snop  }
0x90: {  	s2 =	sld [smem:$0x3FD0];
	_ =	sdelay $0x2  }
0x91: {  	s15 =	simm.s32 $0xA;
	s4 =	simm.s32 $0x10  }
0x92: {  	[smem:s4], [sflag:s15] =	dma.local [hbm:s2], $0x1  }
0x93: {  	_ =	swait.eq [sflag:s15], $0x1  }
0x94: {  	[sflag:s15] =	ssyncset.done $0x0  }
0x95: {  	s16 =	sld [smem:$0x10];
	[sflag:s15] =	ssyncadd.s32 $0xFFFFFFFF  }
0x96: {  	s17 =	sld [smem:$0x11];
	(tm) =	ssettm $0x1  }
0x97: {  	s18 =	sld [smem:$0x3FFB];
	_ =	sdelay $0x3  }
0x98: {  	_ =	strace s18  }
0x99: {  	s4 =	sld [smem:$0x3FFC];
	_ =	sdelay $0x3  }
0x9a: {  	_ =	strace s4  }
0x9b: {  	s4 =	sld [smem:$0x3FFD];
	_ =	sdelay $0x3  }
0x9c: {  	_ =	strace s4  }
0x9d: {  	_ =	strace $0x8FFFFFFF  }
0x9e: {  	s19 =	sld [smem:$0x3FDB];
	_ =	sdelay $0x1  }
0x9f: {  	s5 =	simm.s32 $_scs_section_size  }
0xa0: {  	s6 =	simm.s32 $_size__tile_overlayer_lowered;
	s7 =	simm.s32 $_tile_overlayer_lowered  }
0xa1: {  	s22 =	simm.s32 $0x1BFF;
	s21 =	sshll.u32 s7, $0x1;
	s4 =	sadd.s32 s5, s19  }
0xa2: {  	s8 =	simm.s32 $0x0;
	s20 =	sshll.u32 s6, $0x1;
	s6 =	sadd.s32 s21, s4  }
0xa3: {  	[timem:s8], [sflag:s22] =	dma.local [hbm:s6], s20  }
0xa4: {  	_ =	swait.ge [sflag:s22], s20  }
0xa5: {  	s5 =	ssub.s32 $0x0, s20;
	[sflag:s22] =	ssyncset.done $0x0  }
0xa6: {  	[sflag:s22] =	ssyncadd.s32 s5;
	_ =	sdelay $0x1  }
0xa7: {  	s23 =	simm.s32 $0x1B8B  }
0xa8: {  	_ =	swait.ge [sflag:s23], $0x1  }
0xa9: {  	[sflag:s23] =	ssyncset.done $0x0  }
0xaa: {  	s25 =	simm.s32 $0x1B8E;
	s24 =	sld [smem:$0x3FFE];
	[sflag:s23] =	ssyncadd.s32 $0xFFFFFFFF  }
0xab: {  	s26 =	simm.s32 $execute0_lowered;
	[smem:$0x3FD2] =	sst s25  }
0xac: {  	s6 =	sshll.u32 s26, $0x1;
	_ =	strace $0x80000069;
	[dreg:$0x1] =	wrdreg $0xFFFFFFFF  }
0xad: {  	s28 =	simm.s32 $_size_execute0_lowered;
	s4 =	sadd.s32 s4, s6;
	[dreg:$0x0] =	wrdreg $0x0  }
0xae: {  	s6 =	sshll.u32 s28, $0x1;
	[dreg:$0x2] =	wrdreg s4  }
0xaf: {  	[dreg:$0x3] =	wrdreg s6  }
0xb0: {  	[dreg:$0x4] =	wrdreg $0xC0  }
0xb1: {  	_ =	task [dreg:s8], $0x5FFFF  }
0xb2: {  	[dreg:$0x1] =	wrdreg $0xFFFFFFFF  }
0xb3: {  	[dreg:$0x0] =	wrdreg $0x60  }
0xb4: {  	[dreg:$0x2] =	wrdreg s24  }
0xb5: {  	[dreg:$0x3] =	wrdreg s16  }
0xb6: {  	[dreg:$0x4] =	wrdreg s17  }
0xb7: {  	[dreg:$0x5] =	wrdreg $0x9  }
0xb8: {  	_ =	task.clear_ibuf [dreg:s8], $0x6FFFF;
	_ =	strace $0x90000069  }
0xb9: {  	s29 =	simm.s32 $0x9;
	_ =	strace $0x8000006B  }
0xba: {  	_ =	swait.ge [sflag:s29], $0x1  }
0xbb: {  	[sflag:s29] =	ssyncadd.s32 $0xFFFFFFFF  }
0xbc: {  	_ =	strace $0x9000006B  }
0xbd: {  	_ =	sfence  }
0xbe: {  	s30 =	sld [smem:$0x0];
	_ =	sdelay $0x2  }
0xbf: {  	s31 =	sshll.u32 s1, $0xD;
	s1 =	sshrl.u32 s1, $0x2  }
0xc0: {  	s3 =	sand.u32 $0x4000, s31;
	s1 =	sadd.s32 s1, s30  }
0xc1: {  	s0 =	sor.u32 s3, s0;
	s1 =	sshll.u32 s1, $0x11  }
0xc2: {  	s0 =	sor.u32 s1, s0  }
0xc3: {  	s0 =	sadd.s32 $0x8F2B, s0  }
0xc4: {  	[sflag:s0] =	ssyncadd.remote.s32 $0x1  }
0xc5: {  	_ =	sfence.sel $0xFFFF  }
0xc6: {  	[dreg:$0x0] =	wrdreg $0xFFFFFFFF;
	(pc) =	sbr.abs _section_cstart, $3  }
0xc7: {  	[dreg:$0x1] =	wrdreg $0xFFFFFFFF  }
0xc8: {  	_ =	task.clear_ibuf [dreg:s8], $0x2FFFF;
	_ =	strace $0x9FFFFFFF  }
0xc9: {  	(tm) =	ssettm $0x7FFFFFFF  }
tec
execute0_lowered:
.L_overlay_start_1:
0x0: {  	(tag) =	ssettag $0x1  }
0x1: {  	s6 =	rddreg [dreg:$0x0]  }
0x2: {  	s7 =	rddreg [dreg:$0x1]  }
0x3: {  	s0 =	rddreg [dreg:$0x2]  }
0x4: {  	s2 =	simm.s32 $0x0;
	s1 =	srdreg.scid;
	s13 =	stileid.u32  }
0x5: {  	s31 =	simm.s32 $0x100;
	[smem:$0x7FF] =	sst s2;
	s1 =	sand.u32 $0x1, s1  }
0x6: {  	s4 =	sshll.u32 s13, $0x1;
	s3 =	sadd.s32 $0xC2A00, s6;
	s9 =	sadd.s32 $0x2200, s6  }
0x7: {  	p0 =	sgt.u32 s13, $0x7;
	_ =	strace $0x8000006A;
	s10 =	sor.u32 s1, s4  }
0x8: {  	s1 =	ssub.s32 $0x2, s1;
	s11 =	sshll.u32 s10, $0x8;
	s4 =	sshll.u32 s10, $0x5  }
0x9: {  	s5 =	sshrl.u32 s1, $0x1;
	s4 =	sadd.s32 s9, s4;
	s12 =	sor.u32 $0x20, s11  }
0xa: {  	s1 =	ssub.s32 s1, s5;
	s5 =	sadd.s32 $0xC2C00, s6;
	s14 =	sor.u32 $0x40, s11  }
0xb: {  	s16 =	sor.u32 $0x60, s11;
	s18 =	sor.u32 $0x80, s11;
	s24 =	sor.u32 $0xA0, s11  }
0xc: {  	[dreg:$0x4] =	wrdreg s4;
	s8 =	sshrl.u32 s12, $0x3;
	s4 =	sadd.s32 $0xC2B00, s6  }
0xd: {  	s6 =	sadd.s32 $0xC2D00, s6;
	s15 =	sshrl.u32 s14, $0x3;
	s12 =	sshll.u32 s12, $0x7  }
0xe: {  	s17 =	sshrl.u32 s16, $0x3;
	s14 =	sshll.u32 s14, $0x7;
	s19 =	sshrl.u32 s18, $0x3  }
0xf: {  	s16 =	sshll.u32 s16, $0x7;
	s18 =	sshll.u32 s18, $0x7;
	s8 =	sadd.s32 s9, s8  }
0x10: {  	s15 =	sadd.s32 s9, s15;
	s12 =	sadd.s32 s7, s12;
	s17 =	sadd.s32 s9, s17  }
0x11: {  	s14 =	sadd.s32 s7, s14;
	s19 =	sadd.s32 s9, s19;
	[dreg:$0x5] =	wrdreg s8  }
0x12: {  	s16 =	sadd.s32 s7, s16;
	s18 =	sadd.s32 s7, s18;
	[dreg:$0x6] =	wrdreg s15  }
0x13: {  	s8 =	sshll.u32 s10, $0x12;
	s10 =	sshll.u32 s10, $0xF;
	[dreg:$0x7] =	wrdreg s17  }
0x14: {  	[dreg:$0x8] =	wrdreg s19;
	s19 =	sshll.u32 s24, $0x7;
	s21 =	sadd.s32 $0xFFC00000, s8  }
0x15: {  	s10 =	sadd.s32 s7, s10;
	s22 =	sadd.s32 $0xFFC08000, s8;
	s23 =	sadd.s32 $0xFFC10000, s8  }
0x16: {  	s20 =	sadd.s32 $0xFFC18000, s8;
	s28 =	sadd.s32 $0xFFC28000, s8;
	s19 =	sadd.s32 s7, s19  }
0x17: {  	s30 =	sadd.s32 $0xFFC30000, s8;
	s13 =	sshrl.u32 s21, $0x3;
	s15 =	sshrl.u32 s22, $0x3  }
0x18: {  	s17 =	sshrl.u32 s23, $0x3;
	s21 =	sshrl.u32 s24, $0x3;
	s20 =	sshrl.u32 s20, $0x3  }
0x19: {  	s22 =	sor.u32 $0xC0, s11;
	s11 =	sor.u32 $0xE0, s11;
	s23 =	sadd.s32 $0xFFC20000, s8  }
0x1a: {  	s8 =	sadd.s32 $0xFFC38000, s8;
	s13 =	sadd.s32 s0, s13;
	s15 =	sadd.s32 s0, s15  }
0x1b: {  	s17 =	sadd.s32 s0, s17;
	s21 =	sadd.s32 s9, s21;
	s20 =	sadd.s32 s0, s20  }
0x1c: {  	s25 =	sshrl.u32 s22, $0x3;
	s26 =	sshrl.u32 s11, $0x3;
	s23 =	sshrl.u32 s23, $0x3  }
0x1d: {  	s29 =	sshll.u32 s22, $0x7;
	s11 =	sshll.u32 s11, $0x7;
	s8 =	sshrl.u32 s8, $0x3  }
0x1e: {  	s22 =	simm.s32 $0x4;
	[dreg:$0x9] =	wrdreg s21;
	s21 =	sadd.s32 s9, s25  }
0x1f: {  	s9 =	sadd.s32 s9, s26;
	s23 =	sadd.s32 s0, s23;
	[dreg:$0xa] =	wrdreg s21  }
0x20: {  	s11 =	sadd.s32 s7, s11;
	s10 =	smov.u32 @p0 s13;
	[dreg:$0xb] =	wrdreg s9  }
0x21: {  	s12 =	smov.u32 @p0 s15;
	s14 =	smov.u32 @p0 s17;
	[dreg:$0xc] =	wrdreg s10  }
0x22: {  	s16 =	smov.u32 @p0 s20;
	s26 =	simm.s32 $0x8100;
	[dreg:$0xd] =	wrdreg s12  }
0x23: {  	s20 =	simm.s32 $0x3;
	s21 =	sshrl.u32 s28, $0x3;
	[dreg:$0xe] =	wrdreg s14  }
0x24: {  	s9 =	sadd.s32 s7, s29;
	s7 =	sshrl.u32 s30, $0x3;
	[dreg:$0xf] =	wrdreg s16  }
0x25: {  	s18 =	smov.u32 @p0 s23;
	s21 =	sadd.s32 s0, s21;
	s7 =	sadd.s32 s0, s7  }
0x26: {  	[dreg:$0x10] =	wrdreg s18;
	s0 =	sadd.s32 s0, s8;
	s19 =	smov.u32 @p0 s21  }
0x27: {  	v2 =	vlaneseq.u32;
	s8 =	simm.s32 $0x5;
	s9 =	smov.u32 @p0 s7;
	[dreg:$0x11] =	wrdreg s19  }
0x28: {  	vm0 =	vmmov $0xffff;
	v1 =	vshrl.u32 v2, $0x3;
	s7 =	smax.u32 s1, $0x1;
	s11 =	smov.u32 @p0 s0;
	[dreg:$0x12] =	wrdreg s9  }
0x29: {  	v0 =	vand.u32 $0x7, v2;
	v2 =	vor.u32 $0x8, v2;
	v1 =	vmul.u32 $0x8, v1;
	s21 =	simm.s32 $0x2;
	[dreg:$0x13] =	wrdreg s11;
	s19 =	simm.s32 $0x1  }
.LBB2_1:
0x2a: {  	s23 =	rddreg [dreg:$0x4]  }
0x2b: {  	[tilespmem:s2], [sflag:$0x5] =	stream.linear.gather [hbm4b:s23+s2], $0x20, $0x38;
	[tilespmem:$0x10100] =	vst v63  }
0x2c: {  	_ =	swait.ge [sflag:s8], $0x20  }
0x2d: {  	[sflag:s8] =	ssyncset.done $0x0  }
0x2e: {  	[sflag:s8] =	ssyncadd.s32 $0xFFFFFFE0  }
0x2f: {  	v3 =	vld [tilespmem:$0x0];
	_ =	sdelay $0x4  }
0x30: {  	v4 =	vshll.u32 v3, $0x3  }
0x31: {  	v3 =	vand.u32 $0x7, v3;
	v4 =	vand.u32 $0xFFFFFFC0, v4  }
0x32: {  	v3 =	vor.u32 v3, v4  }
0x33: {  	v4 =	vperm.xlane v3, v0;
	_ =	sdelay $0x1  }
0x34: {  	v4 =	vadd.s32 v1, v4;
	_ =	sdelay $0x4  }
0x35: {  	[tilespmem:s31], [sflag:$0x1] =	stream.indirect_vreg.gather [hbm4b:s3+s2], $0x80, v4, vm0, $0xb8;
	[tilespmem:$0x10100] =	vst v63  }
0x36: {  	s0 =	simm.s32 $0x900;
	v3 =	vperm.xlane v3, v2  }
0x37: {  	[tilespmem:s0], [sflag:$0x1] =	stream.indirect_vreg.gather [hbm4b:s4+s2], $0x80, v4, vm0, $0xb8;
	[tilespmem:$0x10100] =	vst v63  }
0x38: {  	s10 =	simm.s32 $0x1100;
	v3 =	vadd.s32 v1, v3  }
0x39: {  	[tilespmem:s10], [sflag:$0x1] =	stream.indirect_vreg.gather [hbm4b:s5+s2], $0x80, v4, vm0, $0xb8;
	[tilespmem:$0x10100] =	vst v63  }
0x3a: {  	s11 =	simm.s32 $0x1900  }
0x3b: {  	[tilespmem:s11], [sflag:$0x1] =	stream.indirect_vreg.gather [hbm4b:s6+s2], $0x80, v4, vm0, $0xb8;
	[tilespmem:$0x10100] =	vst v63  }
0x3c: {  	s12 =	simm.s32 $0x2100  }
0x3d: {  	[tilespmem:s12], [sflag:$0x1] =	stream.indirect_vreg.gather [hbm4b:s3+s2], $0x80, v3, vm0, $0xb8;
	[tilespmem:$0x10100] =	vst v63  }
0x3e: {  	s13 =	simm.s32 $0x2900  }
0x3f: {  	[tilespmem:s13], [sflag:$0x1] =	stream.indirect_vreg.gather [hbm4b:s4+s2], $0x80, v3, vm0, $0xb8;
	[tilespmem:$0x10100] =	vst v63  }
0x40: {  	s14 =	simm.s32 $0x3100  }
0x41: {  	[tilespmem:s14], [sflag:$0x1] =	stream.indirect_vreg.gather [hbm4b:s5+s2], $0x80, v3, vm0, $0xb8;
	[tilespmem:$0x10100] =	vst v63  }
0x42: {  	s15 =	simm.s32 $0x3900  }
0x43: {  	[tilespmem:s15], [sflag:$0x1] =	stream.indirect_vreg.gather [hbm4b:s6+s2], $0x80, v3, vm0, $0xb8;
	[tilespmem:$0x10100] =	vst v63  }
0x44: {  	v3 =	vld [tilespmem:$0x10];
	_ =	sdelay $0x4  }
0x45: {  	v49 =	vshll.u32 v3, $0x3  }
0x46: {  	v3 =	vand.u32 $0x7, v3;
	v4 =	vand.u32 $0xFFFFFFC0, v49  }
0x47: {  	v3 =	vor.u32 v3, v4  }
0x48: {  	v4 =	vperm.xlane v3, v0;
	_ =	sdelay $0x1  }
0x49: {  	v4 =	vadd.s32 v1, v4;
	_ =	sdelay $0x3  }
0x4a: {  	s16 =	simm.s32 $0x4100  }
0x4b: {  	[tilespmem:s16], [sflag:$0x1] =	stream.indirect_vreg.gather [hbm4b:s3+s2], $0x80, v4, vm0, $0xb8;
	[tilespmem:$0x10100] =	vst v63  }
0x4c: {  	s17 =	simm.s32 $0x4900;
	v3 =	vperm.xlane v3, v2  }
0x4d: {  	[tilespmem:s17], [sflag:$0x1] =	stream.indirect_vreg.gather [hbm4b:s4+s2], $0x80, v4, vm0, $0xb8;
	[tilespmem:$0x10100] =	vst v63  }
0x4e: {  	s18 =	simm.s32 $0x5100;
	v3 =	vadd.s32 v1, v3  }
0x4f: {  	[tilespmem:s18], [sflag:$0x1] =	stream.indirect_vreg.gather [hbm4b:s5+s2], $0x80, v4, vm0, $0xb8;
	[tilespmem:$0x10100] =	vst v63  }
0x50: {  	s23 =	simm.s32 $0x5900  }
0x51: {  	[tilespmem:s23], [sflag:$0x1] =	stream.indirect_vreg.gather [hbm4b:s6+s2], $0x80, v4, vm0, $0xb8;
	[tilespmem:$0x10100] =	vst v63  }
0x52: {  	s24 =	simm.s32 $0x6100  }
0x53: {  	[tilespmem:s24], [sflag:$0x1] =	stream.indirect_vreg.gather [hbm4b:s3+s2], $0x80, v3, vm0, $0xb8;
	[tilespmem:$0x10100] =	vst v63  }
0x54: {  	s25 =	simm.s32 $0x6900  }
0x55: {  	[tilespmem:s25], [sflag:$0x1] =	stream.indirect_vreg.gather [hbm4b:s4+s2], $0x80, v3, vm0, $0xb8;
	[tilespmem:$0x10100] =	vst v63  }
0x56: {  	s28 =	simm.s32 $0x7100  }
0x57: {  	[tilespmem:s28], [sflag:$0x1] =	stream.indirect_vreg.gather [hbm4b:s5+s2], $0x80, v3, vm0, $0xb8;
	[tilespmem:$0x10100] =	vst v63  }
0x58: {  	s30 =	simm.s32 $0x7900  }
0x59: {  	[tilespmem:s30], [sflag:$0x1] =	stream.indirect_vreg.gather [hbm4b:s6+s2], $0x80, v3, vm0, $0xb8;
	[tilespmem:$0x10100] =	vst v63  }
0x5a: {  	s9 =	simm.s32 $0x80;
	s29 =	rddreg [dreg:$0x5]  }
0x5b: {  	[tilespmem:s9], [sflag:$0x5] =	stream.linear.gather [hbm4b:s29+s2], $0x20, $0x38;
	[tilespmem:$0x10100] =	vst v63  }
0x5c: {  	_ =	swait.ge [sflag:s8], $0x20  }
0x5d: {  	[sflag:s8] =	ssyncset.done $0x0  }
0x5e: {  	[sflag:s8] =	ssyncadd.s32 $0xFFFFFFE0  }
0x5f: {  	v3 =	vld [tilespmem:$0x80];
	_ =	sdelay $0x4  }
0x60: {  	v50 =	vshll.u32 v3, $0x3  }
0x61: {  	v3 =	vand.u32 $0x7, v3;
	v4 =	vand.u32 $0xFFFFFFC0, v50  }
0x62: {  	v3 =	vor.u32 v3, v4  }
0x63: {  	v4 =	vperm.xlane v3, v0;
	_ =	sdelay $0x1  }
0x64: {  	v4 =	vadd.s32 v1, v4;
	_ =	sdelay $0x4  }
0x65: {  	[tilespmem:s26], [sflag:$0x2] =	stream.indirect_vreg.gather [hbm4b:s3+s2], $0x80, v4, vm0, $0xb8;
	[tilespmem:$0x10100] =	vst v63  }
0x66: {  	s10 =	simm.s32 $0x8900;
	v3 =	vperm.xlane v3, v2  }
0x67: {  	[tilespmem:s10], [sflag:$0x2] =	stream.indirect_vreg.gather [hbm4b:s4+s2], $0x80, v4, vm0, $0xb8;
	[tilespmem:$0x10100] =	vst v63  }
0x68: {  	s11 =	simm.s32 $0x9100;
	v3 =	vadd.s32 v1, v3  }
0x69: {  	[tilespmem:s11], [sflag:$0x2] =	stream.indirect_vreg.gather [hbm4b:s5+s2], $0x80, v4, vm0, $0xb8;
	[tilespmem:$0x10100] =	vst v63  }
0x6a: {  	s15 =	simm.s32 $0x9900  }
0x6b: {  	[tilespmem:s15], [sflag:$0x2] =	stream.indirect_vreg.gather [hbm4b:s6+s2], $0x80, v4, vm0, $0xb8;
	[tilespmem:$0x10100] =	vst v63  }
0x6c: {  	s16 =	simm.s32 $0xA100  }
0x6d: {  	[tilespmem:s16], [sflag:$0x2] =	stream.indirect_vreg.gather [hbm4b:s3+s2], $0x80, v3, vm0, $0xb8;
	[tilespmem:$0x10100] =	vst v63  }
0x6e: {  	s17 =	simm.s32 $0xA900  }
0x6f: {  	[tilespmem:s17], [sflag:$0x2] =	stream.indirect_vreg.gather [hbm4b:s4+s2], $0x80, v3, vm0, $0xb8;
	[tilespmem:$0x10100] =	vst v63  }
0x70: {  	s24 =	simm.s32 $0xB100  }
0x71: {  	[tilespmem:s24], [sflag:$0x2] =	stream.indirect_vreg.gather [hbm4b:s5+s2], $0x80, v3, vm0, $0xb8;
	[tilespmem:$0x10100] =	vst v63  }
0x72: {  	s28 =	simm.s32 $0xB900  }
0x73: {  	[tilespmem:s28], [sflag:$0x2] =	stream.indirect_vreg.gather [hbm4b:s6+s2], $0x80, v3, vm0, $0xb8;
	[tilespmem:$0x10100] =	vst v63  }
0x74: {  	v3 =	vld [tilespmem:$0x90];
	_ =	sdelay $0x4  }
0x75: {  	v51 =	vshll.u32 v3, $0x3  }
0x76: {  	v3 =	vand.u32 $0x7, v3;
	v4 =	vand.u32 $0xFFFFFFC0, v51  }
0x77: {  	v3 =	vor.u32 v3, v4  }
0x78: {  	v4 =	vperm.xlane v3, v0;
	_ =	sdelay $0x1  }
0x79: {  	v4 =	vadd.s32 v1, v4;
	_ =	sdelay $0x3  }
0x7a: {  	s29 =	simm.s32 $0xC100  }
0x7b: {  	[tilespmem:s29], [sflag:$0x2] =	stream.indirect_vreg.gather [hbm4b:s3+s2], $0x80, v4, vm0, $0xb8;
	[tilespmem:$0x10100] =	vst v63  }
0x7c: {  	s30 =	simm.s32 $0xC900;
	v3 =	vperm.xlane v3, v2  }
0x7d: {  	[tilespmem:s30], [sflag:$0x2] =	stream.indirect_vreg.gather [hbm4b:s4+s2], $0x80, v4, vm0, $0xb8;
	[tilespmem:$0x10100] =	vst v63  }
0x7e: {  	s0 =	simm.s32 $0xD100;
	v3 =	vadd.s32 v1, v3  }
0x7f: {  	[tilespmem:s0], [sflag:$0x2] =	stream.indirect_vreg.gather [hbm4b:s5+s2], $0x80, v4, vm0, $0xb8;
	[tilespmem:$0x10100] =	vst v63  }
0x80: {  	s9 =	simm.s32 $0xD900  }
0x81: {  	[tilespmem:s9], [sflag:$0x2] =	stream.indirect_vreg.gather [hbm4b:s6+s2], $0x80, v4, vm0, $0xb8;
	[tilespmem:$0x10100] =	vst v63  }
0x82: {  	s10 =	simm.s32 $0xE100  }
0x83: {  	[tilespmem:s10], [sflag:$0x2] =	stream.indirect_vreg.gather [hbm4b:s3+s2], $0x80, v3, vm0, $0xb8;
	[tilespmem:$0x10100] =	vst v63  }
0x84: {  	s11 =	simm.s32 $0xE900  }
0x85: {  	[tilespmem:s11], [sflag:$0x2] =	stream.indirect_vreg.gather [hbm4b:s4+s2], $0x80, v3, vm0, $0xb8;
	[tilespmem:$0x10100] =	vst v63  }
0x86: {  	s15 =	simm.s32 $0xF100  }
0x87: {  	[tilespmem:s15], [sflag:$0x2] =	stream.indirect_vreg.gather [hbm4b:s5+s2], $0x80, v3, vm0, $0xb8;
	[tilespmem:$0x10100] =	vst v63  }
0x88: {  	s16 =	simm.s32 $0xF900  }
0x89: {  	[tilespmem:s16], [sflag:$0x2] =	stream.indirect_vreg.gather [hbm4b:s6+s2], $0x80, v3, vm0, $0xb8;
	[tilespmem:$0x10100] =	vst v63  }
0x8a: {  	_ =	swait.ge [sflag:s19], $0x8000  }
0x8b: {  	[sflag:s19] =	ssyncset.done $0x0  }
0x8c: {  	s17 =	rddreg [dreg:$0xc];
	[sflag:s19] =	ssyncadd.s32 $0xFFFF8000  }
0x8d: {  	[hbm4b:s17+s2] =	stream.linear.scatter [tilespmem:s31], [sflag:$0x3], $0x8000, $0x38;
	[tilespmem:$0x10100] =	vst v63  }
0x8e: {  	s24 =	rddreg [dreg:$0x6]  }
0x8f: {  	[tilespmem:s2], [sflag:$0x5] =	stream.linear.gather [hbm4b:s24+s2], $0x20, $0x38;
	[tilespmem:$0x10100] =	vst v63  }
0x90: {  	_ =	swait.ge [sflag:s8], $0x20  }
0x91: {  	[sflag:s8] =	ssyncset.done $0x0  }
0x92: {  	[sflag:s8] =	ssyncadd.s32 $0xFFFFFFE0  }
0x93: {  	_ =	swait.ge [sflag:s20], $0x8000  }
0x94: {  	[sflag:s20] =	ssyncset.done $0x0  }
0x95: {  	[sflag:s20] =	ssyncadd.s32 $0xFFFF8000  }
0x96: {  	v3 =	vld [tilespmem:$0x0];
	_ =	sdelay $0x4  }
0x97: {  	v52 =	vshll.u32 v3, $0x3  }
0x98: {  	v3 =	vand.u32 $0x7, v3;
	v4 =	vand.u32 $0xFFFFFFC0, v52  }
0x99: {  	v3 =	vor.u32 v3, v4  }
0x9a: {  	v4 =	vperm.xlane v3, v0;
	_ =	sdelay $0x1  }
0x9b: {  	v4 =	vadd.s32 v1, v4;
	_ =	sdelay $0x4  }
0x9c: {  	[tilespmem:s31], [sflag:$0x1] =	stream.indirect_vreg.gather [hbm4b:s3+s2], $0x80, v4, vm0, $0xb8;
	[tilespmem:$0x10100] =	vst v63  }
0x9d: {  	s1 =	simm.s32 $0x900;
	v3 =	vperm.xlane v3, v2  }
0x9e: {  	[tilespmem:s1], [sflag:$0x1] =	stream.indirect_vreg.gather [hbm4b:s4+s2], $0x80, v4, vm0, $0xb8;
	[tilespmem:$0x10100] =	vst v63  }
0x9f: {  	s0 =	simm.s32 $0x1100;
	v3 =	vadd.s32 v1, v3  }
0xa0: {  	[tilespmem:s0], [sflag:$0x1] =	stream.indirect_vreg.gather [hbm4b:s5+s2], $0x80, v4, vm0, $0xb8;
	[tilespmem:$0x10100] =	vst v63  }
0xa1: {  	s1 =	simm.s32 $0x1900  }
0xa2: {  	[tilespmem:s1], [sflag:$0x1] =	stream.indirect_vreg.gather [hbm4b:s6+s2], $0x80, v4, vm0, $0xb8;
	[tilespmem:$0x10100] =	vst v63  }
0xa3: {  	s9 =	simm.s32 $0x2100  }
0xa4: {  	[tilespmem:s9], [sflag:$0x1] =	stream.indirect_vreg.gather [hbm4b:s3+s2], $0x80, v3, vm0, $0xb8;
	[tilespmem:$0x10100] =	vst v63  }
0xa5: {  	s10 =	simm.s32 $0x2900  }
0xa6: {  	[tilespmem:s10], [sflag:$0x1] =	stream.indirect_vreg.gather [hbm4b:s4+s2], $0x80, v3, vm0, $0xb8;
	[tilespmem:$0x10100] =	vst v63  }
0xa7: {  	s11 =	simm.s32 $0x3100  }
0xa8: {  	[tilespmem:s11], [sflag:$0x1] =	stream.indirect_vreg.gather [hbm4b:s5+s2], $0x80, v3, vm0, $0xb8;
	[tilespmem:$0x10100] =	vst v63  }
0xa9: {  	s12 =	simm.s32 $0x3900  }
0xaa: {  	[tilespmem:s12], [sflag:$0x1] =	stream.indirect_vreg.gather [hbm4b:s6+s2], $0x80, v3, vm0, $0xb8;
	[tilespmem:$0x10100] =	vst v63  }
0xab: {  	v3 =	vld [tilespmem:$0x10];
	_ =	sdelay $0x4  }
0xac: {  	v53 =	vshll.u32 v3, $0x3  }
0xad: {  	v3 =	vand.u32 $0x7, v3;
	v4 =	vand.u32 $0xFFFFFFC0, v53  }
0xae: {  	v3 =	vor.u32 v3, v4  }
0xaf: {  	v4 =	vperm.xlane v3, v0;
	_ =	sdelay $0x1  }
0xb0: {  	v4 =	vadd.s32 v1, v4;
	_ =	sdelay $0x3  }
0xb1: {  	s13 =	simm.s32 $0x4100  }
0xb2: {  	[tilespmem:s13], [sflag:$0x1] =	stream.indirect_vreg.gather [hbm4b:s3+s2], $0x80, v4, vm0, $0xb8;
	[tilespmem:$0x10100] =	vst v63  }
0xb3: {  	s14 =	simm.s32 $0x4900;
	v3 =	vperm.xlane v3, v2  }
0xb4: {  	[tilespmem:s14], [sflag:$0x1] =	stream.indirect_vreg.gather [hbm4b:s4+s2], $0x80, v4, vm0, $0xb8;
	[tilespmem:$0x10100] =	vst v63  }
0xb5: {  	s12 =	simm.s32 $0x5100;
	v3 =	vadd.s32 v1, v3  }
0xb6: {  	[tilespmem:s12], [sflag:$0x1] =	stream.indirect_vreg.gather [hbm4b:s5+s2], $0x80, v4, vm0, $0xb8;
	[tilespmem:$0x10100] =	vst v63  }
0xb7: {  	s13 =	simm.s32 $0x5900  }
0xb8: {  	[tilespmem:s13], [sflag:$0x1] =	stream.indirect_vreg.gather [hbm4b:s6+s2], $0x80, v4, vm0, $0xb8;
	[tilespmem:$0x10100] =	vst v63  }
0xb9: {  	s14 =	simm.s32 $0x6100  }
0xba: {  	[tilespmem:s14], [sflag:$0x1] =	stream.indirect_vreg.gather [hbm4b:s3+s2], $0x80, v3, vm0, $0xb8;
	[tilespmem:$0x10100] =	vst v63  }
0xbb: {  	s15 =	simm.s32 $0x6900  }
0xbc: {  	[tilespmem:s15], [sflag:$0x1] =	stream.indirect_vreg.gather [hbm4b:s4+s2], $0x80, v3, vm0, $0xb8;
	[tilespmem:$0x10100] =	vst v63  }
0xbd: {  	s16 =	simm.s32 $0x7100  }
0xbe: {  	[tilespmem:s16], [sflag:$0x1] =	stream.indirect_vreg.gather [hbm4b:s5+s2], $0x80, v3, vm0, $0xb8;
	[tilespmem:$0x10100] =	vst v63  }
0xbf: {  	s17 =	simm.s32 $0x7900  }
0xc0: {  	[tilespmem:s17], [sflag:$0x1] =	stream.indirect_vreg.gather [hbm4b:s6+s2], $0x80, v3, vm0, $0xb8;
	[tilespmem:$0x10100] =	vst v63  }
0xc1: {  	_ =	swait.ge [sflag:s21], $0x8000  }
0xc2: {  	[sflag:s21] =	ssyncset.done $0x0  }
0xc3: {  	s23 =	rddreg [dreg:$0xd];
	[sflag:s21] =	ssyncadd.s32 $0xFFFF8000  }
0xc4: {  	[hbm4b:s23+s2] =	stream.linear.scatter [tilespmem:s26], [sflag:$0x4], $0x8000, $0x38;
	[tilespmem:$0x10100] =	vst v63  }
0xc5: {  	s18 =	simm.s32 $0x80;
	s24 =	rddreg [dreg:$0x7]  }
0xc6: {  	[tilespmem:s18], [sflag:$0x5] =	stream.linear.gather [hbm4b:s24+s2], $0x20, $0x38;
	[tilespmem:$0x10100] =	vst v63  }
0xc7: {  	_ =	swait.ge [sflag:s8], $0x20  }
0xc8: {  	[sflag:s8] =	ssyncset.done $0x0  }
0xc9: {  	[sflag:s8] =	ssyncadd.s32 $0xFFFFFFE0  }
0xca: {  	_ =	swait.ge [sflag:s22], $0x8000  }
0xcb: {  	[sflag:s22] =	ssyncset.done $0x0  }
0xcc: {  	[sflag:s22] =	ssyncadd.s32 $0xFFFF8000  }
0xcd: {  	v3 =	vld [tilespmem:$0x80];
	_ =	sdelay $0x4  }
0xce: {  	v54 =	vshll.u32 v3, $0x3  }
0xcf: {  	v3 =	vand.u32 $0x7, v3;
	v4 =	vand.u32 $0xFFFFFFC0, v54  }
0xd0: {  	v3 =	vor.u32 v3, v4  }
0xd1: {  	v4 =	vperm.xlane v3, v0;
	_ =	sdelay $0x1  }
0xd2: {  	v4 =	vadd.s32 v1, v4;
	_ =	sdelay $0x4  }
0xd3: {  	[tilespmem:s26], [sflag:$0x2] =	stream.indirect_vreg.gather [hbm4b:s3+s2], $0x80, v4, vm0, $0xb8;
	[tilespmem:$0x10100] =	vst v63  }
0xd4: {  	s25 =	simm.s32 $0x8900;
	v3 =	vperm.xlane v3, v2  }
0xd5: {  	[tilespmem:s25], [sflag:$0x2] =	stream.indirect_vreg.gather [hbm4b:s4+s2], $0x80, v4, vm0, $0xb8;
	[tilespmem:$0x10100] =	vst v63  }
0xd6: {  	s24 =	simm.s32 $0x9100;
	v3 =	vadd.s32 v1, v3  }
0xd7: {  	[tilespmem:s24], [sflag:$0x2] =	stream.indirect_vreg.gather [hbm4b:s5+s2], $0x80, v4, vm0, $0xb8;
	[tilespmem:$0x10100] =	vst v63  }
0xd8: {  	s25 =	simm.s32 $0x9900  }
0xd9: {  	[tilespmem:s25], [sflag:$0x2] =	stream.indirect_vreg.gather [hbm4b:s6+s2], $0x80, v4, vm0, $0xb8;
	[tilespmem:$0x10100] =	vst v63  }
0xda: {  	s24 =	simm.s32 $0xA100  }
0xdb: {  	[tilespmem:s24], [sflag:$0x2] =	stream.indirect_vreg.gather [hbm4b:s3+s2], $0x80, v3, vm0, $0xb8;
	[tilespmem:$0x10100] =	vst v63  }
0xdc: {  	s24 =	simm.s32 $0xA900  }
0xdd: {  	[tilespmem:s24], [sflag:$0x2] =	stream.indirect_vreg.gather [hbm4b:s4+s2], $0x80, v3, vm0, $0xb8;
	[tilespmem:$0x10100] =	vst v63  }
0xde: {  	s24 =	simm.s32 $0xB100  }
0xdf: {  	[tilespmem:s24], [sflag:$0x2] =	stream.indirect_vreg.gather [hbm4b:s5+s2], $0x80, v3, vm0, $0xb8;
	[tilespmem:$0x10100] =	vst v63  }
0xe0: {  	s28 =	simm.s32 $0xB900  }
0xe1: {  	[tilespmem:s28], [sflag:$0x2] =	stream.indirect_vreg.gather [hbm4b:s6+s2], $0x80, v3, vm0, $0xb8;
	[tilespmem:$0x10100] =	vst v63  }
0xe2: {  	v3 =	vld [tilespmem:$0x90];
	_ =	sdelay $0x4  }
0xe3: {  	v55 =	vshll.u32 v3, $0x3  }
0xe4: {  	v3 =	vand.u32 $0x7, v3;
	v4 =	vand.u32 $0xFFFFFFC0, v55  }
0xe5: {  	v3 =	vor.u32 v3, v4  }
0xe6: {  	v4 =	vperm.xlane v3, v0;
	_ =	sdelay $0x1  }
0xe7: {  	v4 =	vadd.s32 v1, v4;
	_ =	sdelay $0x3  }
0xe8: {  	s29 =	simm.s32 $0xC100  }
0xe9: {  	[tilespmem:s29], [sflag:$0x2] =	stream.indirect_vreg.gather [hbm4b:s3+s2], $0x80, v4, vm0, $0xb8;
	[tilespmem:$0x10100] =	vst v63  }
0xea: {  	s30 =	simm.s32 $0xC900;
	v3 =	vperm.xlane v3, v2  }
0xeb: {  	[tilespmem:s30], [sflag:$0x2] =	stream.indirect_vreg.gather [hbm4b:s4+s2], $0x80, v4, vm0, $0xb8;
	[tilespmem:$0x10100] =	vst v63  }
0xec: {  	s24 =	simm.s32 $0xD100;
	v3 =	vadd.s32 v1, v3  }
0xed: {  	[tilespmem:s24], [sflag:$0x2] =	stream.indirect_vreg.gather [hbm4b:s5+s2], $0x80, v4, vm0, $0xb8;
	[tilespmem:$0x10100] =	vst v63  }
0xee: {  	s28 =	simm.s32 $0xD900  }
0xef: {  	[tilespmem:s28], [sflag:$0x2] =	stream.indirect_vreg.gather [hbm4b:s6+s2], $0x80, v4, vm0, $0xb8;
	[tilespmem:$0x10100] =	vst v63  }
0xf0: {  	s29 =	simm.s32 $0xE100  }
0xf1: {  	[tilespmem:s29], [sflag:$0x2] =	stream.indirect_vreg.gather [hbm4b:s3+s2], $0x80, v3, vm0, $0xb8;
	[tilespmem:$0x10100] =	vst v63  }
0xf2: {  	s30 =	simm.s32 $0xE900  }
0xf3: {  	[tilespmem:s30], [sflag:$0x2] =	stream.indirect_vreg.gather [hbm4b:s4+s2], $0x80, v3, vm0, $0xb8;
	[tilespmem:$0x10100] =	vst v63  }
0xf4: {  	s24 =	simm.s32 $0xF100  }
0xf5: {  	[tilespmem:s24], [sflag:$0x2] =	stream.indirect_vreg.gather [hbm4b:s5+s2], $0x80, v3, vm0, $0xb8;
	[tilespmem:$0x10100] =	vst v63  }
0xf6: {  	s28 =	simm.s32 $0xF900  }
0xf7: {  	[tilespmem:s28], [sflag:$0x2] =	stream.indirect_vreg.gather [hbm4b:s6+s2], $0x80, v3, vm0, $0xb8;
	[tilespmem:$0x10100] =	vst v63  }
0xf8: {  	_ =	swait.ge [sflag:s19], $0x8000  }
0xf9: {  	[sflag:s19] =	ssyncset.done $0x0  }
0xfa: {  	s29 =	rddreg [dreg:$0xe];
	[sflag:s19] =	ssyncadd.s32 $0xFFFF8000  }
0xfb: {  	[hbm4b:s29+s2] =	stream.linear.scatter [tilespmem:s31], [sflag:$0x3], $0x8000, $0x38;
	[tilespmem:$0x10100] =	vst v63  }
0xfc: {  	s30 =	rddreg [dreg:$0x8]  }
0xfd: {  	[tilespmem:s2], [sflag:$0x5] =	stream.linear.gather [hbm4b:s30+s2], $0x20, $0x38;
	[tilespmem:$0x10100] =	vst v63  }
0xfe: {  	_ =	swait.ge [sflag:s8], $0x20  }
0xff: {  	[sflag:s8] =	ssyncset.done $0x0  }
0x100: {  	[sflag:s8] =	ssyncadd.s32 $0xFFFFFFE0  }
0x101: {  	_ =	swait.ge [sflag:s20], $0x8000  }
0x102: {  	[sflag:s20] =	ssyncset.done $0x0  }
0x103: {  	[sflag:s20] =	ssyncadd.s32 $0xFFFF8000  }
0x104: {  	v3 =	vld [tilespmem:$0x0];
	_ =	sdelay $0x4  }
0x105: {  	v56 =	vshll.u32 v3, $0x3  }
0x106: {  	v3 =	vand.u32 $0x7, v3;
	v4 =	vand.u32 $0xFFFFFFC0, v56  }
0x107: {  	v3 =	vor.u32 v3, v4  }
0x108: {  	v4 =	vperm.xlane v3, v0;
	_ =	sdelay $0x1  }
0x109: {  	v4 =	vadd.s32 v1, v4;
	_ =	sdelay $0x4  }
0x10a: {  	[tilespmem:s31], [sflag:$0x1] =	stream.indirect_vreg.gather [hbm4b:s3+s2], $0x80, v4, vm0, $0xb8;
	[tilespmem:$0x10100] =	vst v63  }
0x10b: {  	s28 =	simm.s32 $0x900;
	v3 =	vperm.xlane v3, v2  }
0x10c: {  	[tilespmem:s28], [sflag:$0x1] =	stream.indirect_vreg.gather [hbm4b:s4+s2], $0x80, v4, vm0, $0xb8;
	[tilespmem:$0x10100] =	vst v63  }
0x10d: {  	v3 =	vadd.s32 v1, v3  }
0x10e: {  	[tilespmem:s0], [sflag:$0x1] =	stream.indirect_vreg.gather [hbm4b:s5+s2], $0x80, v4, vm0, $0xb8;
	[tilespmem:$0x10100] =	vst v63  }
0x10f: {  	_ = 	snop  }
0x110: {  	[tilespmem:s1], [sflag:$0x1] =	stream.indirect_vreg.gather [hbm4b:s6+s2], $0x80, v4, vm0, $0xb8;
	[tilespmem:$0x10100] =	vst v63  }
0x111: {  	_ = 	snop  }
0x112: {  	[tilespmem:s9], [sflag:$0x1] =	stream.indirect_vreg.gather [hbm4b:s3+s2], $0x80, v3, vm0, $0xb8;
	[tilespmem:$0x10100] =	vst v63  }
0x113: {  	_ = 	snop  }
0x114: {  	[tilespmem:s10], [sflag:$0x1] =	stream.indirect_vreg.gather [hbm4b:s4+s2], $0x80, v3, vm0, $0xb8;
	[tilespmem:$0x10100] =	vst v63  }
0x115: {  	_ = 	snop  }
0x116: {  	[tilespmem:s11], [sflag:$0x1] =	stream.indirect_vreg.gather [hbm4b:s5+s2], $0x80, v3, vm0, $0xb8;
	[tilespmem:$0x10100] =	vst v63  }
0x117: {  	s29 =	simm.s32 $0x3900  }
0x118: {  	[tilespmem:s29], [sflag:$0x1] =	stream.indirect_vreg.gather [hbm4b:s6+s2], $0x80, v3, vm0, $0xb8;
	[tilespmem:$0x10100] =	vst v63  }
0x119: {  	v3 =	vld [tilespmem:$0x10];
	_ =	sdelay $0x4  }
0x11a: {  	v57 =	vshll.u32 v3, $0x3  }
0x11b: {  	v3 =	vand.u32 $0x7, v3;
	v4 =	vand.u32 $0xFFFFFFC0, v57  }
0x11c: {  	v3 =	vor.u32 v3, v4  }
0x11d: {  	v4 =	vperm.xlane v3, v0;
	_ =	sdelay $0x1  }
0x11e: {  	v4 =	vadd.s32 v1, v4;
	_ =	sdelay $0x3  }
0x11f: {  	s30 =	simm.s32 $0x4100  }
0x120: {  	[tilespmem:s30], [sflag:$0x1] =	stream.indirect_vreg.gather [hbm4b:s3+s2], $0x80, v4, vm0, $0xb8;
	[tilespmem:$0x10100] =	vst v63  }
0x121: {  	s24 =	simm.s32 $0x4900;
	v3 =	vperm.xlane v3, v2  }
0x122: {  	[tilespmem:s24], [sflag:$0x1] =	stream.indirect_vreg.gather [hbm4b:s4+s2], $0x80, v4, vm0, $0xb8;
	[tilespmem:$0x10100] =	vst v63  }
0x123: {  	v3 =	vadd.s32 v1, v3  }
0x124: {  	[tilespmem:s12], [sflag:$0x1] =	stream.indirect_vreg.gather [hbm4b:s5+s2], $0x80, v4, vm0, $0xb8;
	[tilespmem:$0x10100] =	vst v63  }
0x125: {  	_ = 	snop  }
0x126: {  	[tilespmem:s13], [sflag:$0x1] =	stream.indirect_vreg.gather [hbm4b:s6+s2], $0x80, v4, vm0, $0xb8;
	[tilespmem:$0x10100] =	vst v63  }
0x127: {  	_ = 	snop  }
0x128: {  	[tilespmem:s14], [sflag:$0x1] =	stream.indirect_vreg.gather [hbm4b:s3+s2], $0x80, v3, vm0, $0xb8;
	[tilespmem:$0x10100] =	vst v63  }
0x129: {  	_ = 	snop  }
0x12a: {  	[tilespmem:s15], [sflag:$0x1] =	stream.indirect_vreg.gather [hbm4b:s4+s2], $0x80, v3, vm0, $0xb8;
	[tilespmem:$0x10100] =	vst v63  }
0x12b: {  	_ = 	snop  }
0x12c: {  	[tilespmem:s16], [sflag:$0x1] =	stream.indirect_vreg.gather [hbm4b:s5+s2], $0x80, v3, vm0, $0xb8;
	[tilespmem:$0x10100] =	vst v63  }
0x12d: {  	_ = 	snop  }
0x12e: {  	[tilespmem:s17], [sflag:$0x1] =	stream.indirect_vreg.gather [hbm4b:s6+s2], $0x80, v3, vm0, $0xb8;
	[tilespmem:$0x10100] =	vst v63  }
0x12f: {  	_ =	swait.ge [sflag:s21], $0x8000  }
0x130: {  	[sflag:s21] =	ssyncset.done $0x0  }
0x131: {  	s28 =	rddreg [dreg:$0xf];
	[sflag:s21] =	ssyncadd.s32 $0xFFFF8000  }
0x132: {  	[hbm4b:s28+s2] =	stream.linear.scatter [tilespmem:s26], [sflag:$0x4], $0x8000, $0x38;
	[tilespmem:$0x10100] =	vst v63  }
0x133: {  	s30 =	simm.s32 $0x80;
	s29 =	rddreg [dreg:$0x9]  }
0x134: {  	[tilespmem:s30], [sflag:$0x5] =	stream.linear.gather [hbm4b:s29+s2], $0x20, $0x38;
	[tilespmem:$0x10100] =	vst v63  }
0x135: {  	_ =	swait.ge [sflag:s8], $0x20  }
0x136: {  	[sflag:s8] =	ssyncset.done $0x0  }
0x137: {  	[sflag:s8] =	ssyncadd.s32 $0xFFFFFFE0  }
0x138: {  	_ =	swait.ge [sflag:s22], $0x8000  }
0x139: {  	[sflag:s22] =	ssyncset.done $0x0  }
0x13a: {  	[sflag:s22] =	ssyncadd.s32 $0xFFFF8000  }
0x13b: {  	v3 =	vld [tilespmem:$0x80];
	_ =	sdelay $0x4  }
0x13c: {  	v58 =	vshll.u32 v3, $0x3  }
0x13d: {  	v3 =	vand.u32 $0x7, v3;
	v4 =	vand.u32 $0xFFFFFFC0, v58  }
0x13e: {  	v3 =	vor.u32 v3, v4  }
0x13f: {  	v4 =	vperm.xlane v3, v0;
	_ =	sdelay $0x1  }
0x140: {  	v4 =	vadd.s32 v1, v4;
	_ =	sdelay $0x4  }
0x141: {  	[tilespmem:s26], [sflag:$0x2] =	stream.indirect_vreg.gather [hbm4b:s3+s2], $0x80, v4, vm0, $0xb8;
	[tilespmem:$0x10100] =	vst v63  }
0x142: {  	s24 =	simm.s32 $0x8900;
	v3 =	vperm.xlane v3, v2  }
0x143: {  	[tilespmem:s24], [sflag:$0x2] =	stream.indirect_vreg.gather [hbm4b:s4+s2], $0x80, v4, vm0, $0xb8;
	[tilespmem:$0x10100] =	vst v63  }
0x144: {  	s18 =	simm.s32 $0x9100;
	v3 =	vadd.s32 v1, v3  }
0x145: {  	[tilespmem:s18], [sflag:$0x2] =	stream.indirect_vreg.gather [hbm4b:s5+s2], $0x80, v4, vm0, $0xb8;
	[tilespmem:$0x10100] =	vst v63  }
0x146: {  	s25 =	simm.s32 $0x9900  }
0x147: {  	[tilespmem:s25], [sflag:$0x2] =	stream.indirect_vreg.gather [hbm4b:s6+s2], $0x80, v4, vm0, $0xb8;
	[tilespmem:$0x10100] =	vst v63  }
0x148: {  	s28 =	simm.s32 $0xA100  }
0x149: {  	[tilespmem:s28], [sflag:$0x2] =	stream.indirect_vreg.gather [hbm4b:s3+s2], $0x80, v3, vm0, $0xb8;
	[tilespmem:$0x10100] =	vst v63  }
0x14a: {  	s29 =	simm.s32 $0xA900  }
0x14b: {  	[tilespmem:s29], [sflag:$0x2] =	stream.indirect_vreg.gather [hbm4b:s4+s2], $0x80, v3, vm0, $0xb8;
	[tilespmem:$0x10100] =	vst v63  }
0x14c: {  	s30 =	simm.s32 $0xB100  }
0x14d: {  	[tilespmem:s30], [sflag:$0x2] =	stream.indirect_vreg.gather [hbm4b:s5+s2], $0x80, v3, vm0, $0xb8;
	[tilespmem:$0x10100] =	vst v63  }
0x14e: {  	s24 =	simm.s32 $0xB900  }
0x14f: {  	[tilespmem:s24], [sflag:$0x2] =	stream.indirect_vreg.gather [hbm4b:s6+s2], $0x80, v3, vm0, $0xb8;
	[tilespmem:$0x10100] =	vst v63  }
0x150: {  	v3 =	vld [tilespmem:$0x90];
	_ =	sdelay $0x4  }
0x151: {  	v59 =	vshll.u32 v3, $0x3  }
0x152: {  	v3 =	vand.u32 $0x7, v3;
	v4 =	vand.u32 $0xFFFFFFC0, v59  }
0x153: {  	v3 =	vor.u32 v3, v4  }
0x154: {  	v4 =	vperm.xlane v3, v0;
	_ =	sdelay $0x1  }
0x155: {  	v4 =	vadd.s32 v1, v4;
	_ =	sdelay $0x3  }
0x156: {  	s24 =	simm.s32 $0xC100  }
0x157: {  	[tilespmem:s24], [sflag:$0x2] =	stream.indirect_vreg.gather [hbm4b:s3+s2], $0x80, v4, vm0, $0xb8;
	[tilespmem:$0x10100] =	vst v63  }
0x158: {  	v3 =	vperm.xlane v3, v2;
	s24 =	simm.s32 $0xC900  }
0x159: {  	[tilespmem:s24], [sflag:$0x2] =	stream.indirect_vreg.gather [hbm4b:s4+s2], $0x80, v4, vm0, $0xb8;
	[tilespmem:$0x10100] =	vst v63  }
0x15a: {  	v3 =	vadd.s32 v1, v3;
	s24 =	simm.s32 $0xD100  }
0x15b: {  	[tilespmem:s24], [sflag:$0x2] =	stream.indirect_vreg.gather [hbm4b:s5+s2], $0x80, v4, vm0, $0xb8;
	[tilespmem:$0x10100] =	vst v63  }
0x15c: {  	s24 =	simm.s32 $0xD900  }
0x15d: {  	[tilespmem:s24], [sflag:$0x2] =	stream.indirect_vreg.gather [hbm4b:s6+s2], $0x80, v4, vm0, $0xb8;
	[tilespmem:$0x10100] =	vst v63  }
0x15e: {  	s24 =	simm.s32 $0xE100  }
0x15f: {  	[tilespmem:s24], [sflag:$0x2] =	stream.indirect_vreg.gather [hbm4b:s3+s2], $0x80, v3, vm0, $0xb8;
	[tilespmem:$0x10100] =	vst v63  }
0x160: {  	s24 =	simm.s32 $0xE900  }
0x161: {  	[tilespmem:s24], [sflag:$0x2] =	stream.indirect_vreg.gather [hbm4b:s4+s2], $0x80, v3, vm0, $0xb8;
	[tilespmem:$0x10100] =	vst v63  }
0x162: {  	s24 =	simm.s32 $0xF100  }
0x163: {  	[tilespmem:s24], [sflag:$0x2] =	stream.indirect_vreg.gather [hbm4b:s5+s2], $0x80, v3, vm0, $0xb8;
	[tilespmem:$0x10100] =	vst v63  }
0x164: {  	s24 =	simm.s32 $0xF900  }
0x165: {  	[tilespmem:s24], [sflag:$0x2] =	stream.indirect_vreg.gather [hbm4b:s6+s2], $0x80, v3, vm0, $0xb8;
	[tilespmem:$0x10100] =	vst v63  }
0x166: {  	_ =	swait.ge [sflag:s19], $0x8000  }
0x167: {  	[sflag:s19] =	ssyncset.done $0x0  }
0x168: {  	s23 =	rddreg [dreg:$0x10];
	[sflag:s19] =	ssyncadd.s32 $0xFFFF8000  }
0x169: {  	[hbm4b:s23+s2] =	stream.linear.scatter [tilespmem:s31], [sflag:$0x3], $0x8000, $0x38;
	[tilespmem:$0x10100] =	vst v63  }
0x16a: {  	s24 =	rddreg [dreg:$0xa]  }
0x16b: {  	[tilespmem:s2], [sflag:$0x5] =	stream.linear.gather [hbm4b:s24+s2], $0x20, $0x38;
	[tilespmem:$0x10100] =	vst v63  }
0x16c: {  	_ =	swait.ge [sflag:s8], $0x20  }
0x16d: {  	[sflag:s8] =	ssyncset.done $0x0  }
0x16e: {  	[sflag:s8] =	ssyncadd.s32 $0xFFFFFFE0  }
0x16f: {  	_ =	swait.ge [sflag:s20], $0x8000  }
0x170: {  	[sflag:s20] =	ssyncset.done $0x0  }
0x171: {  	[sflag:s20] =	ssyncadd.s32 $0xFFFF8000  }
0x172: {  	v3 =	vld [tilespmem:$0x0];
	_ =	sdelay $0x4  }
0x173: {  	v60 =	vshll.u32 v3, $0x3  }
0x174: {  	v3 =	vand.u32 $0x7, v3;
	v4 =	vand.u32 $0xFFFFFFC0, v60  }
0x175: {  	v3 =	vor.u32 v3, v4  }
0x176: {  	v4 =	vperm.xlane v3, v0;
	_ =	sdelay $0x1  }
0x177: {  	v4 =	vadd.s32 v1, v4;
	_ =	sdelay $0x4  }
0x178: {  	[tilespmem:s31], [sflag:$0x1] =	stream.indirect_vreg.gather [hbm4b:s3+s2], $0x80, v4, vm0, $0xb8;
	[tilespmem:$0x10100] =	vst v63  }
0x179: {  	s24 =	simm.s32 $0x900;
	v3 =	vperm.xlane v3, v2  }
0x17a: {  	[tilespmem:s24], [sflag:$0x1] =	stream.indirect_vreg.gather [hbm4b:s4+s2], $0x80, v4, vm0, $0xb8;
	[tilespmem:$0x10100] =	vst v63  }
0x17b: {  	s0 =	simm.s32 $0x1100;
	v3 =	vadd.s32 v1, v3  }
0x17c: {  	[tilespmem:s0], [sflag:$0x1] =	stream.indirect_vreg.gather [hbm4b:s5+s2], $0x80, v4, vm0, $0xb8;
	[tilespmem:$0x10100] =	vst v63  }
0x17d: {  	s1 =	simm.s32 $0x1900  }
0x17e: {  	[tilespmem:s1], [sflag:$0x1] =	stream.indirect_vreg.gather [hbm4b:s6+s2], $0x80, v4, vm0, $0xb8;
	[tilespmem:$0x10100] =	vst v63  }
0x17f: {  	s9 =	simm.s32 $0x2100  }
0x180: {  	[tilespmem:s9], [sflag:$0x1] =	stream.indirect_vreg.gather [hbm4b:s3+s2], $0x80, v3, vm0, $0xb8;
	[tilespmem:$0x10100] =	vst v63  }
0x181: {  	s10 =	simm.s32 $0x2900  }
0x182: {  	[tilespmem:s10], [sflag:$0x1] =	stream.indirect_vreg.gather [hbm4b:s4+s2], $0x80, v3, vm0, $0xb8;
	[tilespmem:$0x10100] =	vst v63  }
0x183: {  	s11 =	simm.s32 $0x3100  }
0x184: {  	[tilespmem:s11], [sflag:$0x1] =	stream.indirect_vreg.gather [hbm4b:s5+s2], $0x80, v3, vm0, $0xb8;
	[tilespmem:$0x10100] =	vst v63  }
0x185: {  	s24 =	simm.s32 $0x3900  }
0x186: {  	[tilespmem:s24], [sflag:$0x1] =	stream.indirect_vreg.gather [hbm4b:s6+s2], $0x80, v3, vm0, $0xb8;
	[tilespmem:$0x10100] =	vst v63  }
0x187: {  	v3 =	vld [tilespmem:$0x10];
	_ =	sdelay $0x4  }
0x188: {  	v61 =	vshll.u32 v3, $0x3  }
0x189: {  	v3 =	vand.u32 $0x7, v3;
	v4 =	vand.u32 $0xFFFFFFC0, v61  }
0x18a: {  	v3 =	vor.u32 v3, v4  }
0x18b: {  	v4 =	vperm.xlane v3, v0;
	_ =	sdelay $0x1  }
0x18c: {  	v4 =	vadd.s32 v1, v4;
	_ =	sdelay $0x3  }
0x18d: {  	s1 =	simm.s32 $0x4100  }
0x18e: {  	[tilespmem:s1], [sflag:$0x1] =	stream.indirect_vreg.gather [hbm4b:s3+s2], $0x80, v4, vm0, $0xb8;
	[tilespmem:$0x10100] =	vst v63  }
0x18f: {  	s9 =	simm.s32 $0x4900;
	v3 =	vperm.xlane v3, v2  }
0x190: {  	[tilespmem:s9], [sflag:$0x1] =	stream.indirect_vreg.gather [hbm4b:s4+s2], $0x80, v4, vm0, $0xb8;
	[tilespmem:$0x10100] =	vst v63  }
0x191: {  	s12 =	simm.s32 $0x5100;
	v3 =	vadd.s32 v1, v3  }
0x192: {  	[tilespmem:s12], [sflag:$0x1] =	stream.indirect_vreg.gather [hbm4b:s5+s2], $0x80, v4, vm0, $0xb8;
	[tilespmem:$0x10100] =	vst v63  }
0x193: {  	s13 =	simm.s32 $0x5900  }
0x194: {  	[tilespmem:s13], [sflag:$0x1] =	stream.indirect_vreg.gather [hbm4b:s6+s2], $0x80, v4, vm0, $0xb8;
	[tilespmem:$0x10100] =	vst v63  }
0x195: {  	s14 =	simm.s32 $0x6100  }
0x196: {  	[tilespmem:s14], [sflag:$0x1] =	stream.indirect_vreg.gather [hbm4b:s3+s2], $0x80, v3, vm0, $0xb8;
	[tilespmem:$0x10100] =	vst v63  }
0x197: {  	s15 =	simm.s32 $0x6900  }
0x198: {  	[tilespmem:s15], [sflag:$0x1] =	stream.indirect_vreg.gather [hbm4b:s4+s2], $0x80, v3, vm0, $0xb8;
	[tilespmem:$0x10100] =	vst v63  }
0x199: {  	s16 =	simm.s32 $0x7100  }
0x19a: {  	[tilespmem:s16], [sflag:$0x1] =	stream.indirect_vreg.gather [hbm4b:s5+s2], $0x80, v3, vm0, $0xb8;
	[tilespmem:$0x10100] =	vst v63  }
0x19b: {  	s17 =	simm.s32 $0x7900  }
0x19c: {  	[tilespmem:s17], [sflag:$0x1] =	stream.indirect_vreg.gather [hbm4b:s6+s2], $0x80, v3, vm0, $0xb8;
	[tilespmem:$0x10100] =	vst v63  }
0x19d: {  	_ =	swait.ge [sflag:s21], $0x8000  }
0x19e: {  	[sflag:s21] =	ssyncset.done $0x0  }
0x19f: {  	s10 =	rddreg [dreg:$0x11];
	[sflag:s21] =	ssyncadd.s32 $0xFFFF8000  }
0x1a0: {  	[hbm4b:s10+s2] =	stream.linear.scatter [tilespmem:s26], [sflag:$0x4], $0x8000, $0x38;
	[tilespmem:$0x10100] =	vst v63  }
0x1a1: {  	s12 =	simm.s32 $0x80;
	s11 =	rddreg [dreg:$0xb]  }
0x1a2: {  	[tilespmem:s12], [sflag:$0x5] =	stream.linear.gather [hbm4b:s11+s2], $0x20, $0x38;
	[tilespmem:$0x10100] =	vst v63  }
0x1a3: {  	_ =	swait.ge [sflag:s8], $0x20  }
0x1a4: {  	[sflag:s8] =	ssyncset.done $0x0  }
0x1a5: {  	[sflag:s8] =	ssyncadd.s32 $0xFFFFFFE0  }
0x1a6: {  	_ =	swait.ge [sflag:s22], $0x8000  }
0x1a7: {  	[sflag:s22] =	ssyncset.done $0x0  }
0x1a8: {  	[sflag:s22] =	ssyncadd.s32 $0xFFFF8000  }
0x1a9: {  	v3 =	vld [tilespmem:$0x80];
	_ =	sdelay $0x4  }
0x1aa: {  	v62 =	vshll.u32 v3, $0x3  }
0x1ab: {  	v3 =	vand.u32 $0x7, v3;
	v4 =	vand.u32 $0xFFFFFFC0, v62  }
0x1ac: {  	v3 =	vor.u32 v3, v4  }
0x1ad: {  	v4 =	vperm.xlane v3, v0;
	_ =	sdelay $0x1  }
0x1ae: {  	v4 =	vadd.s32 v1, v4;
	_ =	sdelay $0x4  }
0x1af: {  	[tilespmem:s26], [sflag:$0x2] =	stream.indirect_vreg.gather [hbm4b:s3+s2], $0x80, v4, vm0, $0xb8;
	[tilespmem:$0x10100] =	vst v63  }
0x1b0: {  	s13 =	simm.s32 $0x8900;
	v3 =	vperm.xlane v3, v2  }
0x1b1: {  	[tilespmem:s13], [sflag:$0x2] =	stream.indirect_vreg.gather [hbm4b:s4+s2], $0x80, v4, vm0, $0xb8;
	[tilespmem:$0x10100] =	vst v63  }
0x1b2: {  	s18 =	simm.s32 $0x9100;
	v3 =	vadd.s32 v1, v3  }
0x1b3: {  	[tilespmem:s18], [sflag:$0x2] =	stream.indirect_vreg.gather [hbm4b:s5+s2], $0x80, v4, vm0, $0xb8;
	[tilespmem:$0x10100] =	vst v63  }
0x1b4: {  	s25 =	simm.s32 $0x9900  }
0x1b5: {  	[tilespmem:s25], [sflag:$0x2] =	stream.indirect_vreg.gather [hbm4b:s6+s2], $0x80, v4, vm0, $0xb8;
	[tilespmem:$0x10100] =	vst v63  }
0x1b6: {  	s28 =	simm.s32 $0xA100  }
0x1b7: {  	[tilespmem:s28], [sflag:$0x2] =	stream.indirect_vreg.gather [hbm4b:s3+s2], $0x80, v3, vm0, $0xb8;
	[tilespmem:$0x10100] =	vst v63  }
0x1b8: {  	s29 =	simm.s32 $0xA900  }
0x1b9: {  	[tilespmem:s29], [sflag:$0x2] =	stream.indirect_vreg.gather [hbm4b:s4+s2], $0x80, v3, vm0, $0xb8;
	[tilespmem:$0x10100] =	vst v63  }
0x1ba: {  	s30 =	simm.s32 $0xB100  }
0x1bb: {  	[tilespmem:s30], [sflag:$0x2] =	stream.indirect_vreg.gather [hbm4b:s5+s2], $0x80, v3, vm0, $0xb8;
	[tilespmem:$0x10100] =	vst v63  }
0x1bc: {  	s14 =	simm.s32 $0xB900  }
0x1bd: {  	[tilespmem:s14], [sflag:$0x2] =	stream.indirect_vreg.gather [hbm4b:s6+s2], $0x80, v3, vm0, $0xb8;
	[tilespmem:$0x10100] =	vst v63  }
0x1be: {  	v3 =	vld [tilespmem:$0x90];
	_ =	sdelay $0x4  }
0x1bf: {  	v63 =	vshll.u32 v3, $0x3  }
0x1c0: {  	v3 =	vand.u32 $0x7, v3;
	v4 =	vand.u32 $0xFFFFFFC0, v63  }
0x1c1: {  	v3 =	vor.u32 v3, v4  }
0x1c2: {  	v4 =	vperm.xlane v3, v0;
	_ =	sdelay $0x1  }
0x1c3: {  	v4 =	vadd.s32 v1, v4;
	_ =	sdelay $0x3  }
0x1c4: {  	s15 =	simm.s32 $0xC100  }
0x1c5: {  	[tilespmem:s15], [sflag:$0x2] =	stream.indirect_vreg.gather [hbm4b:s3+s2], $0x80, v4, vm0, $0xb8;
	[tilespmem:$0x10100] =	vst v63  }
0x1c6: {  	s16 =	simm.s32 $0xC900;
	v3 =	vperm.xlane v3, v2  }
0x1c7: {  	[tilespmem:s16], [sflag:$0x2] =	stream.indirect_vreg.gather [hbm4b:s4+s2], $0x80, v4, vm0, $0xb8;
	[tilespmem:$0x10100] =	vst v63  }
0x1c8: {  	s17 =	simm.s32 $0xD100;
	v3 =	vadd.s32 v1, v3  }
0x1c9: {  	[tilespmem:s17], [sflag:$0x2] =	stream.indirect_vreg.gather [hbm4b:s5+s2], $0x80, v4, vm0, $0xb8;
	[tilespmem:$0x10100] =	vst v63  }
0x1ca: {  	s18 =	simm.s32 $0xD900  }
0x1cb: {  	[tilespmem:s18], [sflag:$0x2] =	stream.indirect_vreg.gather [hbm4b:s6+s2], $0x80, v4, vm0, $0xb8;
	[tilespmem:$0x10100] =	vst v63  }
0x1cc: {  	s23 =	simm.s32 $0xE100  }
0x1cd: {  	[tilespmem:s23], [sflag:$0x2] =	stream.indirect_vreg.gather [hbm4b:s3+s2], $0x80, v3, vm0, $0xb8;
	[tilespmem:$0x10100] =	vst v63  }
0x1ce: {  	s24 =	simm.s32 $0xE900  }
0x1cf: {  	[tilespmem:s24], [sflag:$0x2] =	stream.indirect_vreg.gather [hbm4b:s4+s2], $0x80, v3, vm0, $0xb8;
	[tilespmem:$0x10100] =	vst v63  }
0x1d0: {  	s25 =	simm.s32 $0xF100  }
0x1d1: {  	[tilespmem:s25], [sflag:$0x2] =	stream.indirect_vreg.gather [hbm4b:s5+s2], $0x80, v3, vm0, $0xb8;
	[tilespmem:$0x10100] =	vst v63  }
0x1d2: {  	s28 =	simm.s32 $0xF900  }
0x1d3: {  	[tilespmem:s28], [sflag:$0x2] =	stream.indirect_vreg.gather [hbm4b:s6+s2], $0x80, v3, vm0, $0xb8;
	[tilespmem:$0x10100] =	vst v63  }
0x1d4: {  	_ =	swait.ge [sflag:s19], $0x8000  }
0x1d5: {  	[sflag:s19] =	ssyncset.done $0x0  }
0x1d6: {  	s29 =	rddreg [dreg:$0x12];
	[sflag:s19] =	ssyncadd.s32 $0xFFFF8000  }
0x1d7: {  	[hbm4b:s29+s2] =	stream.linear.scatter [tilespmem:s31], [sflag:$0x3], $0x8000, $0x38;
	[tilespmem:$0x10100] =	vst v63  }
0x1d8: {  	_ =	swait.ge [sflag:s21], $0x8000  }
0x1d9: {  	[sflag:s21] =	ssyncset.done $0x0  }
0x1da: {  	s30 =	rddreg [dreg:$0x13];
	[sflag:s21] =	ssyncadd.s32 $0xFFFF8000  }
0x1db: {  	[hbm4b:s30+s2] =	stream.linear.scatter [tilespmem:s26], [sflag:$0x4], $0x8000, $0x38;
	[tilespmem:$0x10100] =	vst v63  }
0x1dc: {  	p0 =	sne.s32 s7, $0x1;
	_ =	swait.ge [sflag:s20], $0x8000  }
.Ltmp0:
0x1dd: {  	[sflag:s20] =	ssyncset.done $0x0;
	(pc) =	sbr.rel @p0 .LBB2_1-.Ltmp0, $4  }
0x1de: {  	[sflag:s20] =	ssyncadd.s32 $0xFFFF8000  }
0x1df: {  	_ =	swait.ge [sflag:s22], $0x8000  }
0x1e0: {  	[sflag:s22] =	ssyncset.done $0x0  }
0x1e1: {  	s7 =	sadd.s32 $0xFFFFFFFF, s7;
	[sflag:s22] =	ssyncadd.s32 $0xFFFF8000  }
0x1e2: {  	_ =	sfence.sel $0x180000  }
0x1e3: {  	[bflag:$0x0] =	sbarrier.arrive $0xFFFF  }
0x1e4: {  	_ =	strace $0x9000006A  }
0x1e5: {  	s0 =	stileid.u32;
	[bflag:$0x2] =	sbarrier.arrive $0xFFFF  }
0x1e6: {  	p0 =	sne.s32 s0, $0x0;
	s0 =	rddreg [dreg:$0x3]  }
0x1e7: {  	s0 =	sadd.s32 @!p0 $0x100000, s0  }
0x1e8: {  	[sflag:s0] =	ssyncadd.tile.s32 @!p0 $0x1;
	_ =	shalt  }
.Lfunc_end2:
_tile_overlayer_lowered:
.L_overlay_start_2:
0x1e9: {  	(tag) =	ssettag $0x2  }
0x1ea: {  	s0 =	rddreg [dreg:$0x0];
	s2 =	stileid.u32  }
0x1eb: {  	s1 =	rddreg [dreg:$0x1];
	p0 =	sne.s32 s2, $0x0  }
0x1ec: {  	s3 =	rddreg [dreg:$0x2];
	[bflag:$0x3] =	sbarrier.arrive $0xFFFF;
	s2 =	simm.s32 @!p0 $0x1C05  }
0x1ed: {  	[timem:s3], [sflag:s2] =	dma.local @!p0 [hbm:s0], s1  }
0x1ee: {  	s0 =	simm.s32 @!p0 $0x5  }
0x1ef: {  	_ =	swait.ge @!p0 [sflag:s0], s1  }
0x1f0: {  	s1 =	ssub.s32 @!p0 $0x0, s1;
	[sflag:s0] =	ssyncset.done @!p0 $0x0  }
0x1f1: {  	[sflag:s0] =	ssyncadd.s32 @!p0 s1  }
0x1f2: {  	[bflag:$0x3] =	sbarrier.arrive $0xFFFF  }
0x1f3: {  	_ =	shalt  }

// kernel: kernel.8.cloned.1.call-start
scs
__scs_entry_jumppad:
0x0: {  	(pc) =	sbr.rel $0x88, $3  }
0x1: {  	(tag) =	ssettag $0x0;
	lr =	simm.s32 $0x1  }
0x2: {  	[smem:$0x3F97] =	sst lr;
	_ =	strace $0xD0000000  }
0x3: {  	_ = 	snop  }
0x4: {  	_ = 	snop  }
0x5: {  	_ = 	snop  }
0x6: {  	_ = 	snop  }
0x7: {  	_ = 	snop  }
__scs_overlays_trampoline_lowered:
0x8: {  	[smem:$0x3FA6] =	sst s0  }
0x9: {  	[smem:$0x3FA7] =	sst s1  }
0xa: {  	[smem:$0x3FA8] =	sst s2  }
0xb: {  	[smem:$0x3FA9] =	sst s3  }
0xc: {  	[smem:$0x3FAA] =	sst s4  }
0xd: {  	[smem:$0x3FAB] =	sst s5  }
0xe: {  	[smem:$0x3FAC] =	sst s6  }
0xf: {  	[smem:$0x3FAD] =	sst s7  }
0x10: {  	[smem:$0x3FAE] =	sst s8  }
0x11: {  	[smem:$0x3FAF] =	sst s9;
	s0 =	simm.s32 @!p0 $0x0  }
0x12: {  	s1 =	sld [smem:$0x3F95];
	s0 =	simm.s32 @p0 $0x1  }
0x13: {  	[smem:$0x3FB0] =	sst s0;
	s0 =	simm.s32 @!p1 $0x0  }
0x14: {  	s2 =	sld [smem:$0x3F94];
	s0 =	simm.s32 @p1 $0x1  }
0x15: {  	[smem:$0x3FB1] =	sst s0;
	s0 =	simm.s32 @!p2 $0x0  }
0x16: {  	s3 =	sld [smem:$0x3FDB];
	s0 =	simm.s32 @p2 $0x1  }
0x17: {  	s4 =	simm.s32 $0x1BF5;
	[smem:$0x3FB3] =	sst s0  }
0x18: {  	s0 =	sld [smem:$0x3F96];
	_ =	swait.ge [sflag:s4], $0x0  }
0x19: {  	s7 =	sld [smem:$0x3F97]  }
0x1a: {  	s8 =	sadd.s32 $0xFFFFE003, lr  }
0x1b: {  	s9 =	sadd.s32 $0xFFFFFEF7, lr;
	s5 =	simm.s32 $0xFFFFFFFF;
	p2 =	slt.u32 s8, $0xFFFFF086  }
0x1c: {  	p1 =	slt.u32 s9, $0xF7A;
	s5 =	simm.s32 @!p2 $0x0  }
0x1d: {  	s5 =	simm.s32 @p1 $0x1;
	p0 =	seq.s32 s7, s2  }
0x1e: {  	s7 =	smul.u32 @!p0 $0xF7A, s2;
	p2 =	seq.s32 @!p0 s5, $0x0  }
0x1f: {  	s9 =	smul.u32 $0xF7A, s1;
	s8 =	simm.s32 @!p0 $0x1BF5;
	p2 =	por !p2, p0  }
0x20: {  	[sflag:s8] =	ssyncset.s32 @!p0 $0xFFFFF086;
	s6 =	sadd.s32 @!p0 s3, s7;
	s7 =	simm.s32 @!p0 $0x108  }
0x21: {  	s3 =	sadd.s32 s3, s9;
	s6 =	sadd.s32 @!p0 $0x88, s6;
	s7 =	simm.s32 @p2 $0x1082  }
0x22: {  	[simem:s7], [sflag:s8] =	dma.local @!p0 [hbm:s6], $0xF7A  }
0x23: {  	s9 =	sor.u32 $0xD0000000, s2;
	s6 =	simm.s32 $0x108;
	_ =	swait.ge @!p0 [sflag:s8], $0x0  }
0x24: {  	s3 =	sadd.s32 $0x88, s3;
	s6 =	simm.s32 @!p1 $0x1082;
	[sflag:s4] =	ssyncset.s32 $0xFFFFF086  }
0x25: {  	[simem:s6], [sflag:s4] =	dma.local [hbm:s3], $0xF7A  }
0x26: {  	[smem:$0x3F97] =	sst s1;
	(tag) =	ssettag s2;
	_ =	strace s9  }
0x27: {  	s1 =	sld [smem:$0x3FA7]  }
0x28: {  	s2 =	sld [smem:$0x3FA8]  }
0x29: {  	s4 =	sld [smem:$0x3FAA]  }
0x2a: {  	p0 =	seq.s32 s5, $0x0;
	s5 =	sld [smem:$0x3FAB]  }
0x2b: {  	s6 =	sld [smem:$0x3FAC]  }
0x2c: {  	s7 =	sld [smem:$0x3FAD]  }
0x2d: {  	s3 =	simm.s32 $0x108;
	s8 =	sld [smem:$0x3FAE]  }
0x2e: {  	s3 =	simm.s32 @!p0 $0x1082;
	s9 =	sld [smem:$0x3FAF]  }
0x2f: {  	lr =	sadd.s32 s0, s3;
	s0 =	sld [smem:$0x3FA6]  }
0x30: {  	s3 =	sld [smem:$0x3FA9]  }
0x31: {  	[smem:$0x3FB2] =	sst s10  }
0x32: {  	s10 =	sld [smem:$0x3FB0];
	_ =	sdelay $0x3  }
0x33: {  	p0 =	seq.s32 s10, $0x1;
	s10 =	sld [smem:$0x3FB2];
	_ =	sdelay $0x3  }
0x34: {  	[smem:$0x3FB2] =	sst s10  }
0x35: {  	s10 =	sld [smem:$0x3FB1];
	_ =	sdelay $0x3  }
0x36: {  	p1 =	seq.s32 s10, $0x1;
	s10 =	sld [smem:$0x3FB2];
	_ =	sdelay $0x3  }
0x37: {  	[smem:$0x3FB2] =	sst s10  }
0x38: {  	s10 =	sld [smem:$0x3FB3]  }
0x39: {  	_ = 	snop;
	(pc) =	sbr.ind lr, $3  }
0x3a: {  	_ = 	snop  }
0x3b: {  	_ = 	snop  }
0x3c: {  	p2 =	seq.s32 s10, $0x1;
	s10 =	sld [smem:$0x3FB2]  }
0x3d: {  	_ =	shalt  }
0x3e: {  	_ =	shalt  }
0x3f: {  	_ =	shalt  }
0x40: {  	_ =	shalt  }
0x41: {  	_ =	shalt  }
0x42: {  	_ =	shalt  }
0x43: {  	_ =	shalt  }
0x44: {  	_ =	shalt  }
0x45: {  	_ =	shalt  }
0x46: {  	_ =	shalt  }
0x47: {  	_ =	shalt  }
0x48: {  	_ =	shalt  }
0x49: {  	_ =	shalt  }
0x4a: {  	_ =	shalt  }
0x4b: {  	_ =	shalt  }
0x4c: {  	_ =	shalt  }
0x4d: {  	_ =	shalt  }
0x4e: {  	_ =	shalt  }
0x4f: {  	_ =	shalt  }
0x50: {  	_ =	shalt  }
0x51: {  	_ =	shalt  }
0x52: {  	_ =	shalt  }
0x53: {  	_ =	shalt  }
0x54: {  	_ =	shalt  }
0x55: {  	_ =	shalt  }
0x56: {  	_ =	shalt  }
0x57: {  	_ =	shalt  }
0x58: {  	_ =	shalt  }
0x59: {  	_ =	shalt  }
0x5a: {  	_ =	shalt  }
0x5b: {  	_ =	shalt  }
0x5c: {  	_ =	shalt  }
0x5d: {  	_ =	shalt  }
0x5e: {  	_ =	shalt  }
0x5f: {  	_ =	shalt  }
0x60: {  	_ =	shalt  }
0x61: {  	_ =	shalt  }
0x62: {  	_ =	shalt  }
0x63: {  	_ =	shalt  }
0x64: {  	_ =	shalt  }
0x65: {  	_ =	shalt  }
0x66: {  	_ =	shalt  }
0x67: {  	_ =	shalt  }
0x68: {  	_ =	shalt  }
0x69: {  	_ =	shalt  }
0x6a: {  	_ =	shalt  }
0x6b: {  	_ =	shalt  }
0x6c: {  	_ =	shalt  }
0x6d: {  	_ =	shalt  }
0x6e: {  	_ =	shalt  }
0x6f: {  	_ =	shalt  }
0x70: {  	_ =	shalt  }
0x71: {  	_ =	shalt  }
0x72: {  	_ =	shalt  }
0x73: {  	_ =	shalt  }
0x74: {  	_ =	shalt  }
0x75: {  	_ =	shalt  }
0x76: {  	_ =	shalt  }
0x77: {  	_ =	shalt  }
0x78: {  	_ =	shalt  }
0x79: {  	_ =	shalt  }
0x7a: {  	_ =	shalt  }
0x7b: {  	_ =	shalt  }
0x7c: {  	_ =	shalt  }
0x7d: {  	_ =	shalt  }
0x7e: {  	_ =	shalt  }
0x7f: {  	_ =	shalt  }
0x80: {  	_ =	shalt  }
0x81: {  	_ =	shalt  }
0x82: {  	_ =	shalt  }
0x83: {  	_ =	shalt  }
0x84: {  	_ =	shalt  }
0x85: {  	_ =	shalt  }
0x86: {  	_ =	shalt  }
0x87: {  	_ =	shalt  }
.Lfunc_end0:
.L_simem_size_0:
called_computation_lowered:
.L_overlay_start_0:
0x88: {  	s2 =	sld [smem:$0x3FD9]  }
0x89: {  	s3 =	sld [smem:$0x3FFE];
	_ =	sdelay $0x1  }
0x8a: {  	s1 =	srdreg.scid  }
0x8b: {  	s0 =	sand.u32 $0x1, s1  }
0x8c: {  	s14 =	sshll.u32 s0, $0xA;
	s2 =	sadd.s32 s3, s2  }
0x8d: {  	s2 =	sadd.s32 s2, s14  }
0x8e: {  	[smem:$0x3FBE] =	sst s2  }
0x8f: {  	_ = 	snop  }
0x90: {  	s2 =	sld [smem:$0x3FD0];
	_ =	sdelay $0x1  }
0x91: {  	s15 =	sld [smem:$0x3FC9]  }
0x92: {  	s5 =	simm.s32 $0xA;
	s6 =	simm.s32 $0x10;
	s4 =	sld [smem:$0x3FC8]  }
0x93: {  	[smem:s6], [sflag:s5] =	dma.local [hbm:s2], $0x1  }
0x94: {  	_ =	swait.eq [sflag:s5], $0x1  }
0x95: {  	[sflag:s5] =	ssyncset.done $0x0  }
0x96: {  	s16 =	sld [smem:$0x10];
	[sflag:s5] =	ssyncadd.s32 $0xFFFFFFFF  }
0x97: {  	s17 =	sld [smem:$0x11];
	(tm) =	ssettm $0x1  }
0x98: {  	s18 =	sld [smem:$0x3FFB];
	_ =	sdelay $0x3  }
0x99: {  	_ =	strace s18  }
0x9a: {  	s6 =	sld [smem:$0x3FFC];
	_ =	sdelay $0x3  }
0x9b: {  	_ =	strace s6  }
0x9c: {  	s6 =	sld [smem:$0x3FFD];
	_ =	sdelay $0x3  }
0x9d: {  	_ =	strace s6  }
0x9e: {  	_ =	strace $0x8FFFFFFF  }
0x9f: {  	s19 =	sld [smem:$0x3FDB];
	_ =	sdelay $0x1  }
0xa0: {  	s7 =	simm.s32 $_scs_section_size  }
0xa1: {  	s8 =	simm.s32 $_size__tile_overlayer_lowered;
	s9 =	simm.s32 $_tile_overlayer_lowered  }
0xa2: {  	s22 =	simm.s32 $0x1BFF;
	s21 =	sshll.u32 s9, $0x1;
	s6 =	sadd.s32 s7, s19  }
0xa3: {  	s10 =	simm.s32 $0x0;
	s20 =	sshll.u32 s8, $0x1;
	s8 =	sadd.s32 s21, s6  }
0xa4: {  	[timem:s10], [sflag:s22] =	dma.local [hbm:s8], s20  }
0xa5: {  	_ =	swait.ge [sflag:s22], s20  }
0xa6: {  	s7 =	ssub.s32 $0x0, s20;
	[sflag:s22] =	ssyncset.done $0x0  }
0xa7: {  	[sflag:s22] =	ssyncadd.s32 s7;
	_ =	sdelay $0x1  }
0xa8: {  	s23 =	simm.s32 $0x1B8B  }
0xa9: {  	_ =	swait.ge [sflag:s23], $0x1  }
0xaa: {  	[sflag:s23] =	ssyncset.done $0x0  }
0xab: {  	s25 =	simm.s32 $0x1B8E;
	s24 =	sld [smem:$0x3FFE];
	[sflag:s23] =	ssyncadd.s32 $0xFFFFFFFF  }
0xac: {  	s26 =	simm.s32 $execute0_lowered;
	[smem:$0x3FD2] =	sst s25  }
0xad: {  	s8 =	sshll.u32 s26, $0x1;
	_ =	strace $0x80000046;
	[dreg:$0x1] =	wrdreg $0xFFFFFFFF  }
0xae: {  	s28 =	simm.s32 $_size_execute0_lowered;
	s6 =	sadd.s32 s6, s8;
	[dreg:$0x0] =	wrdreg $0x0  }
0xaf: {  	s8 =	sshll.u32 s28, $0x1;
	[dreg:$0x2] =	wrdreg s6  }
0xb0: {  	[dreg:$0x3] =	wrdreg s8  }
0xb1: {  	[dreg:$0x4] =	wrdreg $0xC0  }
0xb2: {  	_ =	task [dreg:s10], $0x5FFFF  }
0xb3: {  	[dreg:$0x1] =	wrdreg $0xFFFFFFFF  }
0xb4: {  	[dreg:$0x0] =	wrdreg $0x60  }
0xb5: {  	[dreg:$0x2] =	wrdreg s15  }
0xb6: {  	[dreg:$0x3] =	wrdreg s4  }
0xb7: {  	[dreg:$0x4] =	wrdreg s24  }
0xb8: {  	[dreg:$0x5] =	wrdreg s17  }
0xb9: {  	[dreg:$0x6] =	wrdreg s16  }
0xba: {  	[dreg:$0x7] =	wrdreg $0x9  }
0xbb: {  	_ =	task.clear_ibuf [dreg:s10], $0x8FFFF;
	_ =	strace $0x90000046  }
0xbc: {  	s29 =	simm.s32 $0x9;
	_ =	strace $0x80000068  }
0xbd: {  	_ =	swait.ge [sflag:s29], $0x1  }
0xbe: {  	[sflag:s29] =	ssyncadd.s32 $0xFFFFFFFF  }
0xbf: {  	_ =	strace $0x90000068  }
0xc0: {  	_ =	sfence  }
0xc1: {  	s30 =	sld [smem:$0x0];
	_ =	sdelay $0x2  }
0xc2: {  	s31 =	sshll.u32 s1, $0xD;
	s1 =	sshrl.u32 s1, $0x2  }
0xc3: {  	s3 =	sand.u32 $0x4000, s31;
	s1 =	sadd.s32 s1, s30  }
0xc4: {  	s0 =	sor.u32 s3, s0;
	s1 =	sshll.u32 s1, $0x11  }
0xc5: {  	s0 =	sor.u32 s1, s0  }
0xc6: {  	s0 =	sadd.s32 $0x8F2B, s0  }
0xc7: {  	[sflag:s0] =	ssyncadd.remote.s32 $0x1  }
0xc8: {  	_ =	sfence.sel $0xFFFF  }
0xc9: {  	[dreg:$0x0] =	wrdreg $0xFFFFFFFF;
	(pc) =	sbr.abs _section_cstart, $3  }
0xca: {  	[dreg:$0x1] =	wrdreg $0xFFFFFFFF  }
0xcb: {  	_ =	task.clear_ibuf [dreg:s10], $0x2FFFF;
	_ =	strace $0x9FFFFFFF  }
0xcc: {  	(tm) =	ssettm $0x7FFFFFFF  }
0xcd: {  	_ =	shalt  }
tec
execute0_lowered:
.L_overlay_start_1:
0x0: {  	(tag) =	ssettag $0x1  }
0x1: {  	s0 =	rddreg [dreg:$0x0]  }
0x2: {  	s11 =	rddreg [dreg:$0x1]  }
0x3: {  	s6 =	rddreg [dreg:$0x2]  }
0x4: {  	s2 =	rddreg [dreg:$0x3]  }
0x5: {  	s3 =	rddreg [dreg:$0x4];
	s4 =	srdreg.scid  }
0x6: {  	s1 =	stileid.u32;
	s15 =	simm.s32 $0x10000;
	s16 =	simm.s32 $0x1  }
0x7: {  	s17 =	simm.s32 $0x3;
	s18 =	simm.s32 $0x1000;
	s19 =	simm.s32 $0x1800  }
0x8: {  	s28 =	simm.s32 $0x6000;
	s29 =	simm.s32 $0x6800;
	s30 =	simm.s32 $0x7000  }
0x9: {  	s31 =	simm.s32 $0x7800;
	s5 =	sand.u32 $0x1, s4;
	s4 =	simm.s32 $0x0  }
0xa: {  	s8 =	sshll.u32 s1, $0x7;
	s7 =	sshll.u32 s5, $0xB;
	[smem:$0x7FF] =	sst s4  }
0xb: {  	s9 =	ssub.s32 $0x2, s5;
	s5 =	sadd.s32 $0x2A00, s6;
	s7 =	sor.u32 s8, s7  }
0xc: {  	_ =	strace $0x80000047;
	s20 =	sshrl.u32 s9, $0x1;
	s8 =	sshrl.u32 s7, $0x3  }
0xd: {  	s10 =	sshll.u32 s7, $0x7;
	s13 =	ssub.s32 s9, s20;
	s20 =	simm.s32 $0x2800  }
0xe: {  	s8 =	sadd.s32 s8, s6;
	s12 =	sadd.s32 s0, s10;
	s6 =	sadd.s32 $0x62A00, s6  }
0xf: {  	s21 =	sadd.s32 s11, s10;
	s22 =	sor.u32 $0x100, s10;
	s25 =	sor.u32 $0x200, s10  }
0x10: {  	s14 =	sor.u32 $0x300, s10;
	[dreg:$0x6] =	wrdreg s12;
	s7 =	sadd.s32 $0x2600, s8  }
0x11: {  	[dreg:$0x7] =	wrdreg s21;
	s8 =	sadd.s32 $0x2800, s8;
	s23 =	sadd.s32 s0, s22  }
0x12: {  	s24 =	sadd.s32 s11, s22;
	s26 =	sadd.s32 s0, s25;
	s9 =	sadd.s32 s11, s25  }
0x13: {  	s10 =	sadd.s32 s0, s14;
	s11 =	sadd.s32 s11, s14;
	s12 =	smax.u32 s13, $0x1  }
0x14: {  	s13 =	simm.s32 $0x800;
	s14 =	simm.s32 $0x2000;
	[dreg:$0x8] =	wrdreg s23  }
0x15: {  	v2 =	vlaneseq.u32;
	s21 =	simm.s32 $0x3000;
	s22 =	simm.s32 $0x3800;
	[dreg:$0x9] =	wrdreg s24  }
0x16: {  	vm0 =	vmmov $0xffff;
	v1 =	vshrl.u32 v2, $0x3;
	s25 =	simm.s32 $0x5000;
	s0 =	simm.s32 $0x5;
	[dreg:$0xa] =	wrdreg s26  }
0x17: {  	v0 =	vand.u32 $0x7, v2;
	v2 =	vor.u32 $0x8, v2;
	v1 =	vmul.u32 $0x8, v1;
	s23 =	simm.s32 $0x4000;
	s24 =	simm.s32 $0x4800;
	s26 =	simm.s32 $0x5800  }
.LBB2_1:
0x18: {  	_ =	strace $0x80000048  }
0x19: {  	s1 =	rddreg [dreg:$0x6]  }
0x1a: {  	[tilespmem:s4], [sflag:$0x1] =	stream.strided.gather [hbm4b:s1+s13], $0x8000, s14, s13, $0x200038;
	[tilespmem:$0x10100] =	vst v63  }
0x1b: {  	_ = 	snop  }
0x1c: {  	[tilespmem:s15], [sflag:$0x3] =	stream.linear.gather [hbm4b:s7+s4], $0x80, $0x200038;
	[tilespmem:$0x10100] =	vst v63  }
0x1d: {  	_ =	strace $0x90000048  }
0x1e: {  	_ =	strace $0x80000049  }
0x1f: {  	_ =	swait.ge [sflag:s16], $0x8000  }
0x20: {  	[sflag:s16] =	ssyncset.done $0x0  }
0x21: {  	[sflag:s16] =	ssyncadd.s32 $0xFFFF8000  }
0x22: {  	_ =	strace $0x90000049  }
0x23: {  	_ =	strace $0x8000004A  }
0x24: {  	_ =	swait.ge [sflag:s17], $0x80  }
0x25: {  	[sflag:s17] =	ssyncset.done $0x0  }
0x26: {  	[sflag:s17] =	ssyncadd.s32 $0xFFFFFF80  }
0x27: {  	_ =	strace $0x9000004A  }
0x28: {  	_ =	strace $0x8000004B  }
0x29: {  	v3 =	vld [tilespmem:$0x10000];
	_ =	sdelay $0x4  }
0x2a: {  	v4 =	vshll.u32 v3, $0x1  }
0x2b: {  	v3 =	vand.u32 $0x7, v3;
	v4 =	vand.u32 $0xFFFFFFF0, v4  }
0x2c: {  	v3 =	vor.u32 v3, v4  }
0x2d: {  	v4 =	vperm.xlane v3, v0;
	_ =	sdelay $0x1  }
0x2e: {  	v3 =	vperm.xlane v3, v2;
	v4 =	vadd.s32 v1, v4;
	_ =	sdelay $0x1  }
0x2f: {  	v3 =	vadd.s32 v1, v3;
	_ =	sdelay $0x2  }
0x30: {  	[hbm4b:s2+s4] =	stream.indirect_vreg.scatter [tilespmem:s4], [sflag:$0x5], $0x80, v4, vm0, $0x2000b8;
	[tilespmem:$0x10100] =	vst v63  }
0x31: {  	_ = 	snop  }
0x32: {  	[hbm4b:s2+s4] =	stream.indirect_vreg.scatter [tilespmem:s13], [sflag:$0x5], $0x80, v3, vm0, $0x2000b8;
	[tilespmem:$0x10100] =	vst v63  }
0x33: {  	v3 =	vld [tilespmem:$0x10010];
	_ =	sdelay $0x4  }
0x34: {  	v57 =	vshll.u32 v3, $0x1  }
0x35: {  	v3 =	vand.u32 $0x7, v3;
	v4 =	vand.u32 $0xFFFFFFF0, v57  }
0x36: {  	v3 =	vor.u32 v3, v4  }
0x37: {  	v4 =	vperm.xlane v3, v0;
	_ =	sdelay $0x1  }
0x38: {  	v3 =	vperm.xlane v3, v2;
	v4 =	vadd.s32 v1, v4;
	_ =	sdelay $0x1  }
0x39: {  	v3 =	vadd.s32 v1, v3;
	_ =	sdelay $0x2  }
0x3a: {  	[hbm4b:s2+s4] =	stream.indirect_vreg.scatter [tilespmem:s18], [sflag:$0x5], $0x80, v4, vm0, $0x2000b8;
	[tilespmem:$0x10100] =	vst v63  }
0x3b: {  	_ = 	snop  }
0x3c: {  	[hbm4b:s2+s4] =	stream.indirect_vreg.scatter [tilespmem:s19], [sflag:$0x5], $0x80, v3, vm0, $0x2000b8;
	[tilespmem:$0x10100] =	vst v63  }
0x3d: {  	v3 =	vld [tilespmem:$0x10020];
	_ =	sdelay $0x4  }
0x3e: {  	v58 =	vshll.u32 v3, $0x1  }
0x3f: {  	v3 =	vand.u32 $0x7, v3;
	v4 =	vand.u32 $0xFFFFFFF0, v58  }
0x40: {  	v3 =	vor.u32 v3, v4  }
0x41: {  	v4 =	vperm.xlane v3, v0;
	_ =	sdelay $0x1  }
0x42: {  	v3 =	vperm.xlane v3, v2;
	v4 =	vadd.s32 v1, v4;
	_ =	sdelay $0x1  }
0x43: {  	v3 =	vadd.s32 v1, v3;
	_ =	sdelay $0x2  }
0x44: {  	[hbm4b:s2+s4] =	stream.indirect_vreg.scatter [tilespmem:s14], [sflag:$0x5], $0x80, v4, vm0, $0x2000b8;
	[tilespmem:$0x10100] =	vst v63  }
0x45: {  	_ = 	snop  }
0x46: {  	[hbm4b:s2+s4] =	stream.indirect_vreg.scatter [tilespmem:s20], [sflag:$0x5], $0x80, v3, vm0, $0x2000b8;
	[tilespmem:$0x10100] =	vst v63  }
0x47: {  	v3 =	vld [tilespmem:$0x10030];
	_ =	sdelay $0x4  }
0x48: {  	v59 =	vshll.u32 v3, $0x1  }
0x49: {  	v3 =	vand.u32 $0x7, v3;
	v4 =	vand.u32 $0xFFFFFFF0, v59  }
0x4a: {  	v3 =	vor.u32 v3, v4  }
0x4b: {  	v4 =	vperm.xlane v3, v0;
	_ =	sdelay $0x1  }
0x4c: {  	v3 =	vperm.xlane v3, v2;
	v4 =	vadd.s32 v1, v4;
	_ =	sdelay $0x1  }
0x4d: {  	v3 =	vadd.s32 v1, v3;
	_ =	sdelay $0x2  }
0x4e: {  	[hbm4b:s2+s4] =	stream.indirect_vreg.scatter [tilespmem:s21], [sflag:$0x5], $0x80, v4, vm0, $0x2000b8;
	[tilespmem:$0x10100] =	vst v63  }
0x4f: {  	_ = 	snop  }
0x50: {  	[hbm4b:s2+s4] =	stream.indirect_vreg.scatter [tilespmem:s22], [sflag:$0x5], $0x80, v3, vm0, $0x2000b8;
	[tilespmem:$0x10100] =	vst v63  }
0x51: {  	v3 =	vld [tilespmem:$0x10040];
	_ =	sdelay $0x4  }
0x52: {  	v60 =	vshll.u32 v3, $0x1  }
0x53: {  	v3 =	vand.u32 $0x7, v3;
	v4 =	vand.u32 $0xFFFFFFF0, v60  }
0x54: {  	v3 =	vor.u32 v3, v4  }
0x55: {  	v4 =	vperm.xlane v3, v0;
	_ =	sdelay $0x1  }
0x56: {  	v3 =	vperm.xlane v3, v2;
	v4 =	vadd.s32 v1, v4;
	_ =	sdelay $0x1  }
0x57: {  	v3 =	vadd.s32 v1, v3;
	_ =	sdelay $0x2  }
0x58: {  	[hbm4b:s2+s4] =	stream.indirect_vreg.scatter [tilespmem:s23], [sflag:$0x5], $0x80, v4, vm0, $0x2000b8;
	[tilespmem:$0x10100] =	vst v63  }
0x59: {  	_ = 	snop  }
0x5a: {  	[hbm4b:s2+s4] =	stream.indirect_vreg.scatter [tilespmem:s24], [sflag:$0x5], $0x80, v3, vm0, $0x2000b8;
	[tilespmem:$0x10100] =	vst v63  }
0x5b: {  	v3 =	vld [tilespmem:$0x10050];
	_ =	sdelay $0x4  }
0x5c: {  	v61 =	vshll.u32 v3, $0x1  }
0x5d: {  	v3 =	vand.u32 $0x7, v3;
	v4 =	vand.u32 $0xFFFFFFF0, v61  }
0x5e: {  	v3 =	vor.u32 v3, v4  }
0x5f: {  	v4 =	vperm.xlane v3, v0;
	_ =	sdelay $0x1  }
0x60: {  	v3 =	vperm.xlane v3, v2;
	v4 =	vadd.s32 v1, v4;
	_ =	sdelay $0x1  }
0x61: {  	v3 =	vadd.s32 v1, v3;
	_ =	sdelay $0x2  }
0x62: {  	[hbm4b:s2+s4] =	stream.indirect_vreg.scatter [tilespmem:s25], [sflag:$0x5], $0x80, v4, vm0, $0x2000b8;
	[tilespmem:$0x10100] =	vst v63  }
0x63: {  	_ = 	snop  }
0x64: {  	[hbm4b:s2+s4] =	stream.indirect_vreg.scatter [tilespmem:s26], [sflag:$0x5], $0x80, v3, vm0, $0x2000b8;
	[tilespmem:$0x10100] =	vst v63  }
0x65: {  	v3 =	vld [tilespmem:$0x10060];
	_ =	sdelay $0x4  }
0x66: {  	v62 =	vshll.u32 v3, $0x1  }
0x67: {  	v3 =	vand.u32 $0x7, v3;
	v4 =	vand.u32 $0xFFFFFFF0, v62  }
0x68: {  	v3 =	vor.u32 v3, v4  }
0x69: {  	v4 =	vperm.xlane v3, v0;
	_ =	sdelay $0x1  }
0x6a: {  	v3 =	vperm.xlane v3, v2;
	v4 =	vadd.s32 v1, v4;
	_ =	sdelay $0x1  }
0x6b: {  	v3 =	vadd.s32 v1, v3;
	_ =	sdelay $0x2  }
0x6c: {  	[hbm4b:s2+s4] =	stream.indirect_vreg.scatter [tilespmem:s28], [sflag:$0x5], $0x80, v4, vm0, $0x2000b8;
	[tilespmem:$0x10100] =	vst v63  }
0x6d: {  	_ = 	snop  }
0x6e: {  	[hbm4b:s2+s4] =	stream.indirect_vreg.scatter [tilespmem:s29], [sflag:$0x5], $0x80, v3, vm0, $0x2000b8;
	[tilespmem:$0x10100] =	vst v63  }
0x6f: {  	v3 =	vld [tilespmem:$0x10070];
	_ =	sdelay $0x4  }
0x70: {  	v63 =	vshll.u32 v3, $0x1  }
0x71: {  	v3 =	vand.u32 $0x7, v3;
	v4 =	vand.u32 $0xFFFFFFF0, v63  }
0x72: {  	v3 =	vor.u32 v3, v4  }
0x73: {  	v4 =	vperm.xlane v3, v0;
	_ =	sdelay $0x1  }
0x74: {  	v3 =	vperm.xlane v3, v2;
	v4 =	vadd.s32 v1, v4;
	_ =	sdelay $0x1  }
0x75: {  	v3 =	vadd.s32 v1, v3;
	_ =	sdelay $0x2  }
0x76: {  	[hbm4b:s2+s4] =	stream.indirect_vreg.scatter [tilespmem:s30], [sflag:$0x5], $0x80, v4, vm0, $0x2000b8;
	[tilespmem:$0x10100] =	vst v63  }
0x77: {  	_ = 	snop  }
0x78: {  	[hbm4b:s2+s4] =	stream.indirect_vreg.scatter [tilespmem:s31], [sflag:$0x5], $0x80, v3, vm0, $0x2000b8;
	[tilespmem:$0x10100] =	vst v63  }
0x79: {  	_ =	swait.ge [sflag:s0], $0x8000  }
0x7a: {  	[sflag:s0] =	ssyncset.done $0x0  }
0x7b: {  	[sflag:s0] =	ssyncadd.s32 $0xFFFF8000  }
0x7c: {  	_ =	strace $0x9000004B  }
0x7d: {  	_ =	strace $0x8000004C  }
0x7e: {  	s1 =	rddreg [dreg:$0x7]  }
0x7f: {  	[tilespmem:s4], [sflag:$0x1] =	stream.strided.gather [hbm4b:s1+s13], $0x8000, s14, s13, $0x200038;
	[tilespmem:$0x10100] =	vst v63  }
0x80: {  	_ = 	snop  }
0x81: {  	[tilespmem:s15], [sflag:$0x3] =	stream.linear.gather [hbm4b:s8+s4], $0x80, $0x200038;
	[tilespmem:$0x10100] =	vst v63  }
0x82: {  	_ =	strace $0x9000004C  }
0x83: {  	_ =	strace $0x8000004D  }
0x84: {  	_ =	swait.ge [sflag:s16], $0x8000  }
0x85: {  	[sflag:s16] =	ssyncset.done $0x0  }
0x86: {  	[sflag:s16] =	ssyncadd.s32 $0xFFFF8000  }
0x87: {  	_ =	strace $0x9000004D  }
0x88: {  	_ =	strace $0x8000004E  }
0x89: {  	_ =	swait.ge [sflag:s17], $0x80  }
0x8a: {  	[sflag:s17] =	ssyncset.done $0x0  }
0x8b: {  	[sflag:s17] =	ssyncadd.s32 $0xFFFFFF80  }
0x8c: {  	_ =	strace $0x9000004E  }
0x8d: {  	_ =	strace $0x8000004F  }
0x8e: {  	v3 =	vld [tilespmem:$0x10000];
	_ =	sdelay $0x4  }
0x8f: {  	v8 =	vshll.u32 v3, $0x1  }
0x90: {  	v3 =	vand.u32 $0x7, v3;
	v4 =	vand.u32 $0xFFFFFFF0, v8  }
0x91: {  	v3 =	vor.u32 v3, v4  }
0x92: {  	v4 =	vperm.xlane v3, v0;
	_ =	sdelay $0x1  }
0x93: {  	v3 =	vperm.xlane v3, v2;
	v4 =	vadd.s32 v1, v4;
	_ =	sdelay $0x1  }
0x94: {  	v3 =	vadd.s32 v1, v3;
	_ =	sdelay $0x2  }
0x95: {  	[hbm4b:s2+s4] =	stream.indirect_vreg.scatter [tilespmem:s4], [sflag:$0x5], $0x80, v4, vm0, $0x2000b8;
	[tilespmem:$0x10100] =	vst v63  }
0x96: {  	_ = 	snop  }
0x97: {  	[hbm4b:s2+s4] =	stream.indirect_vreg.scatter [tilespmem:s13], [sflag:$0x5], $0x80, v3, vm0, $0x2000b8;
	[tilespmem:$0x10100] =	vst v63  }
0x98: {  	v3 =	vld [tilespmem:$0x10010];
	_ =	sdelay $0x4  }
0x99: {  	v9 =	vshll.u32 v3, $0x1  }
0x9a: {  	v3 =	vand.u32 $0x7, v3;
	v4 =	vand.u32 $0xFFFFFFF0, v9  }
0x9b: {  	v3 =	vor.u32 v3, v4  }
0x9c: {  	v4 =	vperm.xlane v3, v0;
	_ =	sdelay $0x1  }
0x9d: {  	v3 =	vperm.xlane v3, v2;
	v4 =	vadd.s32 v1, v4;
	_ =	sdelay $0x1  }
0x9e: {  	v3 =	vadd.s32 v1, v3;
	_ =	sdelay $0x2  }
0x9f: {  	[hbm4b:s2+s4] =	stream.indirect_vreg.scatter [tilespmem:s18], [sflag:$0x5], $0x80, v4, vm0, $0x2000b8;
	[tilespmem:$0x10100] =	vst v63  }
0xa0: {  	_ = 	snop  }
0xa1: {  	[hbm4b:s2+s4] =	stream.indirect_vreg.scatter [tilespmem:s19], [sflag:$0x5], $0x80, v3, vm0, $0x2000b8;
	[tilespmem:$0x10100] =	vst v63  }
0xa2: {  	v3 =	vld [tilespmem:$0x10020];
	_ =	sdelay $0x4  }
0xa3: {  	v10 =	vshll.u32 v3, $0x1  }
0xa4: {  	v3 =	vand.u32 $0x7, v3;
	v4 =	vand.u32 $0xFFFFFFF0, v10  }
0xa5: {  	v3 =	vor.u32 v3, v4  }
0xa6: {  	v4 =	vperm.xlane v3, v0;
	_ =	sdelay $0x1  }
0xa7: {  	v3 =	vperm.xlane v3, v2;
	v4 =	vadd.s32 v1, v4;
	_ =	sdelay $0x1  }
0xa8: {  	v3 =	vadd.s32 v1, v3;
	_ =	sdelay $0x2  }
0xa9: {  	[hbm4b:s2+s4] =	stream.indirect_vreg.scatter [tilespmem:s14], [sflag:$0x5], $0x80, v4, vm0, $0x2000b8;
	[tilespmem:$0x10100] =	vst v63  }
0xaa: {  	_ = 	snop  }
0xab: {  	[hbm4b:s2+s4] =	stream.indirect_vreg.scatter [tilespmem:s20], [sflag:$0x5], $0x80, v3, vm0, $0x2000b8;
	[tilespmem:$0x10100] =	vst v63  }
0xac: {  	v3 =	vld [tilespmem:$0x10030];
	_ =	sdelay $0x4  }
0xad: {  	v11 =	vshll.u32 v3, $0x1  }
0xae: {  	v3 =	vand.u32 $0x7, v3;
	v4 =	vand.u32 $0xFFFFFFF0, v11  }
0xaf: {  	v3 =	vor.u32 v3, v4  }
0xb0: {  	v4 =	vperm.xlane v3, v0;
	_ =	sdelay $0x1  }
0xb1: {  	v3 =	vperm.xlane v3, v2;
	v4 =	vadd.s32 v1, v4;
	_ =	sdelay $0x1  }
0xb2: {  	v3 =	vadd.s32 v1, v3;
	_ =	sdelay $0x2  }
0xb3: {  	[hbm4b:s2+s4] =	stream.indirect_vreg.scatter [tilespmem:s21], [sflag:$0x5], $0x80, v4, vm0, $0x2000b8;
	[tilespmem:$0x10100] =	vst v63  }
0xb4: {  	_ = 	snop  }
0xb5: {  	[hbm4b:s2+s4] =	stream.indirect_vreg.scatter [tilespmem:s22], [sflag:$0x5], $0x80, v3, vm0, $0x2000b8;
	[tilespmem:$0x10100] =	vst v63  }
0xb6: {  	v3 =	vld [tilespmem:$0x10040];
	_ =	sdelay $0x4  }
0xb7: {  	v12 =	vshll.u32 v3, $0x1  }
0xb8: {  	v3 =	vand.u32 $0x7, v3;
	v4 =	vand.u32 $0xFFFFFFF0, v12  }
0xb9: {  	v3 =	vor.u32 v3, v4  }
0xba: {  	v4 =	vperm.xlane v3, v0;
	_ =	sdelay $0x1  }
0xbb: {  	v3 =	vperm.xlane v3, v2;
	v4 =	vadd.s32 v1, v4;
	_ =	sdelay $0x1  }
0xbc: {  	v3 =	vadd.s32 v1, v3;
	_ =	sdelay $0x2  }
0xbd: {  	[hbm4b:s2+s4] =	stream.indirect_vreg.scatter [tilespmem:s23], [sflag:$0x5], $0x80, v4, vm0, $0x2000b8;
	[tilespmem:$0x10100] =	vst v63  }
0xbe: {  	_ = 	snop  }
0xbf: {  	[hbm4b:s2+s4] =	stream.indirect_vreg.scatter [tilespmem:s24], [sflag:$0x5], $0x80, v3, vm0, $0x2000b8;
	[tilespmem:$0x10100] =	vst v63  }
0xc0: {  	v3 =	vld [tilespmem:$0x10050];
	_ =	sdelay $0x4  }
0xc1: {  	v13 =	vshll.u32 v3, $0x1  }
0xc2: {  	v3 =	vand.u32 $0x7, v3;
	v4 =	vand.u32 $0xFFFFFFF0, v13  }
0xc3: {  	v3 =	vor.u32 v3, v4  }
0xc4: {  	v4 =	vperm.xlane v3, v0;
	_ =	sdelay $0x1  }
0xc5: {  	v3 =	vperm.xlane v3, v2;
	v4 =	vadd.s32 v1, v4;
	_ =	sdelay $0x1  }
0xc6: {  	v3 =	vadd.s32 v1, v3;
	_ =	sdelay $0x2  }
0xc7: {  	[hbm4b:s2+s4] =	stream.indirect_vreg.scatter [tilespmem:s25], [sflag:$0x5], $0x80, v4, vm0, $0x2000b8;
	[tilespmem:$0x10100] =	vst v63  }
0xc8: {  	_ = 	snop  }
0xc9: {  	[hbm4b:s2+s4] =	stream.indirect_vreg.scatter [tilespmem:s26], [sflag:$0x5], $0x80, v3, vm0, $0x2000b8;
	[tilespmem:$0x10100] =	vst v63  }
0xca: {  	v3 =	vld [tilespmem:$0x10060];
	_ =	sdelay $0x4  }
0xcb: {  	v14 =	vshll.u32 v3, $0x1  }
0xcc: {  	v3 =	vand.u32 $0x7, v3;
	v4 =	vand.u32 $0xFFFFFFF0, v14  }
0xcd: {  	v3 =	vor.u32 v3, v4  }
0xce: {  	v4 =	vperm.xlane v3, v0;
	_ =	sdelay $0x1  }
0xcf: {  	v3 =	vperm.xlane v3, v2;
	v4 =	vadd.s32 v1, v4;
	_ =	sdelay $0x1  }
0xd0: {  	v3 =	vadd.s32 v1, v3;
	_ =	sdelay $0x2  }
0xd1: {  	[hbm4b:s2+s4] =	stream.indirect_vreg.scatter [tilespmem:s28], [sflag:$0x5], $0x80, v4, vm0, $0x2000b8;
	[tilespmem:$0x10100] =	vst v63  }
0xd2: {  	_ = 	snop  }
0xd3: {  	[hbm4b:s2+s4] =	stream.indirect_vreg.scatter [tilespmem:s29], [sflag:$0x5], $0x80, v3, vm0, $0x2000b8;
	[tilespmem:$0x10100] =	vst v63  }
0xd4: {  	v3 =	vld [tilespmem:$0x10070];
	_ =	sdelay $0x4  }
0xd5: {  	v15 =	vshll.u32 v3, $0x1  }
0xd6: {  	v3 =	vand.u32 $0x7, v3;
	v4 =	vand.u32 $0xFFFFFFF0, v15  }
0xd7: {  	v3 =	vor.u32 v3, v4  }
0xd8: {  	v4 =	vperm.xlane v3, v0;
	_ =	sdelay $0x1  }
0xd9: {  	v3 =	vperm.xlane v3, v2;
	v4 =	vadd.s32 v1, v4;
	_ =	sdelay $0x1  }
0xda: {  	v3 =	vadd.s32 v1, v3;
	_ =	sdelay $0x2  }
0xdb: {  	[hbm4b:s2+s4] =	stream.indirect_vreg.scatter [tilespmem:s30], [sflag:$0x5], $0x80, v4, vm0, $0x2000b8;
	[tilespmem:$0x10100] =	vst v63  }
0xdc: {  	_ = 	snop  }
0xdd: {  	[hbm4b:s2+s4] =	stream.indirect_vreg.scatter [tilespmem:s31], [sflag:$0x5], $0x80, v3, vm0, $0x2000b8;
	[tilespmem:$0x10100] =	vst v63  }
0xde: {  	_ =	swait.ge [sflag:s0], $0x8000  }
0xdf: {  	[sflag:s0] =	ssyncset.done $0x0  }
0xe0: {  	[sflag:s0] =	ssyncadd.s32 $0xFFFF8000  }
0xe1: {  	_ =	strace $0x9000004F  }
0xe2: {  	_ =	strace $0x80000050  }
0xe3: {  	s1 =	rddreg [dreg:$0x8]  }
0xe4: {  	[tilespmem:s4], [sflag:$0x1] =	stream.strided.gather [hbm4b:s1+s13], $0x8000, s14, s13, $0x200038;
	[tilespmem:$0x10100] =	vst v63  }
0xe5: {  	_ = 	snop  }
0xe6: {  	[tilespmem:s15], [sflag:$0x3] =	stream.linear.gather [hbm4b:s7+s4], $0x80, $0x200038;
	[tilespmem:$0x10100] =	vst v63  }
0xe7: {  	_ =	strace $0x90000050  }
0xe8: {  	_ =	strace $0x80000051  }
0xe9: {  	_ =	swait.ge [sflag:s16], $0x8000  }
0xea: {  	[sflag:s16] =	ssyncset.done $0x0  }
0xeb: {  	[sflag:s16] =	ssyncadd.s32 $0xFFFF8000  }
0xec: {  	_ =	strace $0x90000051  }
0xed: {  	_ =	strace $0x80000052  }
0xee: {  	_ =	swait.ge [sflag:s17], $0x80  }
0xef: {  	[sflag:s17] =	ssyncset.done $0x0  }
0xf0: {  	[sflag:s17] =	ssyncadd.s32 $0xFFFFFF80  }
0xf1: {  	_ =	strace $0x90000052  }
0xf2: {  	_ =	strace $0x80000053  }
0xf3: {  	v3 =	vld [tilespmem:$0x10000];
	_ =	sdelay $0x4  }
0xf4: {  	v16 =	vshll.u32 v3, $0x1  }
0xf5: {  	v3 =	vand.u32 $0x7, v3;
	v4 =	vand.u32 $0xFFFFFFF0, v16  }
0xf6: {  	v3 =	vor.u32 v3, v4  }
0xf7: {  	v4 =	vperm.xlane v3, v0;
	_ =	sdelay $0x1  }
0xf8: {  	v3 =	vperm.xlane v3, v2;
	v4 =	vadd.s32 v1, v4;
	_ =	sdelay $0x1  }
0xf9: {  	v3 =	vadd.s32 v1, v3;
	_ =	sdelay $0x2  }
0xfa: {  	[hbm4b:s3+s4] =	stream.indirect_vreg.scatter [tilespmem:s4], [sflag:$0x5], $0x80, v4, vm0, $0x2000b8;
	[tilespmem:$0x10100] =	vst v63  }
0xfb: {  	_ = 	snop  }
0xfc: {  	[hbm4b:s3+s4] =	stream.indirect_vreg.scatter [tilespmem:s13], [sflag:$0x5], $0x80, v3, vm0, $0x2000b8;
	[tilespmem:$0x10100] =	vst v63  }
0xfd: {  	v3 =	vld [tilespmem:$0x10010];
	_ =	sdelay $0x4  }
0xfe: {  	v17 =	vshll.u32 v3, $0x1  }
0xff: {  	v3 =	vand.u32 $0x7, v3;
	v4 =	vand.u32 $0xFFFFFFF0, v17  }
0x100: {  	v3 =	vor.u32 v3, v4  }
0x101: {  	v4 =	vperm.xlane v3, v0;
	_ =	sdelay $0x1  }
0x102: {  	v3 =	vperm.xlane v3, v2;
	v4 =	vadd.s32 v1, v4;
	_ =	sdelay $0x1  }
0x103: {  	v3 =	vadd.s32 v1, v3;
	_ =	sdelay $0x2  }
0x104: {  	[hbm4b:s3+s4] =	stream.indirect_vreg.scatter [tilespmem:s18], [sflag:$0x5], $0x80, v4, vm0, $0x2000b8;
	[tilespmem:$0x10100] =	vst v63  }
0x105: {  	_ = 	snop  }
0x106: {  	[hbm4b:s3+s4] =	stream.indirect_vreg.scatter [tilespmem:s19], [sflag:$0x5], $0x80, v3, vm0, $0x2000b8;
	[tilespmem:$0x10100] =	vst v63  }
0x107: {  	v3 =	vld [tilespmem:$0x10020];
	_ =	sdelay $0x4  }
0x108: {  	v18 =	vshll.u32 v3, $0x1  }
0x109: {  	v3 =	vand.u32 $0x7, v3;
	v4 =	vand.u32 $0xFFFFFFF0, v18  }
0x10a: {  	v3 =	vor.u32 v3, v4  }
0x10b: {  	v4 =	vperm.xlane v3, v0;
	_ =	sdelay $0x1  }
0x10c: {  	v3 =	vperm.xlane v3, v2;
	v4 =	vadd.s32 v1, v4;
	_ =	sdelay $0x1  }
0x10d: {  	v3 =	vadd.s32 v1, v3;
	_ =	sdelay $0x2  }
0x10e: {  	[hbm4b:s3+s4] =	stream.indirect_vreg.scatter [tilespmem:s14], [sflag:$0x5], $0x80, v4, vm0, $0x2000b8;
	[tilespmem:$0x10100] =	vst v63  }
0x10f: {  	_ = 	snop  }
0x110: {  	[hbm4b:s3+s4] =	stream.indirect_vreg.scatter [tilespmem:s20], [sflag:$0x5], $0x80, v3, vm0, $0x2000b8;
	[tilespmem:$0x10100] =	vst v63  }
0x111: {  	v3 =	vld [tilespmem:$0x10030];
	_ =	sdelay $0x4  }
0x112: {  	v19 =	vshll.u32 v3, $0x1  }
0x113: {  	v3 =	vand.u32 $0x7, v3;
	v4 =	vand.u32 $0xFFFFFFF0, v19  }
0x114: {  	v3 =	vor.u32 v3, v4  }
0x115: {  	v4 =	vperm.xlane v3, v0;
	_ =	sdelay $0x1  }
0x116: {  	v3 =	vperm.xlane v3, v2;
	v4 =	vadd.s32 v1, v4;
	_ =	sdelay $0x1  }
0x117: {  	v3 =	vadd.s32 v1, v3;
	_ =	sdelay $0x2  }
0x118: {  	[hbm4b:s3+s4] =	stream.indirect_vreg.scatter [tilespmem:s21], [sflag:$0x5], $0x80, v4, vm0, $0x2000b8;
	[tilespmem:$0x10100] =	vst v63  }
0x119: {  	_ = 	snop  }
0x11a: {  	[hbm4b:s3+s4] =	stream.indirect_vreg.scatter [tilespmem:s22], [sflag:$0x5], $0x80, v3, vm0, $0x2000b8;
	[tilespmem:$0x10100] =	vst v63  }
0x11b: {  	v3 =	vld [tilespmem:$0x10040];
	_ =	sdelay $0x4  }
0x11c: {  	v20 =	vshll.u32 v3, $0x1  }
0x11d: {  	v3 =	vand.u32 $0x7, v3;
	v4 =	vand.u32 $0xFFFFFFF0, v20  }
0x11e: {  	v3 =	vor.u32 v3, v4  }
0x11f: {  	v4 =	vperm.xlane v3, v0;
	_ =	sdelay $0x1  }
0x120: {  	v3 =	vperm.xlane v3, v2;
	v4 =	vadd.s32 v1, v4;
	_ =	sdelay $0x1  }
0x121: {  	v3 =	vadd.s32 v1, v3;
	_ =	sdelay $0x2  }
0x122: {  	[hbm4b:s3+s4] =	stream.indirect_vreg.scatter [tilespmem:s23], [sflag:$0x5], $0x80, v4, vm0, $0x2000b8;
	[tilespmem:$0x10100] =	vst v63  }
0x123: {  	_ = 	snop  }
0x124: {  	[hbm4b:s3+s4] =	stream.indirect_vreg.scatter [tilespmem:s24], [sflag:$0x5], $0x80, v3, vm0, $0x2000b8;
	[tilespmem:$0x10100] =	vst v63  }
0x125: {  	v3 =	vld [tilespmem:$0x10050];
	_ =	sdelay $0x4  }
0x126: {  	v21 =	vshll.u32 v3, $0x1  }
0x127: {  	v3 =	vand.u32 $0x7, v3;
	v4 =	vand.u32 $0xFFFFFFF0, v21  }
0x128: {  	v3 =	vor.u32 v3, v4  }
0x129: {  	v4 =	vperm.xlane v3, v0;
	_ =	sdelay $0x1  }
0x12a: {  	v3 =	vperm.xlane v3, v2;
	v4 =	vadd.s32 v1, v4;
	_ =	sdelay $0x1  }
0x12b: {  	v3 =	vadd.s32 v1, v3;
	_ =	sdelay $0x2  }
0x12c: {  	[hbm4b:s3+s4] =	stream.indirect_vreg.scatter [tilespmem:s25], [sflag:$0x5], $0x80, v4, vm0, $0x2000b8;
	[tilespmem:$0x10100] =	vst v63  }
0x12d: {  	_ = 	snop  }
0x12e: {  	[hbm4b:s3+s4] =	stream.indirect_vreg.scatter [tilespmem:s26], [sflag:$0x5], $0x80, v3, vm0, $0x2000b8;
	[tilespmem:$0x10100] =	vst v63  }
0x12f: {  	v3 =	vld [tilespmem:$0x10060];
	_ =	sdelay $0x4  }
0x130: {  	v22 =	vshll.u32 v3, $0x1  }
0x131: {  	v3 =	vand.u32 $0x7, v3;
	v4 =	vand.u32 $0xFFFFFFF0, v22  }
0x132: {  	v3 =	vor.u32 v3, v4  }
0x133: {  	v4 =	vperm.xlane v3, v0;
	_ =	sdelay $0x1  }
0x134: {  	v3 =	vperm.xlane v3, v2;
	v4 =	vadd.s32 v1, v4;
	_ =	sdelay $0x1  }
0x135: {  	v3 =	vadd.s32 v1, v3;
	_ =	sdelay $0x2  }
0x136: {  	[hbm4b:s3+s4] =	stream.indirect_vreg.scatter [tilespmem:s28], [sflag:$0x5], $0x80, v4, vm0, $0x2000b8;
	[tilespmem:$0x10100] =	vst v63  }
0x137: {  	_ = 	snop  }
0x138: {  	[hbm4b:s3+s4] =	stream.indirect_vreg.scatter [tilespmem:s29], [sflag:$0x5], $0x80, v3, vm0, $0x2000b8;
	[tilespmem:$0x10100] =	vst v63  }
0x139: {  	v3 =	vld [tilespmem:$0x10070];
	_ =	sdelay $0x4  }
0x13a: {  	v23 =	vshll.u32 v3, $0x1  }
0x13b: {  	v3 =	vand.u32 $0x7, v3;
	v4 =	vand.u32 $0xFFFFFFF0, v23  }
0x13c: {  	v3 =	vor.u32 v3, v4  }
0x13d: {  	v4 =	vperm.xlane v3, v0;
	_ =	sdelay $0x1  }
0x13e: {  	v3 =	vperm.xlane v3, v2;
	v4 =	vadd.s32 v1, v4;
	_ =	sdelay $0x1  }
0x13f: {  	v3 =	vadd.s32 v1, v3;
	_ =	sdelay $0x2  }
0x140: {  	[hbm4b:s3+s4] =	stream.indirect_vreg.scatter [tilespmem:s30], [sflag:$0x5], $0x80, v4, vm0, $0x2000b8;
	[tilespmem:$0x10100] =	vst v63  }
0x141: {  	_ = 	snop  }
0x142: {  	[hbm4b:s3+s4] =	stream.indirect_vreg.scatter [tilespmem:s31], [sflag:$0x5], $0x80, v3, vm0, $0x2000b8;
	[tilespmem:$0x10100] =	vst v63  }
0x143: {  	_ =	swait.ge [sflag:s0], $0x8000  }
0x144: {  	[sflag:s0] =	ssyncset.done $0x0  }
0x145: {  	[sflag:s0] =	ssyncadd.s32 $0xFFFF8000  }
0x146: {  	_ =	strace $0x90000053  }
0x147: {  	_ =	strace $0x80000054  }
0x148: {  	s1 =	rddreg [dreg:$0x9]  }
0x149: {  	[tilespmem:s4], [sflag:$0x1] =	stream.strided.gather [hbm4b:s1+s13], $0x8000, s14, s13, $0x200038;
	[tilespmem:$0x10100] =	vst v63  }
0x14a: {  	_ = 	snop  }
0x14b: {  	[tilespmem:s15], [sflag:$0x3] =	stream.linear.gather [hbm4b:s8+s4], $0x80, $0x200038;
	[tilespmem:$0x10100] =	vst v63  }
0x14c: {  	_ =	strace $0x90000054  }
0x14d: {  	_ =	strace $0x80000055  }
0x14e: {  	_ =	swait.ge [sflag:s16], $0x8000  }
0x14f: {  	[sflag:s16] =	ssyncset.done $0x0  }
0x150: {  	[sflag:s16] =	ssyncadd.s32 $0xFFFF8000  }
0x151: {  	_ =	strace $0x90000055  }
0x152: {  	_ =	strace $0x80000056  }
0x153: {  	_ =	swait.ge [sflag:s17], $0x80  }
0x154: {  	[sflag:s17] =	ssyncset.done $0x0  }
0x155: {  	[sflag:s17] =	ssyncadd.s32 $0xFFFFFF80  }
0x156: {  	_ =	strace $0x90000056  }
0x157: {  	_ =	strace $0x80000057  }
0x158: {  	v3 =	vld [tilespmem:$0x10000];
	_ =	sdelay $0x4  }
0x159: {  	v24 =	vshll.u32 v3, $0x1  }
0x15a: {  	v3 =	vand.u32 $0x7, v3;
	v4 =	vand.u32 $0xFFFFFFF0, v24  }
0x15b: {  	v3 =	vor.u32 v3, v4  }
0x15c: {  	v4 =	vperm.xlane v3, v0;
	_ =	sdelay $0x1  }
0x15d: {  	v3 =	vperm.xlane v3, v2;
	v4 =	vadd.s32 v1, v4;
	_ =	sdelay $0x1  }
0x15e: {  	v3 =	vadd.s32 v1, v3;
	_ =	sdelay $0x2  }
0x15f: {  	[hbm4b:s3+s4] =	stream.indirect_vreg.scatter [tilespmem:s4], [sflag:$0x5], $0x80, v4, vm0, $0x2000b8;
	[tilespmem:$0x10100] =	vst v63  }
0x160: {  	_ = 	snop  }
0x161: {  	[hbm4b:s3+s4] =	stream.indirect_vreg.scatter [tilespmem:s13], [sflag:$0x5], $0x80, v3, vm0, $0x2000b8;
	[tilespmem:$0x10100] =	vst v63  }
0x162: {  	v3 =	vld [tilespmem:$0x10010];
	_ =	sdelay $0x4  }
0x163: {  	v25 =	vshll.u32 v3, $0x1  }
0x164: {  	v3 =	vand.u32 $0x7, v3;
	v4 =	vand.u32 $0xFFFFFFF0, v25  }
0x165: {  	v3 =	vor.u32 v3, v4  }
0x166: {  	v4 =	vperm.xlane v3, v0;
	_ =	sdelay $0x1  }
0x167: {  	v3 =	vperm.xlane v3, v2;
	v4 =	vadd.s32 v1, v4;
	_ =	sdelay $0x1  }
0x168: {  	v3 =	vadd.s32 v1, v3;
	_ =	sdelay $0x2  }
0x169: {  	[hbm4b:s3+s4] =	stream.indirect_vreg.scatter [tilespmem:s18], [sflag:$0x5], $0x80, v4, vm0, $0x2000b8;
	[tilespmem:$0x10100] =	vst v63  }
0x16a: {  	_ = 	snop  }
0x16b: {  	[hbm4b:s3+s4] =	stream.indirect_vreg.scatter [tilespmem:s19], [sflag:$0x5], $0x80, v3, vm0, $0x2000b8;
	[tilespmem:$0x10100] =	vst v63  }
0x16c: {  	v3 =	vld [tilespmem:$0x10020];
	_ =	sdelay $0x4  }
0x16d: {  	v26 =	vshll.u32 v3, $0x1  }
0x16e: {  	v3 =	vand.u32 $0x7, v3;
	v4 =	vand.u32 $0xFFFFFFF0, v26  }
0x16f: {  	v3 =	vor.u32 v3, v4  }
0x170: {  	v4 =	vperm.xlane v3, v0;
	_ =	sdelay $0x1  }
0x171: {  	v3 =	vperm.xlane v3, v2;
	v4 =	vadd.s32 v1, v4;
	_ =	sdelay $0x1  }
0x172: {  	v3 =	vadd.s32 v1, v3;
	_ =	sdelay $0x2  }
0x173: {  	[hbm4b:s3+s4] =	stream.indirect_vreg.scatter [tilespmem:s14], [sflag:$0x5], $0x80, v4, vm0, $0x2000b8;
	[tilespmem:$0x10100] =	vst v63  }
0x174: {  	_ = 	snop  }
0x175: {  	[hbm4b:s3+s4] =	stream.indirect_vreg.scatter [tilespmem:s20], [sflag:$0x5], $0x80, v3, vm0, $0x2000b8;
	[tilespmem:$0x10100] =	vst v63  }
0x176: {  	v3 =	vld [tilespmem:$0x10030];
	_ =	sdelay $0x4  }
0x177: {  	v27 =	vshll.u32 v3, $0x1  }
0x178: {  	v3 =	vand.u32 $0x7, v3;
	v4 =	vand.u32 $0xFFFFFFF0, v27  }
0x179: {  	v3 =	vor.u32 v3, v4  }
0x17a: {  	v4 =	vperm.xlane v3, v0;
	_ =	sdelay $0x1  }
0x17b: {  	v3 =	vperm.xlane v3, v2;
	v4 =	vadd.s32 v1, v4;
	_ =	sdelay $0x1  }
0x17c: {  	v3 =	vadd.s32 v1, v3;
	_ =	sdelay $0x2  }
0x17d: {  	[hbm4b:s3+s4] =	stream.indirect_vreg.scatter [tilespmem:s21], [sflag:$0x5], $0x80, v4, vm0, $0x2000b8;
	[tilespmem:$0x10100] =	vst v63  }
0x17e: {  	_ = 	snop  }
0x17f: {  	[hbm4b:s3+s4] =	stream.indirect_vreg.scatter [tilespmem:s22], [sflag:$0x5], $0x80, v3, vm0, $0x2000b8;
	[tilespmem:$0x10100] =	vst v63  }
0x180: {  	v3 =	vld [tilespmem:$0x10040];
	_ =	sdelay $0x4  }
0x181: {  	v28 =	vshll.u32 v3, $0x1  }
0x182: {  	v3 =	vand.u32 $0x7, v3;
	v4 =	vand.u32 $0xFFFFFFF0, v28  }
0x183: {  	v3 =	vor.u32 v3, v4  }
0x184: {  	v4 =	vperm.xlane v3, v0;
	_ =	sdelay $0x1  }
0x185: {  	v3 =	vperm.xlane v3, v2;
	v4 =	vadd.s32 v1, v4;
	_ =	sdelay $0x1  }
0x186: {  	v3 =	vadd.s32 v1, v3;
	_ =	sdelay $0x2  }
0x187: {  	[hbm4b:s3+s4] =	stream.indirect_vreg.scatter [tilespmem:s23], [sflag:$0x5], $0x80, v4, vm0, $0x2000b8;
	[tilespmem:$0x10100] =	vst v63  }
0x188: {  	_ = 	snop  }
0x189: {  	[hbm4b:s3+s4] =	stream.indirect_vreg.scatter [tilespmem:s24], [sflag:$0x5], $0x80, v3, vm0, $0x2000b8;
	[tilespmem:$0x10100] =	vst v63  }
0x18a: {  	v3 =	vld [tilespmem:$0x10050];
	_ =	sdelay $0x4  }
0x18b: {  	v29 =	vshll.u32 v3, $0x1  }
0x18c: {  	v3 =	vand.u32 $0x7, v3;
	v4 =	vand.u32 $0xFFFFFFF0, v29  }
0x18d: {  	v3 =	vor.u32 v3, v4  }
0x18e: {  	v4 =	vperm.xlane v3, v0;
	_ =	sdelay $0x1  }
0x18f: {  	v3 =	vperm.xlane v3, v2;
	v4 =	vadd.s32 v1, v4;
	_ =	sdelay $0x1  }
0x190: {  	v3 =	vadd.s32 v1, v3;
	_ =	sdelay $0x2  }
0x191: {  	[hbm4b:s3+s4] =	stream.indirect_vreg.scatter [tilespmem:s25], [sflag:$0x5], $0x80, v4, vm0, $0x2000b8;
	[tilespmem:$0x10100] =	vst v63  }
0x192: {  	_ = 	snop  }
0x193: {  	[hbm4b:s3+s4] =	stream.indirect_vreg.scatter [tilespmem:s26], [sflag:$0x5], $0x80, v3, vm0, $0x2000b8;
	[tilespmem:$0x10100] =	vst v63  }
0x194: {  	v3 =	vld [tilespmem:$0x10060];
	_ =	sdelay $0x4  }
0x195: {  	v30 =	vshll.u32 v3, $0x1  }
0x196: {  	v3 =	vand.u32 $0x7, v3;
	v4 =	vand.u32 $0xFFFFFFF0, v30  }
0x197: {  	v3 =	vor.u32 v3, v4  }
0x198: {  	v4 =	vperm.xlane v3, v0;
	_ =	sdelay $0x1  }
0x199: {  	v3 =	vperm.xlane v3, v2;
	v4 =	vadd.s32 v1, v4;
	_ =	sdelay $0x1  }
0x19a: {  	v3 =	vadd.s32 v1, v3;
	_ =	sdelay $0x2  }
0x19b: {  	[hbm4b:s3+s4] =	stream.indirect_vreg.scatter [tilespmem:s28], [sflag:$0x5], $0x80, v4, vm0, $0x2000b8;
	[tilespmem:$0x10100] =	vst v63  }
0x19c: {  	_ = 	snop  }
0x19d: {  	[hbm4b:s3+s4] =	stream.indirect_vreg.scatter [tilespmem:s29], [sflag:$0x5], $0x80, v3, vm0, $0x2000b8;
	[tilespmem:$0x10100] =	vst v63  }
0x19e: {  	v3 =	vld [tilespmem:$0x10070];
	_ =	sdelay $0x4  }
0x19f: {  	v31 =	vshll.u32 v3, $0x1  }
0x1a0: {  	v3 =	vand.u32 $0x7, v3;
	v4 =	vand.u32 $0xFFFFFFF0, v31  }
0x1a1: {  	v3 =	vor.u32 v3, v4  }
0x1a2: {  	v4 =	vperm.xlane v3, v0;
	_ =	sdelay $0x1  }
0x1a3: {  	v3 =	vperm.xlane v3, v2;
	v4 =	vadd.s32 v1, v4;
	_ =	sdelay $0x1  }
0x1a4: {  	v3 =	vadd.s32 v1, v3;
	_ =	sdelay $0x2  }
0x1a5: {  	[hbm4b:s3+s4] =	stream.indirect_vreg.scatter [tilespmem:s30], [sflag:$0x5], $0x80, v4, vm0, $0x2000b8;
	[tilespmem:$0x10100] =	vst v63  }
0x1a6: {  	_ = 	snop  }
0x1a7: {  	[hbm4b:s3+s4] =	stream.indirect_vreg.scatter [tilespmem:s31], [sflag:$0x5], $0x80, v3, vm0, $0x2000b8;
	[tilespmem:$0x10100] =	vst v63  }
0x1a8: {  	_ =	swait.ge [sflag:s0], $0x8000  }
0x1a9: {  	[sflag:s0] =	ssyncset.done $0x0  }
0x1aa: {  	[sflag:s0] =	ssyncadd.s32 $0xFFFF8000  }
0x1ab: {  	_ =	strace $0x90000057  }
0x1ac: {  	_ =	strace $0x80000058  }
0x1ad: {  	s1 =	rddreg [dreg:$0xa]  }
0x1ae: {  	[tilespmem:s4], [sflag:$0x1] =	stream.strided.gather [hbm4b:s1+s13], $0x8000, s14, s13, $0x200038;
	[tilespmem:$0x10100] =	vst v63  }
0x1af: {  	_ = 	snop  }
0x1b0: {  	[tilespmem:s15], [sflag:$0x3] =	stream.linear.gather [hbm4b:s7+s4], $0x80, $0x200038;
	[tilespmem:$0x10100] =	vst v63  }
0x1b1: {  	_ =	strace $0x90000058  }
0x1b2: {  	_ =	strace $0x80000059  }
0x1b3: {  	_ =	swait.ge [sflag:s16], $0x8000  }
0x1b4: {  	[sflag:s16] =	ssyncset.done $0x0  }
0x1b5: {  	[sflag:s16] =	ssyncadd.s32 $0xFFFF8000  }
0x1b6: {  	_ =	strace $0x90000059  }
0x1b7: {  	_ =	strace $0x8000005A  }
0x1b8: {  	_ =	swait.ge [sflag:s17], $0x80  }
0x1b9: {  	[sflag:s17] =	ssyncset.done $0x0  }
0x1ba: {  	[sflag:s17] =	ssyncadd.s32 $0xFFFFFF80  }
0x1bb: {  	_ =	strace $0x9000005A  }
0x1bc: {  	_ =	strace $0x8000005B  }
0x1bd: {  	v3 =	vld [tilespmem:$0x10000];
	_ =	sdelay $0x4  }
0x1be: {  	v32 =	vshll.u32 v3, $0x1  }
0x1bf: {  	v3 =	vand.u32 $0x7, v3;
	v4 =	vand.u32 $0xFFFFFFF0, v32  }
0x1c0: {  	v3 =	vor.u32 v3, v4  }
0x1c1: {  	v4 =	vperm.xlane v3, v0;
	_ =	sdelay $0x1  }
0x1c2: {  	v3 =	vperm.xlane v3, v2;
	v4 =	vadd.s32 v1, v4;
	_ =	sdelay $0x1  }
0x1c3: {  	v3 =	vadd.s32 v1, v3;
	_ =	sdelay $0x2  }
0x1c4: {  	[hbm4b:s5+s4] =	stream.indirect_vreg.scatter [tilespmem:s4], [sflag:$0x5], $0x80, v4, vm0, $0x2000b8;
	[tilespmem:$0x10100] =	vst v63  }
0x1c5: {  	_ = 	snop  }
0x1c6: {  	[hbm4b:s5+s4] =	stream.indirect_vreg.scatter [tilespmem:s13], [sflag:$0x5], $0x80, v3, vm0, $0x2000b8;
	[tilespmem:$0x10100] =	vst v63  }
0x1c7: {  	v3 =	vld [tilespmem:$0x10010];
	_ =	sdelay $0x4  }
0x1c8: {  	v33 =	vshll.u32 v3, $0x1  }
0x1c9: {  	v3 =	vand.u32 $0x7, v3;
	v4 =	vand.u32 $0xFFFFFFF0, v33  }
0x1ca: {  	v3 =	vor.u32 v3, v4  }
0x1cb: {  	v4 =	vperm.xlane v3, v0;
	_ =	sdelay $0x1  }
0x1cc: {  	v3 =	vperm.xlane v3, v2;
	v4 =	vadd.s32 v1, v4;
	_ =	sdelay $0x1  }
0x1cd: {  	v3 =	vadd.s32 v1, v3;
	_ =	sdelay $0x2  }
0x1ce: {  	[hbm4b:s5+s4] =	stream.indirect_vreg.scatter [tilespmem:s18], [sflag:$0x5], $0x80, v4, vm0, $0x2000b8;
	[tilespmem:$0x10100] =	vst v63  }
0x1cf: {  	_ = 	snop  }
0x1d0: {  	[hbm4b:s5+s4] =	stream.indirect_vreg.scatter [tilespmem:s19], [sflag:$0x5], $0x80, v3, vm0, $0x2000b8;
	[tilespmem:$0x10100] =	vst v63  }
0x1d1: {  	v3 =	vld [tilespmem:$0x10020];
	_ =	sdelay $0x4  }
0x1d2: {  	v34 =	vshll.u32 v3, $0x1  }
0x1d3: {  	v3 =	vand.u32 $0x7, v3;
	v4 =	vand.u32 $0xFFFFFFF0, v34  }
0x1d4: {  	v3 =	vor.u32 v3, v4  }
0x1d5: {  	v4 =	vperm.xlane v3, v0;
	_ =	sdelay $0x1  }
0x1d6: {  	v3 =	vperm.xlane v3, v2;
	v4 =	vadd.s32 v1, v4;
	_ =	sdelay $0x1  }
0x1d7: {  	v3 =	vadd.s32 v1, v3;
	_ =	sdelay $0x2  }
0x1d8: {  	[hbm4b:s5+s4] =	stream.indirect_vreg.scatter [tilespmem:s14], [sflag:$0x5], $0x80, v4, vm0, $0x2000b8;
	[tilespmem:$0x10100] =	vst v63  }
0x1d9: {  	_ = 	snop  }
0x1da: {  	[hbm4b:s5+s4] =	stream.indirect_vreg.scatter [tilespmem:s20], [sflag:$0x5], $0x80, v3, vm0, $0x2000b8;
	[tilespmem:$0x10100] =	vst v63  }
0x1db: {  	v3 =	vld [tilespmem:$0x10030];
	_ =	sdelay $0x4  }
0x1dc: {  	v35 =	vshll.u32 v3, $0x1  }
0x1dd: {  	v3 =	vand.u32 $0x7, v3;
	v4 =	vand.u32 $0xFFFFFFF0, v35  }
0x1de: {  	v3 =	vor.u32 v3, v4  }
0x1df: {  	v4 =	vperm.xlane v3, v0;
	_ =	sdelay $0x1  }
0x1e0: {  	v3 =	vperm.xlane v3, v2;
	v4 =	vadd.s32 v1, v4;
	_ =	sdelay $0x1  }
0x1e1: {  	v3 =	vadd.s32 v1, v3;
	_ =	sdelay $0x2  }
0x1e2: {  	[hbm4b:s5+s4] =	stream.indirect_vreg.scatter [tilespmem:s21], [sflag:$0x5], $0x80, v4, vm0, $0x2000b8;
	[tilespmem:$0x10100] =	vst v63  }
0x1e3: {  	_ = 	snop  }
0x1e4: {  	[hbm4b:s5+s4] =	stream.indirect_vreg.scatter [tilespmem:s22], [sflag:$0x5], $0x80, v3, vm0, $0x2000b8;
	[tilespmem:$0x10100] =	vst v63  }
0x1e5: {  	v3 =	vld [tilespmem:$0x10040];
	_ =	sdelay $0x4  }
0x1e6: {  	v36 =	vshll.u32 v3, $0x1  }
0x1e7: {  	v3 =	vand.u32 $0x7, v3;
	v4 =	vand.u32 $0xFFFFFFF0, v36  }
0x1e8: {  	v3 =	vor.u32 v3, v4  }
0x1e9: {  	v4 =	vperm.xlane v3, v0;
	_ =	sdelay $0x1  }
0x1ea: {  	v3 =	vperm.xlane v3, v2;
	v4 =	vadd.s32 v1, v4;
	_ =	sdelay $0x1  }
0x1eb: {  	v3 =	vadd.s32 v1, v3;
	_ =	sdelay $0x2  }
0x1ec: {  	[hbm4b:s5+s4] =	stream.indirect_vreg.scatter [tilespmem:s23], [sflag:$0x5], $0x80, v4, vm0, $0x2000b8;
	[tilespmem:$0x10100] =	vst v63  }
0x1ed: {  	_ = 	snop  }
0x1ee: {  	[hbm4b:s5+s4] =	stream.indirect_vreg.scatter [tilespmem:s24], [sflag:$0x5], $0x80, v3, vm0, $0x2000b8;
	[tilespmem:$0x10100] =	vst v63  }
0x1ef: {  	v3 =	vld [tilespmem:$0x10050];
	_ =	sdelay $0x4  }
0x1f0: {  	v37 =	vshll.u32 v3, $0x1  }
0x1f1: {  	v3 =	vand.u32 $0x7, v3;
	v4 =	vand.u32 $0xFFFFFFF0, v37  }
0x1f2: {  	v3 =	vor.u32 v3, v4  }
0x1f3: {  	v4 =	vperm.xlane v3, v0;
	_ =	sdelay $0x1  }
0x1f4: {  	v3 =	vperm.xlane v3, v2;
	v4 =	vadd.s32 v1, v4;
	_ =	sdelay $0x1  }
0x1f5: {  	v3 =	vadd.s32 v1, v3;
	_ =	sdelay $0x2  }
0x1f6: {  	[hbm4b:s5+s4] =	stream.indirect_vreg.scatter [tilespmem:s25], [sflag:$0x5], $0x80, v4, vm0, $0x2000b8;
	[tilespmem:$0x10100] =	vst v63  }
0x1f7: {  	_ = 	snop  }
0x1f8: {  	[hbm4b:s5+s4] =	stream.indirect_vreg.scatter [tilespmem:s26], [sflag:$0x5], $0x80, v3, vm0, $0x2000b8;
	[tilespmem:$0x10100] =	vst v63  }
0x1f9: {  	v3 =	vld [tilespmem:$0x10060];
	_ =	sdelay $0x4  }
0x1fa: {  	v38 =	vshll.u32 v3, $0x1  }
0x1fb: {  	v3 =	vand.u32 $0x7, v3;
	v4 =	vand.u32 $0xFFFFFFF0, v38  }
0x1fc: {  	v3 =	vor.u32 v3, v4  }
0x1fd: {  	v4 =	vperm.xlane v3, v0;
	_ =	sdelay $0x1  }
0x1fe: {  	v3 =	vperm.xlane v3, v2;
	v4 =	vadd.s32 v1, v4;
	_ =	sdelay $0x1  }
0x1ff: {  	v3 =	vadd.s32 v1, v3;
	_ =	sdelay $0x2  }
0x200: {  	[hbm4b:s5+s4] =	stream.indirect_vreg.scatter [tilespmem:s28], [sflag:$0x5], $0x80, v4, vm0, $0x2000b8;
	[tilespmem:$0x10100] =	vst v63  }
0x201: {  	_ = 	snop  }
0x202: {  	[hbm4b:s5+s4] =	stream.indirect_vreg.scatter [tilespmem:s29], [sflag:$0x5], $0x80, v3, vm0, $0x2000b8;
	[tilespmem:$0x10100] =	vst v63  }
0x203: {  	v3 =	vld [tilespmem:$0x10070];
	_ =	sdelay $0x4  }
0x204: {  	v39 =	vshll.u32 v3, $0x1  }
0x205: {  	v3 =	vand.u32 $0x7, v3;
	v4 =	vand.u32 $0xFFFFFFF0, v39  }
0x206: {  	v3 =	vor.u32 v3, v4  }
0x207: {  	v4 =	vperm.xlane v3, v0;
	_ =	sdelay $0x1  }
0x208: {  	v3 =	vperm.xlane v3, v2;
	v4 =	vadd.s32 v1, v4;
	_ =	sdelay $0x1  }
0x209: {  	v3 =	vadd.s32 v1, v3;
	_ =	sdelay $0x2  }
0x20a: {  	[hbm4b:s5+s4] =	stream.indirect_vreg.scatter [tilespmem:s30], [sflag:$0x5], $0x80, v4, vm0, $0x2000b8;
	[tilespmem:$0x10100] =	vst v63  }
0x20b: {  	_ = 	snop  }
0x20c: {  	[hbm4b:s5+s4] =	stream.indirect_vreg.scatter [tilespmem:s31], [sflag:$0x5], $0x80, v3, vm0, $0x2000b8;
	[tilespmem:$0x10100] =	vst v63  }
0x20d: {  	_ =	swait.ge [sflag:s0], $0x8000  }
0x20e: {  	[sflag:s0] =	ssyncset.done $0x0  }
0x20f: {  	[sflag:s0] =	ssyncadd.s32 $0xFFFF8000  }
0x210: {  	_ =	strace $0x9000005B  }
0x211: {  	_ =	strace $0x8000005C  }
0x212: {  	[tilespmem:s4], [sflag:$0x1] =	stream.strided.gather [hbm4b:s9+s13], $0x8000, s14, s13, $0x200038;
	[tilespmem:$0x10100] =	vst v63  }
0x213: {  	_ = 	snop  }
0x214: {  	[tilespmem:s15], [sflag:$0x3] =	stream.linear.gather [hbm4b:s8+s4], $0x80, $0x200038;
	[tilespmem:$0x10100] =	vst v63  }
0x215: {  	_ =	strace $0x9000005C  }
0x216: {  	_ =	strace $0x8000005D  }
0x217: {  	_ =	swait.ge [sflag:s16], $0x8000  }
0x218: {  	[sflag:s16] =	ssyncset.done $0x0  }
0x219: {  	[sflag:s16] =	ssyncadd.s32 $0xFFFF8000  }
0x21a: {  	_ =	strace $0x9000005D  }
0x21b: {  	_ =	strace $0x8000005E  }
0x21c: {  	_ =	swait.ge [sflag:s17], $0x80  }
0x21d: {  	[sflag:s17] =	ssyncset.done $0x0  }
0x21e: {  	[sflag:s17] =	ssyncadd.s32 $0xFFFFFF80  }
0x21f: {  	_ =	strace $0x9000005E  }
0x220: {  	_ =	strace $0x8000005F  }
0x221: {  	v3 =	vld [tilespmem:$0x10000];
	_ =	sdelay $0x4  }
0x222: {  	v40 =	vshll.u32 v3, $0x1  }
0x223: {  	v3 =	vand.u32 $0x7, v3;
	v4 =	vand.u32 $0xFFFFFFF0, v40  }
0x224: {  	v3 =	vor.u32 v3, v4  }
0x225: {  	v4 =	vperm.xlane v3, v0;
	_ =	sdelay $0x1  }
0x226: {  	v3 =	vperm.xlane v3, v2;
	v4 =	vadd.s32 v1, v4;
	_ =	sdelay $0x1  }
0x227: {  	v3 =	vadd.s32 v1, v3;
	_ =	sdelay $0x2  }
0x228: {  	[hbm4b:s5+s4] =	stream.indirect_vreg.scatter [tilespmem:s4], [sflag:$0x5], $0x80, v4, vm0, $0x2000b8;
	[tilespmem:$0x10100] =	vst v63  }
0x229: {  	_ = 	snop  }
0x22a: {  	[hbm4b:s5+s4] =	stream.indirect_vreg.scatter [tilespmem:s13], [sflag:$0x5], $0x80, v3, vm0, $0x2000b8;
	[tilespmem:$0x10100] =	vst v63  }
0x22b: {  	v3 =	vld [tilespmem:$0x10010];
	_ =	sdelay $0x4  }
0x22c: {  	v41 =	vshll.u32 v3, $0x1  }
0x22d: {  	v3 =	vand.u32 $0x7, v3;
	v4 =	vand.u32 $0xFFFFFFF0, v41  }
0x22e: {  	v3 =	vor.u32 v3, v4  }
0x22f: {  	v4 =	vperm.xlane v3, v0;
	_ =	sdelay $0x1  }
0x230: {  	v3 =	vperm.xlane v3, v2;
	v4 =	vadd.s32 v1, v4;
	_ =	sdelay $0x1  }
0x231: {  	v3 =	vadd.s32 v1, v3;
	_ =	sdelay $0x2  }
0x232: {  	[hbm4b:s5+s4] =	stream.indirect_vreg.scatter [tilespmem:s18], [sflag:$0x5], $0x80, v4, vm0, $0x2000b8;
	[tilespmem:$0x10100] =	vst v63  }
0x233: {  	_ = 	snop  }
0x234: {  	[hbm4b:s5+s4] =	stream.indirect_vreg.scatter [tilespmem:s19], [sflag:$0x5], $0x80, v3, vm0, $0x2000b8;
	[tilespmem:$0x10100] =	vst v63  }
0x235: {  	v3 =	vld [tilespmem:$0x10020];
	_ =	sdelay $0x4  }
0x236: {  	v42 =	vshll.u32 v3, $0x1  }
0x237: {  	v3 =	vand.u32 $0x7, v3;
	v4 =	vand.u32 $0xFFFFFFF0, v42  }
0x238: {  	v3 =	vor.u32 v3, v4  }
0x239: {  	v4 =	vperm.xlane v3, v0;
	_ =	sdelay $0x1  }
0x23a: {  	v3 =	vperm.xlane v3, v2;
	v4 =	vadd.s32 v1, v4;
	_ =	sdelay $0x1  }
0x23b: {  	v3 =	vadd.s32 v1, v3;
	_ =	sdelay $0x2  }
0x23c: {  	[hbm4b:s5+s4] =	stream.indirect_vreg.scatter [tilespmem:s14], [sflag:$0x5], $0x80, v4, vm0, $0x2000b8;
	[tilespmem:$0x10100] =	vst v63  }
0x23d: {  	_ = 	snop  }
0x23e: {  	[hbm4b:s5+s4] =	stream.indirect_vreg.scatter [tilespmem:s20], [sflag:$0x5], $0x80, v3, vm0, $0x2000b8;
	[tilespmem:$0x10100] =	vst v63  }
0x23f: {  	v3 =	vld [tilespmem:$0x10030];
	_ =	sdelay $0x4  }
0x240: {  	v43 =	vshll.u32 v3, $0x1  }
0x241: {  	v3 =	vand.u32 $0x7, v3;
	v4 =	vand.u32 $0xFFFFFFF0, v43  }
0x242: {  	v3 =	vor.u32 v3, v4  }
0x243: {  	v4 =	vperm.xlane v3, v0;
	_ =	sdelay $0x1  }
0x244: {  	v3 =	vperm.xlane v3, v2;
	v4 =	vadd.s32 v1, v4;
	_ =	sdelay $0x1  }
0x245: {  	v3 =	vadd.s32 v1, v3;
	_ =	sdelay $0x2  }
0x246: {  	[hbm4b:s5+s4] =	stream.indirect_vreg.scatter [tilespmem:s21], [sflag:$0x5], $0x80, v4, vm0, $0x2000b8;
	[tilespmem:$0x10100] =	vst v63  }
0x247: {  	_ = 	snop  }
0x248: {  	[hbm4b:s5+s4] =	stream.indirect_vreg.scatter [tilespmem:s22], [sflag:$0x5], $0x80, v3, vm0, $0x2000b8;
	[tilespmem:$0x10100] =	vst v63  }
0x249: {  	v3 =	vld [tilespmem:$0x10040];
	_ =	sdelay $0x4  }
0x24a: {  	v44 =	vshll.u32 v3, $0x1  }
0x24b: {  	v3 =	vand.u32 $0x7, v3;
	v4 =	vand.u32 $0xFFFFFFF0, v44  }
0x24c: {  	v3 =	vor.u32 v3, v4  }
0x24d: {  	v4 =	vperm.xlane v3, v0;
	_ =	sdelay $0x1  }
0x24e: {  	v3 =	vperm.xlane v3, v2;
	v4 =	vadd.s32 v1, v4;
	_ =	sdelay $0x1  }
0x24f: {  	v3 =	vadd.s32 v1, v3;
	_ =	sdelay $0x2  }
0x250: {  	[hbm4b:s5+s4] =	stream.indirect_vreg.scatter [tilespmem:s23], [sflag:$0x5], $0x80, v4, vm0, $0x2000b8;
	[tilespmem:$0x10100] =	vst v63  }
0x251: {  	_ = 	snop  }
0x252: {  	[hbm4b:s5+s4] =	stream.indirect_vreg.scatter [tilespmem:s24], [sflag:$0x5], $0x80, v3, vm0, $0x2000b8;
	[tilespmem:$0x10100] =	vst v63  }
0x253: {  	v3 =	vld [tilespmem:$0x10050];
	_ =	sdelay $0x4  }
0x254: {  	v45 =	vshll.u32 v3, $0x1  }
0x255: {  	v3 =	vand.u32 $0x7, v3;
	v4 =	vand.u32 $0xFFFFFFF0, v45  }
0x256: {  	v3 =	vor.u32 v3, v4  }
0x257: {  	v4 =	vperm.xlane v3, v0;
	_ =	sdelay $0x1  }
0x258: {  	v3 =	vperm.xlane v3, v2;
	v4 =	vadd.s32 v1, v4;
	_ =	sdelay $0x1  }
0x259: {  	v3 =	vadd.s32 v1, v3;
	_ =	sdelay $0x2  }
0x25a: {  	[hbm4b:s5+s4] =	stream.indirect_vreg.scatter [tilespmem:s25], [sflag:$0x5], $0x80, v4, vm0, $0x2000b8;
	[tilespmem:$0x10100] =	vst v63  }
0x25b: {  	_ = 	snop  }
0x25c: {  	[hbm4b:s5+s4] =	stream.indirect_vreg.scatter [tilespmem:s26], [sflag:$0x5], $0x80, v3, vm0, $0x2000b8;
	[tilespmem:$0x10100] =	vst v63  }
0x25d: {  	v3 =	vld [tilespmem:$0x10060];
	_ =	sdelay $0x4  }
0x25e: {  	v46 =	vshll.u32 v3, $0x1  }
0x25f: {  	v3 =	vand.u32 $0x7, v3;
	v4 =	vand.u32 $0xFFFFFFF0, v46  }
0x260: {  	v3 =	vor.u32 v3, v4  }
0x261: {  	v4 =	vperm.xlane v3, v0;
	_ =	sdelay $0x1  }
0x262: {  	v3 =	vperm.xlane v3, v2;
	v4 =	vadd.s32 v1, v4;
	_ =	sdelay $0x1  }
0x263: {  	v3 =	vadd.s32 v1, v3;
	_ =	sdelay $0x2  }
0x264: {  	[hbm4b:s5+s4] =	stream.indirect_vreg.scatter [tilespmem:s28], [sflag:$0x5], $0x80, v4, vm0, $0x2000b8;
	[tilespmem:$0x10100] =	vst v63  }
0x265: {  	_ = 	snop  }
0x266: {  	[hbm4b:s5+s4] =	stream.indirect_vreg.scatter [tilespmem:s29], [sflag:$0x5], $0x80, v3, vm0, $0x2000b8;
	[tilespmem:$0x10100] =	vst v63  }
0x267: {  	v3 =	vld [tilespmem:$0x10070];
	_ =	sdelay $0x4  }
0x268: {  	v47 =	vshll.u32 v3, $0x1  }
0x269: {  	v3 =	vand.u32 $0x7, v3;
	v4 =	vand.u32 $0xFFFFFFF0, v47  }
0x26a: {  	v3 =	vor.u32 v3, v4  }
0x26b: {  	v4 =	vperm.xlane v3, v0;
	_ =	sdelay $0x1  }
0x26c: {  	v3 =	vperm.xlane v3, v2;
	v4 =	vadd.s32 v1, v4;
	_ =	sdelay $0x1  }
0x26d: {  	v3 =	vadd.s32 v1, v3;
	_ =	sdelay $0x2  }
0x26e: {  	[hbm4b:s5+s4] =	stream.indirect_vreg.scatter [tilespmem:s30], [sflag:$0x5], $0x80, v4, vm0, $0x2000b8;
	[tilespmem:$0x10100] =	vst v63  }
0x26f: {  	_ = 	snop  }
0x270: {  	[hbm4b:s5+s4] =	stream.indirect_vreg.scatter [tilespmem:s31], [sflag:$0x5], $0x80, v3, vm0, $0x2000b8;
	[tilespmem:$0x10100] =	vst v63  }
0x271: {  	_ =	swait.ge [sflag:s0], $0x8000  }
0x272: {  	[sflag:s0] =	ssyncset.done $0x0  }
0x273: {  	[sflag:s0] =	ssyncadd.s32 $0xFFFF8000  }
0x274: {  	_ =	strace $0x9000005F  }
0x275: {  	_ =	strace $0x80000060  }
0x276: {  	[tilespmem:s4], [sflag:$0x1] =	stream.strided.gather [hbm4b:s10+s13], $0x8000, s14, s13, $0x200038;
	[tilespmem:$0x10100] =	vst v63  }
0x277: {  	_ = 	snop  }
0x278: {  	[tilespmem:s15], [sflag:$0x3] =	stream.linear.gather [hbm4b:s7+s4], $0x80, $0x200038;
	[tilespmem:$0x10100] =	vst v63  }
0x279: {  	_ =	strace $0x90000060  }
0x27a: {  	_ =	strace $0x80000061  }
0x27b: {  	_ =	swait.ge [sflag:s16], $0x8000  }
0x27c: {  	[sflag:s16] =	ssyncset.done $0x0  }
0x27d: {  	[sflag:s16] =	ssyncadd.s32 $0xFFFF8000  }
0x27e: {  	_ =	strace $0x90000061  }
0x27f: {  	_ =	strace $0x80000062  }
0x280: {  	_ =	swait.ge [sflag:s17], $0x80  }
0x281: {  	[sflag:s17] =	ssyncset.done $0x0  }
0x282: {  	[sflag:s17] =	ssyncadd.s32 $0xFFFFFF80  }
0x283: {  	_ =	strace $0x90000062  }
0x284: {  	_ =	strace $0x80000063  }
0x285: {  	v3 =	vld [tilespmem:$0x10000];
	_ =	sdelay $0x4  }
0x286: {  	v48 =	vshll.u32 v3, $0x1  }
0x287: {  	v3 =	vand.u32 $0x7, v3;
	v4 =	vand.u32 $0xFFFFFFF0, v48  }
0x288: {  	v3 =	vor.u32 v3, v4  }
0x289: {  	v4 =	vperm.xlane v3, v0;
	_ =	sdelay $0x1  }
0x28a: {  	v3 =	vperm.xlane v3, v2;
	v4 =	vadd.s32 v1, v4;
	_ =	sdelay $0x1  }
0x28b: {  	v3 =	vadd.s32 v1, v3;
	_ =	sdelay $0x2  }
0x28c: {  	[hbm4b:s6+s4] =	stream.indirect_vreg.scatter [tilespmem:s4], [sflag:$0x5], $0x80, v4, vm0, $0x2000b8;
	[tilespmem:$0x10100] =	vst v63  }
0x28d: {  	_ = 	snop  }
0x28e: {  	[hbm4b:s6+s4] =	stream.indirect_vreg.scatter [tilespmem:s13], [sflag:$0x5], $0x80, v3, vm0, $0x2000b8;
	[tilespmem:$0x10100] =	vst v63  }
0x28f: {  	v3 =	vld [tilespmem:$0x10010];
	_ =	sdelay $0x4  }
0x290: {  	v49 =	vshll.u32 v3, $0x1  }
0x291: {  	v3 =	vand.u32 $0x7, v3;
	v4 =	vand.u32 $0xFFFFFFF0, v49  }
0x292: {  	v3 =	vor.u32 v3, v4  }
0x293: {  	v4 =	vperm.xlane v3, v0;
	_ =	sdelay $0x1  }
0x294: {  	v3 =	vperm.xlane v3, v2;
	v4 =	vadd.s32 v1, v4;
	_ =	sdelay $0x1  }
0x295: {  	v3 =	vadd.s32 v1, v3;
	_ =	sdelay $0x2  }
0x296: {  	[hbm4b:s6+s4] =	stream.indirect_vreg.scatter [tilespmem:s18], [sflag:$0x5], $0x80, v4, vm0, $0x2000b8;
	[tilespmem:$0x10100] =	vst v63  }
0x297: {  	_ = 	snop  }
0x298: {  	[hbm4b:s6+s4] =	stream.indirect_vreg.scatter [tilespmem:s19], [sflag:$0x5], $0x80, v3, vm0, $0x2000b8;
	[tilespmem:$0x10100] =	vst v63  }
0x299: {  	v3 =	vld [tilespmem:$0x10020];
	_ =	sdelay $0x4  }
0x29a: {  	v50 =	vshll.u32 v3, $0x1  }
0x29b: {  	v3 =	vand.u32 $0x7, v3;
	v4 =	vand.u32 $0xFFFFFFF0, v50  }
0x29c: {  	v3 =	vor.u32 v3, v4  }
0x29d: {  	v4 =	vperm.xlane v3, v0;
	_ =	sdelay $0x1  }
0x29e: {  	v3 =	vperm.xlane v3, v2;
	v4 =	vadd.s32 v1, v4;
	_ =	sdelay $0x1  }
0x29f: {  	v3 =	vadd.s32 v1, v3;
	_ =	sdelay $0x2  }
0x2a0: {  	[hbm4b:s6+s4] =	stream.indirect_vreg.scatter [tilespmem:s14], [sflag:$0x5], $0x80, v4, vm0, $0x2000b8;
	[tilespmem:$0x10100] =	vst v63  }
0x2a1: {  	_ = 	snop  }
0x2a2: {  	[hbm4b:s6+s4] =	stream.indirect_vreg.scatter [tilespmem:s20], [sflag:$0x5], $0x80, v3, vm0, $0x2000b8;
	[tilespmem:$0x10100] =	vst v63  }
0x2a3: {  	v3 =	vld [tilespmem:$0x10030];
	_ =	sdelay $0x4  }
0x2a4: {  	v51 =	vshll.u32 v3, $0x1  }
0x2a5: {  	v3 =	vand.u32 $0x7, v3;
	v4 =	vand.u32 $0xFFFFFFF0, v51  }
0x2a6: {  	v3 =	vor.u32 v3, v4  }
0x2a7: {  	v4 =	vperm.xlane v3, v0;
	_ =	sdelay $0x1  }
0x2a8: {  	v3 =	vperm.xlane v3, v2;
	v4 =	vadd.s32 v1, v4;
	_ =	sdelay $0x1  }
0x2a9: {  	v3 =	vadd.s32 v1, v3;
	_ =	sdelay $0x2  }
0x2aa: {  	[hbm4b:s6+s4] =	stream.indirect_vreg.scatter [tilespmem:s21], [sflag:$0x5], $0x80, v4, vm0, $0x2000b8;
	[tilespmem:$0x10100] =	vst v63  }
0x2ab: {  	_ = 	snop  }
0x2ac: {  	[hbm4b:s6+s4] =	stream.indirect_vreg.scatter [tilespmem:s22], [sflag:$0x5], $0x80, v3, vm0, $0x2000b8;
	[tilespmem:$0x10100] =	vst v63  }
0x2ad: {  	v3 =	vld [tilespmem:$0x10040];
	_ =	sdelay $0x4  }
0x2ae: {  	v52 =	vshll.u32 v3, $0x1  }
0x2af: {  	v3 =	vand.u32 $0x7, v3;
	v4 =	vand.u32 $0xFFFFFFF0, v52  }
0x2b0: {  	v3 =	vor.u32 v3, v4  }
0x2b1: {  	v4 =	vperm.xlane v3, v0;
	_ =	sdelay $0x1  }
0x2b2: {  	v3 =	vperm.xlane v3, v2;
	v4 =	vadd.s32 v1, v4;
	_ =	sdelay $0x1  }
0x2b3: {  	v3 =	vadd.s32 v1, v3;
	_ =	sdelay $0x2  }
0x2b4: {  	[hbm4b:s6+s4] =	stream.indirect_vreg.scatter [tilespmem:s23], [sflag:$0x5], $0x80, v4, vm0, $0x2000b8;
	[tilespmem:$0x10100] =	vst v63  }
0x2b5: {  	_ = 	snop  }
0x2b6: {  	[hbm4b:s6+s4] =	stream.indirect_vreg.scatter [tilespmem:s24], [sflag:$0x5], $0x80, v3, vm0, $0x2000b8;
	[tilespmem:$0x10100] =	vst v63  }
0x2b7: {  	v3 =	vld [tilespmem:$0x10050];
	_ =	sdelay $0x4  }
0x2b8: {  	v53 =	vshll.u32 v3, $0x1  }
0x2b9: {  	v3 =	vand.u32 $0x7, v3;
	v4 =	vand.u32 $0xFFFFFFF0, v53  }
0x2ba: {  	v3 =	vor.u32 v3, v4  }
0x2bb: {  	v4 =	vperm.xlane v3, v0;
	_ =	sdelay $0x1  }
0x2bc: {  	v3 =	vperm.xlane v3, v2;
	v4 =	vadd.s32 v1, v4;
	_ =	sdelay $0x1  }
0x2bd: {  	v3 =	vadd.s32 v1, v3;
	_ =	sdelay $0x2  }
0x2be: {  	[hbm4b:s6+s4] =	stream.indirect_vreg.scatter [tilespmem:s25], [sflag:$0x5], $0x80, v4, vm0, $0x2000b8;
	[tilespmem:$0x10100] =	vst v63  }
0x2bf: {  	_ = 	snop  }
0x2c0: {  	[hbm4b:s6+s4] =	stream.indirect_vreg.scatter [tilespmem:s26], [sflag:$0x5], $0x80, v3, vm0, $0x2000b8;
	[tilespmem:$0x10100] =	vst v63  }
0x2c1: {  	v3 =	vld [tilespmem:$0x10060];
	_ =	sdelay $0x4  }
0x2c2: {  	v54 =	vshll.u32 v3, $0x1  }
0x2c3: {  	v3 =	vand.u32 $0x7, v3;
	v4 =	vand.u32 $0xFFFFFFF0, v54  }
0x2c4: {  	v3 =	vor.u32 v3, v4  }
0x2c5: {  	v4 =	vperm.xlane v3, v0;
	_ =	sdelay $0x1  }
0x2c6: {  	v3 =	vperm.xlane v3, v2;
	v4 =	vadd.s32 v1, v4;
	_ =	sdelay $0x1  }
0x2c7: {  	v3 =	vadd.s32 v1, v3;
	_ =	sdelay $0x2  }
0x2c8: {  	[hbm4b:s6+s4] =	stream.indirect_vreg.scatter [tilespmem:s28], [sflag:$0x5], $0x80, v4, vm0, $0x2000b8;
	[tilespmem:$0x10100] =	vst v63  }
0x2c9: {  	_ = 	snop  }
0x2ca: {  	[hbm4b:s6+s4] =	stream.indirect_vreg.scatter [tilespmem:s29], [sflag:$0x5], $0x80, v3, vm0, $0x2000b8;
	[tilespmem:$0x10100] =	vst v63  }
0x2cb: {  	v3 =	vld [tilespmem:$0x10070];
	_ =	sdelay $0x4  }
0x2cc: {  	v55 =	vshll.u32 v3, $0x1  }
0x2cd: {  	v3 =	vand.u32 $0x7, v3;
	v4 =	vand.u32 $0xFFFFFFF0, v55  }
0x2ce: {  	v3 =	vor.u32 v3, v4  }
0x2cf: {  	v4 =	vperm.xlane v3, v0;
	_ =	sdelay $0x1  }
0x2d0: {  	v3 =	vperm.xlane v3, v2;
	v4 =	vadd.s32 v1, v4;
	_ =	sdelay $0x1  }
0x2d1: {  	v3 =	vadd.s32 v1, v3;
	_ =	sdelay $0x2  }
0x2d2: {  	[hbm4b:s6+s4] =	stream.indirect_vreg.scatter [tilespmem:s30], [sflag:$0x5], $0x80, v4, vm0, $0x2000b8;
	[tilespmem:$0x10100] =	vst v63  }
0x2d3: {  	_ = 	snop  }
0x2d4: {  	[hbm4b:s6+s4] =	stream.indirect_vreg.scatter [tilespmem:s31], [sflag:$0x5], $0x80, v3, vm0, $0x2000b8;
	[tilespmem:$0x10100] =	vst v63  }
0x2d5: {  	_ =	swait.ge [sflag:s0], $0x8000  }
0x2d6: {  	[sflag:s0] =	ssyncset.done $0x0  }
0x2d7: {  	[sflag:s0] =	ssyncadd.s32 $0xFFFF8000  }
0x2d8: {  	_ =	strace $0x90000063  }
0x2d9: {  	_ =	strace $0x80000064  }
0x2da: {  	[tilespmem:s4], [sflag:$0x1] =	stream.strided.gather [hbm4b:s11+s13], $0x8000, s14, s13, $0x200038;
	[tilespmem:$0x10100] =	vst v63  }
0x2db: {  	_ = 	snop  }
0x2dc: {  	[tilespmem:s15], [sflag:$0x3] =	stream.linear.gather [hbm4b:s8+s4], $0x80, $0x200038;
	[tilespmem:$0x10100] =	vst v63  }
0x2dd: {  	_ =	strace $0x90000064  }
0x2de: {  	_ =	strace $0x80000065  }
0x2df: {  	_ =	swait.ge [sflag:s16], $0x8000  }
0x2e0: {  	[sflag:s16] =	ssyncset.done $0x0  }
0x2e1: {  	[sflag:s16] =	ssyncadd.s32 $0xFFFF8000  }
0x2e2: {  	_ =	strace $0x90000065  }
0x2e3: {  	_ =	strace $0x80000066  }
0x2e4: {  	_ =	swait.ge [sflag:s17], $0x80  }
0x2e5: {  	[sflag:s17] =	ssyncset.done $0x0  }
0x2e6: {  	[sflag:s17] =	ssyncadd.s32 $0xFFFFFF80  }
0x2e7: {  	_ =	strace $0x90000066  }
0x2e8: {  	_ =	strace $0x80000067  }
0x2e9: {  	v3 =	vld [tilespmem:$0x10000];
	_ =	sdelay $0x4  }
0x2ea: {  	v56 =	vshll.u32 v3, $0x1  }
0x2eb: {  	v3 =	vand.u32 $0x7, v3;
	v4 =	vand.u32 $0xFFFFFFF0, v56  }
0x2ec: {  	v3 =	vor.u32 v3, v4  }
0x2ed: {  	v4 =	vperm.xlane v3, v0;
	_ =	sdelay $0x1  }
0x2ee: {  	v3 =	vperm.xlane v3, v2;
	v4 =	vadd.s32 v1, v4;
	_ =	sdelay $0x1  }
0x2ef: {  	v3 =	vadd.s32 v1, v3;
	_ =	sdelay $0x2  }
0x2f0: {  	[hbm4b:s6+s4] =	stream.indirect_vreg.scatter [tilespmem:s4], [sflag:$0x5], $0x80, v4, vm0, $0x2000b8;
	[tilespmem:$0x10100] =	vst v63  }
0x2f1: {  	_ = 	snop  }
0x2f2: {  	[hbm4b:s6+s4] =	stream.indirect_vreg.scatter [tilespmem:s13], [sflag:$0x5], $0x80, v3, vm0, $0x2000b8;
	[tilespmem:$0x10100] =	vst v63  }
0x2f3: {  	v3 =	vld [tilespmem:$0x10010];
	_ =	sdelay $0x4  }
0x2f4: {  	v57 =	vshll.u32 v3, $0x1  }
0x2f5: {  	v3 =	vand.u32 $0x7, v3;
	v4 =	vand.u32 $0xFFFFFFF0, v57  }
0x2f6: {  	v3 =	vor.u32 v3, v4  }
0x2f7: {  	v4 =	vperm.xlane v3, v0;
	_ =	sdelay $0x1  }
0x2f8: {  	v3 =	vperm.xlane v3, v2;
	v4 =	vadd.s32 v1, v4;
	_ =	sdelay $0x1  }
0x2f9: {  	v3 =	vadd.s32 v1, v3;
	_ =	sdelay $0x2  }
0x2fa: {  	[hbm4b:s6+s4] =	stream.indirect_vreg.scatter [tilespmem:s18], [sflag:$0x5], $0x80, v4, vm0, $0x2000b8;
	[tilespmem:$0x10100] =	vst v63  }
0x2fb: {  	_ = 	snop  }
0x2fc: {  	[hbm4b:s6+s4] =	stream.indirect_vreg.scatter [tilespmem:s19], [sflag:$0x5], $0x80, v3, vm0, $0x2000b8;
	[tilespmem:$0x10100] =	vst v63  }
0x2fd: {  	v3 =	vld [tilespmem:$0x10020];
	_ =	sdelay $0x4  }
0x2fe: {  	v58 =	vshll.u32 v3, $0x1  }
0x2ff: {  	v3 =	vand.u32 $0x7, v3;
	v4 =	vand.u32 $0xFFFFFFF0, v58  }
0x300: {  	v3 =	vor.u32 v3, v4  }
0x301: {  	v4 =	vperm.xlane v3, v0;
	_ =	sdelay $0x1  }
0x302: {  	v3 =	vperm.xlane v3, v2;
	v4 =	vadd.s32 v1, v4;
	_ =	sdelay $0x1  }
0x303: {  	v3 =	vadd.s32 v1, v3;
	_ =	sdelay $0x2  }
0x304: {  	[hbm4b:s6+s4] =	stream.indirect_vreg.scatter [tilespmem:s14], [sflag:$0x5], $0x80, v4, vm0, $0x2000b8;
	[tilespmem:$0x10100] =	vst v63  }
0x305: {  	_ = 	snop  }
0x306: {  	[hbm4b:s6+s4] =	stream.indirect_vreg.scatter [tilespmem:s20], [sflag:$0x5], $0x80, v3, vm0, $0x2000b8;
	[tilespmem:$0x10100] =	vst v63  }
0x307: {  	v3 =	vld [tilespmem:$0x10030];
	_ =	sdelay $0x4  }
0x308: {  	v59 =	vshll.u32 v3, $0x1  }
0x309: {  	v3 =	vand.u32 $0x7, v3;
	v4 =	vand.u32 $0xFFFFFFF0, v59  }
0x30a: {  	v3 =	vor.u32 v3, v4  }
0x30b: {  	v4 =	vperm.xlane v3, v0;
	_ =	sdelay $0x1  }
0x30c: {  	v3 =	vperm.xlane v3, v2;
	v4 =	vadd.s32 v1, v4;
	_ =	sdelay $0x1  }
0x30d: {  	v3 =	vadd.s32 v1, v3;
	_ =	sdelay $0x2  }
0x30e: {  	[hbm4b:s6+s4] =	stream.indirect_vreg.scatter [tilespmem:s21], [sflag:$0x5], $0x80, v4, vm0, $0x2000b8;
	[tilespmem:$0x10100] =	vst v63  }
0x30f: {  	_ = 	snop  }
0x310: {  	[hbm4b:s6+s4] =	stream.indirect_vreg.scatter [tilespmem:s22], [sflag:$0x5], $0x80, v3, vm0, $0x2000b8;
	[tilespmem:$0x10100] =	vst v63  }
0x311: {  	v3 =	vld [tilespmem:$0x10040];
	_ =	sdelay $0x4  }
0x312: {  	v60 =	vshll.u32 v3, $0x1  }
0x313: {  	v3 =	vand.u32 $0x7, v3;
	v4 =	vand.u32 $0xFFFFFFF0, v60  }
0x314: {  	v3 =	vor.u32 v3, v4  }
0x315: {  	v4 =	vperm.xlane v3, v0;
	_ =	sdelay $0x1  }
0x316: {  	v3 =	vperm.xlane v3, v2;
	v4 =	vadd.s32 v1, v4;
	_ =	sdelay $0x1  }
0x317: {  	v3 =	vadd.s32 v1, v3;
	_ =	sdelay $0x2  }
0x318: {  	[hbm4b:s6+s4] =	stream.indirect_vreg.scatter [tilespmem:s23], [sflag:$0x5], $0x80, v4, vm0, $0x2000b8;
	[tilespmem:$0x10100] =	vst v63  }
0x319: {  	_ = 	snop  }
0x31a: {  	[hbm4b:s6+s4] =	stream.indirect_vreg.scatter [tilespmem:s24], [sflag:$0x5], $0x80, v3, vm0, $0x2000b8;
	[tilespmem:$0x10100] =	vst v63  }
0x31b: {  	v3 =	vld [tilespmem:$0x10050];
	_ =	sdelay $0x4  }
0x31c: {  	v61 =	vshll.u32 v3, $0x1  }
0x31d: {  	v3 =	vand.u32 $0x7, v3;
	v4 =	vand.u32 $0xFFFFFFF0, v61  }
0x31e: {  	v3 =	vor.u32 v3, v4  }
0x31f: {  	v4 =	vperm.xlane v3, v0;
	_ =	sdelay $0x1  }
0x320: {  	v3 =	vperm.xlane v3, v2;
	v4 =	vadd.s32 v1, v4;
	_ =	sdelay $0x1  }
0x321: {  	v3 =	vadd.s32 v1, v3;
	_ =	sdelay $0x2  }
0x322: {  	[hbm4b:s6+s4] =	stream.indirect_vreg.scatter [tilespmem:s25], [sflag:$0x5], $0x80, v4, vm0, $0x2000b8;
	[tilespmem:$0x10100] =	vst v63  }
0x323: {  	_ = 	snop  }
0x324: {  	[hbm4b:s6+s4] =	stream.indirect_vreg.scatter [tilespmem:s26], [sflag:$0x5], $0x80, v3, vm0, $0x2000b8;
	[tilespmem:$0x10100] =	vst v63  }
0x325: {  	v3 =	vld [tilespmem:$0x10060];
	_ =	sdelay $0x4  }
0x326: {  	v62 =	vshll.u32 v3, $0x1  }
0x327: {  	v3 =	vand.u32 $0x7, v3;
	v4 =	vand.u32 $0xFFFFFFF0, v62  }
0x328: {  	v3 =	vor.u32 v3, v4  }
0x329: {  	v4 =	vperm.xlane v3, v0;
	_ =	sdelay $0x1  }
0x32a: {  	v3 =	vperm.xlane v3, v2;
	v4 =	vadd.s32 v1, v4;
	_ =	sdelay $0x1  }
0x32b: {  	v3 =	vadd.s32 v1, v3;
	_ =	sdelay $0x2  }
0x32c: {  	[hbm4b:s6+s4] =	stream.indirect_vreg.scatter [tilespmem:s28], [sflag:$0x5], $0x80, v4, vm0, $0x2000b8;
	[tilespmem:$0x10100] =	vst v63  }
0x32d: {  	_ = 	snop  }
0x32e: {  	[hbm4b:s6+s4] =	stream.indirect_vreg.scatter [tilespmem:s29], [sflag:$0x5], $0x80, v3, vm0, $0x2000b8;
	[tilespmem:$0x10100] =	vst v63  }
0x32f: {  	v3 =	vld [tilespmem:$0x10070];
	_ =	sdelay $0x4  }
0x330: {  	v63 =	vshll.u32 v3, $0x1  }
0x331: {  	v3 =	vand.u32 $0x7, v3;
	v4 =	vand.u32 $0xFFFFFFF0, v63  }
0x332: {  	v3 =	vor.u32 v3, v4  }
0x333: {  	v4 =	vperm.xlane v3, v0;
	_ =	sdelay $0x1  }
0x334: {  	v3 =	vperm.xlane v3, v2;
	v4 =	vadd.s32 v1, v4;
	_ =	sdelay $0x1  }
0x335: {  	v3 =	vadd.s32 v1, v3;
	_ =	sdelay $0x2  }
0x336: {  	[hbm4b:s6+s4] =	stream.indirect_vreg.scatter [tilespmem:s30], [sflag:$0x5], $0x80, v4, vm0, $0x2000b8;
	[tilespmem:$0x10100] =	vst v63  }
0x337: {  	p0 =	sne.s32 s12, $0x1  }
0x338: {  	[hbm4b:s6+s4] =	stream.indirect_vreg.scatter [tilespmem:s31], [sflag:$0x5], $0x80, v3, vm0, $0x2000b8;
	[tilespmem:$0x10100] =	vst v63  }
.Ltmp0:
0x339: {  	_ = 	snop;
	(pc) =	sbr.rel @p0 .LBB2_1-.Ltmp0, $4  }
0x33a: {  	_ =	swait.ge [sflag:s0], $0x8000  }
0x33b: {  	[sflag:s0] =	ssyncset.done $0x0  }
0x33c: {  	[sflag:s0] =	ssyncadd.s32 $0xFFFF8000  }
0x33d: {  	s12 =	sadd.s32 $0xFFFFFFFF, s12;
	_ =	strace $0x90000067  }
0x33e: {  	_ =	sfence.sel $0x180000  }
0x33f: {  	[bflag:$0x0] =	sbarrier.arrive $0xFFFF  }
0x340: {  	_ =	strace $0x90000047  }
0x341: {  	s0 =	stileid.u32;
	[bflag:$0x2] =	sbarrier.arrive $0xFFFF  }
0x342: {  	p0 =	sne.s32 s0, $0x0;
	s0 =	rddreg [dreg:$0x5]  }
0x343: {  	s0 =	sadd.s32 @!p0 $0x100000, s0  }
0x344: {  	[sflag:s0] =	ssyncadd.tile.s32 @!p0 $0x1;
	_ =	shalt  }
.Lfunc_end2:
_tile_overlayer_lowered:
.L_overlay_start_2:
0x345: {  	(tag) =	ssettag $0x2  }
0x346: {  	s0 =	rddreg [dreg:$0x0];
	s2 =	stileid.u32  }
0x347: {  	s1 =	rddreg [dreg:$0x1];
	p0 =	sne.s32 s2, $0x0  }
0x348: {  	s3 =	rddreg [dreg:$0x2];
	[bflag:$0x3] =	sbarrier.arrive $0xFFFF;
	s2 =	simm.s32 @!p0 $0x1C01  }
0x349: {  	[timem:s3], [sflag:s2] =	dma.local @!p0 [hbm:s0], s1  }
0x34a: {  	s0 =	simm.s32 @!p0 $0x1  }
0x34b: {  	_ =	swait.ge @!p0 [sflag:s0], s1  }
0x34c: {  	s1 =	ssub.s32 @!p0 $0x0, s1;
	[sflag:s0] =	ssyncset.done @!p0 $0x0  }
0x34d: {  	[sflag:s0] =	ssyncadd.s32 @!p0 s1  }
0x34e: {  	[bflag:$0x3] =	sbarrier.arrive $0xFFFF  }
0x34f: {  	_ =	shalt  }

</sc_bundles>
